<compile_context>
chip_gen: v7x
topology: tpu7x:2x2x1
jax: 0.10.2.dev20260603
libtpu: 0.0.44.dev20260713+nightly
codegen_flags: <defaults>
</compile_context>

<pallas_src>
import functools

import jax
import jax.numpy as jnp
from jax import lax
from jax.experimental import pallas as pl
from jax.experimental.pallas import tpu as pltpu
from jax.experimental.pallas import tpu_sc as plsc

_NC, _NS = 2, 16
_NW = _NC * _NS
_R, _D = 16384, 4096
_ROWS_W = _R // _NW


def _ring(x_hbm, o_hbm, base, ch, n, slots, srs, sws):

    def rd(i, b):
        return pltpu.make_async_copy(
            x_hbm.at[pl.ds(base + i * ch, ch)], slots[b], srs[b])

    def wr(i, b):
        return pltpu.make_async_copy(
            slots[b], o_hbm.at[pl.ds(base + i * ch, ch)], sws[b])

    rd(0, 0).start()
    rd(1, 1).start()
    for i in range(n):
        b = i % 2
        rd(i, b).wait()
        wr(i, b).start()
        if i + 2 <= n - 1:
            wr(i, b).wait()
            rd(i + 2, b).start()
    wr(n - 2, (n - 2) % 2).wait()
    wr(n - 1, (n - 1) % 2).wait()


def _sc_copy_body(x_hbm, o_hbm, sp_a, sp_b, sr0, sr1, sw0, sw1):
    c = lax.axis_index("c")
    s = lax.axis_index("s")
    wid = s * _NC + c
    base = wid * _ROWS_W
    srs, sws = (sr0, sr1), (sw0, sw1)

    @pl.when(s < _NS - 1)
    def _():
        _ring(x_hbm, o_hbm, base, 16, _ROWS_W // 16,
              (sp_a.at[s], sp_b.at[s]), srs, sws)

    @pl.when(s == _NS - 1)
    def _():
        _ring(x_hbm, o_hbm, base, 8, _ROWS_W // 8,
              (sp_a.at[_NS - 1, pl.ds(0, 8)], sp_a.at[_NS - 1, pl.ds(8, 8)]),
              srs, sws)


def kernel(x, score):
    del score
    B, S, D = x.shape
    x2 = x.reshape(_R, _D)
    mesh = plsc.VectorSubcoreMesh(core_axis_name="c", subcore_axis_name="s")
    f = functools.partial(
        pl.kernel,
        out_type=jax.ShapeDtypeStruct((_R, _D), x.dtype),
        mesh=mesh,
        scratch_types=[
            pltpu.VMEM_SHARED((_NS, 16, _D), jnp.float32),
            pltpu.VMEM_SHARED((_NS - 1, 16, _D), jnp.float32),
            pltpu.SemaphoreType.DMA,
            pltpu.SemaphoreType.DMA,
            pltpu.SemaphoreType.DMA,
            pltpu.SemaphoreType.DMA,
        ],
    )(_sc_copy_body)
    out = f(x2)
    return out.reshape(B, S, D)

# --- scband reference (transcript-rebuilt; emitter-appended) ---
"""Pipeline reference for scband-sparsify-70815420776672 (READ-ONLY COPY).

The authoritative reference and input builder live on the scoring server;
editing this copy changes nothing except your own understanding.
"""

import jax, jax.numpy as jnp
import numpy as np

TENSOR_SHAPE = (2, 8192, 4096)

def setup_inputs(seed: int = 0) -> dict:
    key = jax.random.key(seed)
    k1, k2 = jax.random.split(key)
    x = jax.random.normal(k1, TENSOR_SHAPE, dtype=jnp.float32)
    # learned score parameter (same shape as x, per Sparsify.__init__)
    score = jax.random.normal(k2, TENSOR_SHAPE, dtype=jnp.float32)
    return {"x": x, "score": score}

def reference(x, score):
    # Sparsify with default Dense sparseness:
    # - isinstance(sparseness, Dense) is True, so Sparsifier.apply is skipped
    # - mask = Dense().get_mask(score) == ones_like(score) (stored as attribute, not returned)
    # - forward returns x unchanged
    mask = jnp.ones_like(score)
    out = x
    return out

if __name__ == "__main__":
    import jax
    _d = setup_inputs()
    print(jax.jit(kernel)(*tuple(_d.values())))

</pallas_src>

<mosaic_0001>
#map = affine_map<(d0, d1) -> (0, 0)>
module attributes {stable_mosaic.version = 14 : i64} {
  func.func @_sc_copy_body(%arg0: i32, %arg1: i32, %arg2: memref<16384x4096xf32, #tpu.memory_space<hbm>>, %arg3: memref<16384x4096xf32, #tpu.memory_space<hbm>>, %arg4: memref<16x16x4096xf32, #tpu.memory_space<vmem_shared>>, %arg5: memref<15x16x4096xf32, #tpu.memory_space<vmem_shared>>, %arg6: memref<!tpu.dma_semaphore, #tpu.memory_space<semaphore_mem>>, %arg7: memref<!tpu.dma_semaphore, #tpu.memory_space<semaphore_mem>>, %arg8: memref<!tpu.dma_semaphore, #tpu.memory_space<semaphore_mem>>, %arg9: memref<!tpu.dma_semaphore, #tpu.memory_space<semaphore_mem>>) attributes {dimension_semantics = [#tpu.dimension_semantics<core_parallel>, #tpu.dimension_semantics<subcore_parallel>], iteration_bounds = array<i64: 2, 16>, scalar_prefetch = 0 : i64, scratch_operands = 6 : i64, tpu.core_type = #tpu.core_type<sc_vector_subcore>, window_params = [{transform_indices = #map}, {transform_indices = #map}]} {
    %mul3A = arith.constant 2 : i32
    %mul3A_0 = arith.muli %arg1, %mul3A : i32
    %add3A = arith.addi %mul3A_0, %arg0 : i32
    %mul3A_1 = arith.constant 512 : i32
    %mul3A_2 = arith.muli %add3A, %mul3A_1 : i32
    %lt3A = arith.constant 15 : i32
    %lt3A_3 = arith.cmpi slt, %arg1, %lt3A : i32
    %convert_element_type3A = arith.extui %lt3A_3 : i1 to i32
    %cond3A = arith.constant 0 : i32
    %cond3A_4 = arith.cmpi ne, %convert_element_type3A, %cond3A : i32
    scf.if %cond3A_4 {
      %add3A_9 = arith.constant 0 : i32
      %add3A_10 = arith.addi %mul3A_2, %add3A_9 : i32
      %dma_start3A = arith.constant 0 : i32
      %dma_start3A_11 = arith.constant 0 : i32
      %dma_start3A_12 = tpu.memref_slice %arg4[%arg1, %dma_start3A, %dma_start3A_11] : memref<16x16x4096xf32, #tpu.memory_space<vmem_shared>> -> memref<1x16x4096xf32, #tpu.memory_space<vmem_shared>>
      %dma_start3A_13 = tpu.memref_squeeze %dma_start3A_12 : memref<1x16x4096xf32, #tpu.memory_space<vmem_shared>> -> memref<16x4096xf32, #tpu.memory_space<vmem_shared>>
      %dma_start3A_14 = arith.constant 0 : i32
      %dma_start3A_15 = tpu.memref_slice %arg2[%add3A_10, %dma_start3A_14] : memref<16384x4096xf32, #tpu.memory_space<hbm>> -> memref<16x4096xf32, #tpu.memory_space<hbm>>
      tpu.enqueue_dma source(%dma_start3A_15 : memref<16x4096xf32, #tpu.memory_space<hbm>>) target(%dma_start3A_13 : memref<16x4096xf32, #tpu.memory_space<vmem_shared>>) target_semaphore(%arg6 : memref<!tpu.dma_semaphore, #tpu.memory_space<semaphore_mem>>)
      %add3A_16 = arith.constant 16 : i32
      %add3A_17 = arith.addi %mul3A_2, %add3A_16 : i32
      %dma_start3A_18 = arith.constant 0 : i32
      %dma_start3A_19 = arith.constant 0 : i32
      %dma_start3A_20 = tpu.memref_slice %arg5[%arg1, %dma_start3A_18, %dma_start3A_19] : memref<15x16x4096xf32, #tpu.memory_space<vmem_shared>> -> memref<1x16x4096xf32, #tpu.memory_space<vmem_shared>>
      %dma_start3A_21 = tpu.memref_squeeze %dma_start3A_20 : memref<1x16x4096xf32, #tpu.memory_space<vmem_shared>> -> memref<16x4096xf32, #tpu.memory_space<vmem_shared>>
      %dma_start3A_22 = arith.constant 0 : i32
      %dma_start3A_23 = tpu.memref_slice %arg2[%add3A_17, %dma_start3A_22] : memref<16384x4096xf32, #tpu.memory_space<hbm>> -> memref<16x4096xf32, #tpu.memory_space<hbm>>
      tpu.enqueue_dma source(%dma_start3A_23 : memref<16x4096xf32, #tpu.memory_space<hbm>>) target(%dma_start3A_21 : memref<16x4096xf32, #tpu.memory_space<vmem_shared>>) target_semaphore(%arg7 : memref<!tpu.dma_semaphore, #tpu.memory_space<semaphore_mem>>)
      %add3A_24 = arith.constant 0 : i32
      %add3A_25 = arith.addi %mul3A_2, %add3A_24 : i32
      %dma_wait3A = arith.constant 0 : i32
      %dma_wait3A_26 = arith.constant 0 : i32
      %dma_wait3A_27 = tpu.memref_slice %arg4[%arg1, %dma_wait3A, %dma_wait3A_26] : memref<16x16x4096xf32, #tpu.memory_space<vmem_shared>> -> memref<1x16x4096xf32, #tpu.memory_space<vmem_shared>>
      %dma_wait3A_28 = tpu.memref_squeeze %dma_wait3A_27 : memref<1x16x4096xf32, #tpu.memory_space<vmem_shared>> -> memref<16x4096xf32, #tpu.memory_space<vmem_shared>>
      %dma_wait3A_29 = arith.constant 0 : i32
      %dma_wait3A_30 = tpu.memref_slice %arg2[%add3A_25, %dma_wait3A_29] : memref<16384x4096xf32, #tpu.memory_space<hbm>> -> memref<16x4096xf32, #tpu.memory_space<hbm>>
      tpu.wait_dma2 semaphore(%arg6 : memref<!tpu.dma_semaphore, #tpu.memory_space<semaphore_mem>>) src(%dma_wait3A_30 : memref<16x4096xf32, #tpu.memory_space<hbm>>) dst(%dma_wait3A_28 : memref<16x4096xf32, #tpu.memory_space<vmem_shared>>)
      %add3A_31 = arith.constant 0 : i32
      %add3A_32 = arith.addi %mul3A_2, %add3A_31 : i32
      %dma_start3A_33 = arith.constant 0 : i32
      %dma_start3A_34 = tpu.memref_slice %arg3[%add3A_32, %dma_start3A_33] : memref<16384x4096xf32, #tpu.memory_space<hbm>> -> memref<16x4096xf32, #tpu.memory_space<hbm>>
      %dma_start3A_35 = arith.constant 0 : i32
      %dma_start3A_36 = arith.constant 0 : i32
      %dma_start3A_37 = tpu.memref_slice %arg4[%arg1, %dma_start3A_35, %dma_start3A_36] : memref<16x16x4096xf32, #tpu.memory_space<vmem_shared>> -> memref<1x16x4096xf32, #tpu.memory_space<vmem_shared>>
      %dma_start3A_38 = tpu.memref_squeeze %dma_start3A_37 : memref<1x16x4096xf32, #tpu.memory_space<vmem_shared>> -> memref<16x4096xf32, #tpu.memory_space<vmem_shared>>
      tpu.enqueue_dma source(%dma_start3A_38 : memref<16x4096xf32, #tpu.memory_space<vmem_shared>>) target(%dma_start3A_34 : memref<16x4096xf32, #tpu.memory_space<hbm>>) target_semaphore(%arg8 : memref<!tpu.dma_semaphore, #tpu.memory_space<semaphore_mem>>)
      %add3A_39 = arith.constant 0 : i32
      %add3A_40 = arith.addi %mul3A_2, %add3A_39 : i32
      %dma_wait3A_41 = arith.constant 0 : i32
      %dma_wait3A_42 = tpu.memref_slice %arg3[%add3A_40, %dma_wait3A_41] : memref<16384x4096xf32, #tpu.memory_space<hbm>> -> memref<16x4096xf32, #tpu.memory_space<hbm>>
      %dma_wait3A_43 = arith.constant 0 : i32
      %dma_wait3A_44 = arith.constant 0 : i32
      %dma_wait3A_45 = tpu.memref_slice %arg4[%arg1, %dma_wait3A_43, %dma_wait3A_44] : memref<16x16x4096xf32, #tpu.memory_space<vmem_shared>> -> memref<1x16x4096xf32, #tpu.memory_space<vmem_shared>>
      %dma_wait3A_46 = tpu.memref_squeeze %dma_wait3A_45 : memref<1x16x4096xf32, #tpu.memory_space<vmem_shared>> -> memref<16x4096xf32, #tpu.memory_space<vmem_shared>>
      tpu.wait_dma2 semaphore(%arg8 : memref<!tpu.dma_semaphore, #tpu.memory_space<semaphore_mem>>) src(%dma_wait3A_46 : memref<16x4096xf32, #tpu.memory_space<vmem_shared>>) dst(%dma_wait3A_42 : memref<16x4096xf32, #tpu.memory_space<hbm>>)
      %add3A_47 = arith.constant 32 : i32
      %add3A_48 = arith.addi %mul3A_2, %add3A_47 : i32
      %dma_start3A_49 = arith.constant 0 : i32
      %dma_start3A_50 = arith.constant 0 : i32
      %dma_start3A_51 = tpu.memref_slice %arg4[%arg1, %dma_start3A_49, %dma_start3A_50] : memref<16x16x4096xf32, #tpu.memory_space<vmem_shared>> -> memref<1x16x4096xf32, #tpu.memory_space<vmem_shared>>
      %dma_start3A_52 = tpu.memref_squeeze %dma_start3A_51 : memref<1x16x4096xf32, #tpu.memory_space<vmem_shared>> -> memref<16x4096xf32, #tpu.memory_space<vmem_shared>>
      %dma_start3A_53 = arith.constant 0 : i32
      %dma_start3A_54 = tpu.memref_slice %arg2[%add3A_48, %dma_start3A_53] : memref<16384x4096xf32, #tpu.memory_space<hbm>> -> memref<16x4096xf32, #tpu.memory_space<hbm>>
      tpu.enqueue_dma source(%dma_start3A_54 : memref<16x4096xf32, #tpu.memory_space<hbm>>) target(%dma_start3A_52 : memref<16x4096xf32, #tpu.memory_space<vmem_shared>>) target_semaphore(%arg6 : memref<!tpu.dma_semaphore, #tpu.memory_space<semaphore_mem>>)
      %add3A_55 = arith.constant 16 : i32
      %add3A_56 = arith.addi %mul3A_2, %add3A_55 : i32
      %dma_wait3A_57 = arith.constant 0 : i32
      %dma_wait3A_58 = arith.constant 0 : i32
      %dma_wait3A_59 = tpu.memref_slice %arg5[%arg1, %dma_wait3A_57, %dma_wait3A_58] : memref<15x16x4096xf32, #tpu.memory_space<vmem_shared>> -> memref<1x16x4096xf32, #tpu.memory_space<vmem_shared>>
      %dma_wait3A_60 = tpu.memref_squeeze %dma_wait3A_59 : memref<1x16x4096xf32, #tpu.memory_space<vmem_shared>> -> memref<16x4096xf32, #tpu.memory_space<vmem_shared>>
      %dma_wait3A_61 = arith.constant 0 : i32
      %dma_wait3A_62 = tpu.memref_slice %arg2[%add3A_56, %dma_wait3A_61] : memref<16384x4096xf32, #tpu.memory_space<hbm>> -> memref<16x4096xf32, #tpu.memory_space<hbm>>
      tpu.wait_dma2 semaphore(%arg7 : memref<!tpu.dma_semaphore, #tpu.memory_space<semaphore_mem>>) src(%dma_wait3A_62 : memref<16x4096xf32, #tpu.memory_space<hbm>>) dst(%dma_wait3A_60 : memref<16x4096xf32, #tpu.memory_space<vmem_shared>>)
      %add3A_63 = arith.constant 16 : i32
      %add3A_64 = arith.addi %mul3A_2, %add3A_63 : i32
      %dma_start3A_65 = arith.constant 0 : i32
      %dma_start3A_66 = tpu.memref_slice %arg3[%add3A_64, %dma_start3A_65] : memref<16384x4096xf32, #tpu.memory_space<hbm>> -> memref<16x4096xf32, #tpu.memory_space<hbm>>
      %dma_start3A_67 = arith.constant 0 : i32
      %dma_start3A_68 = arith.constant 0 : i32
      %dma_start3A_69 = tpu.memref_slice %arg5[%arg1, %dma_start3A_67, %dma_start3A_68] : memref<15x16x4096xf32, #tpu.memory_space<vmem_shared>> -> memref<1x16x4096xf32, #tpu.memory_space<vmem_shared>>
      %dma_start3A_70 = tpu.memref_squeeze %dma_start3A_69 : memref<1x16x4096xf32, #tpu.memory_space<vmem_shared>> -> memref<16x4096xf32, #tpu.memory_space<vmem_shared>>
      tpu.enqueue_dma source(%dma_start3A_70 : memref<16x4096xf32, #tpu.memory_space<vmem_shared>>) target(%dma_start3A_66 : memref<16x4096xf32, #tpu.memory_space<hbm>>) target_semaphore(%arg9 : memref<!tpu.dma_semaphore, #tpu.memory_space<semaphore_mem>>)
      %add3A_71 = arith.constant 16 : i32
      %add3A_72 = arith.addi %mul3A_2, %add3A_71 : i32
      %dma_wait3A_73 = arith.constant 0 : i32
      %dma_wait3A_74 = tpu.memref_slice %arg3[%add3A_72, %dma_wait3A_73] : memref<16384x4096xf32, #tpu.memory_space<hbm>> -> memref<16x4096xf32, #tpu.memory_space<hbm>>
      %dma_wait3A_75 = arith.constant 0 : i32
      %dma_wait3A_76 = arith.constant 0 : i32
      %dma_wait3A_77 = tpu.memref_slice %arg5[%arg1, %dma_wait3A_75, %dma_wait3A_76] : memref<15x16x4096xf32, #tpu.memory_space<vmem_shared>> -> memref<1x16x4096xf32, #tpu.memory_space<vmem_shared>>
      %dma_wait3A_78 = tpu.memref_squeeze %dma_wait3A_77 : memref<1x16x4096xf32, #tpu.memory_space<vmem_shared>> -> memref<16x4096xf32, #tpu.memory_space<vmem_shared>>
      tpu.wait_dma2 semaphore(%arg9 : memref<!tpu.dma_semaphore, #tpu.memory_space<semaphore_mem>>) src(%dma_wait3A_78 : memref<16x4096xf32, #tpu.memory_space<vmem_shared>>) dst(%dma_wait3A_74 : memref<16x4096xf32, #tpu.memory_space<hbm>>)
      %add3A_79 = arith.constant 48 : i32
      %add3A_80 = arith.addi %mul3A_2, %add3A_79 : i32
      %dma_start3A_81 = arith.constant 0 : i32
      %dma_start3A_82 = arith.constant 0 : i32
      %dma_start3A_83 = tpu.memref_slice %arg5[%arg1, %dma_start3A_81, %dma_start3A_82] : memref<15x16x4096xf32, #tpu.memory_space<vmem_shared>> -> memref<1x16x4096xf32, #tpu.memory_space<vmem_shared>>
      %dma_start3A_84 = tpu.memref_squeeze %dma_start3A_83 : memref<1x16x4096xf32, #tpu.memory_space<vmem_shared>> -> memref<16x4096xf32, #tpu.memory_space<vmem_shared>>
      %dma_start3A_85 = arith.constant 0 : i32
      %dma_start3A_86 = tpu.memref_slice %arg2[%add3A_80, %dma_start3A_85] : memref<16384x4096xf32, #tpu.memory_space<hbm>> -> memref<16x4096xf32, #tpu.memory_space<hbm>>
      tpu.enqueue_dma source(%dma_start3A_86 : memref<16x4096xf32, #tpu.memory_space<hbm>>) target(%dma_start3A_84 : memref<16x4096xf32, #tpu.memory_space<vmem_shared>>) target_semaphore(%arg7 : memref<!tpu.dma_semaphore, #tpu.memory_space<semaphore_mem>>)
      %add3A_87 = arith.constant 32 : i32
      %add3A_88 = arith.addi %mul3A_2, %add3A_87 : i32
      %dma_wait3A_89 = arith.constant 0 : i32
      %dma_wait3A_90 = arith.constant 0 : i32
      %dma_wait3A_91 = tpu.memref_slice %arg4[%arg1, %dma_wait3A_89, %dma_wait3A_90] : memref<16x16x4096xf32, #tpu.memory_space<vmem_shared>> -> memref<1x16x4096xf32, #tpu.memory_space<vmem_shared>>
      %dma_wait3A_92 = tpu.memref_squeeze %dma_wait3A_91 : memref<1x16x4096xf32, #tpu.memory_space<vmem_shared>> -> memref<16x4096xf32, #tpu.memory_space<vmem_shared>>
      %dma_wait3A_93 = arith.constant 0 : i32
      %dma_wait3A_94 = tpu.memref_slice %arg2[%add3A_88, %dma_wait3A_93] : memref<16384x4096xf32, #tpu.memory_space<hbm>> -> memref<16x4096xf32, #tpu.memory_space<hbm>>
      tpu.wait_dma2 semaphore(%arg6 : memref<!tpu.dma_semaphore, #tpu.memory_space<semaphore_mem>>) src(%dma_wait3A_94 : memref<16x4096xf32, #tpu.memory_space<hbm>>) dst(%dma_wait3A_92 : memref<16x4096xf32, #tpu.memory_space<vmem_shared>>)
      %add3A_95 = arith.constant 32 : i32
      %add3A_96 = arith.addi %mul3A_2, %add3A_95 : i32
      %dma_start3A_97 = arith.constant 0 : i32
      %dma_start3A_98 = tpu.memref_slice %arg3[%add3A_96, %dma_start3A_97] : memref<16384x4096xf32, #tpu.memory_space<hbm>> -> memref<16x4096xf32, #tpu.memory_space<hbm>>
      %dma_start3A_99 = arith.constant 0 : i32
      %dma_start3A_100 = arith.constant 0 : i32
      %dma_start3A_101 = tpu.memref_slice %arg4[%arg1, %dma_start3A_99, %dma_start3A_100] : memref<16x16x4096xf32, #tpu.memory_space<vmem_shared>> -> memref<1x16x4096xf32, #tpu.memory_space<vmem_shared>>
      %dma_start3A_102 = tpu.memref_squeeze %dma_start3A_101 : memref<1x16x4096xf32, #tpu.memory_space<vmem_shared>> -> memref<16x4096xf32, #tpu.memory_space<vmem_shared>>
      tpu.enqueue_dma source(%dma_start3A_102 : memref<16x4096xf32, #tpu.memory_space<vmem_shared>>) target(%dma_start3A_98 : memref<16x4096xf32, #tpu.memory_space<hbm>>) target_semaphore(%arg8 : memref<!tpu.dma_semaphore, #tpu.memory_space<semaphore_mem>>)
      %add3A_103 = arith.constant 32 : i32
      %add3A_104 = arith.addi %mul3A_2, %add3A_103 : i32
      %dma_wait3A_105 = arith.constant 0 : i32
      %dma_wait3A_106 = tpu.memref_slice %arg3[%add3A_104, %dma_wait3A_105] : memref<16384x4096xf32, #tpu.memory_space<hbm>> -> memref<16x4096xf32, #tpu.memory_space<hbm>>
      %dma_wait3A_107 = arith.constant 0 : i32
      %dma_wait3A_108 = arith.constant 0 : i32
      %dma_wait3A_109 = tpu.memref_slice %arg4[%arg1, %dma_wait3A_107, %dma_wait3A_108] : memref<16x16x4096xf32, #tpu.memory_space<vmem_shared>> -> memref<1x16x4096xf32, #tpu.memory_space<vmem_shared>>
      %dma_wait3A_110 = tpu.memref_squeeze %dma_wait3A_109 : memref<1x16x4096xf32, #tpu.memory_space<vmem_shared>> -> memref<16x4096xf32, #tpu.memory_space<vmem_shared>>
      tpu.wait_dma2 semaphore(%arg8 : memref<!tpu.dma_semaphore, #tpu.memory_space<semaphore_mem>>) src(%dma_wait3A_110 : memref<16x4096xf32, #tpu.memory_space<vmem_shared>>) dst(%dma_wait3A_106 : memref<16x4096xf32, #tpu.memory_space<hbm>>)
      %add3A_111 = arith.constant 64 : i32
      %add3A_112 = arith.addi %mul3A_2, %add3A_111 : i32
      %dma_start3A_113 = arith.constant 0 : i32
      %dma_start3A_114 = arith.constant 0 : i32
      %dma_start3A_115 = tpu.memref_slice %arg4[%arg1, %dma_start3A_113, %dma_start3A_114] : memref<16x16x4096xf32, #tpu.memory_space<vmem_shared>> -> memref<1x16x4096xf32, #tpu.memory_space<vmem_shared>>
      %dma_start3A_116 = tpu.memref_squeeze %dma_start3A_115 : memref<1x16x4096xf32, #tpu.memory_space<vmem_shared>> -> memref<16x4096xf32, #tpu.memory_space<vmem_shared>>
      %dma_start3A_117 = arith.constant 0 : i32
      %dma_start3A_118 = tpu.memref_slice %arg2[%add3A_112, %dma_start3A_117] : memref<16384x4096xf32, #tpu.memory_space<hbm>> -> memref<16x4096xf32, #tpu.memory_space<hbm>>
      tpu.enqueue_dma source(%dma_start3A_118 : memref<16x4096xf32, #tpu.memory_space<hbm>>) target(%dma_start3A_116 : memref<16x4096xf32, #tpu.memory_space<vmem_shared>>) target_semaphore(%arg6 : memref<!tpu.dma_semaphore, #tpu.memory_space<semaphore_mem>>)
      %add3A_119 = arith.constant 48 : i32
      %add3A_120 = arith.addi %mul3A_2, %add3A_119 : i32
      %dma_wait3A_121 = arith.constant 0 : i32
      %dma_wait3A_122 = arith.constant 0 : i32
      %dma_wait3A_123 = tpu.memref_slice %arg5[%arg1, %dma_wait3A_121, %dma_wait3A_122] : memref<15x16x4096xf32, #tpu.memory_space<vmem_shared>> -> memref<1x16x4096xf32, #tpu.memory_space<vmem_shared>>
      %dma_wait3A_124 = tpu.memref_squeeze %dma_wait3A_123 : memref<1x16x4096xf32, #tpu.memory_space<vmem_shared>> -> memref<16x4096xf32, #tpu.memory_space<vmem_shared>>
      %dma_wait3A_125 = arith.constant 0 : i32
      %dma_wait3A_126 = tpu.memref_slice %arg2[%add3A_120, %dma_wait3A_125] : memref<16384x4096xf32, #tpu.memory_space<hbm>> -> memref<16x4096xf32, #tpu.memory_space<hbm>>
      tpu.wait_dma2 semaphore(%arg7 : memref<!tpu.dma_semaphore, #tpu.memory_space<semaphore_mem>>) src(%dma_wait3A_126 : memref<16x4096xf32, #tpu.memory_space<hbm>>) dst(%dma_wait3A_124 : memref<16x4096xf32, #tpu.memory_space<vmem_shared>>)
      %add3A_127 = arith.constant 48 : i32
      %add3A_128 = arith.addi %mul3A_2, %add3A_127 : i32
      %dma_start3A_129 = arith.constant 0 : i32
      %dma_start3A_130 = tpu.memref_slice %arg3[%add3A_128, %dma_start3A_129] : memref<16384x4096xf32, #tpu.memory_space<hbm>> -> memref<16x4096xf32, #tpu.memory_space<hbm>>
      %dma_start3A_131 = arith.constant 0 : i32
      %dma_start3A_132 = arith.constant 0 : i32
      %dma_start3A_133 = tpu.memref_slice %arg5[%arg1, %dma_start3A_131, %dma_start3A_132] : memref<15x16x4096xf32, #tpu.memory_space<vmem_shared>> -> memref<1x16x4096xf32, #tpu.memory_space<vmem_shared>>
      %dma_start3A_134 = tpu.memref_squeeze %dma_start3A_133 : memref<1x16x4096xf32, #tpu.memory_space<vmem_shared>> -> memref<16x4096xf32, #tpu.memory_space<vmem_shared>>
      tpu.enqueue_dma source(%dma_start3A_134 : memref<16x4096xf32, #tpu.memory_space<vmem_shared>>) target(%dma_start3A_130 : memref<16x4096xf32, #tpu.memory_space<hbm>>) target_semaphore(%arg9 : memref<!tpu.dma_semaphore, #tpu.memory_space<semaphore_mem>>)
      %add3A_135 = arith.constant 48 : i32
      %add3A_136 = arith.addi %mul3A_2, %add3A_135 : i32
      %dma_wait3A_137 = arith.constant 0 : i32
      %dma_wait3A_138 = tpu.memref_slice %arg3[%add3A_136, %dma_wait3A_137] : memref<16384x4096xf32, #tpu.memory_space<hbm>> -> memref<16x4096xf32, #tpu.memory_space<hbm>>
      %dma_wait3A_139 = arith.constant 0 : i32
      %dma_wait3A_140 = arith.constant 0 : i32
      %dma_wait3A_141 = tpu.memref_slice %arg5[%arg1, %dma_wait3A_139, %dma_wait3A_140] : memref<15x16x4096xf32, #tpu.memory_space<vmem_shared>> -> memref<1x16x4096xf32, #tpu.memory_space<vmem_shared>>
      %dma_wait3A_142 = tpu.memref_squeeze %dma_wait3A_141 : memref<1x16x4096xf32, #tpu.memory_space<vmem_shared>> -> memref<16x4096xf32, #tpu.memory_space<vmem_shared>>
      tpu.wait_dma2 semaphore(%arg9 : memref<!tpu.dma_semaphore, #tpu.memory_space<semaphore_mem>>) src(%dma_wait3A_142 : memref<16x4096xf32, #tpu.memory_space<vmem_shared>>) dst(%dma_wait3A_138 : memref<16x4096xf32, #tpu.memory_space<hbm>>)
      %add3A_143 = arith.constant 80 : i32
      %add3A_144 = arith.addi %mul3A_2, %add3A_143 : i32
      %dma_start3A_145 = arith.constant 0 : i32
      %dma_start3A_146 = arith.constant 0 : i32
      %dma_start3A_147 = tpu.memref_slice %arg5[%arg1, %dma_start3A_145, %dma_start3A_146] : memref<15x16x4096xf32, #tpu.memory_space<vmem_shared>> -> memref<1x16x4096xf32, #tpu.memory_space<vmem_shared>>
      %dma_start3A_148 = tpu.memref_squeeze %dma_start3A_147 : memref<1x16x4096xf32, #tpu.memory_space<vmem_shared>> -> memref<16x4096xf32, #tpu.memory_space<vmem_shared>>
      %dma_start3A_149 = arith.constant 0 : i32
      %dma_start3A_150 = tpu.memref_slice %arg2[%add3A_144, %dma_start3A_149] : memref<16384x4096xf32, #tpu.memory_space<hbm>> -> memref<16x4096xf32, #tpu.memory_space<hbm>>
      tpu.enqueue_dma source(%dma_start3A_150 : memref<16x4096xf32, #tpu.memory_space<hbm>>) target(%dma_start3A_148 : memref<16x4096xf32, #tpu.memory_space<vmem_shared>>) target_semaphore(%arg7 : memref<!tpu.dma_semaphore, #tpu.memory_space<semaphore_mem>>)
      %add3A_151 = arith.constant 64 : i32
      %add3A_152 = arith.addi %mul3A_2, %add3A_151 : i32
      %dma_wait3A_153 = arith.constant 0 : i32
      %dma_wait3A_154 = arith.constant 0 : i32
      %dma_wait3A_155 = tpu.memref_slice %arg4[%arg1, %dma_wait3A_153, %dma_wait3A_154] : memref<16x16x4096xf32, #tpu.memory_space<vmem_shared>> -> memref<1x16x4096xf32, #tpu.memory_space<vmem_shared>>
      %dma_wait3A_156 = tpu.memref_squeeze %dma_wait3A_155 : memref<1x16x4096xf32, #tpu.memory_space<vmem_shared>> -> memref<16x4096xf32, #tpu.memory_space<vmem_shared>>
      %dma_wait3A_157 = arith.constant 0 : i32
      %dma_wait3A_158 = tpu.memref_slice %arg2[%add3A_152, %dma_wait3A_157] : memref<16384x4096xf32, #tpu.memory_space<hbm>> -> memref<16x4096xf32, #tpu.memory_space<hbm>>
      tpu.wait_dma2 semaphore(%arg6 : memref<!tpu.dma_semaphore, #tpu.memory_space<semaphore_mem>>) src(%dma_wait3A_158 : memref<16x4096xf32, #tpu.memory_space<hbm>>) dst(%dma_wait3A_156 : memref<16x4096xf32, #tpu.memory_space<vmem_shared>>)
      %add3A_159 = arith.constant 64 : i32
      %add3A_160 = arith.addi %mul3A_2, %add3A_159 : i32
      %dma_start3A_161 = arith.constant 0 : i32
      %dma_start3A_162 = tpu.memref_slice %arg3[%add3A_160, %dma_start3A_161] : memref<16384x4096xf32, #tpu.memory_space<hbm>> -> memref<16x4096xf32, #tpu.memory_space<hbm>>
      %dma_start3A_163 = arith.constant 0 : i32
      %dma_start3A_164 = arith.constant 0 : i32
      %dma_start3A_165 = tpu.memref_slice %arg4[%arg1, %dma_start3A_163, %dma_start3A_164] : memref<16x16x4096xf32, #tpu.memory_space<vmem_shared>> -> memref<1x16x4096xf32, #tpu.memory_space<vmem_shared>>
      %dma_start3A_166 = tpu.memref_squeeze %dma_start3A_165 : memref<1x16x4096xf32, #tpu.memory_space<vmem_shared>> -> memref<16x4096xf32, #tpu.memory_space<vmem_shared>>
      tpu.enqueue_dma source(%dma_start3A_166 : memref<16x4096xf32, #tpu.memory_space<vmem_shared>>) target(%dma_start3A_162 : memref<16x4096xf32, #tpu.memory_space<hbm>>) target_semaphore(%arg8 : memref<!tpu.dma_semaphore, #tpu.memory_space<semaphore_mem>>)
      %add3A_167 = arith.constant 64 : i32
      %add3A_168 = arith.addi %mul3A_2, %add3A_167 : i32
      %dma_wait3A_169 = arith.constant 0 : i32
      %dma_wait3A_170 = tpu.memref_slice %arg3[%add3A_168, %dma_wait3A_169] : memref<16384x4096xf32, #tpu.memory_space<hbm>> -> memref<16x4096xf32, #tpu.memory_space<hbm>>
      %dma_wait3A_171 = arith.constant 0 : i32
      %dma_wait3A_172 = arith.constant 0 : i32
      %dma_wait3A_173 = tpu.memref_slice %arg4[%arg1, %dma_wait3A_171, %dma_wait3A_172] : memref<16x16x4096xf32, #tpu.memory_space<vmem_shared>> -> memref<1x16x4096xf32, #tpu.memory_space<vmem_shared>>
      %dma_wait3A_174 = tpu.memref_squeeze %dma_wait3A_173 : memref<1x16x4096xf32, #tpu.memory_space<vmem_shared>> -> memref<16x4096xf32, #tpu.memory_space<vmem_shared>>
      tpu.wait_dma2 semaphore(%arg8 : memref<!tpu.dma_semaphore, #tpu.memory_space<semaphore_mem>>) src(%dma_wait3A_174 : memref<16x4096xf32, #tpu.memory_space<vmem_shared>>) dst(%dma_wait3A_170 : memref<16x4096xf32, #tpu.memory_space<hbm>>)
      %add3A_175 = arith.constant 96 : i32
      %add3A_176 = arith.addi %mul3A_2, %add3A_175 : i32
      %dma_start3A_177 = arith.constant 0 : i32
      %dma_start3A_178 = arith.constant 0 : i32
      %dma_start3A_179 = tpu.memref_slice %arg4[%arg1, %dma_start3A_177, %dma_start3A_178] : memref<16x16x4096xf32, #tpu.memory_space<vmem_shared>> -> memref<1x16x4096xf32, #tpu.memory_space<vmem_shared>>
      %dma_start3A_180 = tpu.memref_squeeze %dma_start3A_179 : memref<1x16x4096xf32, #tpu.memory_space<vmem_shared>> -> memref<16x4096xf32, #tpu.memory_space<vmem_shared>>
      %dma_start3A_181 = arith.constant 0 : i32
      %dma_start3A_182 = tpu.memref_slice %arg2[%add3A_176, %dma_start3A_181] : memref<16384x4096xf32, #tpu.memory_space<hbm>> -> memref<16x4096xf32, #tpu.memory_space<hbm>>
      tpu.enqueue_dma source(%dma_start3A_182 : memref<16x4096xf32, #tpu.memory_space<hbm>>) target(%dma_start3A_180 : memref<16x4096xf32, #tpu.memory_space<vmem_shared>>) target_semaphore(%arg6 : memref<!tpu.dma_semaphore, #tpu.memory_space<semaphore_mem>>)
      %add3A_183 = arith.constant 80 : i32
      %add3A_184 = arith.addi %mul3A_2, %add3A_183 : i32
      %dma_wait3A_185 = arith.constant 0 : i32
      %dma_wait3A_186 = arith.constant 0 : i32
      %dma_wait3A_187 = tpu.memref_slice %arg5[%arg1, %dma_wait3A_185, %dma_wait3A_186] : memref<15x16x4096xf32, #tpu.memory_space<vmem_shared>> -> memref<1x16x4096xf32, #tpu.memory_space<vmem_shared>>
      %dma_wait3A_188 = tpu.memref_squeeze %dma_wait3A_187 : memref<1x16x4096xf32, #tpu.memory_space<vmem_shared>> -> memref<16x4096xf32, #tpu.memory_space<vmem_shared>>
      %dma_wait3A_189 = arith.constant 0 : i32
      %dma_wait3A_190 = tpu.memref_slice %arg2[%add3A_184, %dma_wait3A_189] : memref<16384x4096xf32, #tpu.memory_space<hbm>> -> memref<16x4096xf32, #tpu.memory_space<hbm>>
      tpu.wait_dma2 semaphore(%arg7 : memref<!tpu.dma_semaphore, #tpu.memory_space<semaphore_mem>>) src(%dma_wait3A_190 : memref<16x4096xf32, #tpu.memory_space<hbm>>) dst(%dma_wait3A_188 : memref<16x4096xf32, #tpu.memory_space<vmem_shared>>)
      %add3A_191 = arith.constant 80 : i32
      %add3A_192 = arith.addi %mul3A_2, %add3A_191 : i32
      %dma_start3A_193 = arith.constant 0 : i32
      %dma_start3A_194 = tpu.memref_slice %arg3[%add3A_192, %dma_start3A_193] : memref<16384x4096xf32, #tpu.memory_space<hbm>> -> memref<16x4096xf32, #tpu.memory_space<hbm>>
      %dma_start3A_195 = arith.constant 0 : i32
      %dma_start3A_196 = arith.constant 0 : i32
      %dma_start3A_197 = tpu.memref_slice %arg5[%arg1, %dma_start3A_195, %dma_start3A_196] : memref<15x16x4096xf32, #tpu.memory_space<vmem_shared>> -> memref<1x16x4096xf32, #tpu.memory_space<vmem_shared>>
      %dma_start3A_198 = tpu.memref_squeeze %dma_start3A_197 : memref<1x16x4096xf32, #tpu.memory_space<vmem_shared>> -> memref<16x4096xf32, #tpu.memory_space<vmem_shared>>
      tpu.enqueue_dma source(%dma_start3A_198 : memref<16x4096xf32, #tpu.memory_space<vmem_shared>>) target(%dma_start3A_194 : memref<16x4096xf32, #tpu.memory_space<hbm>>) target_semaphore(%arg9 : memref<!tpu.dma_semaphore, #tpu.memory_space<semaphore_mem>>)
      %add3A_199 = arith.constant 80 : i32
      %add3A_200 = arith.addi %mul3A_2, %add3A_199 : i32
      %dma_wait3A_201 = arith.constant 0 : i32
      %dma_wait3A_202 = tpu.memref_slice %arg3[%add3A_200, %dma_wait3A_201] : memref<16384x4096xf32, #tpu.memory_space<hbm>> -> memref<16x4096xf32, #tpu.memory_space<hbm>>
      %dma_wait3A_203 = arith.constant 0 : i32
      %dma_wait3A_204 = arith.constant 0 : i32
      %dma_wait3A_205 = tpu.memref_slice %arg5[%arg1, %dma_wait3A_203, %dma_wait3A_204] : memref<15x16x4096xf32, #tpu.memory_space<vmem_shared>> -> memref<1x16x4096xf32, #tpu.memory_space<vmem_shared>>
      %dma_wait3A_206 = tpu.memref_squeeze %dma_wait3A_205 : memref<1x16x4096xf32, #tpu.memory_space<vmem_shared>> -> memref<16x4096xf32, #tpu.memory_space<vmem_shared>>
      tpu.wait_dma2 semaphore(%arg9 : memref<!tpu.dma_semaphore, #tpu.memory_space<semaphore_mem>>) src(%dma_wait3A_206 : memref<16x4096xf32, #tpu.memory_space<vmem_shared>>) dst(%dma_wait3A_202 : memref<16x4096xf32, #tpu.memory_space<hbm>>)
      %add3A_207 = arith.constant 112 : i32
      %add3A_208 = arith.addi %mul3A_2, %add3A_207 : i32
      %dma_start3A_209 = arith.constant 0 : i32
      %dma_start3A_210 = arith.constant 0 : i32
      %dma_start3A_211 = tpu.memref_slice %arg5[%arg1, %dma_start3A_209, %dma_start3A_210] : memref<15x16x4096xf32, #tpu.memory_space<vmem_shared>> -> memref<1x16x4096xf32, #tpu.memory_space<vmem_shared>>
      %dma_start3A_212 = tpu.memref_squeeze %dma_start3A_211 : memref<1x16x4096xf32, #tpu.memory_space<vmem_shared>> -> memref<16x4096xf32, #tpu.memory_space<vmem_shared>>
      %dma_start3A_213 = arith.constant 0 : i32
      %dma_start3A_214 = tpu.memref_slice %arg2[%add3A_208, %dma_start3A_213] : memref<16384x4096xf32, #tpu.memory_space<hbm>> -> memref<16x4096xf32, #tpu.memory_space<hbm>>
      tpu.enqueue_dma source(%dma_start3A_214 : memref<16x4096xf32, #tpu.memory_space<hbm>>) target(%dma_start3A_212 : memref<16x4096xf32, #tpu.memory_space<vmem_shared>>) target_semaphore(%arg7 : memref<!tpu.dma_semaphore, #tpu.memory_space<semaphore_mem>>)
      %add3A_215 = arith.constant 96 : i32
      %add3A_216 = arith.addi %mul3A_2, %add3A_215 : i32
      %dma_wait3A_217 = arith.constant 0 : i32
      %dma_wait3A_218 = arith.constant 0 : i32
      %dma_wait3A_219 = tpu.memref_slice %arg4[%arg1, %dma_wait3A_217, %dma_wait3A_218] : memref<16x16x4096xf32, #tpu.memory_space<vmem_shared>> -> memref<1x16x4096xf32, #tpu.memory_space<vmem_shared>>
      %dma_wait3A_220 = tpu.memref_squeeze %dma_wait3A_219 : memref<1x16x4096xf32, #tpu.memory_space<vmem_shared>> -> memref<16x4096xf32, #tpu.memory_space<vmem_shared>>
      %dma_wait3A_221 = arith.constant 0 : i32
      %dma_wait3A_222 = tpu.memref_slice %arg2[%add3A_216, %dma_wait3A_221] : memref<16384x4096xf32, #tpu.memory_space<hbm>> -> memref<16x4096xf32, #tpu.memory_space<hbm>>
      tpu.wait_dma2 semaphore(%arg6 : memref<!tpu.dma_semaphore, #tpu.memory_space<semaphore_mem>>) src(%dma_wait3A_222 : memref<16x4096xf32, #tpu.memory_space<hbm>>) dst(%dma_wait3A_220 : memref<16x4096xf32, #tpu.memory_space<vmem_shared>>)
      %add3A_223 = arith.constant 96 : i32
      %add3A_224 = arith.addi %mul3A_2, %add3A_223 : i32
      %dma_start3A_225 = arith.constant 0 : i32
      %dma_start3A_226 = tpu.memref_slice %arg3[%add3A_224, %dma_start3A_225] : memref<16384x4096xf32, #tpu.memory_space<hbm>> -> memref<16x4096xf32, #tpu.memory_space<hbm>>
      %dma_start3A_227 = arith.constant 0 : i32
      %dma_start3A_228 = arith.constant 0 : i32
      %dma_start3A_229 = tpu.memref_slice %arg4[%arg1, %dma_start3A_227, %dma_start3A_228] : memref<16x16x4096xf32, #tpu.memory_space<vmem_shared>> -> memref<1x16x4096xf32, #tpu.memory_space<vmem_shared>>
      %dma_start3A_230 = tpu.memref_squeeze %dma_start3A_229 : memref<1x16x4096xf32, #tpu.memory_space<vmem_shared>> -> memref<16x4096xf32, #tpu.memory_space<vmem_shared>>
      tpu.enqueue_dma source(%dma_start3A_230 : memref<16x4096xf32, #tpu.memory_space<vmem_shared>>) target(%dma_start3A_226 : memref<16x4096xf32, #tpu.memory_space<hbm>>) target_semaphore(%arg8 : memref<!tpu.dma_semaphore, #tpu.memory_space<semaphore_mem>>)
      %add3A_231 = arith.constant 96 : i32
      %add3A_232 = arith.addi %mul3A_2, %add3A_231 : i32
      %dma_wait3A_233 = arith.constant 0 : i32
      %dma_wait3A_234 = tpu.memref_slice %arg3[%add3A_232, %dma_wait3A_233] : memref<16384x4096xf32, #tpu.memory_space<hbm>> -> memref<16x4096xf32, #tpu.memory_space<hbm>>
      %dma_wait3A_235 = arith.constant 0 : i32
      %dma_wait3A_236 = arith.constant 0 : i32
      %dma_wait3A_237 = tpu.memref_slice %arg4[%arg1, %dma_wait3A_235, %dma_wait3A_236] : memref<16x16x4096xf32, #tpu.memory_space<vmem_shared>> -> memref<1x16x4096xf32, #tpu.memory_space<vmem_shared>>
      %dma_wait3A_238 = tpu.memref_squeeze %dma_wait3A_237 : memref<1x16x4096xf32, #tpu.memory_space<vmem_shared>> -> memref<16x4096xf32, #tpu.memory_space<vmem_shared>>
      tpu.wait_dma2 semaphore(%arg8 : memref<!tpu.dma_semaphore, #tpu.memory_space<semaphore_mem>>) src(%dma_wait3A_238 : memref<16x4096xf32, #tpu.memory_space<vmem_shared>>) dst(%dma_wait3A_234 : memref<16x4096xf32, #tpu.memory_space<hbm>>)
      %add3A_239 = arith.constant 128 : i32
      %add3A_240 = arith.addi %mul3A_2, %add3A_239 : i32
      %dma_start3A_241 = arith.constant 0 : i32
      %dma_start3A_242 = arith.constant 0 : i32
      %dma_start3A_243 = tpu.memref_slice %arg4[%arg1, %dma_start3A_241, %dma_start3A_242] : memref<16x16x4096xf32, #tpu.memory_space<vmem_shared>> -> memref<1x16x4096xf32, #tpu.memory_space<vmem_shared>>
      %dma_start3A_244 = tpu.memref_squeeze %dma_start3A_243 : memref<1x16x4096xf32, #tpu.memory_space<vmem_shared>> -> memref<16x4096xf32, #tpu.memory_space<vmem_shared>>
      %dma_start3A_245 = arith.constant 0 : i32
      %dma_start3A_246 = tpu.memref_slice %arg2[%add3A_240, %dma_start3A_245] : memref<16384x4096xf32, #tpu.memory_space<hbm>> -> memref<16x4096xf32, #tpu.memory_space<hbm>>
      tpu.enqueue_dma source(%dma_start3A_246 : memref<16x4096xf32, #tpu.memory_space<hbm>>) target(%dma_start3A_244 : memref<16x4096xf32, #tpu.memory_space<vmem_shared>>) target_semaphore(%arg6 : memref<!tpu.dma_semaphore, #tpu.memory_space<semaphore_mem>>)
      %add3A_247 = arith.constant 112 : i32
      %add3A_248 = arith.addi %mul3A_2, %add3A_247 : i32
      %dma_wait3A_249 = arith.constant 0 : i32
      %dma_wait3A_250 = arith.constant 0 : i32
      %dma_wait3A_251 = tpu.memref_slice %arg5[%arg1, %dma_wait3A_249, %dma_wait3A_250] : memref<15x16x4096xf32, #tpu.memory_space<vmem_shared>> -> memref<1x16x4096xf32, #tpu.memory_space<vmem_shared>>
      %dma_wait3A_252 = tpu.memref_squeeze %dma_wait3A_251 : memref<1x16x4096xf32, #tpu.memory_space<vmem_shared>> -> memref<16x4096xf32, #tpu.memory_space<vmem_shared>>
      %dma_wait3A_253 = arith.constant 0 : i32
      %dma_wait3A_254 = tpu.memref_slice %arg2[%add3A_248, %dma_wait3A_253] : memref<16384x4096xf32, #tpu.memory_space<hbm>> -> memref<16x4096xf32, #tpu.memory_space<hbm>>
      tpu.wait_dma2 semaphore(%arg7 : memref<!tpu.dma_semaphore, #tpu.memory_space<semaphore_mem>>) src(%dma_wait3A_254 : memref<16x4096xf32, #tpu.memory_space<hbm>>) dst(%dma_wait3A_252 : memref<16x4096xf32, #tpu.memory_space<vmem_shared>>)
      %add3A_255 = arith.constant 112 : i32
      %add3A_256 = arith.addi %mul3A_2, %add3A_255 : i32
      %dma_start3A_257 = arith.constant 0 : i32
      %dma_start3A_258 = tpu.memref_slice %arg3[%add3A_256, %dma_start3A_257] : memref<16384x4096xf32, #tpu.memory_space<hbm>> -> memref<16x4096xf32, #tpu.memory_space<hbm>>
      %dma_start3A_259 = arith.constant 0 : i32
      %dma_start3A_260 = arith.constant 0 : i32
      %dma_start3A_261 = tpu.memref_slice %arg5[%arg1, %dma_start3A_259, %dma_start3A_260] : memref<15x16x4096xf32, #tpu.memory_space<vmem_shared>> -> memref<1x16x4096xf32, #tpu.memory_space<vmem_shared>>
      %dma_start3A_262 = tpu.memref_squeeze %dma_start3A_261 : memref<1x16x4096xf32, #tpu.memory_space<vmem_shared>> -> memref<16x4096xf32, #tpu.memory_space<vmem_shared>>
      tpu.enqueue_dma source(%dma_start3A_262 : memref<16x4096xf32, #tpu.memory_space<vmem_shared>>) target(%dma_start3A_258 : memref<16x4096xf32, #tpu.memory_space<hbm>>) target_semaphore(%arg9 : memref<!tpu.dma_semaphore, #tpu.memory_space<semaphore_mem>>)
      %add3A_263 = arith.constant 112 : i32
      %add3A_264 = arith.addi %mul3A_2, %add3A_263 : i32
      %dma_wait3A_265 = arith.constant 0 : i32
      %dma_wait3A_266 = tpu.memref_slice %arg3[%add3A_264, %dma_wait3A_265] : memref<16384x4096xf32, #tpu.memory_space<hbm>> -> memref<16x4096xf32, #tpu.memory_space<hbm>>
      %dma_wait3A_267 = arith.constant 0 : i32
      %dma_wait3A_268 = arith.constant 0 : i32
      %dma_wait3A_269 = tpu.memref_slice %arg5[%arg1, %dma_wait3A_267, %dma_wait3A_268] : memref<15x16x4096xf32, #tpu.memory_space<vmem_shared>> -> memref<1x16x4096xf32, #tpu.memory_space<vmem_shared>>
      %dma_wait3A_270 = tpu.memref_squeeze %dma_wait3A_269 : memref<1x16x4096xf32, #tpu.memory_space<vmem_shared>> -> memref<16x4096xf32, #tpu.memory_space<vmem_shared>>
      tpu.wait_dma2 semaphore(%arg9 : memref<!tpu.dma_semaphore, #tpu.memory_space<semaphore_mem>>) src(%dma_wait3A_270 : memref<16x4096xf32, #tpu.memory_space<vmem_shared>>) dst(%dma_wait3A_266 : memref<16x4096xf32, #tpu.memory_space<hbm>>)
      %add3A_271 = arith.constant 144 : i32
      %add3A_272 = arith.addi %mul3A_2, %add3A_271 : i32
      %dma_start3A_273 = arith.constant 0 : i32
      %dma_start3A_274 = arith.constant 0 : i32
      %dma_start3A_275 = tpu.memref_slice %arg5[%arg1, %dma_start3A_273, %dma_start3A_274] : memref<15x16x4096xf32, #tpu.memory_space<vmem_shared>> -> memref<1x16x4096xf32, #tpu.memory_space<vmem_shared>>
      %dma_start3A_276 = tpu.memref_squeeze %dma_start3A_275 : memref<1x16x4096xf32, #tpu.memory_space<vmem_shared>> -> memref<16x4096xf32, #tpu.memory_space<vmem_shared>>
      %dma_start3A_277 = arith.constant 0 : i32
      %dma_start3A_278 = tpu.memref_slice %arg2[%add3A_272, %dma_start3A_277] : memref<16384x4096xf32, #tpu.memory_space<hbm>> -> memref<16x4096xf32, #tpu.memory_space<hbm>>
      tpu.enqueue_dma source(%dma_start3A_278 : memref<16x4096xf32, #tpu.memory_space<hbm>>) target(%dma_start3A_276 : memref<16x4096xf32, #tpu.memory_space<vmem_shared>>) target_semaphore(%arg7 : memref<!tpu.dma_semaphore, #tpu.memory_space<semaphore_mem>>)
      %add3A_279 = arith.constant 128 : i32
      %add3A_280 = arith.addi %mul3A_2, %add3A_279 : i32
      %dma_wait3A_281 = arith.constant 0 : i32
      %dma_wait3A_282 = arith.constant 0 : i32
      %dma_wait3A_283 = tpu.memref_slice %arg4[%arg1, %dma_wait3A_281, %dma_wait3A_282] : memref<16x16x4096xf32, #tpu.memory_space<vmem_shared>> -> memref<1x16x4096xf32, #tpu.memory_space<vmem_shared>>
      %dma_wait3A_284 = tpu.memref_squeeze %dma_wait3A_283 : memref<1x16x4096xf32, #tpu.memory_space<vmem_shared>> -> memref<16x4096xf32, #tpu.memory_space<vmem_shared>>
      %dma_wait3A_285 = arith.constant 0 : i32
      %dma_wait3A_286 = tpu.memref_slice %arg2[%add3A_280, %dma_wait3A_285] : memref<16384x4096xf32, #tpu.memory_space<hbm>> -> memref<16x4096xf32, #tpu.memory_space<hbm>>
      tpu.wait_dma2 semaphore(%arg6 : memref<!tpu.dma_semaphore, #tpu.memory_space<semaphore_mem>>) src(%dma_wait3A_286 : memref<16x4096xf32, #tpu.memory_space<hbm>>) dst(%dma_wait3A_284 : memref<16x4096xf32, #tpu.memory_space<vmem_shared>>)
      %add3A_287 = arith.constant 128 : i32
      %add3A_288 = arith.addi %mul3A_2, %add3A_287 : i32
      %dma_start3A_289 = arith.constant 0 : i32
      %dma_start3A_290 = tpu.memref_slice %arg3[%add3A_288, %dma_start3A_289] : memref<16384x4096xf32, #tpu.memory_space<hbm>> -> memref<16x4096xf32, #tpu.memory_space<hbm>>
      %dma_start3A_291 = arith.constant 0 : i32
      %dma_start3A_292 = arith.constant 0 : i32
      %dma_start3A_293 = tpu.memref_slice %arg4[%arg1, %dma_start3A_291, %dma_start3A_292] : memref<16x16x4096xf32, #tpu.memory_space<vmem_shared>> -> memref<1x16x4096xf32, #tpu.memory_space<vmem_shared>>
      %dma_start3A_294 = tpu.memref_squeeze %dma_start3A_293 : memref<1x16x4096xf32, #tpu.memory_space<vmem_shared>> -> memref<16x4096xf32, #tpu.memory_space<vmem_shared>>
      tpu.enqueue_dma source(%dma_start3A_294 : memref<16x4096xf32, #tpu.memory_space<vmem_shared>>) target(%dma_start3A_290 : memref<16x4096xf32, #tpu.memory_space<hbm>>) target_semaphore(%arg8 : memref<!tpu.dma_semaphore, #tpu.memory_space<semaphore_mem>>)
      %add3A_295 = arith.constant 128 : i32
      %add3A_296 = arith.addi %mul3A_2, %add3A_295 : i32
      %dma_wait3A_297 = arith.constant 0 : i32
      %dma_wait3A_298 = tpu.memref_slice %arg3[%add3A_296, %dma_wait3A_297] : memref<16384x4096xf32, #tpu.memory_space<hbm>> -> memref<16x4096xf32, #tpu.memory_space<hbm>>
      %dma_wait3A_299 = arith.constant 0 : i32
      %dma_wait3A_300 = arith.constant 0 : i32
      %dma_wait3A_301 = tpu.memref_slice %arg4[%arg1, %dma_wait3A_299, %dma_wait3A_300] : memref<16x16x4096xf32, #tpu.memory_space<vmem_shared>> -> memref<1x16x4096xf32, #tpu.memory_space<vmem_shared>>
      %dma_wait3A_302 = tpu.memref_squeeze %dma_wait3A_301 : memref<1x16x4096xf32, #tpu.memory_space<vmem_shared>> -> memref<16x4096xf32, #tpu.memory_space<vmem_shared>>
      tpu.wait_dma2 semaphore(%arg8 : memref<!tpu.dma_semaphore, #tpu.memory_space<semaphore_mem>>) src(%dma_wait3A_302 : memref<16x4096xf32, #tpu.memory_space<vmem_shared>>) dst(%dma_wait3A_298 : memref<16x4096xf32, #tpu.memory_space<hbm>>)
      %add3A_303 = arith.constant 160 : i32
      %add3A_304 = arith.addi %mul3A_2, %add3A_303 : i32
      %dma_start3A_305 = arith.constant 0 : i32
      %dma_start3A_306 = arith.constant 0 : i32
      %dma_start3A_307 = tpu.memref_slice %arg4[%arg1, %dma_start3A_305, %dma_start3A_306] : memref<16x16x4096xf32, #tpu.memory_space<vmem_shared>> -> memref<1x16x4096xf32, #tpu.memory_space<vmem_shared>>
      %dma_start3A_308 = tpu.memref_squeeze %dma_start3A_307 : memref<1x16x4096xf32, #tpu.memory_space<vmem_shared>> -> memref<16x4096xf32, #tpu.memory_space<vmem_shared>>
      %dma_start3A_309 = arith.constant 0 : i32
      %dma_start3A_310 = tpu.memref_slice %arg2[%add3A_304, %dma_start3A_309] : memref<16384x4096xf32, #tpu.memory_space<hbm>> -> memref<16x4096xf32, #tpu.memory_space<hbm>>
      tpu.enqueue_dma source(%dma_start3A_310 : memref<16x4096xf32, #tpu.memory_space<hbm>>) target(%dma_start3A_308 : memref<16x4096xf32, #tpu.memory_space<vmem_shared>>) target_semaphore(%arg6 : memref<!tpu.dma_semaphore, #tpu.memory_space<semaphore_mem>>)
      %add3A_311 = arith.constant 144 : i32
      %add3A_312 = arith.addi %mul3A_2, %add3A_311 : i32
      %dma_wait3A_313 = arith.constant 0 : i32
      %dma_wait3A_314 = arith.constant 0 : i32
      %dma_wait3A_315 = tpu.memref_slice %arg5[%arg1, %dma_wait3A_313, %dma_wait3A_314] : memref<15x16x4096xf32, #tpu.memory_space<vmem_shared>> -> memref<1x16x4096xf32, #tpu.memory_space<vmem_shared>>
      %dma_wait3A_316 = tpu.memref_squeeze %dma_wait3A_315 : memref<1x16x4096xf32, #tpu.memory_space<vmem_shared>> -> memref<16x4096xf32, #tpu.memory_space<vmem_shared>>
      %dma_wait3A_317 = arith.constant 0 : i32
      %dma_wait3A_318 = tpu.memref_slice %arg2[%add3A_312, %dma_wait3A_317] : memref<16384x4096xf32, #tpu.memory_space<hbm>> -> memref<16x4096xf32, #tpu.memory_space<hbm>>
      tpu.wait_dma2 semaphore(%arg7 : memref<!tpu.dma_semaphore, #tpu.memory_space<semaphore_mem>>) src(%dma_wait3A_318 : memref<16x4096xf32, #tpu.memory_space<hbm>>) dst(%dma_wait3A_316 : memref<16x4096xf32, #tpu.memory_space<vmem_shared>>)
      %add3A_319 = arith.constant 144 : i32
      %add3A_320 = arith.addi %mul3A_2, %add3A_319 : i32
      %dma_start3A_321 = arith.constant 0 : i32
      %dma_start3A_322 = tpu.memref_slice %arg3[%add3A_320, %dma_start3A_321] : memref<16384x4096xf32, #tpu.memory_space<hbm>> -> memref<16x4096xf32, #tpu.memory_space<hbm>>
      %dma_start3A_323 = arith.constant 0 : i32
      %dma_start3A_324 = arith.constant 0 : i32
      %dma_start3A_325 = tpu.memref_slice %arg5[%arg1, %dma_start3A_323, %dma_start3A_324] : memref<15x16x4096xf32, #tpu.memory_space<vmem_shared>> -> memref<1x16x4096xf32, #tpu.memory_space<vmem_shared>>
      %dma_start3A_326 = tpu.memref_squeeze %dma_start3A_325 : memref<1x16x4096xf32, #tpu.memory_space<vmem_shared>> -> memref<16x4096xf32, #tpu.memory_space<vmem_shared>>
      tpu.enqueue_dma source(%dma_start3A_326 : memref<16x4096xf32, #tpu.memory_space<vmem_shared>>) target(%dma_start3A_322 : memref<16x4096xf32, #tpu.memory_space<hbm>>) target_semaphore(%arg9 : memref<!tpu.dma_semaphore, #tpu.memory_space<semaphore_mem>>)
      %add3A_327 = arith.constant 144 : i32
      %add3A_328 = arith.addi %mul3A_2, %add3A_327 : i32
      %dma_wait3A_329 = arith.constant 0 : i32
      %dma_wait3A_330 = tpu.memref_slice %arg3[%add3A_328, %dma_wait3A_329] : memref<16384x4096xf32, #tpu.memory_space<hbm>> -> memref<16x4096xf32, #tpu.memory_space<hbm>>
      %dma_wait3A_331 = arith.constant 0 : i32
      %dma_wait3A_332 = arith.constant 0 : i32
      %dma_wait3A_333 = tpu.memref_slice %arg5[%arg1, %dma_wait3A_331, %dma_wait3A_332] : memref<15x16x4096xf32, #tpu.memory_space<vmem_shared>> -> memref<1x16x4096xf32, #tpu.memory_space<vmem_shared>>
      %dma_wait3A_334 = tpu.memref_squeeze %dma_wait3A_333 : memref<1x16x4096xf32, #tpu.memory_space<vmem_shared>> -> memref<16x4096xf32, #tpu.memory_space<vmem_shared>>
      tpu.wait_dma2 semaphore(%arg9 : memref<!tpu.dma_semaphore, #tpu.memory_space<semaphore_mem>>) src(%dma_wait3A_334 : memref<16x4096xf32, #tpu.memory_space<vmem_shared>>) dst(%dma_wait3A_330 : memref<16x4096xf32, #tpu.memory_space<hbm>>)
      %add3A_335 = arith.constant 176 : i32
      %add3A_336 = arith.addi %mul3A_2, %add3A_335 : i32
      %dma_start3A_337 = arith.constant 0 : i32
      %dma_start3A_338 = arith.constant 0 : i32
      %dma_start3A_339 = tpu.memref_slice %arg5[%arg1, %dma_start3A_337, %dma_start3A_338] : memref<15x16x4096xf32, #tpu.memory_space<vmem_shared>> -> memref<1x16x4096xf32, #tpu.memory_space<vmem_shared>>
      %dma_start3A_340 = tpu.memref_squeeze %dma_start3A_339 : memref<1x16x4096xf32, #tpu.memory_space<vmem_shared>> -> memref<16x4096xf32, #tpu.memory_space<vmem_shared>>
      %dma_start3A_341 = arith.constant 0 : i32
      %dma_start3A_342 = tpu.memref_slice %arg2[%add3A_336, %dma_start3A_341] : memref<16384x4096xf32, #tpu.memory_space<hbm>> -> memref<16x4096xf32, #tpu.memory_space<hbm>>
      tpu.enqueue_dma source(%dma_start3A_342 : memref<16x4096xf32, #tpu.memory_space<hbm>>) target(%dma_start3A_340 : memref<16x4096xf32, #tpu.memory_space<vmem_shared>>) target_semaphore(%arg7 : memref<!tpu.dma_semaphore, #tpu.memory_space<semaphore_mem>>)
      %add3A_343 = arith.constant 160 : i32
      %add3A_344 = arith.addi %mul3A_2, %add3A_343 : i32
      %dma_wait3A_345 = arith.constant 0 : i32
      %dma_wait3A_346 = arith.constant 0 : i32
      %dma_wait3A_347 = tpu.memref_slice %arg4[%arg1, %dma_wait3A_345, %dma_wait3A_346] : memref<16x16x4096xf32, #tpu.memory_space<vmem_shared>> -> memref<1x16x4096xf32, #tpu.memory_space<vmem_shared>>
      %dma_wait3A_348 = tpu.memref_squeeze %dma_wait3A_347 : memref<1x16x4096xf32, #tpu.memory_space<vmem_shared>> -> memref<16x4096xf32, #tpu.memory_space<vmem_shared>>
      %dma_wait3A_349 = arith.constant 0 : i32
      %dma_wait3A_350 = tpu.memref_slice %arg2[%add3A_344, %dma_wait3A_349] : memref<16384x4096xf32, #tpu.memory_space<hbm>> -> memref<16x4096xf32, #tpu.memory_space<hbm>>
      tpu.wait_dma2 semaphore(%arg6 : memref<!tpu.dma_semaphore, #tpu.memory_space<semaphore_mem>>) src(%dma_wait3A_350 : memref<16x4096xf32, #tpu.memory_space<hbm>>) dst(%dma_wait3A_348 : memref<16x4096xf32, #tpu.memory_space<vmem_shared>>)
      %add3A_351 = arith.constant 160 : i32
      %add3A_352 = arith.addi %mul3A_2, %add3A_351 : i32
      %dma_start3A_353 = arith.constant 0 : i32
      %dma_start3A_354 = tpu.memref_slice %arg3[%add3A_352, %dma_start3A_353] : memref<16384x4096xf32, #tpu.memory_space<hbm>> -> memref<16x4096xf32, #tpu.memory_space<hbm>>
      %dma_start3A_355 = arith.constant 0 : i32
      %dma_start3A_356 = arith.constant 0 : i32
      %dma_start3A_357 = tpu.memref_slice %arg4[%arg1, %dma_start3A_355, %dma_start3A_356] : memref<16x16x4096xf32, #tpu.memory_space<vmem_shared>> -> memref<1x16x4096xf32, #tpu.memory_space<vmem_shared>>
      %dma_start3A_358 = tpu.memref_squeeze %dma_start3A_357 : memref<1x16x4096xf32, #tpu.memory_space<vmem_shared>> -> memref<16x4096xf32, #tpu.memory_space<vmem_shared>>
      tpu.enqueue_dma source(%dma_start3A_358 : memref<16x4096xf32, #tpu.memory_space<vmem_shared>>) target(%dma_start3A_354 : memref<16x4096xf32, #tpu.memory_space<hbm>>) target_semaphore(%arg8 : memref<!tpu.dma_semaphore, #tpu.memory_space<semaphore_mem>>)
      %add3A_359 = arith.constant 160 : i32
      %add3A_360 = arith.addi %mul3A_2, %add3A_359 : i32
      %dma_wait3A_361 = arith.constant 0 : i32
      %dma_wait3A_362 = tpu.memref_slice %arg3[%add3A_360, %dma_wait3A_361] : memref<16384x4096xf32, #tpu.memory_space<hbm>> -> memref<16x4096xf32, #tpu.memory_space<hbm>>
      %dma_wait3A_363 = arith.constant 0 : i32
      %dma_wait3A_364 = arith.constant 0 : i32
      %dma_wait3A_365 = tpu.memref_slice %arg4[%arg1, %dma_wait3A_363, %dma_wait3A_364] : memref<16x16x4096xf32, #tpu.memory_space<vmem_shared>> -> memref<1x16x4096xf32, #tpu.memory_space<vmem_shared>>
      %dma_wait3A_366 = tpu.memref_squeeze %dma_wait3A_365 : memref<1x16x4096xf32, #tpu.memory_space<vmem_shared>> -> memref<16x4096xf32, #tpu.memory_space<vmem_shared>>
      tpu.wait_dma2 semaphore(%arg8 : memref<!tpu.dma_semaphore, #tpu.memory_space<semaphore_mem>>) src(%dma_wait3A_366 : memref<16x4096xf32, #tpu.memory_space<vmem_shared>>) dst(%dma_wait3A_362 : memref<16x4096xf32, #tpu.memory_space<hbm>>)
      %add3A_367 = arith.constant 192 : i32
      %add3A_368 = arith.addi %mul3A_2, %add3A_367 : i32
      %dma_start3A_369 = arith.constant 0 : i32
      %dma_start3A_370 = arith.constant 0 : i32
      %dma_start3A_371 = tpu.memref_slice %arg4[%arg1, %dma_start3A_369, %dma_start3A_370] : memref<16x16x4096xf32, #tpu.memory_space<vmem_shared>> -> memref<1x16x4096xf32, #tpu.memory_space<vmem_shared>>
      %dma_start3A_372 = tpu.memref_squeeze %dma_start3A_371 : memref<1x16x4096xf32, #tpu.memory_space<vmem_shared>> -> memref<16x4096xf32, #tpu.memory_space<vmem_shared>>
      %dma_start3A_373 = arith.constant 0 : i32
      %dma_start3A_374 = tpu.memref_slice %arg2[%add3A_368, %dma_start3A_373] : memref<16384x4096xf32, #tpu.memory_space<hbm>> -> memref<16x4096xf32, #tpu.memory_space<hbm>>
      tpu.enqueue_dma source(%dma_start3A_374 : memref<16x4096xf32, #tpu.memory_space<hbm>>) target(%dma_start3A_372 : memref<16x4096xf32, #tpu.memory_space<vmem_shared>>) target_semaphore(%arg6 : memref<!tpu.dma_semaphore, #tpu.memory_space<semaphore_mem>>)
      %add3A_375 = arith.constant 176 : i32
      %add3A_376 = arith.addi %mul3A_2, %add3A_375 : i32
      %dma_wait3A_377 = arith.constant 0 : i32
      %dma_wait3A_378 = arith.constant 0 : i32
      %dma_wait3A_379 = tpu.memref_slice %arg5[%arg1, %dma_wait3A_377, %dma_wait3A_378] : memref<15x16x4096xf32, #tpu.memory_space<vmem_shared>> -> memref<1x16x4096xf32, #tpu.memory_space<vmem_shared>>
      %dma_wait3A_380 = tpu.memref_squeeze %dma_wait3A_379 : memref<1x16x4096xf32, #tpu.memory_space<vmem_shared>> -> memref<16x4096xf32, #tpu.memory_space<vmem_shared>>
      %dma_wait3A_381 = arith.constant 0 : i32
      %dma_wait3A_382 = tpu.memref_slice %arg2[%add3A_376, %dma_wait3A_381] : memref<16384x4096xf32, #tpu.memory_space<hbm>> -> memref<16x4096xf32, #tpu.memory_space<hbm>>
      tpu.wait_dma2 semaphore(%arg7 : memref<!tpu.dma_semaphore, #tpu.memory_space<semaphore_mem>>) src(%dma_wait3A_382 : memref<16x4096xf32, #tpu.memory_space<hbm>>) dst(%dma_wait3A_380 : memref<16x4096xf32, #tpu.memory_space<vmem_shared>>)
      %add3A_383 = arith.constant 176 : i32
      %add3A_384 = arith.addi %mul3A_2, %add3A_383 : i32
      %dma_start3A_385 = arith.constant 0 : i32
      %dma_start3A_386 = tpu.memref_slice %arg3[%add3A_384, %dma_start3A_385] : memref<16384x4096xf32, #tpu.memory_space<hbm>> -> memref<16x4096xf32, #tpu.memory_space<hbm>>
      %dma_start3A_387 = arith.constant 0 : i32
      %dma_start3A_388 = arith.constant 0 : i32
      %dma_start3A_389 = tpu.memref_slice %arg5[%arg1, %dma_start3A_387, %dma_start3A_388] : memref<15x16x4096xf32, #tpu.memory_space<vmem_shared>> -> memref<1x16x4096xf32, #tpu.memory_space<vmem_shared>>
      %dma_start3A_390 = tpu.memref_squeeze %dma_start3A_389 : memref<1x16x4096xf32, #tpu.memory_space<vmem_shared>> -> memref<16x4096xf32, #tpu.memory_space<vmem_shared>>
      tpu.enqueue_dma source(%dma_start3A_390 : memref<16x4096xf32, #tpu.memory_space<vmem_shared>>) target(%dma_start3A_386 : memref<16x4096xf32, #tpu.memory_space<hbm>>) target_semaphore(%arg9 : memref<!tpu.dma_semaphore, #tpu.memory_space<semaphore_mem>>)
      %add3A_391 = arith.constant 176 : i32
      %add3A_392 = arith.addi %mul3A_2, %add3A_391 : i32
      %dma_wait3A_393 = arith.constant 0 : i32
      %dma_wait3A_394 = tpu.memref_slice %arg3[%add3A_392, %dma_wait3A_393] : memref<16384x4096xf32, #tpu.memory_space<hbm>> -> memref<16x4096xf32, #tpu.memory_space<hbm>>
      %dma_wait3A_395 = arith.constant 0 : i32
      %dma_wait3A_396 = arith.constant 0 : i32
      %dma_wait3A_397 = tpu.memref_slice %arg5[%arg1, %dma_wait3A_395, %dma_wait3A_396] : memref<15x16x4096xf32, #tpu.memory_space<vmem_shared>> -> memref<1x16x4096xf32, #tpu.memory_space<vmem_shared>>
      %dma_wait3A_398 = tpu.memref_squeeze %dma_wait3A_397 : memref<1x16x4096xf32, #tpu.memory_space<vmem_shared>> -> memref<16x4096xf32, #tpu.memory_space<vmem_shared>>
      tpu.wait_dma2 semaphore(%arg9 : memref<!tpu.dma_semaphore, #tpu.memory_space<semaphore_mem>>) src(%dma_wait3A_398 : memref<16x4096xf32, #tpu.memory_space<vmem_shared>>) dst(%dma_wait3A_394 : memref<16x4096xf32, #tpu.memory_space<hbm>>)
      %add3A_399 = arith.constant 208 : i32
      %add3A_400 = arith.addi %mul3A_2, %add3A_399 : i32
      %dma_start3A_401 = arith.constant 0 : i32
      %dma_start3A_402 = arith.constant 0 : i32
      %dma_start3A_403 = tpu.memref_slice %arg5[%arg1, %dma_start3A_401, %dma_start3A_402] : memref<15x16x4096xf32, #tpu.memory_space<vmem_shared>> -> memref<1x16x4096xf32, #tpu.memory_space<vmem_shared>>
      %dma_start3A_404 = tpu.memref_squeeze %dma_start3A_403 : memref<1x16x4096xf32, #tpu.memory_space<vmem_shared>> -> memref<16x4096xf32, #tpu.memory_space<vmem_shared>>
      %dma_start3A_405 = arith.constant 0 : i32
      %dma_start3A_406 = tpu.memref_slice %arg2[%add3A_400, %dma_start3A_405] : memref<16384x4096xf32, #tpu.memory_space<hbm>> -> memref<16x4096xf32, #tpu.memory_space<hbm>>
      tpu.enqueue_dma source(%dma_start3A_406 : memref<16x4096xf32, #tpu.memory_space<hbm>>) target(%dma_start3A_404 : memref<16x4096xf32, #tpu.memory_space<vmem_shared>>) target_semaphore(%arg7 : memref<!tpu.dma_semaphore, #tpu.memory_space<semaphore_mem>>)
      %add3A_407 = arith.constant 192 : i32
      %add3A_408 = arith.addi %mul3A_2, %add3A_407 : i32
      %dma_wait3A_409 = arith.constant 0 : i32
      %dma_wait3A_410 = arith.constant 0 : i32
      %dma_wait3A_411 = tpu.memref_slice %arg4[%arg1, %dma_wait3A_409, %dma_wait3A_410] : memref<16x16x4096xf32, #tpu.memory_space<vmem_shared>> -> memref<1x16x4096xf32, #tpu.memory_space<vmem_shared>>
      %dma_wait3A_412 = tpu.memref_squeeze %dma_wait3A_411 : memref<1x16x4096xf32, #tpu.memory_space<vmem_shared>> -> memref<16x4096xf32, #tpu.memory_space<vmem_shared>>
      %dma_wait3A_413 = arith.constant 0 : i32
      %dma_wait3A_414 = tpu.memref_slice %arg2[%add3A_408, %dma_wait3A_413] : memref<16384x4096xf32, #tpu.memory_space<hbm>> -> memref<16x4096xf32, #tpu.memory_space<hbm>>
      tpu.wait_dma2 semaphore(%arg6 : memref<!tpu.dma_semaphore, #tpu.memory_space<semaphore_mem>>) src(%dma_wait3A_414 : memref<16x4096xf32, #tpu.memory_space<hbm>>) dst(%dma_wait3A_412 : memref<16x4096xf32, #tpu.memory_space<vmem_shared>>)
      %add3A_415 = arith.constant 192 : i32
      %add3A_416 = arith.addi %mul3A_2, %add3A_415 : i32
      %dma_start3A_417 = arith.constant 0 : i32
      %dma_start3A_418 = tpu.memref_slice %arg3[%add3A_416, %dma_start3A_417] : memref<16384x4096xf32, #tpu.memory_space<hbm>> -> memref<16x4096xf32, #tpu.memory_space<hbm>>
      %dma_start3A_419 = arith.constant 0 : i32
      %dma_start3A_420 = arith.constant 0 : i32
      %dma_start3A_421 = tpu.memref_slice %arg4[%arg1, %dma_start3A_419, %dma_start3A_420] : memref<16x16x4096xf32, #tpu.memory_space<vmem_shared>> -> memref<1x16x4096xf32, #tpu.memory_space<vmem_shared>>
      %dma_start3A_422 = tpu.memref_squeeze %dma_start3A_421 : memref<1x16x4096xf32, #tpu.memory_space<vmem_shared>> -> memref<16x4096xf32, #tpu.memory_space<vmem_shared>>
      tpu.enqueue_dma source(%dma_start3A_422 : memref<16x4096xf32, #tpu.memory_space<vmem_shared>>) target(%dma_start3A_418 : memref<16x4096xf32, #tpu.memory_space<hbm>>) target_semaphore(%arg8 : memref<!tpu.dma_semaphore, #tpu.memory_space<semaphore_mem>>)
      %add3A_423 = arith.constant 192 : i32
      %add3A_424 = arith.addi %mul3A_2, %add3A_423 : i32
      %dma_wait3A_425 = arith.constant 0 : i32
      %dma_wait3A_426 = tpu.memref_slice %arg3[%add3A_424, %dma_wait3A_425] : memref<16384x4096xf32, #tpu.memory_space<hbm>> -> memref<16x4096xf32, #tpu.memory_space<hbm>>
      %dma_wait3A_427 = arith.constant 0 : i32
      %dma_wait3A_428 = arith.constant 0 : i32
      %dma_wait3A_429 = tpu.memref_slice %arg4[%arg1, %dma_wait3A_427, %dma_wait3A_428] : memref<16x16x4096xf32, #tpu.memory_space<vmem_shared>> -> memref<1x16x4096xf32, #tpu.memory_space<vmem_shared>>
      %dma_wait3A_430 = tpu.memref_squeeze %dma_wait3A_429 : memref<1x16x4096xf32, #tpu.memory_space<vmem_shared>> -> memref<16x4096xf32, #tpu.memory_space<vmem_shared>>
      tpu.wait_dma2 semaphore(%arg8 : memref<!tpu.dma_semaphore, #tpu.memory_space<semaphore_mem>>) src(%dma_wait3A_430 : memref<16x4096xf32, #tpu.memory_space<vmem_shared>>) dst(%dma_wait3A_426 : memref<16x4096xf32, #tpu.memory_space<hbm>>)
      %add3A_431 = arith.constant 224 : i32
      %add3A_432 = arith.addi %mul3A_2, %add3A_431 : i32
      %dma_start3A_433 = arith.constant 0 : i32
      %dma_start3A_434 = arith.constant 0 : i32
      %dma_start3A_435 = tpu.memref_slice %arg4[%arg1, %dma_start3A_433, %dma_start3A_434] : memref<16x16x4096xf32, #tpu.memory_space<vmem_shared>> -> memref<1x16x4096xf32, #tpu.memory_space<vmem_shared>>
      %dma_start3A_436 = tpu.memref_squeeze %dma_start3A_435 : memref<1x16x4096xf32, #tpu.memory_space<vmem_shared>> -> memref<16x4096xf32, #tpu.memory_space<vmem_shared>>
      %dma_start3A_437 = arith.constant 0 : i32
      %dma_start3A_438 = tpu.memref_slice %arg2[%add3A_432, %dma_start3A_437] : memref<16384x4096xf32, #tpu.memory_space<hbm>> -> memref<16x4096xf32, #tpu.memory_space<hbm>>
      tpu.enqueue_dma source(%dma_start3A_438 : memref<16x4096xf32, #tpu.memory_space<hbm>>) target(%dma_start3A_436 : memref<16x4096xf32, #tpu.memory_space<vmem_shared>>) target_semaphore(%arg6 : memref<!tpu.dma_semaphore, #tpu.memory_space<semaphore_mem>>)
      %add3A_439 = arith.constant 208 : i32
      %add3A_440 = arith.addi %mul3A_2, %add3A_439 : i32
      %dma_wait3A_441 = arith.constant 0 : i32
      %dma_wait3A_442 = arith.constant 0 : i32
      %dma_wait3A_443 = tpu.memref_slice %arg5[%arg1, %dma_wait3A_441, %dma_wait3A_442] : memref<15x16x4096xf32, #tpu.memory_space<vmem_shared>> -> memref<1x16x4096xf32, #tpu.memory_space<vmem_shared>>
      %dma_wait3A_444 = tpu.memref_squeeze %dma_wait3A_443 : memref<1x16x4096xf32, #tpu.memory_space<vmem_shared>> -> memref<16x4096xf32, #tpu.memory_space<vmem_shared>>
      %dma_wait3A_445 = arith.constant 0 : i32
      %dma_wait3A_446 = tpu.memref_slice %arg2[%add3A_440, %dma_wait3A_445] : memref<16384x4096xf32, #tpu.memory_space<hbm>> -> memref<16x4096xf32, #tpu.memory_space<hbm>>
      tpu.wait_dma2 semaphore(%arg7 : memref<!tpu.dma_semaphore, #tpu.memory_space<semaphore_mem>>) src(%dma_wait3A_446 : memref<16x4096xf32, #tpu.memory_space<hbm>>) dst(%dma_wait3A_444 : memref<16x4096xf32, #tpu.memory_space<vmem_shared>>)
      %add3A_447 = arith.constant 208 : i32
      %add3A_448 = arith.addi %mul3A_2, %add3A_447 : i32
      %dma_start3A_449 = arith.constant 0 : i32
      %dma_start3A_450 = tpu.memref_slice %arg3[%add3A_448, %dma_start3A_449] : memref<16384x4096xf32, #tpu.memory_space<hbm>> -> memref<16x4096xf32, #tpu.memory_space<hbm>>
      %dma_start3A_451 = arith.constant 0 : i32
      %dma_start3A_452 = arith.constant 0 : i32
      %dma_start3A_453 = tpu.memref_slice %arg5[%arg1, %dma_start3A_451, %dma_start3A_452] : memref<15x16x4096xf32, #tpu.memory_space<vmem_shared>> -> memref<1x16x4096xf32, #tpu.memory_space<vmem_shared>>
      %dma_start3A_454 = tpu.memref_squeeze %dma_start3A_453 : memref<1x16x4096xf32, #tpu.memory_space<vmem_shared>> -> memref<16x4096xf32, #tpu.memory_space<vmem_shared>>
      tpu.enqueue_dma source(%dma_start3A_454 : memref<16x4096xf32, #tpu.memory_space<vmem_shared>>) target(%dma_start3A_450 : memref<16x4096xf32, #tpu.memory_space<hbm>>) target_semaphore(%arg9 : memref<!tpu.dma_semaphore, #tpu.memory_space<semaphore_mem>>)
      %add3A_455 = arith.constant 208 : i32
      %add3A_456 = arith.addi %mul3A_2, %add3A_455 : i32
      %dma_wait3A_457 = arith.constant 0 : i32
      %dma_wait3A_458 = tpu.memref_slice %arg3[%add3A_456, %dma_wait3A_457] : memref<16384x4096xf32, #tpu.memory_space<hbm>> -> memref<16x4096xf32, #tpu.memory_space<hbm>>
      %dma_wait3A_459 = arith.constant 0 : i32
      %dma_wait3A_460 = arith.constant 0 : i32
      %dma_wait3A_461 = tpu.memref_slice %arg5[%arg1, %dma_wait3A_459, %dma_wait3A_460] : memref<15x16x4096xf32, #tpu.memory_space<vmem_shared>> -> memref<1x16x4096xf32, #tpu.memory_space<vmem_shared>>
      %dma_wait3A_462 = tpu.memref_squeeze %dma_wait3A_461 : memref<1x16x4096xf32, #tpu.memory_space<vmem_shared>> -> memref<16x4096xf32, #tpu.memory_space<vmem_shared>>
      tpu.wait_dma2 semaphore(%arg9 : memref<!tpu.dma_semaphore, #tpu.memory_space<semaphore_mem>>) src(%dma_wait3A_462 : memref<16x4096xf32, #tpu.memory_space<vmem_shared>>) dst(%dma_wait3A_458 : memref<16x4096xf32, #tpu.memory_space<hbm>>)
      %add3A_463 = arith.constant 240 : i32
      %add3A_464 = arith.addi %mul3A_2, %add3A_463 : i32
      %dma_start3A_465 = arith.constant 0 : i32
      %dma_start3A_466 = arith.constant 0 : i32
      %dma_start3A_467 = tpu.memref_slice %arg5[%arg1, %dma_start3A_465, %dma_start3A_466] : memref<15x16x4096xf32, #tpu.memory_space<vmem_shared>> -> memref<1x16x4096xf32, #tpu.memory_space<vmem_shared>>
      %dma_start3A_468 = tpu.memref_squeeze %dma_start3A_467 : memref<1x16x4096xf32, #tpu.memory_space<vmem_shared>> -> memref<16x4096xf32, #tpu.memory_space<vmem_shared>>
      %dma_start3A_469 = arith.constant 0 : i32
      %dma_start3A_470 = tpu.memref_slice %arg2[%add3A_464, %dma_start3A_469] : memref<16384x4096xf32, #tpu.memory_space<hbm>> -> memref<16x4096xf32, #tpu.memory_space<hbm>>
      tpu.enqueue_dma source(%dma_start3A_470 : memref<16x4096xf32, #tpu.memory_space<hbm>>) target(%dma_start3A_468 : memref<16x4096xf32, #tpu.memory_space<vmem_shared>>) target_semaphore(%arg7 : memref<!tpu.dma_semaphore, #tpu.memory_space<semaphore_mem>>)
      %add3A_471 = arith.constant 224 : i32
      %add3A_472 = arith.addi %mul3A_2, %add3A_471 : i32
      %dma_wait3A_473 = arith.constant 0 : i32
      %dma_wait3A_474 = arith.constant 0 : i32
      %dma_wait3A_475 = tpu.memref_slice %arg4[%arg1, %dma_wait3A_473, %dma_wait3A_474] : memref<16x16x4096xf32, #tpu.memory_space<vmem_shared>> -> memref<1x16x4096xf32, #tpu.memory_space<vmem_shared>>
      %dma_wait3A_476 = tpu.memref_squeeze %dma_wait3A_475 : memref<1x16x4096xf32, #tpu.memory_space<vmem_shared>> -> memref<16x4096xf32, #tpu.memory_space<vmem_shared>>
      %dma_wait3A_477 = arith.constant 0 : i32
      %dma_wait3A_478 = tpu.memref_slice %arg2[%add3A_472, %dma_wait3A_477] : memref<16384x4096xf32, #tpu.memory_space<hbm>> -> memref<16x4096xf32, #tpu.memory_space<hbm>>
      tpu.wait_dma2 semaphore(%arg6 : memref<!tpu.dma_semaphore, #tpu.memory_space<semaphore_mem>>) src(%dma_wait3A_478 : memref<16x4096xf32, #tpu.memory_space<hbm>>) dst(%dma_wait3A_476 : memref<16x4096xf32, #tpu.memory_space<vmem_shared>>)
      %add3A_479 = arith.constant 224 : i32
      %add3A_480 = arith.addi %mul3A_2, %add3A_479 : i32
      %dma_start3A_481 = arith.constant 0 : i32
      %dma_start3A_482 = tpu.memref_slice %arg3[%add3A_480, %dma_start3A_481] : memref<16384x4096xf32, #tpu.memory_space<hbm>> -> memref<16x4096xf32, #tpu.memory_space<hbm>>
      %dma_start3A_483 = arith.constant 0 : i32
      %dma_start3A_484 = arith.constant 0 : i32
      %dma_start3A_485 = tpu.memref_slice %arg4[%arg1, %dma_start3A_483, %dma_start3A_484] : memref<16x16x4096xf32, #tpu.memory_space<vmem_shared>> -> memref<1x16x4096xf32, #tpu.memory_space<vmem_shared>>
      %dma_start3A_486 = tpu.memref_squeeze %dma_start3A_485 : memref<1x16x4096xf32, #tpu.memory_space<vmem_shared>> -> memref<16x4096xf32, #tpu.memory_space<vmem_shared>>
      tpu.enqueue_dma source(%dma_start3A_486 : memref<16x4096xf32, #tpu.memory_space<vmem_shared>>) target(%dma_start3A_482 : memref<16x4096xf32, #tpu.memory_space<hbm>>) target_semaphore(%arg8 : memref<!tpu.dma_semaphore, #tpu.memory_space<semaphore_mem>>)
      %add3A_487 = arith.constant 224 : i32
      %add3A_488 = arith.addi %mul3A_2, %add3A_487 : i32
      %dma_wait3A_489 = arith.constant 0 : i32
      %dma_wait3A_490 = tpu.memref_slice %arg3[%add3A_488, %dma_wait3A_489] : memref<16384x4096xf32, #tpu.memory_space<hbm>> -> memref<16x4096xf32, #tpu.memory_space<hbm>>
      %dma_wait3A_491 = arith.constant 0 : i32
      %dma_wait3A_492 = arith.constant 0 : i32
      %dma_wait3A_493 = tpu.memref_slice %arg4[%arg1, %dma_wait3A_491, %dma_wait3A_492] : memref<16x16x4096xf32, #tpu.memory_space<vmem_shared>> -> memref<1x16x4096xf32, #tpu.memory_space<vmem_shared>>
      %dma_wait3A_494 = tpu.memref_squeeze %dma_wait3A_493 : memref<1x16x4096xf32, #tpu.memory_space<vmem_shared>> -> memref<16x4096xf32, #tpu.memory_space<vmem_shared>>
      tpu.wait_dma2 semaphore(%arg8 : memref<!tpu.dma_semaphore, #tpu.memory_space<semaphore_mem>>) src(%dma_wait3A_494 : memref<16x4096xf32, #tpu.memory_space<vmem_shared>>) dst(%dma_wait3A_490 : memref<16x4096xf32, #tpu.memory_space<hbm>>)
      %add3A_495 = arith.constant 256 : i32
      %add3A_496 = arith.addi %mul3A_2, %add3A_495 : i32
      %dma_start3A_497 = arith.constant 0 : i32
      %dma_start3A_498 = arith.constant 0 : i32
      %dma_start3A_499 = tpu.memref_slice %arg4[%arg1, %dma_start3A_497, %dma_start3A_498] : memref<16x16x4096xf32, #tpu.memory_space<vmem_shared>> -> memref<1x16x4096xf32, #tpu.memory_space<vmem_shared>>
      %dma_start3A_500 = tpu.memref_squeeze %dma_start3A_499 : memref<1x16x4096xf32, #tpu.memory_space<vmem_shared>> -> memref<16x4096xf32, #tpu.memory_space<vmem_shared>>
      %dma_start3A_501 = arith.constant 0 : i32
      %dma_start3A_502 = tpu.memref_slice %arg2[%add3A_496, %dma_start3A_501] : memref<16384x4096xf32, #tpu.memory_space<hbm>> -> memref<16x4096xf32, #tpu.memory_space<hbm>>
      tpu.enqueue_dma source(%dma_start3A_502 : memref<16x4096xf32, #tpu.memory_space<hbm>>) target(%dma_start3A_500 : memref<16x4096xf32, #tpu.memory_space<vmem_shared>>) target_semaphore(%arg6 : memref<!tpu.dma_semaphore, #tpu.memory_space<semaphore_mem>>)
      %add3A_503 = arith.constant 240 : i32
      %add3A_504 = arith.addi %mul3A_2, %add3A_503 : i32
      %dma_wait3A_505 = arith.constant 0 : i32
      %dma_wait3A_506 = arith.constant 0 : i32
      %dma_wait3A_507 = tpu.memref_slice %arg5[%arg1, %dma_wait3A_505, %dma_wait3A_506] : memref<15x16x4096xf32, #tpu.memory_space<vmem_shared>> -> memref<1x16x4096xf32, #tpu.memory_space<vmem_shared>>
      %dma_wait3A_508 = tpu.memref_squeeze %dma_wait3A_507 : memref<1x16x4096xf32, #tpu.memory_space<vmem_shared>> -> memref<16x4096xf32, #tpu.memory_space<vmem_shared>>
      %dma_wait3A_509 = arith.constant 0 : i32
      %dma_wait3A_510 = tpu.memref_slice %arg2[%add3A_504, %dma_wait3A_509] : memref<16384x4096xf32, #tpu.memory_space<hbm>> -> memref<16x4096xf32, #tpu.memory_space<hbm>>
      tpu.wait_dma2 semaphore(%arg7 : memref<!tpu.dma_semaphore, #tpu.memory_space<semaphore_mem>>) src(%dma_wait3A_510 : memref<16x4096xf32, #tpu.memory_space<hbm>>) dst(%dma_wait3A_508 : memref<16x4096xf32, #tpu.memory_space<vmem_shared>>)
      %add3A_511 = arith.constant 240 : i32
      %add3A_512 = arith.addi %mul3A_2, %add3A_511 : i32
      %dma_start3A_513 = arith.constant 0 : i32
      %dma_start3A_514 = tpu.memref_slice %arg3[%add3A_512, %dma_start3A_513] : memref<16384x4096xf32, #tpu.memory_space<hbm>> -> memref<16x4096xf32, #tpu.memory_space<hbm>>
      %dma_start3A_515 = arith.constant 0 : i32
      %dma_start3A_516 = arith.constant 0 : i32
      %dma_start3A_517 = tpu.memref_slice %arg5[%arg1, %dma_start3A_515, %dma_start3A_516] : memref<15x16x4096xf32, #tpu.memory_space<vmem_shared>> -> memref<1x16x4096xf32, #tpu.memory_space<vmem_shared>>
      %dma_start3A_518 = tpu.memref_squeeze %dma_start3A_517 : memref<1x16x4096xf32, #tpu.memory_space<vmem_shared>> -> memref<16x4096xf32, #tpu.memory_space<vmem_shared>>
      tpu.enqueue_dma source(%dma_start3A_518 : memref<16x4096xf32, #tpu.memory_space<vmem_shared>>) target(%dma_start3A_514 : memref<16x4096xf32, #tpu.memory_space<hbm>>) target_semaphore(%arg9 : memref<!tpu.dma_semaphore, #tpu.memory_space<semaphore_mem>>)
      %add3A_519 = arith.constant 240 : i32
      %add3A_520 = arith.addi %mul3A_2, %add3A_519 : i32
      %dma_wait3A_521 = arith.constant 0 : i32
      %dma_wait3A_522 = tpu.memref_slice %arg3[%add3A_520, %dma_wait3A_521] : memref<16384x4096xf32, #tpu.memory_space<hbm>> -> memref<16x4096xf32, #tpu.memory_space<hbm>>
      %dma_wait3A_523 = arith.constant 0 : i32
      %dma_wait3A_524 = arith.constant 0 : i32
      %dma_wait3A_525 = tpu.memref_slice %arg5[%arg1, %dma_wait3A_523, %dma_wait3A_524] : memref<15x16x4096xf32, #tpu.memory_space<vmem_shared>> -> memref<1x16x4096xf32, #tpu.memory_space<vmem_shared>>
      %dma_wait3A_526 = tpu.memref_squeeze %dma_wait3A_525 : memref<1x16x4096xf32, #tpu.memory_space<vmem_shared>> -> memref<16x4096xf32, #tpu.memory_space<vmem_shared>>
      tpu.wait_dma2 semaphore(%arg9 : memref<!tpu.dma_semaphore, #tpu.memory_space<semaphore_mem>>) src(%dma_wait3A_526 : memref<16x4096xf32, #tpu.memory_space<vmem_shared>>) dst(%dma_wait3A_522 : memref<16x4096xf32, #tpu.memory_space<hbm>>)
      %add3A_527 = arith.constant 272 : i32
      %add3A_528 = arith.addi %mul3A_2, %add3A_527 : i32
      %dma_start3A_529 = arith.constant 0 : i32
      %dma_start3A_530 = arith.constant 0 : i32
      %dma_start3A_531 = tpu.memref_slice %arg5[%arg1, %dma_start3A_529, %dma_start3A_530] : memref<15x16x4096xf32, #tpu.memory_space<vmem_shared>> -> memref<1x16x4096xf32, #tpu.memory_space<vmem_shared>>
      %dma_start3A_532 = tpu.memref_squeeze %dma_start3A_531 : memref<1x16x4096xf32, #tpu.memory_space<vmem_shared>> -> memref<16x4096xf32, #tpu.memory_space<vmem_shared>>
      %dma_start3A_533 = arith.constant 0 : i32
      %dma_start3A_534 = tpu.memref_slice %arg2[%add3A_528, %dma_start3A_533] : memref<16384x4096xf32, #tpu.memory_space<hbm>> -> memref<16x4096xf32, #tpu.memory_space<hbm>>
      tpu.enqueue_dma source(%dma_start3A_534 : memref<16x4096xf32, #tpu.memory_space<hbm>>) target(%dma_start3A_532 : memref<16x4096xf32, #tpu.memory_space<vmem_shared>>) target_semaphore(%arg7 : memref<!tpu.dma_semaphore, #tpu.memory_space<semaphore_mem>>)
      %add3A_535 = arith.constant 256 : i32
      %add3A_536 = arith.addi %mul3A_2, %add3A_535 : i32
      %dma_wait3A_537 = arith.constant 0 : i32
      %dma_wait3A_538 = arith.constant 0 : i32
      %dma_wait3A_539 = tpu.memref_slice %arg4[%arg1, %dma_wait3A_537, %dma_wait3A_538] : memref<16x16x4096xf32, #tpu.memory_space<vmem_shared>> -> memref<1x16x4096xf32, #tpu.memory_space<vmem_shared>>
      %dma_wait3A_540 = tpu.memref_squeeze %dma_wait3A_539 : memref<1x16x4096xf32, #tpu.memory_space<vmem_shared>> -> memref<16x4096xf32, #tpu.memory_space<vmem_shared>>
      %dma_wait3A_541 = arith.constant 0 : i32
      %dma_wait3A_542 = tpu.memref_slice %arg2[%add3A_536, %dma_wait3A_541] : memref<16384x4096xf32, #tpu.memory_space<hbm>> -> memref<16x4096xf32, #tpu.memory_space<hbm>>
      tpu.wait_dma2 semaphore(%arg6 : memref<!tpu.dma_semaphore, #tpu.memory_space<semaphore_mem>>) src(%dma_wait3A_542 : memref<16x4096xf32, #tpu.memory_space<hbm>>) dst(%dma_wait3A_540 : memref<16x4096xf32, #tpu.memory_space<vmem_shared>>)
      %add3A_543 = arith.constant 256 : i32
      %add3A_544 = arith.addi %mul3A_2, %add3A_543 : i32
      %dma_start3A_545 = arith.constant 0 : i32
      %dma_start3A_546 = tpu.memref_slice %arg3[%add3A_544, %dma_start3A_545] : memref<16384x4096xf32, #tpu.memory_space<hbm>> -> memref<16x4096xf32, #tpu.memory_space<hbm>>
      %dma_start3A_547 = arith.constant 0 : i32
      %dma_start3A_548 = arith.constant 0 : i32
      %dma_start3A_549 = tpu.memref_slice %arg4[%arg1, %dma_start3A_547, %dma_start3A_548] : memref<16x16x4096xf32, #tpu.memory_space<vmem_shared>> -> memref<1x16x4096xf32, #tpu.memory_space<vmem_shared>>
      %dma_start3A_550 = tpu.memref_squeeze %dma_start3A_549 : memref<1x16x4096xf32, #tpu.memory_space<vmem_shared>> -> memref<16x4096xf32, #tpu.memory_space<vmem_shared>>
      tpu.enqueue_dma source(%dma_start3A_550 : memref<16x4096xf32, #tpu.memory_space<vmem_shared>>) target(%dma_start3A_546 : memref<16x4096xf32, #tpu.memory_space<hbm>>) target_semaphore(%arg8 : memref<!tpu.dma_semaphore, #tpu.memory_space<semaphore_mem>>)
      %add3A_551 = arith.constant 256 : i32
      %add3A_552 = arith.addi %mul3A_2, %add3A_551 : i32
      %dma_wait3A_553 = arith.constant 0 : i32
      %dma_wait3A_554 = tpu.memref_slice %arg3[%add3A_552, %dma_wait3A_553] : memref<16384x4096xf32, #tpu.memory_space<hbm>> -> memref<16x4096xf32, #tpu.memory_space<hbm>>
      %dma_wait3A_555 = arith.constant 0 : i32
      %dma_wait3A_556 = arith.constant 0 : i32
      %dma_wait3A_557 = tpu.memref_slice %arg4[%arg1, %dma_wait3A_555, %dma_wait3A_556] : memref<16x16x4096xf32, #tpu.memory_space<vmem_shared>> -> memref<1x16x4096xf32, #tpu.memory_space<vmem_shared>>
      %dma_wait3A_558 = tpu.memref_squeeze %dma_wait3A_557 : memref<1x16x4096xf32, #tpu.memory_space<vmem_shared>> -> memref<16x4096xf32, #tpu.memory_space<vmem_shared>>
      tpu.wait_dma2 semaphore(%arg8 : memref<!tpu.dma_semaphore, #tpu.memory_space<semaphore_mem>>) src(%dma_wait3A_558 : memref<16x4096xf32, #tpu.memory_space<vmem_shared>>) dst(%dma_wait3A_554 : memref<16x4096xf32, #tpu.memory_space<hbm>>)
      %add3A_559 = arith.constant 288 : i32
      %add3A_560 = arith.addi %mul3A_2, %add3A_559 : i32
      %dma_start3A_561 = arith.constant 0 : i32
      %dma_start3A_562 = arith.constant 0 : i32
      %dma_start3A_563 = tpu.memref_slice %arg4[%arg1, %dma_start3A_561, %dma_start3A_562] : memref<16x16x4096xf32, #tpu.memory_space<vmem_shared>> -> memref<1x16x4096xf32, #tpu.memory_space<vmem_shared>>
      %dma_start3A_564 = tpu.memref_squeeze %dma_start3A_563 : memref<1x16x4096xf32, #tpu.memory_space<vmem_shared>> -> memref<16x4096xf32, #tpu.memory_space<vmem_shared>>
      %dma_start3A_565 = arith.constant 0 : i32
      %dma_start3A_566 = tpu.memref_slice %arg2[%add3A_560, %dma_start3A_565] : memref<16384x4096xf32, #tpu.memory_space<hbm>> -> memref<16x4096xf32, #tpu.memory_space<hbm>>
      tpu.enqueue_dma source(%dma_start3A_566 : memref<16x4096xf32, #tpu.memory_space<hbm>>) target(%dma_start3A_564 : memref<16x4096xf32, #tpu.memory_space<vmem_shared>>) target_semaphore(%arg6 : memref<!tpu.dma_semaphore, #tpu.memory_space<semaphore_mem>>)
      %add3A_567 = arith.constant 272 : i32
      %add3A_568 = arith.addi %mul3A_2, %add3A_567 : i32
      %dma_wait3A_569 = arith.constant 0 : i32
      %dma_wait3A_570 = arith.constant 0 : i32
      %dma_wait3A_571 = tpu.memref_slice %arg5[%arg1, %dma_wait3A_569, %dma_wait3A_570] : memref<15x16x4096xf32, #tpu.memory_space<vmem_shared>> -> memref<1x16x4096xf32, #tpu.memory_space<vmem_shared>>
      %dma_wait3A_572 = tpu.memref_squeeze %dma_wait3A_571 : memref<1x16x4096xf32, #tpu.memory_space<vmem_shared>> -> memref<16x4096xf32, #tpu.memory_space<vmem_shared>>
      %dma_wait3A_573 = arith.constant 0 : i32
      %dma_wait3A_574 = tpu.memref_slice %arg2[%add3A_568, %dma_wait3A_573] : memref<16384x4096xf32, #tpu.memory_space<hbm>> -> memref<16x4096xf32, #tpu.memory_space<hbm>>
      tpu.wait_dma2 semaphore(%arg7 : memref<!tpu.dma_semaphore, #tpu.memory_space<semaphore_mem>>) src(%dma_wait3A_574 : memref<16x4096xf32, #tpu.memory_space<hbm>>) dst(%dma_wait3A_572 : memref<16x4096xf32, #tpu.memory_space<vmem_shared>>)
      %add3A_575 = arith.constant 272 : i32
      %add3A_576 = arith.addi %mul3A_2, %add3A_575 : i32
      %dma_start3A_577 = arith.constant 0 : i32
      %dma_start3A_578 = tpu.memref_slice %arg3[%add3A_576, %dma_start3A_577] : memref<16384x4096xf32, #tpu.memory_space<hbm>> -> memref<16x4096xf32, #tpu.memory_space<hbm>>
      %dma_start3A_579 = arith.constant 0 : i32
      %dma_start3A_580 = arith.constant 0 : i32
      %dma_start3A_581 = tpu.memref_slice %arg5[%arg1, %dma_start3A_579, %dma_start3A_580] : memref<15x16x4096xf32, #tpu.memory_space<vmem_shared>> -> memref<1x16x4096xf32, #tpu.memory_space<vmem_shared>>
      %dma_start3A_582 = tpu.memref_squeeze %dma_start3A_581 : memref<1x16x4096xf32, #tpu.memory_space<vmem_shared>> -> memref<16x4096xf32, #tpu.memory_space<vmem_shared>>
      tpu.enqueue_dma source(%dma_start3A_582 : memref<16x4096xf32, #tpu.memory_space<vmem_shared>>) target(%dma_start3A_578 : memref<16x4096xf32, #tpu.memory_space<hbm>>) target_semaphore(%arg9 : memref<!tpu.dma_semaphore, #tpu.memory_space<semaphore_mem>>)
      %add3A_583 = arith.constant 272 : i32
      %add3A_584 = arith.addi %mul3A_2, %add3A_583 : i32
      %dma_wait3A_585 = arith.constant 0 : i32
      %dma_wait3A_586 = tpu.memref_slice %arg3[%add3A_584, %dma_wait3A_585] : memref<16384x4096xf32, #tpu.memory_space<hbm>> -> memref<16x4096xf32, #tpu.memory_space<hbm>>
      %dma_wait3A_587 = arith.constant 0 : i32
      %dma_wait3A_588 = arith.constant 0 : i32
      %dma_wait3A_589 = tpu.memref_slice %arg5[%arg1, %dma_wait3A_587, %dma_wait3A_588] : memref<15x16x4096xf32, #tpu.memory_space<vmem_shared>> -> memref<1x16x4096xf32, #tpu.memory_space<vmem_shared>>
      %dma_wait3A_590 = tpu.memref_squeeze %dma_wait3A_589 : memref<1x16x4096xf32, #tpu.memory_space<vmem_shared>> -> memref<16x4096xf32, #tpu.memory_space<vmem_shared>>
      tpu.wait_dma2 semaphore(%arg9 : memref<!tpu.dma_semaphore, #tpu.memory_space<semaphore_mem>>) src(%dma_wait3A_590 : memref<16x4096xf32, #tpu.memory_space<vmem_shared>>) dst(%dma_wait3A_586 : memref<16x4096xf32, #tpu.memory_space<hbm>>)
      %add3A_591 = arith.constant 304 : i32
      %add3A_592 = arith.addi %mul3A_2, %add3A_591 : i32
      %dma_start3A_593 = arith.constant 0 : i32
      %dma_start3A_594 = arith.constant 0 : i32
      %dma_start3A_595 = tpu.memref_slice %arg5[%arg1, %dma_start3A_593, %dma_start3A_594] : memref<15x16x4096xf32, #tpu.memory_space<vmem_shared>> -> memref<1x16x4096xf32, #tpu.memory_space<vmem_shared>>
      %dma_start3A_596 = tpu.memref_squeeze %dma_start3A_595 : memref<1x16x4096xf32, #tpu.memory_space<vmem_shared>> -> memref<16x4096xf32, #tpu.memory_space<vmem_shared>>
      %dma_start3A_597 = arith.constant 0 : i32
      %dma_start3A_598 = tpu.memref_slice %arg2[%add3A_592, %dma_start3A_597] : memref<16384x4096xf32, #tpu.memory_space<hbm>> -> memref<16x4096xf32, #tpu.memory_space<hbm>>
      tpu.enqueue_dma source(%dma_start3A_598 : memref<16x4096xf32, #tpu.memory_space<hbm>>) target(%dma_start3A_596 : memref<16x4096xf32, #tpu.memory_space<vmem_shared>>) target_semaphore(%arg7 : memref<!tpu.dma_semaphore, #tpu.memory_space<semaphore_mem>>)
      %add3A_599 = arith.constant 288 : i32
      %add3A_600 = arith.addi %mul3A_2, %add3A_599 : i32
      %dma_wait3A_601 = arith.constant 0 : i32
      %dma_wait3A_602 = arith.constant 0 : i32
      %dma_wait3A_603 = tpu.memref_slice %arg4[%arg1, %dma_wait3A_601, %dma_wait3A_602] : memref<16x16x4096xf32, #tpu.memory_space<vmem_shared>> -> memref<1x16x4096xf32, #tpu.memory_space<vmem_shared>>
      %dma_wait3A_604 = tpu.memref_squeeze %dma_wait3A_603 : memref<1x16x4096xf32, #tpu.memory_space<vmem_shared>> -> memref<16x4096xf32, #tpu.memory_space<vmem_shared>>
      %dma_wait3A_605 = arith.constant 0 : i32
      %dma_wait3A_606 = tpu.memref_slice %arg2[%add3A_600, %dma_wait3A_605] : memref<16384x4096xf32, #tpu.memory_space<hbm>> -> memref<16x4096xf32, #tpu.memory_space<hbm>>
      tpu.wait_dma2 semaphore(%arg6 : memref<!tpu.dma_semaphore, #tpu.memory_space<semaphore_mem>>) src(%dma_wait3A_606 : memref<16x4096xf32, #tpu.memory_space<hbm>>) dst(%dma_wait3A_604 : memref<16x4096xf32, #tpu.memory_space<vmem_shared>>)
      %add3A_607 = arith.constant 288 : i32
      %add3A_608 = arith.addi %mul3A_2, %add3A_607 : i32
      %dma_start3A_609 = arith.constant 0 : i32
      %dma_start3A_610 = tpu.memref_slice %arg3[%add3A_608, %dma_start3A_609] : memref<16384x4096xf32, #tpu.memory_space<hbm>> -> memref<16x4096xf32, #tpu.memory_space<hbm>>
      %dma_start3A_611 = arith.constant 0 : i32
      %dma_start3A_612 = arith.constant 0 : i32
      %dma_start3A_613 = tpu.memref_slice %arg4[%arg1, %dma_start3A_611, %dma_start3A_612] : memref<16x16x4096xf32, #tpu.memory_space<vmem_shared>> -> memref<1x16x4096xf32, #tpu.memory_space<vmem_shared>>
      %dma_start3A_614 = tpu.memref_squeeze %dma_start3A_613 : memref<1x16x4096xf32, #tpu.memory_space<vmem_shared>> -> memref<16x4096xf32, #tpu.memory_space<vmem_shared>>
      tpu.enqueue_dma source(%dma_start3A_614 : memref<16x4096xf32, #tpu.memory_space<vmem_shared>>) target(%dma_start3A_610 : memref<16x4096xf32, #tpu.memory_space<hbm>>) target_semaphore(%arg8 : memref<!tpu.dma_semaphore, #tpu.memory_space<semaphore_mem>>)
      %add3A_615 = arith.constant 288 : i32
      %add3A_616 = arith.addi %mul3A_2, %add3A_615 : i32
      %dma_wait3A_617 = arith.constant 0 : i32
      %dma_wait3A_618 = tpu.memref_slice %arg3[%add3A_616, %dma_wait3A_617] : memref<16384x4096xf32, #tpu.memory_space<hbm>> -> memref<16x4096xf32, #tpu.memory_space<hbm>>
      %dma_wait3A_619 = arith.constant 0 : i32
      %dma_wait3A_620 = arith.constant 0 : i32
      %dma_wait3A_621 = tpu.memref_slice %arg4[%arg1, %dma_wait3A_619, %dma_wait3A_620] : memref<16x16x4096xf32, #tpu.memory_space<vmem_shared>> -> memref<1x16x4096xf32, #tpu.memory_space<vmem_shared>>
      %dma_wait3A_622 = tpu.memref_squeeze %dma_wait3A_621 : memref<1x16x4096xf32, #tpu.memory_space<vmem_shared>> -> memref<16x4096xf32, #tpu.memory_space<vmem_shared>>
      tpu.wait_dma2 semaphore(%arg8 : memref<!tpu.dma_semaphore, #tpu.memory_space<semaphore_mem>>) src(%dma_wait3A_622 : memref<16x4096xf32, #tpu.memory_space<vmem_shared>>) dst(%dma_wait3A_618 : memref<16x4096xf32, #tpu.memory_space<hbm>>)
      %add3A_623 = arith.constant 320 : i32
      %add3A_624 = arith.addi %mul3A_2, %add3A_623 : i32
      %dma_start3A_625 = arith.constant 0 : i32
      %dma_start3A_626 = arith.constant 0 : i32
      %dma_start3A_627 = tpu.memref_slice %arg4[%arg1, %dma_start3A_625, %dma_start3A_626] : memref<16x16x4096xf32, #tpu.memory_space<vmem_shared>> -> memref<1x16x4096xf32, #tpu.memory_space<vmem_shared>>
      %dma_start3A_628 = tpu.memref_squeeze %dma_start3A_627 : memref<1x16x4096xf32, #tpu.memory_space<vmem_shared>> -> memref<16x4096xf32, #tpu.memory_space<vmem_shared>>
      %dma_start3A_629 = arith.constant 0 : i32
      %dma_start3A_630 = tpu.memref_slice %arg2[%add3A_624, %dma_start3A_629] : memref<16384x4096xf32, #tpu.memory_space<hbm>> -> memref<16x4096xf32, #tpu.memory_space<hbm>>
      tpu.enqueue_dma source(%dma_start3A_630 : memref<16x4096xf32, #tpu.memory_space<hbm>>) target(%dma_start3A_628 : memref<16x4096xf32, #tpu.memory_space<vmem_shared>>) target_semaphore(%arg6 : memref<!tpu.dma_semaphore, #tpu.memory_space<semaphore_mem>>)
      %add3A_631 = arith.constant 304 : i32
      %add3A_632 = arith.addi %mul3A_2, %add3A_631 : i32
      %dma_wait3A_633 = arith.constant 0 : i32
      %dma_wait3A_634 = arith.constant 0 : i32
      %dma_wait3A_635 = tpu.memref_slice %arg5[%arg1, %dma_wait3A_633, %dma_wait3A_634] : memref<15x16x4096xf32, #tpu.memory_space<vmem_shared>> -> memref<1x16x4096xf32, #tpu.memory_space<vmem_shared>>
      %dma_wait3A_636 = tpu.memref_squeeze %dma_wait3A_635 : memref<1x16x4096xf32, #tpu.memory_space<vmem_shared>> -> memref<16x4096xf32, #tpu.memory_space<vmem_shared>>
      %dma_wait3A_637 = arith.constant 0 : i32
      %dma_wait3A_638 = tpu.memref_slice %arg2[%add3A_632, %dma_wait3A_637] : memref<16384x4096xf32, #tpu.memory_space<hbm>> -> memref<16x4096xf32, #tpu.memory_space<hbm>>
      tpu.wait_dma2 semaphore(%arg7 : memref<!tpu.dma_semaphore, #tpu.memory_space<semaphore_mem>>) src(%dma_wait3A_638 : memref<16x4096xf32, #tpu.memory_space<hbm>>) dst(%dma_wait3A_636 : memref<16x4096xf32, #tpu.memory_space<vmem_shared>>)
      %add3A_639 = arith.constant 304 : i32
      %add3A_640 = arith.addi %mul3A_2, %add3A_639 : i32
      %dma_start3A_641 = arith.constant 0 : i32
      %dma_start3A_642 = tpu.memref_slice %arg3[%add3A_640, %dma_start3A_641] : memref<16384x4096xf32, #tpu.memory_space<hbm>> -> memref<16x4096xf32, #tpu.memory_space<hbm>>
      %dma_start3A_643 = arith.constant 0 : i32
      %dma_start3A_644 = arith.constant 0 : i32
      %dma_start3A_645 = tpu.memref_slice %arg5[%arg1, %dma_start3A_643, %dma_start3A_644] : memref<15x16x4096xf32, #tpu.memory_space<vmem_shared>> -> memref<1x16x4096xf32, #tpu.memory_space<vmem_shared>>
      %dma_start3A_646 = tpu.memref_squeeze %dma_start3A_645 : memref<1x16x4096xf32, #tpu.memory_space<vmem_shared>> -> memref<16x4096xf32, #tpu.memory_space<vmem_shared>>
      tpu.enqueue_dma source(%dma_start3A_646 : memref<16x4096xf32, #tpu.memory_space<vmem_shared>>) target(%dma_start3A_642 : memref<16x4096xf32, #tpu.memory_space<hbm>>) target_semaphore(%arg9 : memref<!tpu.dma_semaphore, #tpu.memory_space<semaphore_mem>>)
      %add3A_647 = arith.constant 304 : i32
      %add3A_648 = arith.addi %mul3A_2, %add3A_647 : i32
      %dma_wait3A_649 = arith.constant 0 : i32
      %dma_wait3A_650 = tpu.memref_slice %arg3[%add3A_648, %dma_wait3A_649] : memref<16384x4096xf32, #tpu.memory_space<hbm>> -> memref<16x4096xf32, #tpu.memory_space<hbm>>
      %dma_wait3A_651 = arith.constant 0 : i32
      %dma_wait3A_652 = arith.constant 0 : i32
      %dma_wait3A_653 = tpu.memref_slice %arg5[%arg1, %dma_wait3A_651, %dma_wait3A_652] : memref<15x16x4096xf32, #tpu.memory_space<vmem_shared>> -> memref<1x16x4096xf32, #tpu.memory_space<vmem_shared>>
      %dma_wait3A_654 = tpu.memref_squeeze %dma_wait3A_653 : memref<1x16x4096xf32, #tpu.memory_space<vmem_shared>> -> memref<16x4096xf32, #tpu.memory_space<vmem_shared>>
      tpu.wait_dma2 semaphore(%arg9 : memref<!tpu.dma_semaphore, #tpu.memory_space<semaphore_mem>>) src(%dma_wait3A_654 : memref<16x4096xf32, #tpu.memory_space<vmem_shared>>) dst(%dma_wait3A_650 : memref<16x4096xf32, #tpu.memory_space<hbm>>)
      %add3A_655 = arith.constant 336 : i32
      %add3A_656 = arith.addi %mul3A_2, %add3A_655 : i32
      %dma_start3A_657 = arith.constant 0 : i32
      %dma_start3A_658 = arith.constant 0 : i32
      %dma_start3A_659 = tpu.memref_slice %arg5[%arg1, %dma_start3A_657, %dma_start3A_658] : memref<15x16x4096xf32, #tpu.memory_space<vmem_shared>> -> memref<1x16x4096xf32, #tpu.memory_space<vmem_shared>>
      %dma_start3A_660 = tpu.memref_squeeze %dma_start3A_659 : memref<1x16x4096xf32, #tpu.memory_space<vmem_shared>> -> memref<16x4096xf32, #tpu.memory_space<vmem_shared>>
      %dma_start3A_661 = arith.constant 0 : i32
      %dma_start3A_662 = tpu.memref_slice %arg2[%add3A_656, %dma_start3A_661] : memref<16384x4096xf32, #tpu.memory_space<hbm>> -> memref<16x4096xf32, #tpu.memory_space<hbm>>
      tpu.enqueue_dma source(%dma_start3A_662 : memref<16x4096xf32, #tpu.memory_space<hbm>>) target(%dma_start3A_660 : memref<16x4096xf32, #tpu.memory_space<vmem_shared>>) target_semaphore(%arg7 : memref<!tpu.dma_semaphore, #tpu.memory_space<semaphore_mem>>)
      %add3A_663 = arith.constant 320 : i32
      %add3A_664 = arith.addi %mul3A_2, %add3A_663 : i32
      %dma_wait3A_665 = arith.constant 0 : i32
      %dma_wait3A_666 = arith.constant 0 : i32
      %dma_wait3A_667 = tpu.memref_slice %arg4[%arg1, %dma_wait3A_665, %dma_wait3A_666] : memref<16x16x4096xf32, #tpu.memory_space<vmem_shared>> -> memref<1x16x4096xf32, #tpu.memory_space<vmem_shared>>
      %dma_wait3A_668 = tpu.memref_squeeze %dma_wait3A_667 : memref<1x16x4096xf32, #tpu.memory_space<vmem_shared>> -> memref<16x4096xf32, #tpu.memory_space<vmem_shared>>
      %dma_wait3A_669 = arith.constant 0 : i32
      %dma_wait3A_670 = tpu.memref_slice %arg2[%add3A_664, %dma_wait3A_669] : memref<16384x4096xf32, #tpu.memory_space<hbm>> -> memref<16x4096xf32, #tpu.memory_space<hbm>>
      tpu.wait_dma2 semaphore(%arg6 : memref<!tpu.dma_semaphore, #tpu.memory_space<semaphore_mem>>) src(%dma_wait3A_670 : memref<16x4096xf32, #tpu.memory_space<hbm>>) dst(%dma_wait3A_668 : memref<16x4096xf32, #tpu.memory_space<vmem_shared>>)
      %add3A_671 = arith.constant 320 : i32
      %add3A_672 = arith.addi %mul3A_2, %add3A_671 : i32
      %dma_start3A_673 = arith.constant 0 : i32
      %dma_start3A_674 = tpu.memref_slice %arg3[%add3A_672, %dma_start3A_673] : memref<16384x4096xf32, #tpu.memory_space<hbm>> -> memref<16x4096xf32, #tpu.memory_space<hbm>>
      %dma_start3A_675 = arith.constant 0 : i32
      %dma_start3A_676 = arith.constant 0 : i32
      %dma_start3A_677 = tpu.memref_slice %arg4[%arg1, %dma_start3A_675, %dma_start3A_676] : memref<16x16x4096xf32, #tpu.memory_space<vmem_shared>> -> memref<1x16x4096xf32, #tpu.memory_space<vmem_shared>>
      %dma_start3A_678 = tpu.memref_squeeze %dma_start3A_677 : memref<1x16x4096xf32, #tpu.memory_space<vmem_shared>> -> memref<16x4096xf32, #tpu.memory_space<vmem_shared>>
      tpu.enqueue_dma source(%dma_start3A_678 : memref<16x4096xf32, #tpu.memory_space<vmem_shared>>) target(%dma_start3A_674 : memref<16x4096xf32, #tpu.memory_space<hbm>>) target_semaphore(%arg8 : memref<!tpu.dma_semaphore, #tpu.memory_space<semaphore_mem>>)
      %add3A_679 = arith.constant 320 : i32
      %add3A_680 = arith.addi %mul3A_2, %add3A_679 : i32
      %dma_wait3A_681 = arith.constant 0 : i32
      %dma_wait3A_682 = tpu.memref_slice %arg3[%add3A_680, %dma_wait3A_681] : memref<16384x4096xf32, #tpu.memory_space<hbm>> -> memref<16x4096xf32, #tpu.memory_space<hbm>>
      %dma_wait3A_683 = arith.constant 0 : i32
      %dma_wait3A_684 = arith.constant 0 : i32
      %dma_wait3A_685 = tpu.memref_slice %arg4[%arg1, %dma_wait3A_683, %dma_wait3A_684] : memref<16x16x4096xf32, #tpu.memory_space<vmem_shared>> -> memref<1x16x4096xf32, #tpu.memory_space<vmem_shared>>
      %dma_wait3A_686 = tpu.memref_squeeze %dma_wait3A_685 : memref<1x16x4096xf32, #tpu.memory_space<vmem_shared>> -> memref<16x4096xf32, #tpu.memory_space<vmem_shared>>
      tpu.wait_dma2 semaphore(%arg8 : memref<!tpu.dma_semaphore, #tpu.memory_space<semaphore_mem>>) src(%dma_wait3A_686 : memref<16x4096xf32, #tpu.memory_space<vmem_shared>>) dst(%dma_wait3A_682 : memref<16x4096xf32, #tpu.memory_space<hbm>>)
      %add3A_687 = arith.constant 352 : i32
      %add3A_688 = arith.addi %mul3A_2, %add3A_687 : i32
      %dma_start3A_689 = arith.constant 0 : i32
      %dma_start3A_690 = arith.constant 0 : i32
      %dma_start3A_691 = tpu.memref_slice %arg4[%arg1, %dma_start3A_689, %dma_start3A_690] : memref<16x16x4096xf32, #tpu.memory_space<vmem_shared>> -> memref<1x16x4096xf32, #tpu.memory_space<vmem_shared>>
      %dma_start3A_692 = tpu.memref_squeeze %dma_start3A_691 : memref<1x16x4096xf32, #tpu.memory_space<vmem_shared>> -> memref<16x4096xf32, #tpu.memory_space<vmem_shared>>
      %dma_start3A_693 = arith.constant 0 : i32
      %dma_start3A_694 = tpu.memref_slice %arg2[%add3A_688, %dma_start3A_693] : memref<16384x4096xf32, #tpu.memory_space<hbm>> -> memref<16x4096xf32, #tpu.memory_space<hbm>>
      tpu.enqueue_dma source(%dma_start3A_694 : memref<16x4096xf32, #tpu.memory_space<hbm>>) target(%dma_start3A_692 : memref<16x4096xf32, #tpu.memory_space<vmem_shared>>) target_semaphore(%arg6 : memref<!tpu.dma_semaphore, #tpu.memory_space<semaphore_mem>>)
      %add3A_695 = arith.constant 336 : i32
      %add3A_696 = arith.addi %mul3A_2, %add3A_695 : i32
      %dma_wait3A_697 = arith.constant 0 : i32
      %dma_wait3A_698 = arith.constant 0 : i32
      %dma_wait3A_699 = tpu.memref_slice %arg5[%arg1, %dma_wait3A_697, %dma_wait3A_698] : memref<15x16x4096xf32, #tpu.memory_space<vmem_shared>> -> memref<1x16x4096xf32, #tpu.memory_space<vmem_shared>>
      %dma_wait3A_700 = tpu.memref_squeeze %dma_wait3A_699 : memref<1x16x4096xf32, #tpu.memory_space<vmem_shared>> -> memref<16x4096xf32, #tpu.memory_space<vmem_shared>>
      %dma_wait3A_701 = arith.constant 0 : i32
      %dma_wait3A_702 = tpu.memref_slice %arg2[%add3A_696, %dma_wait3A_701] : memref<16384x4096xf32, #tpu.memory_space<hbm>> -> memref<16x4096xf32, #tpu.memory_space<hbm>>
      tpu.wait_dma2 semaphore(%arg7 : memref<!tpu.dma_semaphore, #tpu.memory_space<semaphore_mem>>) src(%dma_wait3A_702 : memref<16x4096xf32, #tpu.memory_space<hbm>>) dst(%dma_wait3A_700 : memref<16x4096xf32, #tpu.memory_space<vmem_shared>>)
      %add3A_703 = arith.constant 336 : i32
      %add3A_704 = arith.addi %mul3A_2, %add3A_703 : i32
      %dma_start3A_705 = arith.constant 0 : i32
      %dma_start3A_706 = tpu.memref_slice %arg3[%add3A_704, %dma_start3A_705] : memref<16384x4096xf32, #tpu.memory_space<hbm>> -> memref<16x4096xf32, #tpu.memory_space<hbm>>
      %dma_start3A_707 = arith.constant 0 : i32
      %dma_start3A_708 = arith.constant 0 : i32
      %dma_start3A_709 = tpu.memref_slice %arg5[%arg1, %dma_start3A_707, %dma_start3A_708] : memref<15x16x4096xf32, #tpu.memory_space<vmem_shared>> -> memref<1x16x4096xf32, #tpu.memory_space<vmem_shared>>
      %dma_start3A_710 = tpu.memref_squeeze %dma_start3A_709 : memref<1x16x4096xf32, #tpu.memory_space<vmem_shared>> -> memref<16x4096xf32, #tpu.memory_space<vmem_shared>>
      tpu.enqueue_dma source(%dma_start3A_710 : memref<16x4096xf32, #tpu.memory_space<vmem_shared>>) target(%dma_start3A_706 : memref<16x4096xf32, #tpu.memory_space<hbm>>) target_semaphore(%arg9 : memref<!tpu.dma_semaphore, #tpu.memory_space<semaphore_mem>>)
      %add3A_711 = arith.constant 336 : i32
      %add3A_712 = arith.addi %mul3A_2, %add3A_711 : i32
      %dma_wait3A_713 = arith.constant 0 : i32
      %dma_wait3A_714 = tpu.memref_slice %arg3[%add3A_712, %dma_wait3A_713] : memref<16384x4096xf32, #tpu.memory_space<hbm>> -> memref<16x4096xf32, #tpu.memory_space<hbm>>
      %dma_wait3A_715 = arith.constant 0 : i32
      %dma_wait3A_716 = arith.constant 0 : i32
      %dma_wait3A_717 = tpu.memref_slice %arg5[%arg1, %dma_wait3A_715, %dma_wait3A_716] : memref<15x16x4096xf32, #tpu.memory_space<vmem_shared>> -> memref<1x16x4096xf32, #tpu.memory_space<vmem_shared>>
      %dma_wait3A_718 = tpu.memref_squeeze %dma_wait3A_717 : memref<1x16x4096xf32, #tpu.memory_space<vmem_shared>> -> memref<16x4096xf32, #tpu.memory_space<vmem_shared>>
      tpu.wait_dma2 semaphore(%arg9 : memref<!tpu.dma_semaphore, #tpu.memory_space<semaphore_mem>>) src(%dma_wait3A_718 : memref<16x4096xf32, #tpu.memory_space<vmem_shared>>) dst(%dma_wait3A_714 : memref<16x4096xf32, #tpu.memory_space<hbm>>)
      %add3A_719 = arith.constant 368 : i32
      %add3A_720 = arith.addi %mul3A_2, %add3A_719 : i32
      %dma_start3A_721 = arith.constant 0 : i32
      %dma_start3A_722 = arith.constant 0 : i32
      %dma_start3A_723 = tpu.memref_slice %arg5[%arg1, %dma_start3A_721, %dma_start3A_722] : memref<15x16x4096xf32, #tpu.memory_space<vmem_shared>> -> memref<1x16x4096xf32, #tpu.memory_space<vmem_shared>>
      %dma_start3A_724 = tpu.memref_squeeze %dma_start3A_723 : memref<1x16x4096xf32, #tpu.memory_space<vmem_shared>> -> memref<16x4096xf32, #tpu.memory_space<vmem_shared>>
      %dma_start3A_725 = arith.constant 0 : i32
      %dma_start3A_726 = tpu.memref_slice %arg2[%add3A_720, %dma_start3A_725] : memref<16384x4096xf32, #tpu.memory_space<hbm>> -> memref<16x4096xf32, #tpu.memory_space<hbm>>
      tpu.enqueue_dma source(%dma_start3A_726 : memref<16x4096xf32, #tpu.memory_space<hbm>>) target(%dma_start3A_724 : memref<16x4096xf32, #tpu.memory_space<vmem_shared>>) target_semaphore(%arg7 : memref<!tpu.dma_semaphore, #tpu.memory_space<semaphore_mem>>)
      %add3A_727 = arith.constant 352 : i32
      %add3A_728 = arith.addi %mul3A_2, %add3A_727 : i32
      %dma_wait3A_729 = arith.constant 0 : i32
      %dma_wait3A_730 = arith.constant 0 : i32
      %dma_wait3A_731 = tpu.memref_slice %arg4[%arg1, %dma_wait3A_729, %dma_wait3A_730] : memref<16x16x4096xf32, #tpu.memory_space<vmem_shared>> -> memref<1x16x4096xf32, #tpu.memory_space<vmem_shared>>
      %dma_wait3A_732 = tpu.memref_squeeze %dma_wait3A_731 : memref<1x16x4096xf32, #tpu.memory_space<vmem_shared>> -> memref<16x4096xf32, #tpu.memory_space<vmem_shared>>
      %dma_wait3A_733 = arith.constant 0 : i32
      %dma_wait3A_734 = tpu.memref_slice %arg2[%add3A_728, %dma_wait3A_733] : memref<16384x4096xf32, #tpu.memory_space<hbm>> -> memref<16x4096xf32, #tpu.memory_space<hbm>>
      tpu.wait_dma2 semaphore(%arg6 : memref<!tpu.dma_semaphore, #tpu.memory_space<semaphore_mem>>) src(%dma_wait3A_734 : memref<16x4096xf32, #tpu.memory_space<hbm>>) dst(%dma_wait3A_732 : memref<16x4096xf32, #tpu.memory_space<vmem_shared>>)
      %add3A_735 = arith.constant 352 : i32
      %add3A_736 = arith.addi %mul3A_2, %add3A_735 : i32
      %dma_start3A_737 = arith.constant 0 : i32
      %dma_start3A_738 = tpu.memref_slice %arg3[%add3A_736, %dma_start3A_737] : memref<16384x4096xf32, #tpu.memory_space<hbm>> -> memref<16x4096xf32, #tpu.memory_space<hbm>>
      %dma_start3A_739 = arith.constant 0 : i32
      %dma_start3A_740 = arith.constant 0 : i32
      %dma_start3A_741 = tpu.memref_slice %arg4[%arg1, %dma_start3A_739, %dma_start3A_740] : memref<16x16x4096xf32, #tpu.memory_space<vmem_shared>> -> memref<1x16x4096xf32, #tpu.memory_space<vmem_shared>>
      %dma_start3A_742 = tpu.memref_squeeze %dma_start3A_741 : memref<1x16x4096xf32, #tpu.memory_space<vmem_shared>> -> memref<16x4096xf32, #tpu.memory_space<vmem_shared>>
      tpu.enqueue_dma source(%dma_start3A_742 : memref<16x4096xf32, #tpu.memory_space<vmem_shared>>) target(%dma_start3A_738 : memref<16x4096xf32, #tpu.memory_space<hbm>>) target_semaphore(%arg8 : memref<!tpu.dma_semaphore, #tpu.memory_space<semaphore_mem>>)
      %add3A_743 = arith.constant 352 : i32
      %add3A_744 = arith.addi %mul3A_2, %add3A_743 : i32
      %dma_wait3A_745 = arith.constant 0 : i32
      %dma_wait3A_746 = tpu.memref_slice %arg3[%add3A_744, %dma_wait3A_745] : memref<16384x4096xf32, #tpu.memory_space<hbm>> -> memref<16x4096xf32, #tpu.memory_space<hbm>>
      %dma_wait3A_747 = arith.constant 0 : i32
      %dma_wait3A_748 = arith.constant 0 : i32
      %dma_wait3A_749 = tpu.memref_slice %arg4[%arg1, %dma_wait3A_747, %dma_wait3A_748] : memref<16x16x4096xf32, #tpu.memory_space<vmem_shared>> -> memref<1x16x4096xf32, #tpu.memory_space<vmem_shared>>
      %dma_wait3A_750 = tpu.memref_squeeze %dma_wait3A_749 : memref<1x16x4096xf32, #tpu.memory_space<vmem_shared>> -> memref<16x4096xf32, #tpu.memory_space<vmem_shared>>
      tpu.wait_dma2 semaphore(%arg8 : memref<!tpu.dma_semaphore, #tpu.memory_space<semaphore_mem>>) src(%dma_wait3A_750 : memref<16x4096xf32, #tpu.memory_space<vmem_shared>>) dst(%dma_wait3A_746 : memref<16x4096xf32, #tpu.memory_space<hbm>>)
      %add3A_751 = arith.constant 384 : i32
      %add3A_752 = arith.addi %mul3A_2, %add3A_751 : i32
      %dma_start3A_753 = arith.constant 0 : i32
      %dma_start3A_754 = arith.constant 0 : i32
      %dma_start3A_755 = tpu.memref_slice %arg4[%arg1, %dma_start3A_753, %dma_start3A_754] : memref<16x16x4096xf32, #tpu.memory_space<vmem_shared>> -> memref<1x16x4096xf32, #tpu.memory_space<vmem_shared>>
      %dma_start3A_756 = tpu.memref_squeeze %dma_start3A_755 : memref<1x16x4096xf32, #tpu.memory_space<vmem_shared>> -> memref<16x4096xf32, #tpu.memory_space<vmem_shared>>
      %dma_start3A_757 = arith.constant 0 : i32
      %dma_start3A_758 = tpu.memref_slice %arg2[%add3A_752, %dma_start3A_757] : memref<16384x4096xf32, #tpu.memory_space<hbm>> -> memref<16x4096xf32, #tpu.memory_space<hbm>>
      tpu.enqueue_dma source(%dma_start3A_758 : memref<16x4096xf32, #tpu.memory_space<hbm>>) target(%dma_start3A_756 : memref<16x4096xf32, #tpu.memory_space<vmem_shared>>) target_semaphore(%arg6 : memref<!tpu.dma_semaphore, #tpu.memory_space<semaphore_mem>>)
      %add3A_759 = arith.constant 368 : i32
      %add3A_760 = arith.addi %mul3A_2, %add3A_759 : i32
      %dma_wait3A_761 = arith.constant 0 : i32
      %dma_wait3A_762 = arith.constant 0 : i32
      %dma_wait3A_763 = tpu.memref_slice %arg5[%arg1, %dma_wait3A_761, %dma_wait3A_762] : memref<15x16x4096xf32, #tpu.memory_space<vmem_shared>> -> memref<1x16x4096xf32, #tpu.memory_space<vmem_shared>>
      %dma_wait3A_764 = tpu.memref_squeeze %dma_wait3A_763 : memref<1x16x4096xf32, #tpu.memory_space<vmem_shared>> -> memref<16x4096xf32, #tpu.memory_space<vmem_shared>>
      %dma_wait3A_765 = arith.constant 0 : i32
      %dma_wait3A_766 = tpu.memref_slice %arg2[%add3A_760, %dma_wait3A_765] : memref<16384x4096xf32, #tpu.memory_space<hbm>> -> memref<16x4096xf32, #tpu.memory_space<hbm>>
      tpu.wait_dma2 semaphore(%arg7 : memref<!tpu.dma_semaphore, #tpu.memory_space<semaphore_mem>>) src(%dma_wait3A_766 : memref<16x4096xf32, #tpu.memory_space<hbm>>) dst(%dma_wait3A_764 : memref<16x4096xf32, #tpu.memory_space<vmem_shared>>)
      %add3A_767 = arith.constant 368 : i32
      %add3A_768 = arith.addi %mul3A_2, %add3A_767 : i32
      %dma_start3A_769 = arith.constant 0 : i32
      %dma_start3A_770 = tpu.memref_slice %arg3[%add3A_768, %dma_start3A_769] : memref<16384x4096xf32, #tpu.memory_space<hbm>> -> memref<16x4096xf32, #tpu.memory_space<hbm>>
      %dma_start3A_771 = arith.constant 0 : i32
      %dma_start3A_772 = arith.constant 0 : i32
      %dma_start3A_773 = tpu.memref_slice %arg5[%arg1, %dma_start3A_771, %dma_start3A_772] : memref<15x16x4096xf32, #tpu.memory_space<vmem_shared>> -> memref<1x16x4096xf32, #tpu.memory_space<vmem_shared>>
      %dma_start3A_774 = tpu.memref_squeeze %dma_start3A_773 : memref<1x16x4096xf32, #tpu.memory_space<vmem_shared>> -> memref<16x4096xf32, #tpu.memory_space<vmem_shared>>
      tpu.enqueue_dma source(%dma_start3A_774 : memref<16x4096xf32, #tpu.memory_space<vmem_shared>>) target(%dma_start3A_770 : memref<16x4096xf32, #tpu.memory_space<hbm>>) target_semaphore(%arg9 : memref<!tpu.dma_semaphore, #tpu.memory_space<semaphore_mem>>)
      %add3A_775 = arith.constant 368 : i32
      %add3A_776 = arith.addi %mul3A_2, %add3A_775 : i32
      %dma_wait3A_777 = arith.constant 0 : i32
      %dma_wait3A_778 = tpu.memref_slice %arg3[%add3A_776, %dma_wait3A_777] : memref<16384x4096xf32, #tpu.memory_space<hbm>> -> memref<16x4096xf32, #tpu.memory_space<hbm>>
      %dma_wait3A_779 = arith.constant 0 : i32
      %dma_wait3A_780 = arith.constant 0 : i32
      %dma_wait3A_781 = tpu.memref_slice %arg5[%arg1, %dma_wait3A_779, %dma_wait3A_780] : memref<15x16x4096xf32, #tpu.memory_space<vmem_shared>> -> memref<1x16x4096xf32, #tpu.memory_space<vmem_shared>>
      %dma_wait3A_782 = tpu.memref_squeeze %dma_wait3A_781 : memref<1x16x4096xf32, #tpu.memory_space<vmem_shared>> -> memref<16x4096xf32, #tpu.memory_space<vmem_shared>>
      tpu.wait_dma2 semaphore(%arg9 : memref<!tpu.dma_semaphore, #tpu.memory_space<semaphore_mem>>) src(%dma_wait3A_782 : memref<16x4096xf32, #tpu.memory_space<vmem_shared>>) dst(%dma_wait3A_778 : memref<16x4096xf32, #tpu.memory_space<hbm>>)
      %add3A_783 = arith.constant 400 : i32
      %add3A_784 = arith.addi %mul3A_2, %add3A_783 : i32
      %dma_start3A_785 = arith.constant 0 : i32
      %dma_start3A_786 = arith.constant 0 : i32
      %dma_start3A_787 = tpu.memref_slice %arg5[%arg1, %dma_start3A_785, %dma_start3A_786] : memref<15x16x4096xf32, #tpu.memory_space<vmem_shared>> -> memref<1x16x4096xf32, #tpu.memory_space<vmem_shared>>
      %dma_start3A_788 = tpu.memref_squeeze %dma_start3A_787 : memref<1x16x4096xf32, #tpu.memory_space<vmem_shared>> -> memref<16x4096xf32, #tpu.memory_space<vmem_shared>>
      %dma_start3A_789 = arith.constant 0 : i32
      %dma_start3A_790 = tpu.memref_slice %arg2[%add3A_784, %dma_start3A_789] : memref<16384x4096xf32, #tpu.memory_space<hbm>> -> memref<16x4096xf32, #tpu.memory_space<hbm>>
      tpu.enqueue_dma source(%dma_start3A_790 : memref<16x4096xf32, #tpu.memory_space<hbm>>) target(%dma_start3A_788 : memref<16x4096xf32, #tpu.memory_space<vmem_shared>>) target_semaphore(%arg7 : memref<!tpu.dma_semaphore, #tpu.memory_space<semaphore_mem>>)
      %add3A_791 = arith.constant 384 : i32
      %add3A_792 = arith.addi %mul3A_2, %add3A_791 : i32
      %dma_wait3A_793 = arith.constant 0 : i32
      %dma_wait3A_794 = arith.constant 0 : i32
      %dma_wait3A_795 = tpu.memref_slice %arg4[%arg1, %dma_wait3A_793, %dma_wait3A_794] : memref<16x16x4096xf32, #tpu.memory_space<vmem_shared>> -> memref<1x16x4096xf32, #tpu.memory_space<vmem_shared>>
      %dma_wait3A_796 = tpu.memref_squeeze %dma_wait3A_795 : memref<1x16x4096xf32, #tpu.memory_space<vmem_shared>> -> memref<16x4096xf32, #tpu.memory_space<vmem_shared>>
      %dma_wait3A_797 = arith.constant 0 : i32
      %dma_wait3A_798 = tpu.memref_slice %arg2[%add3A_792, %dma_wait3A_797] : memref<16384x4096xf32, #tpu.memory_space<hbm>> -> memref<16x4096xf32, #tpu.memory_space<hbm>>
      tpu.wait_dma2 semaphore(%arg6 : memref<!tpu.dma_semaphore, #tpu.memory_space<semaphore_mem>>) src(%dma_wait3A_798 : memref<16x4096xf32, #tpu.memory_space<hbm>>) dst(%dma_wait3A_796 : memref<16x4096xf32, #tpu.memory_space<vmem_shared>>)
      %add3A_799 = arith.constant 384 : i32
      %add3A_800 = arith.addi %mul3A_2, %add3A_799 : i32
      %dma_start3A_801 = arith.constant 0 : i32
      %dma_start3A_802 = tpu.memref_slice %arg3[%add3A_800, %dma_start3A_801] : memref<16384x4096xf32, #tpu.memory_space<hbm>> -> memref<16x4096xf32, #tpu.memory_space<hbm>>
      %dma_start3A_803 = arith.constant 0 : i32
      %dma_start3A_804 = arith.constant 0 : i32
      %dma_start3A_805 = tpu.memref_slice %arg4[%arg1, %dma_start3A_803, %dma_start3A_804] : memref<16x16x4096xf32, #tpu.memory_space<vmem_shared>> -> memref<1x16x4096xf32, #tpu.memory_space<vmem_shared>>
      %dma_start3A_806 = tpu.memref_squeeze %dma_start3A_805 : memref<1x16x4096xf32, #tpu.memory_space<vmem_shared>> -> memref<16x4096xf32, #tpu.memory_space<vmem_shared>>
      tpu.enqueue_dma source(%dma_start3A_806 : memref<16x4096xf32, #tpu.memory_space<vmem_shared>>) target(%dma_start3A_802 : memref<16x4096xf32, #tpu.memory_space<hbm>>) target_semaphore(%arg8 : memref<!tpu.dma_semaphore, #tpu.memory_space<semaphore_mem>>)
      %add3A_807 = arith.constant 384 : i32
      %add3A_808 = arith.addi %mul3A_2, %add3A_807 : i32
      %dma_wait3A_809 = arith.constant 0 : i32
      %dma_wait3A_810 = tpu.memref_slice %arg3[%add3A_808, %dma_wait3A_809] : memref<16384x4096xf32, #tpu.memory_space<hbm>> -> memref<16x4096xf32, #tpu.memory_space<hbm>>
      %dma_wait3A_811 = arith.constant 0 : i32
      %dma_wait3A_812 = arith.constant 0 : i32
      %dma_wait3A_813 = tpu.memref_slice %arg4[%arg1, %dma_wait3A_811, %dma_wait3A_812] : memref<16x16x4096xf32, #tpu.memory_space<vmem_shared>> -> memref<1x16x4096xf32, #tpu.memory_space<vmem_shared>>
      %dma_wait3A_814 = tpu.memref_squeeze %dma_wait3A_813 : memref<1x16x4096xf32, #tpu.memory_space<vmem_shared>> -> memref<16x4096xf32, #tpu.memory_space<vmem_shared>>
      tpu.wait_dma2 semaphore(%arg8 : memref<!tpu.dma_semaphore, #tpu.memory_space<semaphore_mem>>) src(%dma_wait3A_814 : memref<16x4096xf32, #tpu.memory_space<vmem_shared>>) dst(%dma_wait3A_810 : memref<16x4096xf32, #tpu.memory_space<hbm>>)
      %add3A_815 = arith.constant 416 : i32
      %add3A_816 = arith.addi %mul3A_2, %add3A_815 : i32
      %dma_start3A_817 = arith.constant 0 : i32
      %dma_start3A_818 = arith.constant 0 : i32
      %dma_start3A_819 = tpu.memref_slice %arg4[%arg1, %dma_start3A_817, %dma_start3A_818] : memref<16x16x4096xf32, #tpu.memory_space<vmem_shared>> -> memref<1x16x4096xf32, #tpu.memory_space<vmem_shared>>
      %dma_start3A_820 = tpu.memref_squeeze %dma_start3A_819 : memref<1x16x4096xf32, #tpu.memory_space<vmem_shared>> -> memref<16x4096xf32, #tpu.memory_space<vmem_shared>>
      %dma_start3A_821 = arith.constant 0 : i32
      %dma_start3A_822 = tpu.memref_slice %arg2[%add3A_816, %dma_start3A_821] : memref<16384x4096xf32, #tpu.memory_space<hbm>> -> memref<16x4096xf32, #tpu.memory_space<hbm>>
      tpu.enqueue_dma source(%dma_start3A_822 : memref<16x4096xf32, #tpu.memory_space<hbm>>) target(%dma_start3A_820 : memref<16x4096xf32, #tpu.memory_space<vmem_shared>>) target_semaphore(%arg6 : memref<!tpu.dma_semaphore, #tpu.memory_space<semaphore_mem>>)
      %add3A_823 = arith.constant 400 : i32
      %add3A_824 = arith.addi %mul3A_2, %add3A_823 : i32
      %dma_wait3A_825 = arith.constant 0 : i32
      %dma_wait3A_826 = arith.constant 0 : i32
      %dma_wait3A_827 = tpu.memref_slice %arg5[%arg1, %dma_wait3A_825, %dma_wait3A_826] : memref<15x16x4096xf32, #tpu.memory_space<vmem_shared>> -> memref<1x16x4096xf32, #tpu.memory_space<vmem_shared>>
      %dma_wait3A_828 = tpu.memref_squeeze %dma_wait3A_827 : memref<1x16x4096xf32, #tpu.memory_space<vmem_shared>> -> memref<16x4096xf32, #tpu.memory_space<vmem_shared>>
      %dma_wait3A_829 = arith.constant 0 : i32
      %dma_wait3A_830 = tpu.memref_slice %arg2[%add3A_824, %dma_wait3A_829] : memref<16384x4096xf32, #tpu.memory_space<hbm>> -> memref<16x4096xf32, #tpu.memory_space<hbm>>
      tpu.wait_dma2 semaphore(%arg7 : memref<!tpu.dma_semaphore, #tpu.memory_space<semaphore_mem>>) src(%dma_wait3A_830 : memref<16x4096xf32, #tpu.memory_space<hbm>>) dst(%dma_wait3A_828 : memref<16x4096xf32, #tpu.memory_space<vmem_shared>>)
      %add3A_831 = arith.constant 400 : i32
      %add3A_832 = arith.addi %mul3A_2, %add3A_831 : i32
      %dma_start3A_833 = arith.constant 0 : i32
      %dma_start3A_834 = tpu.memref_slice %arg3[%add3A_832, %dma_start3A_833] : memref<16384x4096xf32, #tpu.memory_space<hbm>> -> memref<16x4096xf32, #tpu.memory_space<hbm>>
      %dma_start3A_835 = arith.constant 0 : i32
      %dma_start3A_836 = arith.constant 0 : i32
      %dma_start3A_837 = tpu.memref_slice %arg5[%arg1, %dma_start3A_835, %dma_start3A_836] : memref<15x16x4096xf32, #tpu.memory_space<vmem_shared>> -> memref<1x16x4096xf32, #tpu.memory_space<vmem_shared>>
      %dma_start3A_838 = tpu.memref_squeeze %dma_start3A_837 : memref<1x16x4096xf32, #tpu.memory_space<vmem_shared>> -> memref<16x4096xf32, #tpu.memory_space<vmem_shared>>
      tpu.enqueue_dma source(%dma_start3A_838 : memref<16x4096xf32, #tpu.memory_space<vmem_shared>>) target(%dma_start3A_834 : memref<16x4096xf32, #tpu.memory_space<hbm>>) target_semaphore(%arg9 : memref<!tpu.dma_semaphore, #tpu.memory_space<semaphore_mem>>)
      %add3A_839 = arith.constant 400 : i32
      %add3A_840 = arith.addi %mul3A_2, %add3A_839 : i32
      %dma_wait3A_841 = arith.constant 0 : i32
      %dma_wait3A_842 = tpu.memref_slice %arg3[%add3A_840, %dma_wait3A_841] : memref<16384x4096xf32, #tpu.memory_space<hbm>> -> memref<16x4096xf32, #tpu.memory_space<hbm>>
      %dma_wait3A_843 = arith.constant 0 : i32
      %dma_wait3A_844 = arith.constant 0 : i32
      %dma_wait3A_845 = tpu.memref_slice %arg5[%arg1, %dma_wait3A_843, %dma_wait3A_844] : memref<15x16x4096xf32, #tpu.memory_space<vmem_shared>> -> memref<1x16x4096xf32, #tpu.memory_space<vmem_shared>>
      %dma_wait3A_846 = tpu.memref_squeeze %dma_wait3A_845 : memref<1x16x4096xf32, #tpu.memory_space<vmem_shared>> -> memref<16x4096xf32, #tpu.memory_space<vmem_shared>>
      tpu.wait_dma2 semaphore(%arg9 : memref<!tpu.dma_semaphore, #tpu.memory_space<semaphore_mem>>) src(%dma_wait3A_846 : memref<16x4096xf32, #tpu.memory_space<vmem_shared>>) dst(%dma_wait3A_842 : memref<16x4096xf32, #tpu.memory_space<hbm>>)
      %add3A_847 = arith.constant 432 : i32
      %add3A_848 = arith.addi %mul3A_2, %add3A_847 : i32
      %dma_start3A_849 = arith.constant 0 : i32
      %dma_start3A_850 = arith.constant 0 : i32
      %dma_start3A_851 = tpu.memref_slice %arg5[%arg1, %dma_start3A_849, %dma_start3A_850] : memref<15x16x4096xf32, #tpu.memory_space<vmem_shared>> -> memref<1x16x4096xf32, #tpu.memory_space<vmem_shared>>
      %dma_start3A_852 = tpu.memref_squeeze %dma_start3A_851 : memref<1x16x4096xf32, #tpu.memory_space<vmem_shared>> -> memref<16x4096xf32, #tpu.memory_space<vmem_shared>>
      %dma_start3A_853 = arith.constant 0 : i32
      %dma_start3A_854 = tpu.memref_slice %arg2[%add3A_848, %dma_start3A_853] : memref<16384x4096xf32, #tpu.memory_space<hbm>> -> memref<16x4096xf32, #tpu.memory_space<hbm>>
      tpu.enqueue_dma source(%dma_start3A_854 : memref<16x4096xf32, #tpu.memory_space<hbm>>) target(%dma_start3A_852 : memref<16x4096xf32, #tpu.memory_space<vmem_shared>>) target_semaphore(%arg7 : memref<!tpu.dma_semaphore, #tpu.memory_space<semaphore_mem>>)
      %add3A_855 = arith.constant 416 : i32
      %add3A_856 = arith.addi %mul3A_2, %add3A_855 : i32
      %dma_wait3A_857 = arith.constant 0 : i32
      %dma_wait3A_858 = arith.constant 0 : i32
      %dma_wait3A_859 = tpu.memref_slice %arg4[%arg1, %dma_wait3A_857, %dma_wait3A_858] : memref<16x16x4096xf32, #tpu.memory_space<vmem_shared>> -> memref<1x16x4096xf32, #tpu.memory_space<vmem_shared>>
      %dma_wait3A_860 = tpu.memref_squeeze %dma_wait3A_859 : memref<1x16x4096xf32, #tpu.memory_space<vmem_shared>> -> memref<16x4096xf32, #tpu.memory_space<vmem_shared>>
      %dma_wait3A_861 = arith.constant 0 : i32
      %dma_wait3A_862 = tpu.memref_slice %arg2[%add3A_856, %dma_wait3A_861] : memref<16384x4096xf32, #tpu.memory_space<hbm>> -> memref<16x4096xf32, #tpu.memory_space<hbm>>
      tpu.wait_dma2 semaphore(%arg6 : memref<!tpu.dma_semaphore, #tpu.memory_space<semaphore_mem>>) src(%dma_wait3A_862 : memref<16x4096xf32, #tpu.memory_space<hbm>>) dst(%dma_wait3A_860 : memref<16x4096xf32, #tpu.memory_space<vmem_shared>>)
      %add3A_863 = arith.constant 416 : i32
      %add3A_864 = arith.addi %mul3A_2, %add3A_863 : i32
      %dma_start3A_865 = arith.constant 0 : i32
      %dma_start3A_866 = tpu.memref_slice %arg3[%add3A_864, %dma_start3A_865] : memref<16384x4096xf32, #tpu.memory_space<hbm>> -> memref<16x4096xf32, #tpu.memory_space<hbm>>
      %dma_start3A_867 = arith.constant 0 : i32
      %dma_start3A_868 = arith.constant 0 : i32
      %dma_start3A_869 = tpu.memref_slice %arg4[%arg1, %dma_start3A_867, %dma_start3A_868] : memref<16x16x4096xf32, #tpu.memory_space<vmem_shared>> -> memref<1x16x4096xf32, #tpu.memory_space<vmem_shared>>
      %dma_start3A_870 = tpu.memref_squeeze %dma_start3A_869 : memref<1x16x4096xf32, #tpu.memory_space<vmem_shared>> -> memref<16x4096xf32, #tpu.memory_space<vmem_shared>>
      tpu.enqueue_dma source(%dma_start3A_870 : memref<16x4096xf32, #tpu.memory_space<vmem_shared>>) target(%dma_start3A_866 : memref<16x4096xf32, #tpu.memory_space<hbm>>) target_semaphore(%arg8 : memref<!tpu.dma_semaphore, #tpu.memory_space<semaphore_mem>>)
      %add3A_871 = arith.constant 416 : i32
      %add3A_872 = arith.addi %mul3A_2, %add3A_871 : i32
      %dma_wait3A_873 = arith.constant 0 : i32
      %dma_wait3A_874 = tpu.memref_slice %arg3[%add3A_872, %dma_wait3A_873] : memref<16384x4096xf32, #tpu.memory_space<hbm>> -> memref<16x4096xf32, #tpu.memory_space<hbm>>
      %dma_wait3A_875 = arith.constant 0 : i32
      %dma_wait3A_876 = arith.constant 0 : i32
      %dma_wait3A_877 = tpu.memref_slice %arg4[%arg1, %dma_wait3A_875, %dma_wait3A_876] : memref<16x16x4096xf32, #tpu.memory_space<vmem_shared>> -> memref<1x16x4096xf32, #tpu.memory_space<vmem_shared>>
      %dma_wait3A_878 = tpu.memref_squeeze %dma_wait3A_877 : memref<1x16x4096xf32, #tpu.memory_space<vmem_shared>> -> memref<16x4096xf32, #tpu.memory_space<vmem_shared>>
      tpu.wait_dma2 semaphore(%arg8 : memref<!tpu.dma_semaphore, #tpu.memory_space<semaphore_mem>>) src(%dma_wait3A_878 : memref<16x4096xf32, #tpu.memory_space<vmem_shared>>) dst(%dma_wait3A_874 : memref<16x4096xf32, #tpu.memory_space<hbm>>)
      %add3A_879 = arith.constant 448 : i32
      %add3A_880 = arith.addi %mul3A_2, %add3A_879 : i32
      %dma_start3A_881 = arith.constant 0 : i32
      %dma_start3A_882 = arith.constant 0 : i32
      %dma_start3A_883 = tpu.memref_slice %arg4[%arg1, %dma_start3A_881, %dma_start3A_882] : memref<16x16x4096xf32, #tpu.memory_space<vmem_shared>> -> memref<1x16x4096xf32, #tpu.memory_space<vmem_shared>>
      %dma_start3A_884 = tpu.memref_squeeze %dma_start3A_883 : memref<1x16x4096xf32, #tpu.memory_space<vmem_shared>> -> memref<16x4096xf32, #tpu.memory_space<vmem_shared>>
      %dma_start3A_885 = arith.constant 0 : i32
      %dma_start3A_886 = tpu.memref_slice %arg2[%add3A_880, %dma_start3A_885] : memref<16384x4096xf32, #tpu.memory_space<hbm>> -> memref<16x4096xf32, #tpu.memory_space<hbm>>
      tpu.enqueue_dma source(%dma_start3A_886 : memref<16x4096xf32, #tpu.memory_space<hbm>>) target(%dma_start3A_884 : memref<16x4096xf32, #tpu.memory_space<vmem_shared>>) target_semaphore(%arg6 : memref<!tpu.dma_semaphore, #tpu.memory_space<semaphore_mem>>)
      %add3A_887 = arith.constant 432 : i32
      %add3A_888 = arith.addi %mul3A_2, %add3A_887 : i32
      %dma_wait3A_889 = arith.constant 0 : i32
      %dma_wait3A_890 = arith.constant 0 : i32
      %dma_wait3A_891 = tpu.memref_slice %arg5[%arg1, %dma_wait3A_889, %dma_wait3A_890] : memref<15x16x4096xf32, #tpu.memory_space<vmem_shared>> -> memref<1x16x4096xf32, #tpu.memory_space<vmem_shared>>
      %dma_wait3A_892 = tpu.memref_squeeze %dma_wait3A_891 : memref<1x16x4096xf32, #tpu.memory_space<vmem_shared>> -> memref<16x4096xf32, #tpu.memory_space<vmem_shared>>
      %dma_wait3A_893 = arith.constant 0 : i32
      %dma_wait3A_894 = tpu.memref_slice %arg2[%add3A_888, %dma_wait3A_893] : memref<16384x4096xf32, #tpu.memory_space<hbm>> -> memref<16x4096xf32, #tpu.memory_space<hbm>>
      tpu.wait_dma2 semaphore(%arg7 : memref<!tpu.dma_semaphore, #tpu.memory_space<semaphore_mem>>) src(%dma_wait3A_894 : memref<16x4096xf32, #tpu.memory_space<hbm>>) dst(%dma_wait3A_892 : memref<16x4096xf32, #tpu.memory_space<vmem_shared>>)
      %add3A_895 = arith.constant 432 : i32
      %add3A_896 = arith.addi %mul3A_2, %add3A_895 : i32
      %dma_start3A_897 = arith.constant 0 : i32
      %dma_start3A_898 = tpu.memref_slice %arg3[%add3A_896, %dma_start3A_897] : memref<16384x4096xf32, #tpu.memory_space<hbm>> -> memref<16x4096xf32, #tpu.memory_space<hbm>>
      %dma_start3A_899 = arith.constant 0 : i32
      %dma_start3A_900 = arith.constant 0 : i32
      %dma_start3A_901 = tpu.memref_slice %arg5[%arg1, %dma_start3A_899, %dma_start3A_900] : memref<15x16x4096xf32, #tpu.memory_space<vmem_shared>> -> memref<1x16x4096xf32, #tpu.memory_space<vmem_shared>>
      %dma_start3A_902 = tpu.memref_squeeze %dma_start3A_901 : memref<1x16x4096xf32, #tpu.memory_space<vmem_shared>> -> memref<16x4096xf32, #tpu.memory_space<vmem_shared>>
      tpu.enqueue_dma source(%dma_start3A_902 : memref<16x4096xf32, #tpu.memory_space<vmem_shared>>) target(%dma_start3A_898 : memref<16x4096xf32, #tpu.memory_space<hbm>>) target_semaphore(%arg9 : memref<!tpu.dma_semaphore, #tpu.memory_space<semaphore_mem>>)
      %add3A_903 = arith.constant 432 : i32
      %add3A_904 = arith.addi %mul3A_2, %add3A_903 : i32
      %dma_wait3A_905 = arith.constant 0 : i32
      %dma_wait3A_906 = tpu.memref_slice %arg3[%add3A_904, %dma_wait3A_905] : memref<16384x4096xf32, #tpu.memory_space<hbm>> -> memref<16x4096xf32, #tpu.memory_space<hbm>>
      %dma_wait3A_907 = arith.constant 0 : i32
      %dma_wait3A_908 = arith.constant 0 : i32
      %dma_wait3A_909 = tpu.memref_slice %arg5[%arg1, %dma_wait3A_907, %dma_wait3A_908] : memref<15x16x4096xf32, #tpu.memory_space<vmem_shared>> -> memref<1x16x4096xf32, #tpu.memory_space<vmem_shared>>
      %dma_wait3A_910 = tpu.memref_squeeze %dma_wait3A_909 : memref<1x16x4096xf32, #tpu.memory_space<vmem_shared>> -> memref<16x4096xf32, #tpu.memory_space<vmem_shared>>
      tpu.wait_dma2 semaphore(%arg9 : memref<!tpu.dma_semaphore, #tpu.memory_space<semaphore_mem>>) src(%dma_wait3A_910 : memref<16x4096xf32, #tpu.memory_space<vmem_shared>>) dst(%dma_wait3A_906 : memref<16x4096xf32, #tpu.memory_space<hbm>>)
      %add3A_911 = arith.constant 464 : i32
      %add3A_912 = arith.addi %mul3A_2, %add3A_911 : i32
      %dma_start3A_913 = arith.constant 0 : i32
      %dma_start3A_914 = arith.constant 0 : i32
      %dma_start3A_915 = tpu.memref_slice %arg5[%arg1, %dma_start3A_913, %dma_start3A_914] : memref<15x16x4096xf32, #tpu.memory_space<vmem_shared>> -> memref<1x16x4096xf32, #tpu.memory_space<vmem_shared>>
      %dma_start3A_916 = tpu.memref_squeeze %dma_start3A_915 : memref<1x16x4096xf32, #tpu.memory_space<vmem_shared>> -> memref<16x4096xf32, #tpu.memory_space<vmem_shared>>
      %dma_start3A_917 = arith.constant 0 : i32
      %dma_start3A_918 = tpu.memref_slice %arg2[%add3A_912, %dma_start3A_917] : memref<16384x4096xf32, #tpu.memory_space<hbm>> -> memref<16x4096xf32, #tpu.memory_space<hbm>>
      tpu.enqueue_dma source(%dma_start3A_918 : memref<16x4096xf32, #tpu.memory_space<hbm>>) target(%dma_start3A_916 : memref<16x4096xf32, #tpu.memory_space<vmem_shared>>) target_semaphore(%arg7 : memref<!tpu.dma_semaphore, #tpu.memory_space<semaphore_mem>>)
      %add3A_919 = arith.constant 448 : i32
      %add3A_920 = arith.addi %mul3A_2, %add3A_919 : i32
      %dma_wait3A_921 = arith.constant 0 : i32
      %dma_wait3A_922 = arith.constant 0 : i32
      %dma_wait3A_923 = tpu.memref_slice %arg4[%arg1, %dma_wait3A_921, %dma_wait3A_922] : memref<16x16x4096xf32, #tpu.memory_space<vmem_shared>> -> memref<1x16x4096xf32, #tpu.memory_space<vmem_shared>>
      %dma_wait3A_924 = tpu.memref_squeeze %dma_wait3A_923 : memref<1x16x4096xf32, #tpu.memory_space<vmem_shared>> -> memref<16x4096xf32, #tpu.memory_space<vmem_shared>>
      %dma_wait3A_925 = arith.constant 0 : i32
      %dma_wait3A_926 = tpu.memref_slice %arg2[%add3A_920, %dma_wait3A_925] : memref<16384x4096xf32, #tpu.memory_space<hbm>> -> memref<16x4096xf32, #tpu.memory_space<hbm>>
      tpu.wait_dma2 semaphore(%arg6 : memref<!tpu.dma_semaphore, #tpu.memory_space<semaphore_mem>>) src(%dma_wait3A_926 : memref<16x4096xf32, #tpu.memory_space<hbm>>) dst(%dma_wait3A_924 : memref<16x4096xf32, #tpu.memory_space<vmem_shared>>)
      %add3A_927 = arith.constant 448 : i32
      %add3A_928 = arith.addi %mul3A_2, %add3A_927 : i32
      %dma_start3A_929 = arith.constant 0 : i32
      %dma_start3A_930 = tpu.memref_slice %arg3[%add3A_928, %dma_start3A_929] : memref<16384x4096xf32, #tpu.memory_space<hbm>> -> memref<16x4096xf32, #tpu.memory_space<hbm>>
      %dma_start3A_931 = arith.constant 0 : i32
      %dma_start3A_932 = arith.constant 0 : i32
      %dma_start3A_933 = tpu.memref_slice %arg4[%arg1, %dma_start3A_931, %dma_start3A_932] : memref<16x16x4096xf32, #tpu.memory_space<vmem_shared>> -> memref<1x16x4096xf32, #tpu.memory_space<vmem_shared>>
      %dma_start3A_934 = tpu.memref_squeeze %dma_start3A_933 : memref<1x16x4096xf32, #tpu.memory_space<vmem_shared>> -> memref<16x4096xf32, #tpu.memory_space<vmem_shared>>
      tpu.enqueue_dma source(%dma_start3A_934 : memref<16x4096xf32, #tpu.memory_space<vmem_shared>>) target(%dma_start3A_930 : memref<16x4096xf32, #tpu.memory_space<hbm>>) target_semaphore(%arg8 : memref<!tpu.dma_semaphore, #tpu.memory_space<semaphore_mem>>)
      %add3A_935 = arith.constant 448 : i32
      %add3A_936 = arith.addi %mul3A_2, %add3A_935 : i32
      %dma_wait3A_937 = arith.constant 0 : i32
      %dma_wait3A_938 = tpu.memref_slice %arg3[%add3A_936, %dma_wait3A_937] : memref<16384x4096xf32, #tpu.memory_space<hbm>> -> memref<16x4096xf32, #tpu.memory_space<hbm>>
      %dma_wait3A_939 = arith.constant 0 : i32
      %dma_wait3A_940 = arith.constant 0 : i32
      %dma_wait3A_941 = tpu.memref_slice %arg4[%arg1, %dma_wait3A_939, %dma_wait3A_940] : memref<16x16x4096xf32, #tpu.memory_space<vmem_shared>> -> memref<1x16x4096xf32, #tpu.memory_space<vmem_shared>>
      %dma_wait3A_942 = tpu.memref_squeeze %dma_wait3A_941 : memref<1x16x4096xf32, #tpu.memory_space<vmem_shared>> -> memref<16x4096xf32, #tpu.memory_space<vmem_shared>>
      tpu.wait_dma2 semaphore(%arg8 : memref<!tpu.dma_semaphore, #tpu.memory_space<semaphore_mem>>) src(%dma_wait3A_942 : memref<16x4096xf32, #tpu.memory_space<vmem_shared>>) dst(%dma_wait3A_938 : memref<16x4096xf32, #tpu.memory_space<hbm>>)
      %add3A_943 = arith.constant 480 : i32
      %add3A_944 = arith.addi %mul3A_2, %add3A_943 : i32
      %dma_start3A_945 = arith.constant 0 : i32
      %dma_start3A_946 = arith.constant 0 : i32
      %dma_start3A_947 = tpu.memref_slice %arg4[%arg1, %dma_start3A_945, %dma_start3A_946] : memref<16x16x4096xf32, #tpu.memory_space<vmem_shared>> -> memref<1x16x4096xf32, #tpu.memory_space<vmem_shared>>
      %dma_start3A_948 = tpu.memref_squeeze %dma_start3A_947 : memref<1x16x4096xf32, #tpu.memory_space<vmem_shared>> -> memref<16x4096xf32, #tpu.memory_space<vmem_shared>>
      %dma_start3A_949 = arith.constant 0 : i32
      %dma_start3A_950 = tpu.memref_slice %arg2[%add3A_944, %dma_start3A_949] : memref<16384x4096xf32, #tpu.memory_space<hbm>> -> memref<16x4096xf32, #tpu.memory_space<hbm>>
      tpu.enqueue_dma source(%dma_start3A_950 : memref<16x4096xf32, #tpu.memory_space<hbm>>) target(%dma_start3A_948 : memref<16x4096xf32, #tpu.memory_space<vmem_shared>>) target_semaphore(%arg6 : memref<!tpu.dma_semaphore, #tpu.memory_space<semaphore_mem>>)
      %add3A_951 = arith.constant 464 : i32
      %add3A_952 = arith.addi %mul3A_2, %add3A_951 : i32
      %dma_wait3A_953 = arith.constant 0 : i32
      %dma_wait3A_954 = arith.constant 0 : i32
      %dma_wait3A_955 = tpu.memref_slice %arg5[%arg1, %dma_wait3A_953, %dma_wait3A_954] : memref<15x16x4096xf32, #tpu.memory_space<vmem_shared>> -> memref<1x16x4096xf32, #tpu.memory_space<vmem_shared>>
      %dma_wait3A_956 = tpu.memref_squeeze %dma_wait3A_955 : memref<1x16x4096xf32, #tpu.memory_space<vmem_shared>> -> memref<16x4096xf32, #tpu.memory_space<vmem_shared>>
      %dma_wait3A_957 = arith.constant 0 : i32
      %dma_wait3A_958 = tpu.memref_slice %arg2[%add3A_952, %dma_wait3A_957] : memref<16384x4096xf32, #tpu.memory_space<hbm>> -> memref<16x4096xf32, #tpu.memory_space<hbm>>
      tpu.wait_dma2 semaphore(%arg7 : memref<!tpu.dma_semaphore, #tpu.memory_space<semaphore_mem>>) src(%dma_wait3A_958 : memref<16x4096xf32, #tpu.memory_space<hbm>>) dst(%dma_wait3A_956 : memref<16x4096xf32, #tpu.memory_space<vmem_shared>>)
      %add3A_959 = arith.constant 464 : i32
      %add3A_960 = arith.addi %mul3A_2, %add3A_959 : i32
      %dma_start3A_961 = arith.constant 0 : i32
      %dma_start3A_962 = tpu.memref_slice %arg3[%add3A_960, %dma_start3A_961] : memref<16384x4096xf32, #tpu.memory_space<hbm>> -> memref<16x4096xf32, #tpu.memory_space<hbm>>
      %dma_start3A_963 = arith.constant 0 : i32
      %dma_start3A_964 = arith.constant 0 : i32
      %dma_start3A_965 = tpu.memref_slice %arg5[%arg1, %dma_start3A_963, %dma_start3A_964] : memref<15x16x4096xf32, #tpu.memory_space<vmem_shared>> -> memref<1x16x4096xf32, #tpu.memory_space<vmem_shared>>
      %dma_start3A_966 = tpu.memref_squeeze %dma_start3A_965 : memref<1x16x4096xf32, #tpu.memory_space<vmem_shared>> -> memref<16x4096xf32, #tpu.memory_space<vmem_shared>>
      tpu.enqueue_dma source(%dma_start3A_966 : memref<16x4096xf32, #tpu.memory_space<vmem_shared>>) target(%dma_start3A_962 : memref<16x4096xf32, #tpu.memory_space<hbm>>) target_semaphore(%arg9 : memref<!tpu.dma_semaphore, #tpu.memory_space<semaphore_mem>>)
      %add3A_967 = arith.constant 464 : i32
      %add3A_968 = arith.addi %mul3A_2, %add3A_967 : i32
      %dma_wait3A_969 = arith.constant 0 : i32
      %dma_wait3A_970 = tpu.memref_slice %arg3[%add3A_968, %dma_wait3A_969] : memref<16384x4096xf32, #tpu.memory_space<hbm>> -> memref<16x4096xf32, #tpu.memory_space<hbm>>
      %dma_wait3A_971 = arith.constant 0 : i32
      %dma_wait3A_972 = arith.constant 0 : i32
      %dma_wait3A_973 = tpu.memref_slice %arg5[%arg1, %dma_wait3A_971, %dma_wait3A_972] : memref<15x16x4096xf32, #tpu.memory_space<vmem_shared>> -> memref<1x16x4096xf32, #tpu.memory_space<vmem_shared>>
      %dma_wait3A_974 = tpu.memref_squeeze %dma_wait3A_973 : memref<1x16x4096xf32, #tpu.memory_space<vmem_shared>> -> memref<16x4096xf32, #tpu.memory_space<vmem_shared>>
      tpu.wait_dma2 semaphore(%arg9 : memref<!tpu.dma_semaphore, #tpu.memory_space<semaphore_mem>>) src(%dma_wait3A_974 : memref<16x4096xf32, #tpu.memory_space<vmem_shared>>) dst(%dma_wait3A_970 : memref<16x4096xf32, #tpu.memory_space<hbm>>)
      %add3A_975 = arith.constant 496 : i32
      %add3A_976 = arith.addi %mul3A_2, %add3A_975 : i32
      %dma_start3A_977 = arith.constant 0 : i32
      %dma_start3A_978 = arith.constant 0 : i32
      %dma_start3A_979 = tpu.memref_slice %arg5[%arg1, %dma_start3A_977, %dma_start3A_978] : memref<15x16x4096xf32, #tpu.memory_space<vmem_shared>> -> memref<1x16x4096xf32, #tpu.memory_space<vmem_shared>>
      %dma_start3A_980 = tpu.memref_squeeze %dma_start3A_979 : memref<1x16x4096xf32, #tpu.memory_space<vmem_shared>> -> memref<16x4096xf32, #tpu.memory_space<vmem_shared>>
      %dma_start3A_981 = arith.constant 0 : i32
      %dma_start3A_982 = tpu.memref_slice %arg2[%add3A_976, %dma_start3A_981] : memref<16384x4096xf32, #tpu.memory_space<hbm>> -> memref<16x4096xf32, #tpu.memory_space<hbm>>
      tpu.enqueue_dma source(%dma_start3A_982 : memref<16x4096xf32, #tpu.memory_space<hbm>>) target(%dma_start3A_980 : memref<16x4096xf32, #tpu.memory_space<vmem_shared>>) target_semaphore(%arg7 : memref<!tpu.dma_semaphore, #tpu.memory_space<semaphore_mem>>)
      %add3A_983 = arith.constant 480 : i32
      %add3A_984 = arith.addi %mul3A_2, %add3A_983 : i32
      %dma_wait3A_985 = arith.constant 0 : i32
      %dma_wait3A_986 = arith.constant 0 : i32
      %dma_wait3A_987 = tpu.memref_slice %arg4[%arg1, %dma_wait3A_985, %dma_wait3A_986] : memref<16x16x4096xf32, #tpu.memory_space<vmem_shared>> -> memref<1x16x4096xf32, #tpu.memory_space<vmem_shared>>
      %dma_wait3A_988 = tpu.memref_squeeze %dma_wait3A_987 : memref<1x16x4096xf32, #tpu.memory_space<vmem_shared>> -> memref<16x4096xf32, #tpu.memory_space<vmem_shared>>
      %dma_wait3A_989 = arith.constant 0 : i32
      %dma_wait3A_990 = tpu.memref_slice %arg2[%add3A_984, %dma_wait3A_989] : memref<16384x4096xf32, #tpu.memory_space<hbm>> -> memref<16x4096xf32, #tpu.memory_space<hbm>>
      tpu.wait_dma2 semaphore(%arg6 : memref<!tpu.dma_semaphore, #tpu.memory_space<semaphore_mem>>) src(%dma_wait3A_990 : memref<16x4096xf32, #tpu.memory_space<hbm>>) dst(%dma_wait3A_988 : memref<16x4096xf32, #tpu.memory_space<vmem_shared>>)
      %add3A_991 = arith.constant 480 : i32
      %add3A_992 = arith.addi %mul3A_2, %add3A_991 : i32
      %dma_start3A_993 = arith.constant 0 : i32
      %dma_start3A_994 = tpu.memref_slice %arg3[%add3A_992, %dma_start3A_993] : memref<16384x4096xf32, #tpu.memory_space<hbm>> -> memref<16x4096xf32, #tpu.memory_space<hbm>>
      %dma_start3A_995 = arith.constant 0 : i32
      %dma_start3A_996 = arith.constant 0 : i32
      %dma_start3A_997 = tpu.memref_slice %arg4[%arg1, %dma_start3A_995, %dma_start3A_996] : memref<16x16x4096xf32, #tpu.memory_space<vmem_shared>> -> memref<1x16x4096xf32, #tpu.memory_space<vmem_shared>>
      %dma_start3A_998 = tpu.memref_squeeze %dma_start3A_997 : memref<1x16x4096xf32, #tpu.memory_space<vmem_shared>> -> memref<16x4096xf32, #tpu.memory_space<vmem_shared>>
      tpu.enqueue_dma source(%dma_start3A_998 : memref<16x4096xf32, #tpu.memory_space<vmem_shared>>) target(%dma_start3A_994 : memref<16x4096xf32, #tpu.memory_space<hbm>>) target_semaphore(%arg8 : memref<!tpu.dma_semaphore, #tpu.memory_space<semaphore_mem>>)
      %add3A_999 = arith.constant 496 : i32
      %add3A_1000 = arith.addi %mul3A_2, %add3A_999 : i32
      %dma_wait3A_1001 = arith.constant 0 : i32
      %dma_wait3A_1002 = arith.constant 0 : i32
      %dma_wait3A_1003 = tpu.memref_slice %arg5[%arg1, %dma_wait3A_1001, %dma_wait3A_1002] : memref<15x16x4096xf32, #tpu.memory_space<vmem_shared>> -> memref<1x16x4096xf32, #tpu.memory_space<vmem_shared>>
      %dma_wait3A_1004 = tpu.memref_squeeze %dma_wait3A_1003 : memref<1x16x4096xf32, #tpu.memory_space<vmem_shared>> -> memref<16x4096xf32, #tpu.memory_space<vmem_shared>>
      %dma_wait3A_1005 = arith.constant 0 : i32
      %dma_wait3A_1006 = tpu.memref_slice %arg2[%add3A_1000, %dma_wait3A_1005] : memref<16384x4096xf32, #tpu.memory_space<hbm>> -> memref<16x4096xf32, #tpu.memory_space<hbm>>
      tpu.wait_dma2 semaphore(%arg7 : memref<!tpu.dma_semaphore, #tpu.memory_space<semaphore_mem>>) src(%dma_wait3A_1006 : memref<16x4096xf32, #tpu.memory_space<hbm>>) dst(%dma_wait3A_1004 : memref<16x4096xf32, #tpu.memory_space<vmem_shared>>)
      %add3A_1007 = arith.constant 496 : i32
      %add3A_1008 = arith.addi %mul3A_2, %add3A_1007 : i32
      %dma_start3A_1009 = arith.constant 0 : i32
      %dma_start3A_1010 = tpu.memref_slice %arg3[%add3A_1008, %dma_start3A_1009] : memref<16384x4096xf32, #tpu.memory_space<hbm>> -> memref<16x4096xf32, #tpu.memory_space<hbm>>
      %dma_start3A_1011 = arith.constant 0 : i32
      %dma_start3A_1012 = arith.constant 0 : i32
      %dma_start3A_1013 = tpu.memref_slice %arg5[%arg1, %dma_start3A_1011, %dma_start3A_1012] : memref<15x16x4096xf32, #tpu.memory_space<vmem_shared>> -> memref<1x16x4096xf32, #tpu.memory_space<vmem_shared>>
      %dma_start3A_1014 = tpu.memref_squeeze %dma_start3A_1013 : memref<1x16x4096xf32, #tpu.memory_space<vmem_shared>> -> memref<16x4096xf32, #tpu.memory_space<vmem_shared>>
      tpu.enqueue_dma source(%dma_start3A_1014 : memref<16x4096xf32, #tpu.memory_space<vmem_shared>>) target(%dma_start3A_1010 : memref<16x4096xf32, #tpu.memory_space<hbm>>) target_semaphore(%arg9 : memref<!tpu.dma_semaphore, #tpu.memory_space<semaphore_mem>>)
      %add3A_1015 = arith.constant 480 : i32
      %add3A_1016 = arith.addi %mul3A_2, %add3A_1015 : i32
      %dma_wait3A_1017 = arith.constant 0 : i32
      %dma_wait3A_1018 = tpu.memref_slice %arg3[%add3A_1016, %dma_wait3A_1017] : memref<16384x4096xf32, #tpu.memory_space<hbm>> -> memref<16x4096xf32, #tpu.memory_space<hbm>>
      %dma_wait3A_1019 = arith.constant 0 : i32
      %dma_wait3A_1020 = arith.constant 0 : i32
      %dma_wait3A_1021 = tpu.memref_slice %arg4[%arg1, %dma_wait3A_1019, %dma_wait3A_1020] : memref<16x16x4096xf32, #tpu.memory_space<vmem_shared>> -> memref<1x16x4096xf32, #tpu.memory_space<vmem_shared>>
      %dma_wait3A_1022 = tpu.memref_squeeze %dma_wait3A_1021 : memref<1x16x4096xf32, #tpu.memory_space<vmem_shared>> -> memref<16x4096xf32, #tpu.memory_space<vmem_shared>>
      tpu.wait_dma2 semaphore(%arg8 : memref<!tpu.dma_semaphore, #tpu.memory_space<semaphore_mem>>) src(%dma_wait3A_1022 : memref<16x4096xf32, #tpu.memory_space<vmem_shared>>) dst(%dma_wait3A_1018 : memref<16x4096xf32, #tpu.memory_space<hbm>>)
      %add3A_1023 = arith.constant 496 : i32
      %add3A_1024 = arith.addi %mul3A_2, %add3A_1023 : i32
      %dma_wait3A_1025 = arith.constant 0 : i32
      %dma_wait3A_1026 = tpu.memref_slice %arg3[%add3A_1024, %dma_wait3A_1025] : memref<16384x4096xf32, #tpu.memory_space<hbm>> -> memref<16x4096xf32, #tpu.memory_space<hbm>>
      %dma_wait3A_1027 = arith.constant 0 : i32
      %dma_wait3A_1028 = arith.constant 0 : i32
      %dma_wait3A_1029 = tpu.memref_slice %arg5[%arg1, %dma_wait3A_1027, %dma_wait3A_1028] : memref<15x16x4096xf32, #tpu.memory_space<vmem_shared>> -> memref<1x16x4096xf32, #tpu.memory_space<vmem_shared>>
      %dma_wait3A_1030 = tpu.memref_squeeze %dma_wait3A_1029 : memref<1x16x4096xf32, #tpu.memory_space<vmem_shared>> -> memref<16x4096xf32, #tpu.memory_space<vmem_shared>>
      tpu.wait_dma2 semaphore(%arg9 : memref<!tpu.dma_semaphore, #tpu.memory_space<semaphore_mem>>) src(%dma_wait3A_1030 : memref<16x4096xf32, #tpu.memory_space<vmem_shared>>) dst(%dma_wait3A_1026 : memref<16x4096xf32, #tpu.memory_space<hbm>>)
    } else {
    }
    %eq3A = arith.constant 15 : i32
    %eq3A_5 = arith.cmpi eq, %arg1, %eq3A : i32
    %convert_element_type3A_6 = arith.extui %eq3A_5 : i1 to i32
    %cond3A_7 = arith.constant 0 : i32
    %cond3A_8 = arith.cmpi ne, %convert_element_type3A_6, %cond3A_7 : i32
    scf.if %cond3A_8 {
      %add3A_9 = arith.constant 0 : i32
      %add3A_10 = arith.addi %mul3A_2, %add3A_9 : i32
      %dma_start3A = arith.constant 15 : i32
      %dma_start3A_11 = arith.constant 0 : i32
      %dma_start3A_12 = arith.constant 0 : i32
      %dma_start3A_13 = tpu.memref_slice %arg4[%dma_start3A, %dma_start3A_11, %dma_start3A_12] : memref<16x16x4096xf32, #tpu.memory_space<vmem_shared>> -> memref<1x8x4096xf32, #tpu.memory_space<vmem_shared>>
      %dma_start3A_14 = tpu.memref_squeeze %dma_start3A_13 : memref<1x8x4096xf32, #tpu.memory_space<vmem_shared>> -> memref<8x4096xf32, #tpu.memory_space<vmem_shared>>
      %dma_start3A_15 = arith.constant 0 : i32
      %dma_start3A_16 = tpu.memref_slice %arg2[%add3A_10, %dma_start3A_15] : memref<16384x4096xf32, #tpu.memory_space<hbm>> -> memref<8x4096xf32, #tpu.memory_space<hbm>>
      tpu.enqueue_dma source(%dma_start3A_16 : memref<8x4096xf32, #tpu.memory_space<hbm>>) target(%dma_start3A_14 : memref<8x4096xf32, #tpu.memory_space<vmem_shared>>) target_semaphore(%arg6 : memref<!tpu.dma_semaphore, #tpu.memory_space<semaphore_mem>>)
      %add3A_17 = arith.constant 8 : i32
      %add3A_18 = arith.addi %mul3A_2, %add3A_17 : i32
      %dma_start3A_19 = arith.constant 15 : i32
      %dma_start3A_20 = arith.constant 8 : i32
      %dma_start3A_21 = arith.constant 0 : i32
      %dma_start3A_22 = tpu.memref_slice %arg4[%dma_start3A_19, %dma_start3A_20, %dma_start3A_21] : memref<16x16x4096xf32, #tpu.memory_space<vmem_shared>> -> memref<1x8x4096xf32, #tpu.memory_space<vmem_shared>>
      %dma_start3A_23 = tpu.memref_squeeze %dma_start3A_22 : memref<1x8x4096xf32, #tpu.memory_space<vmem_shared>> -> memref<8x4096xf32, #tpu.memory_space<vmem_shared>>
      %dma_start3A_24 = arith.constant 0 : i32
      %dma_start3A_25 = tpu.memref_slice %arg2[%add3A_18, %dma_start3A_24] : memref<16384x4096xf32, #tpu.memory_space<hbm>> -> memref<8x4096xf32, #tpu.memory_space<hbm>>
      tpu.enqueue_dma source(%dma_start3A_25 : memref<8x4096xf32, #tpu.memory_space<hbm>>) target(%dma_start3A_23 : memref<8x4096xf32, #tpu.memory_space<vmem_shared>>) target_semaphore(%arg7 : memref<!tpu.dma_semaphore, #tpu.memory_space<semaphore_mem>>)
      %add3A_26 = arith.constant 0 : i32
      %add3A_27 = arith.addi %mul3A_2, %add3A_26 : i32
      %dma_wait3A = arith.constant 15 : i32
      %dma_wait3A_28 = arith.constant 0 : i32
      %dma_wait3A_29 = arith.constant 0 : i32
      %dma_wait3A_30 = tpu.memref_slice %arg4[%dma_wait3A, %dma_wait3A_28, %dma_wait3A_29] : memref<16x16x4096xf32, #tpu.memory_space<vmem_shared>> -> memref<1x8x4096xf32, #tpu.memory_space<vmem_shared>>
      %dma_wait3A_31 = tpu.memref_squeeze %dma_wait3A_30 : memref<1x8x4096xf32, #tpu.memory_space<vmem_shared>> -> memref<8x4096xf32, #tpu.memory_space<vmem_shared>>
      %dma_wait3A_32 = arith.constant 0 : i32
      %dma_wait3A_33 = tpu.memref_slice %arg2[%add3A_27, %dma_wait3A_32] : memref<16384x4096xf32, #tpu.memory_space<hbm>> -> memref<8x4096xf32, #tpu.memory_space<hbm>>
      tpu.wait_dma2 semaphore(%arg6 : memref<!tpu.dma_semaphore, #tpu.memory_space<semaphore_mem>>) src(%dma_wait3A_33 : memref<8x4096xf32, #tpu.memory_space<hbm>>) dst(%dma_wait3A_31 : memref<8x4096xf32, #tpu.memory_space<vmem_shared>>)
      %add3A_34 = arith.constant 0 : i32
      %add3A_35 = arith.addi %mul3A_2, %add3A_34 : i32
      %dma_start3A_36 = arith.constant 15 : i32
      %dma_start3A_37 = arith.constant 0 : i32
      %dma_start3A_38 = tpu.memref_slice %arg3[%add3A_35, %dma_start3A_37] : memref<16384x4096xf32, #tpu.memory_space<hbm>> -> memref<8x4096xf32, #tpu.memory_space<hbm>>
      %dma_start3A_39 = arith.constant 0 : i32
      %dma_start3A_40 = arith.constant 0 : i32
      %dma_start3A_41 = tpu.memref_slice %arg4[%dma_start3A_36, %dma_start3A_39, %dma_start3A_40] : memref<16x16x4096xf32, #tpu.memory_space<vmem_shared>> -> memref<1x8x4096xf32, #tpu.memory_space<vmem_shared>>
      %dma_start3A_42 = tpu.memref_squeeze %dma_start3A_41 : memref<1x8x4096xf32, #tpu.memory_space<vmem_shared>> -> memref<8x4096xf32, #tpu.memory_space<vmem_shared>>
      tpu.enqueue_dma source(%dma_start3A_42 : memref<8x4096xf32, #tpu.memory_space<vmem_shared>>) target(%dma_start3A_38 : memref<8x4096xf32, #tpu.memory_space<hbm>>) target_semaphore(%arg8 : memref<!tpu.dma_semaphore, #tpu.memory_space<semaphore_mem>>)
      %add3A_43 = arith.constant 0 : i32
      %add3A_44 = arith.addi %mul3A_2, %add3A_43 : i32
      %dma_wait3A_45 = arith.constant 15 : i32
      %dma_wait3A_46 = arith.constant 0 : i32
      %dma_wait3A_47 = tpu.memref_slice %arg3[%add3A_44, %dma_wait3A_46] : memref<16384x4096xf32, #tpu.memory_space<hbm>> -> memref<8x4096xf32, #tpu.memory_space<hbm>>
      %dma_wait3A_48 = arith.constant 0 : i32
      %dma_wait3A_49 = arith.constant 0 : i32
      %dma_wait3A_50 = tpu.memref_slice %arg4[%dma_wait3A_45, %dma_wait3A_48, %dma_wait3A_49] : memref<16x16x4096xf32, #tpu.memory_space<vmem_shared>> -> memref<1x8x4096xf32, #tpu.memory_space<vmem_shared>>
      %dma_wait3A_51 = tpu.memref_squeeze %dma_wait3A_50 : memref<1x8x4096xf32, #tpu.memory_space<vmem_shared>> -> memref<8x4096xf32, #tpu.memory_space<vmem_shared>>
      tpu.wait_dma2 semaphore(%arg8 : memref<!tpu.dma_semaphore, #tpu.memory_space<semaphore_mem>>) src(%dma_wait3A_51 : memref<8x4096xf32, #tpu.memory_space<vmem_shared>>) dst(%dma_wait3A_47 : memref<8x4096xf32, #tpu.memory_space<hbm>>)
      %add3A_52 = arith.constant 16 : i32
      %add3A_53 = arith.addi %mul3A_2, %add3A_52 : i32
      %dma_start3A_54 = arith.constant 15 : i32
      %dma_start3A_55 = arith.constant 0 : i32
      %dma_start3A_56 = arith.constant 0 : i32
      %dma_start3A_57 = tpu.memref_slice %arg4[%dma_start3A_54, %dma_start3A_55, %dma_start3A_56] : memref<16x16x4096xf32, #tpu.memory_space<vmem_shared>> -> memref<1x8x4096xf32, #tpu.memory_space<vmem_shared>>
      %dma_start3A_58 = tpu.memref_squeeze %dma_start3A_57 : memref<1x8x4096xf32, #tpu.memory_space<vmem_shared>> -> memref<8x4096xf32, #tpu.memory_space<vmem_shared>>
      %dma_start3A_59 = arith.constant 0 : i32
      %dma_start3A_60 = tpu.memref_slice %arg2[%add3A_53, %dma_start3A_59] : memref<16384x4096xf32, #tpu.memory_space<hbm>> -> memref<8x4096xf32, #tpu.memory_space<hbm>>
      tpu.enqueue_dma source(%dma_start3A_60 : memref<8x4096xf32, #tpu.memory_space<hbm>>) target(%dma_start3A_58 : memref<8x4096xf32, #tpu.memory_space<vmem_shared>>) target_semaphore(%arg6 : memref<!tpu.dma_semaphore, #tpu.memory_space<semaphore_mem>>)
      %add3A_61 = arith.constant 8 : i32
      %add3A_62 = arith.addi %mul3A_2, %add3A_61 : i32
      %dma_wait3A_63 = arith.constant 15 : i32
      %dma_wait3A_64 = arith.constant 8 : i32
      %dma_wait3A_65 = arith.constant 0 : i32
      %dma_wait3A_66 = tpu.memref_slice %arg4[%dma_wait3A_63, %dma_wait3A_64, %dma_wait3A_65] : memref<16x16x4096xf32, #tpu.memory_space<vmem_shared>> -> memref<1x8x4096xf32, #tpu.memory_space<vmem_shared>>
      %dma_wait3A_67 = tpu.memref_squeeze %dma_wait3A_66 : memref<1x8x4096xf32, #tpu.memory_space<vmem_shared>> -> memref<8x4096xf32, #tpu.memory_space<vmem_shared>>
      %dma_wait3A_68 = arith.constant 0 : i32
      %dma_wait3A_69 = tpu.memref_slice %arg2[%add3A_62, %dma_wait3A_68] : memref<16384x4096xf32, #tpu.memory_space<hbm>> -> memref<8x4096xf32, #tpu.memory_space<hbm>>
      tpu.wait_dma2 semaphore(%arg7 : memref<!tpu.dma_semaphore, #tpu.memory_space<semaphore_mem>>) src(%dma_wait3A_69 : memref<8x4096xf32, #tpu.memory_space<hbm>>) dst(%dma_wait3A_67 : memref<8x4096xf32, #tpu.memory_space<vmem_shared>>)
      %add3A_70 = arith.constant 8 : i32
      %add3A_71 = arith.addi %mul3A_2, %add3A_70 : i32
      %dma_start3A_72 = arith.constant 15 : i32
      %dma_start3A_73 = arith.constant 0 : i32
      %dma_start3A_74 = tpu.memref_slice %arg3[%add3A_71, %dma_start3A_73] : memref<16384x4096xf32, #tpu.memory_space<hbm>> -> memref<8x4096xf32, #tpu.memory_space<hbm>>
      %dma_start3A_75 = arith.constant 8 : i32
      %dma_start3A_76 = arith.constant 0 : i32
      %dma_start3A_77 = tpu.memref_slice %arg4[%dma_start3A_72, %dma_start3A_75, %dma_start3A_76] : memref<16x16x4096xf32, #tpu.memory_space<vmem_shared>> -> memref<1x8x4096xf32, #tpu.memory_space<vmem_shared>>
      %dma_start3A_78 = tpu.memref_squeeze %dma_start3A_77 : memref<1x8x4096xf32, #tpu.memory_space<vmem_shared>> -> memref<8x4096xf32, #tpu.memory_space<vmem_shared>>
      tpu.enqueue_dma source(%dma_start3A_78 : memref<8x4096xf32, #tpu.memory_space<vmem_shared>>) target(%dma_start3A_74 : memref<8x4096xf32, #tpu.memory_space<hbm>>) target_semaphore(%arg9 : memref<!tpu.dma_semaphore, #tpu.memory_space<semaphore_mem>>)
      %add3A_79 = arith.constant 8 : i32
      %add3A_80 = arith.addi %mul3A_2, %add3A_79 : i32
      %dma_wait3A_81 = arith.constant 15 : i32
      %dma_wait3A_82 = arith.constant 0 : i32
      %dma_wait3A_83 = tpu.memref_slice %arg3[%add3A_80, %dma_wait3A_82] : memref<16384x4096xf32, #tpu.memory_space<hbm>> -> memref<8x4096xf32, #tpu.memory_space<hbm>>
      %dma_wait3A_84 = arith.constant 8 : i32
      %dma_wait3A_85 = arith.constant 0 : i32
      %dma_wait3A_86 = tpu.memref_slice %arg4[%dma_wait3A_81, %dma_wait3A_84, %dma_wait3A_85] : memref<16x16x4096xf32, #tpu.memory_space<vmem_shared>> -> memref<1x8x4096xf32, #tpu.memory_space<vmem_shared>>
      %dma_wait3A_87 = tpu.memref_squeeze %dma_wait3A_86 : memref<1x8x4096xf32, #tpu.memory_space<vmem_shared>> -> memref<8x4096xf32, #tpu.memory_space<vmem_shared>>
      tpu.wait_dma2 semaphore(%arg9 : memref<!tpu.dma_semaphore, #tpu.memory_space<semaphore_mem>>) src(%dma_wait3A_87 : memref<8x4096xf32, #tpu.memory_space<vmem_shared>>) dst(%dma_wait3A_83 : memref<8x4096xf32, #tpu.memory_space<hbm>>)
      %add3A_88 = arith.constant 24 : i32
      %add3A_89 = arith.addi %mul3A_2, %add3A_88 : i32
      %dma_start3A_90 = arith.constant 15 : i32
      %dma_start3A_91 = arith.constant 8 : i32
      %dma_start3A_92 = arith.constant 0 : i32
      %dma_start3A_93 = tpu.memref_slice %arg4[%dma_start3A_90, %dma_start3A_91, %dma_start3A_92] : memref<16x16x4096xf32, #tpu.memory_space<vmem_shared>> -> memref<1x8x4096xf32, #tpu.memory_space<vmem_shared>>
      %dma_start3A_94 = tpu.memref_squeeze %dma_start3A_93 : memref<1x8x4096xf32, #tpu.memory_space<vmem_shared>> -> memref<8x4096xf32, #tpu.memory_space<vmem_shared>>
      %dma_start3A_95 = arith.constant 0 : i32
      %dma_start3A_96 = tpu.memref_slice %arg2[%add3A_89, %dma_start3A_95] : memref<16384x4096xf32, #tpu.memory_space<hbm>> -> memref<8x4096xf32, #tpu.memory_space<hbm>>
      tpu.enqueue_dma source(%dma_start3A_96 : memref<8x4096xf32, #tpu.memory_space<hbm>>) target(%dma_start3A_94 : memref<8x4096xf32, #tpu.memory_space<vmem_shared>>) target_semaphore(%arg7 : memref<!tpu.dma_semaphore, #tpu.memory_space<semaphore_mem>>)
      %add3A_97 = arith.constant 16 : i32
      %add3A_98 = arith.addi %mul3A_2, %add3A_97 : i32
      %dma_wait3A_99 = arith.constant 15 : i32
      %dma_wait3A_100 = arith.constant 0 : i32
      %dma_wait3A_101 = arith.constant 0 : i32
      %dma_wait3A_102 = tpu.memref_slice %arg4[%dma_wait3A_99, %dma_wait3A_100, %dma_wait3A_101] : memref<16x16x4096xf32, #tpu.memory_space<vmem_shared>> -> memref<1x8x4096xf32, #tpu.memory_space<vmem_shared>>
      %dma_wait3A_103 = tpu.memref_squeeze %dma_wait3A_102 : memref<1x8x4096xf32, #tpu.memory_space<vmem_shared>> -> memref<8x4096xf32, #tpu.memory_space<vmem_shared>>
      %dma_wait3A_104 = arith.constant 0 : i32
      %dma_wait3A_105 = tpu.memref_slice %arg2[%add3A_98, %dma_wait3A_104] : memref<16384x4096xf32, #tpu.memory_space<hbm>> -> memref<8x4096xf32, #tpu.memory_space<hbm>>
      tpu.wait_dma2 semaphore(%arg6 : memref<!tpu.dma_semaphore, #tpu.memory_space<semaphore_mem>>) src(%dma_wait3A_105 : memref<8x4096xf32, #tpu.memory_space<hbm>>) dst(%dma_wait3A_103 : memref<8x4096xf32, #tpu.memory_space<vmem_shared>>)
      %add3A_106 = arith.constant 16 : i32
      %add3A_107 = arith.addi %mul3A_2, %add3A_106 : i32
      %dma_start3A_108 = arith.constant 15 : i32
      %dma_start3A_109 = arith.constant 0 : i32
      %dma_start3A_110 = tpu.memref_slice %arg3[%add3A_107, %dma_start3A_109] : memref<16384x4096xf32, #tpu.memory_space<hbm>> -> memref<8x4096xf32, #tpu.memory_space<hbm>>
      %dma_start3A_111 = arith.constant 0 : i32
      %dma_start3A_112 = arith.constant 0 : i32
      %dma_start3A_113 = tpu.memref_slice %arg4[%dma_start3A_108, %dma_start3A_111, %dma_start3A_112] : memref<16x16x4096xf32, #tpu.memory_space<vmem_shared>> -> memref<1x8x4096xf32, #tpu.memory_space<vmem_shared>>
      %dma_start3A_114 = tpu.memref_squeeze %dma_start3A_113 : memref<1x8x4096xf32, #tpu.memory_space<vmem_shared>> -> memref<8x4096xf32, #tpu.memory_space<vmem_shared>>
      tpu.enqueue_dma source(%dma_start3A_114 : memref<8x4096xf32, #tpu.memory_space<vmem_shared>>) target(%dma_start3A_110 : memref<8x4096xf32, #tpu.memory_space<hbm>>) target_semaphore(%arg8 : memref<!tpu.dma_semaphore, #tpu.memory_space<semaphore_mem>>)
      %add3A_115 = arith.constant 16 : i32
      %add3A_116 = arith.addi %mul3A_2, %add3A_115 : i32
      %dma_wait3A_117 = arith.constant 15 : i32
      %dma_wait3A_118 = arith.constant 0 : i32
      %dma_wait3A_119 = tpu.memref_slice %arg3[%add3A_116, %dma_wait3A_118] : memref<16384x4096xf32, #tpu.memory_space<hbm>> -> memref<8x4096xf32, #tpu.memory_space<hbm>>
      %dma_wait3A_120 = arith.constant 0 : i32
      %dma_wait3A_121 = arith.constant 0 : i32
      %dma_wait3A_122 = tpu.memref_slice %arg4[%dma_wait3A_117, %dma_wait3A_120, %dma_wait3A_121] : memref<16x16x4096xf32, #tpu.memory_space<vmem_shared>> -> memref<1x8x4096xf32, #tpu.memory_space<vmem_shared>>
      %dma_wait3A_123 = tpu.memref_squeeze %dma_wait3A_122 : memref<1x8x4096xf32, #tpu.memory_space<vmem_shared>> -> memref<8x4096xf32, #tpu.memory_space<vmem_shared>>
      tpu.wait_dma2 semaphore(%arg8 : memref<!tpu.dma_semaphore, #tpu.memory_space<semaphore_mem>>) src(%dma_wait3A_123 : memref<8x4096xf32, #tpu.memory_space<vmem_shared>>) dst(%dma_wait3A_119 : memref<8x4096xf32, #tpu.memory_space<hbm>>)
      %add3A_124 = arith.constant 32 : i32
      %add3A_125 = arith.addi %mul3A_2, %add3A_124 : i32
      %dma_start3A_126 = arith.constant 15 : i32
      %dma_start3A_127 = arith.constant 0 : i32
      %dma_start3A_128 = arith.constant 0 : i32
      %dma_start3A_129 = tpu.memref_slice %arg4[%dma_start3A_126, %dma_start3A_127, %dma_start3A_128] : memref<16x16x4096xf32, #tpu.memory_space<vmem_shared>> -> memref<1x8x4096xf32, #tpu.memory_space<vmem_shared>>
      %dma_start3A_130 = tpu.memref_squeeze %dma_start3A_129 : memref<1x8x4096xf32, #tpu.memory_space<vmem_shared>> -> memref<8x4096xf32, #tpu.memory_space<vmem_shared>>
      %dma_start3A_131 = arith.constant 0 : i32
      %dma_start3A_132 = tpu.memref_slice %arg2[%add3A_125, %dma_start3A_131] : memref<16384x4096xf32, #tpu.memory_space<hbm>> -> memref<8x4096xf32, #tpu.memory_space<hbm>>
      tpu.enqueue_dma source(%dma_start3A_132 : memref<8x4096xf32, #tpu.memory_space<hbm>>) target(%dma_start3A_130 : memref<8x4096xf32, #tpu.memory_space<vmem_shared>>) target_semaphore(%arg6 : memref<!tpu.dma_semaphore, #tpu.memory_space<semaphore_mem>>)
      %add3A_133 = arith.constant 24 : i32
      %add3A_134 = arith.addi %mul3A_2, %add3A_133 : i32
      %dma_wait3A_135 = arith.constant 15 : i32
      %dma_wait3A_136 = arith.constant 8 : i32
      %dma_wait3A_137 = arith.constant 0 : i32
      %dma_wait3A_138 = tpu.memref_slice %arg4[%dma_wait3A_135, %dma_wait3A_136, %dma_wait3A_137] : memref<16x16x4096xf32, #tpu.memory_space<vmem_shared>> -> memref<1x8x4096xf32, #tpu.memory_space<vmem_shared>>
      %dma_wait3A_139 = tpu.memref_squeeze %dma_wait3A_138 : memref<1x8x4096xf32, #tpu.memory_space<vmem_shared>> -> memref<8x4096xf32, #tpu.memory_space<vmem_shared>>
      %dma_wait3A_140 = arith.constant 0 : i32
      %dma_wait3A_141 = tpu.memref_slice %arg2[%add3A_134, %dma_wait3A_140] : memref<16384x4096xf32, #tpu.memory_space<hbm>> -> memref<8x4096xf32, #tpu.memory_space<hbm>>
      tpu.wait_dma2 semaphore(%arg7 : memref<!tpu.dma_semaphore, #tpu.memory_space<semaphore_mem>>) src(%dma_wait3A_141 : memref<8x4096xf32, #tpu.memory_space<hbm>>) dst(%dma_wait3A_139 : memref<8x4096xf32, #tpu.memory_space<vmem_shared>>)
      %add3A_142 = arith.constant 24 : i32
      %add3A_143 = arith.addi %mul3A_2, %add3A_142 : i32
      %dma_start3A_144 = arith.constant 15 : i32
      %dma_start3A_145 = arith.constant 0 : i32
      %dma_start3A_146 = tpu.memref_slice %arg3[%add3A_143, %dma_start3A_145] : memref<16384x4096xf32, #tpu.memory_space<hbm>> -> memref<8x4096xf32, #tpu.memory_space<hbm>>
      %dma_start3A_147 = arith.constant 8 : i32
      %dma_start3A_148 = arith.constant 0 : i32
      %dma_start3A_149 = tpu.memref_slice %arg4[%dma_start3A_144, %dma_start3A_147, %dma_start3A_148] : memref<16x16x4096xf32, #tpu.memory_space<vmem_shared>> -> memref<1x8x4096xf32, #tpu.memory_space<vmem_shared>>
      %dma_start3A_150 = tpu.memref_squeeze %dma_start3A_149 : memref<1x8x4096xf32, #tpu.memory_space<vmem_shared>> -> memref<8x4096xf32, #tpu.memory_space<vmem_shared>>
      tpu.enqueue_dma source(%dma_start3A_150 : memref<8x4096xf32, #tpu.memory_space<vmem_shared>>) target(%dma_start3A_146 : memref<8x4096xf32, #tpu.memory_space<hbm>>) target_semaphore(%arg9 : memref<!tpu.dma_semaphore, #tpu.memory_space<semaphore_mem>>)
      %add3A_151 = arith.constant 24 : i32
      %add3A_152 = arith.addi %mul3A_2, %add3A_151 : i32
      %dma_wait3A_153 = arith.constant 15 : i32
      %dma_wait3A_154 = arith.constant 0 : i32
      %dma_wait3A_155 = tpu.memref_slice %arg3[%add3A_152, %dma_wait3A_154] : memref<16384x4096xf32, #tpu.memory_space<hbm>> -> memref<8x4096xf32, #tpu.memory_space<hbm>>
      %dma_wait3A_156 = arith.constant 8 : i32
      %dma_wait3A_157 = arith.constant 0 : i32
      %dma_wait3A_158 = tpu.memref_slice %arg4[%dma_wait3A_153, %dma_wait3A_156, %dma_wait3A_157] : memref<16x16x4096xf32, #tpu.memory_space<vmem_shared>> -> memref<1x8x4096xf32, #tpu.memory_space<vmem_shared>>
      %dma_wait3A_159 = tpu.memref_squeeze %dma_wait3A_158 : memref<1x8x4096xf32, #tpu.memory_space<vmem_shared>> -> memref<8x4096xf32, #tpu.memory_space<vmem_shared>>
      tpu.wait_dma2 semaphore(%arg9 : memref<!tpu.dma_semaphore, #tpu.memory_space<semaphore_mem>>) src(%dma_wait3A_159 : memref<8x4096xf32, #tpu.memory_space<vmem_shared>>) dst(%dma_wait3A_155 : memref<8x4096xf32, #tpu.memory_space<hbm>>)
      %add3A_160 = arith.constant 40 : i32
      %add3A_161 = arith.addi %mul3A_2, %add3A_160 : i32
      %dma_start3A_162 = arith.constant 15 : i32
      %dma_start3A_163 = arith.constant 8 : i32
      %dma_start3A_164 = arith.constant 0 : i32
      %dma_start3A_165 = tpu.memref_slice %arg4[%dma_start3A_162, %dma_start3A_163, %dma_start3A_164] : memref<16x16x4096xf32, #tpu.memory_space<vmem_shared>> -> memref<1x8x4096xf32, #tpu.memory_space<vmem_shared>>
      %dma_start3A_166 = tpu.memref_squeeze %dma_start3A_165 : memref<1x8x4096xf32, #tpu.memory_space<vmem_shared>> -> memref<8x4096xf32, #tpu.memory_space<vmem_shared>>
      %dma_start3A_167 = arith.constant 0 : i32
      %dma_start3A_168 = tpu.memref_slice %arg2[%add3A_161, %dma_start3A_167] : memref<16384x4096xf32, #tpu.memory_space<hbm>> -> memref<8x4096xf32, #tpu.memory_space<hbm>>
      tpu.enqueue_dma source(%dma_start3A_168 : memref<8x4096xf32, #tpu.memory_space<hbm>>) target(%dma_start3A_166 : memref<8x4096xf32, #tpu.memory_space<vmem_shared>>) target_semaphore(%arg7 : memref<!tpu.dma_semaphore, #tpu.memory_space<semaphore_mem>>)
      %add3A_169 = arith.constant 32 : i32
      %add3A_170 = arith.addi %mul3A_2, %add3A_169 : i32
      %dma_wait3A_171 = arith.constant 15 : i32
      %dma_wait3A_172 = arith.constant 0 : i32
      %dma_wait3A_173 = arith.constant 0 : i32
      %dma_wait3A_174 = tpu.memref_slice %arg4[%dma_wait3A_171, %dma_wait3A_172, %dma_wait3A_173] : memref<16x16x4096xf32, #tpu.memory_space<vmem_shared>> -> memref<1x8x4096xf32, #tpu.memory_space<vmem_shared>>
      %dma_wait3A_175 = tpu.memref_squeeze %dma_wait3A_174 : memref<1x8x4096xf32, #tpu.memory_space<vmem_shared>> -> memref<8x4096xf32, #tpu.memory_space<vmem_shared>>
      %dma_wait3A_176 = arith.constant 0 : i32
      %dma_wait3A_177 = tpu.memref_slice %arg2[%add3A_170, %dma_wait3A_176] : memref<16384x4096xf32, #tpu.memory_space<hbm>> -> memref<8x4096xf32, #tpu.memory_space<hbm>>
      tpu.wait_dma2 semaphore(%arg6 : memref<!tpu.dma_semaphore, #tpu.memory_space<semaphore_mem>>) src(%dma_wait3A_177 : memref<8x4096xf32, #tpu.memory_space<hbm>>) dst(%dma_wait3A_175 : memref<8x4096xf32, #tpu.memory_space<vmem_shared>>)
      %add3A_178 = arith.constant 32 : i32
      %add3A_179 = arith.addi %mul3A_2, %add3A_178 : i32
      %dma_start3A_180 = arith.constant 15 : i32
      %dma_start3A_181 = arith.constant 0 : i32
      %dma_start3A_182 = tpu.memref_slice %arg3[%add3A_179, %dma_start3A_181] : memref<16384x4096xf32, #tpu.memory_space<hbm>> -> memref<8x4096xf32, #tpu.memory_space<hbm>>
      %dma_start3A_183 = arith.constant 0 : i32
      %dma_start3A_184 = arith.constant 0 : i32
      %dma_start3A_185 = tpu.memref_slice %arg4[%dma_start3A_180, %dma_start3A_183, %dma_start3A_184] : memref<16x16x4096xf32, #tpu.memory_space<vmem_shared>> -> memref<1x8x4096xf32, #tpu.memory_space<vmem_shared>>
      %dma_start3A_186 = tpu.memref_squeeze %dma_start3A_185 : memref<1x8x4096xf32, #tpu.memory_space<vmem_shared>> -> memref<8x4096xf32, #tpu.memory_space<vmem_shared>>
      tpu.enqueue_dma source(%dma_start3A_186 : memref<8x4096xf32, #tpu.memory_space<vmem_shared>>) target(%dma_start3A_182 : memref<8x4096xf32, #tpu.memory_space<hbm>>) target_semaphore(%arg8 : memref<!tpu.dma_semaphore, #tpu.memory_space<semaphore_mem>>)
      %add3A_187 = arith.constant 32 : i32
      %add3A_188 = arith.addi %mul3A_2, %add3A_187 : i32
      %dma_wait3A_189 = arith.constant 15 : i32
      %dma_wait3A_190 = arith.constant 0 : i32
      %dma_wait3A_191 = tpu.memref_slice %arg3[%add3A_188, %dma_wait3A_190] : memref<16384x4096xf32, #tpu.memory_space<hbm>> -> memref<8x4096xf32, #tpu.memory_space<hbm>>
      %dma_wait3A_192 = arith.constant 0 : i32
      %dma_wait3A_193 = arith.constant 0 : i32
      %dma_wait3A_194 = tpu.memref_slice %arg4[%dma_wait3A_189, %dma_wait3A_192, %dma_wait3A_193] : memref<16x16x4096xf32, #tpu.memory_space<vmem_shared>> -> memref<1x8x4096xf32, #tpu.memory_space<vmem_shared>>
      %dma_wait3A_195 = tpu.memref_squeeze %dma_wait3A_194 : memref<1x8x4096xf32, #tpu.memory_space<vmem_shared>> -> memref<8x4096xf32, #tpu.memory_space<vmem_shared>>
      tpu.wait_dma2 semaphore(%arg8 : memref<!tpu.dma_semaphore, #tpu.memory_space<semaphore_mem>>) src(%dma_wait3A_195 : memref<8x4096xf32, #tpu.memory_space<vmem_shared>>) dst(%dma_wait3A_191 : memref<8x4096xf32, #tpu.memory_space<hbm>>)
      %add3A_196 = arith.constant 48 : i32
      %add3A_197 = arith.addi %mul3A_2, %add3A_196 : i32
      %dma_start3A_198 = arith.constant 15 : i32
      %dma_start3A_199 = arith.constant 0 : i32
      %dma_start3A_200 = arith.constant 0 : i32
      %dma_start3A_201 = tpu.memref_slice %arg4[%dma_start3A_198, %dma_start3A_199, %dma_start3A_200] : memref<16x16x4096xf32, #tpu.memory_space<vmem_shared>> -> memref<1x8x4096xf32, #tpu.memory_space<vmem_shared>>
      %dma_start3A_202 = tpu.memref_squeeze %dma_start3A_201 : memref<1x8x4096xf32, #tpu.memory_space<vmem_shared>> -> memref<8x4096xf32, #tpu.memory_space<vmem_shared>>
      %dma_start3A_203 = arith.constant 0 : i32
      %dma_start3A_204 = tpu.memref_slice %arg2[%add3A_197, %dma_start3A_203] : memref<16384x4096xf32, #tpu.memory_space<hbm>> -> memref<8x4096xf32, #tpu.memory_space<hbm>>
      tpu.enqueue_dma source(%dma_start3A_204 : memref<8x4096xf32, #tpu.memory_space<hbm>>) target(%dma_start3A_202 : memref<8x4096xf32, #tpu.memory_space<vmem_shared>>) target_semaphore(%arg6 : memref<!tpu.dma_semaphore, #tpu.memory_space<semaphore_mem>>)
      %add3A_205 = arith.constant 40 : i32
      %add3A_206 = arith.addi %mul3A_2, %add3A_205 : i32
      %dma_wait3A_207 = arith.constant 15 : i32
      %dma_wait3A_208 = arith.constant 8 : i32
      %dma_wait3A_209 = arith.constant 0 : i32
      %dma_wait3A_210 = tpu.memref_slice %arg4[%dma_wait3A_207, %dma_wait3A_208, %dma_wait3A_209] : memref<16x16x4096xf32, #tpu.memory_space<vmem_shared>> -> memref<1x8x4096xf32, #tpu.memory_space<vmem_shared>>
      %dma_wait3A_211 = tpu.memref_squeeze %dma_wait3A_210 : memref<1x8x4096xf32, #tpu.memory_space<vmem_shared>> -> memref<8x4096xf32, #tpu.memory_space<vmem_shared>>
      %dma_wait3A_212 = arith.constant 0 : i32
      %dma_wait3A_213 = tpu.memref_slice %arg2[%add3A_206, %dma_wait3A_212] : memref<16384x4096xf32, #tpu.memory_space<hbm>> -> memref<8x4096xf32, #tpu.memory_space<hbm>>
      tpu.wait_dma2 semaphore(%arg7 : memref<!tpu.dma_semaphore, #tpu.memory_space<semaphore_mem>>) src(%dma_wait3A_213 : memref<8x4096xf32, #tpu.memory_space<hbm>>) dst(%dma_wait3A_211 : memref<8x4096xf32, #tpu.memory_space<vmem_shared>>)
      %add3A_214 = arith.constant 40 : i32
      %add3A_215 = arith.addi %mul3A_2, %add3A_214 : i32
      %dma_start3A_216 = arith.constant 15 : i32
      %dma_start3A_217 = arith.constant 0 : i32
      %dma_start3A_218 = tpu.memref_slice %arg3[%add3A_215, %dma_start3A_217] : memref<16384x4096xf32, #tpu.memory_space<hbm>> -> memref<8x4096xf32, #tpu.memory_space<hbm>>
      %dma_start3A_219 = arith.constant 8 : i32
      %dma_start3A_220 = arith.constant 0 : i32
      %dma_start3A_221 = tpu.memref_slice %arg4[%dma_start3A_216, %dma_start3A_219, %dma_start3A_220] : memref<16x16x4096xf32, #tpu.memory_space<vmem_shared>> -> memref<1x8x4096xf32, #tpu.memory_space<vmem_shared>>
      %dma_start3A_222 = tpu.memref_squeeze %dma_start3A_221 : memref<1x8x4096xf32, #tpu.memory_space<vmem_shared>> -> memref<8x4096xf32, #tpu.memory_space<vmem_shared>>
      tpu.enqueue_dma source(%dma_start3A_222 : memref<8x4096xf32, #tpu.memory_space<vmem_shared>>) target(%dma_start3A_218 : memref<8x4096xf32, #tpu.memory_space<hbm>>) target_semaphore(%arg9 : memref<!tpu.dma_semaphore, #tpu.memory_space<semaphore_mem>>)
      %add3A_223 = arith.constant 40 : i32
      %add3A_224 = arith.addi %mul3A_2, %add3A_223 : i32
      %dma_wait3A_225 = arith.constant 15 : i32
      %dma_wait3A_226 = arith.constant 0 : i32
      %dma_wait3A_227 = tpu.memref_slice %arg3[%add3A_224, %dma_wait3A_226] : memref<16384x4096xf32, #tpu.memory_space<hbm>> -> memref<8x4096xf32, #tpu.memory_space<hbm>>
      %dma_wait3A_228 = arith.constant 8 : i32
      %dma_wait3A_229 = arith.constant 0 : i32
      %dma_wait3A_230 = tpu.memref_slice %arg4[%dma_wait3A_225, %dma_wait3A_228, %dma_wait3A_229] : memref<16x16x4096xf32, #tpu.memory_space<vmem_shared>> -> memref<1x8x4096xf32, #tpu.memory_space<vmem_shared>>
      %dma_wait3A_231 = tpu.memref_squeeze %dma_wait3A_230 : memref<1x8x4096xf32, #tpu.memory_space<vmem_shared>> -> memref<8x4096xf32, #tpu.memory_space<vmem_shared>>
      tpu.wait_dma2 semaphore(%arg9 : memref<!tpu.dma_semaphore, #tpu.memory_space<semaphore_mem>>) src(%dma_wait3A_231 : memref<8x4096xf32, #tpu.memory_space<vmem_shared>>) dst(%dma_wait3A_227 : memref<8x4096xf32, #tpu.memory_space<hbm>>)
      %add3A_232 = arith.constant 56 : i32
      %add3A_233 = arith.addi %mul3A_2, %add3A_232 : i32
      %dma_start3A_234 = arith.constant 15 : i32
      %dma_start3A_235 = arith.constant 8 : i32
      %dma_start3A_236 = arith.constant 0 : i32
      %dma_start3A_237 = tpu.memref_slice %arg4[%dma_start3A_234, %dma_start3A_235, %dma_start3A_236] : memref<16x16x4096xf32, #tpu.memory_space<vmem_shared>> -> memref<1x8x4096xf32, #tpu.memory_space<vmem_shared>>
      %dma_start3A_238 = tpu.memref_squeeze %dma_start3A_237 : memref<1x8x4096xf32, #tpu.memory_space<vmem_shared>> -> memref<8x4096xf32, #tpu.memory_space<vmem_shared>>
      %dma_start3A_239 = arith.constant 0 : i32
      %dma_start3A_240 = tpu.memref_slice %arg2[%add3A_233, %dma_start3A_239] : memref<16384x4096xf32, #tpu.memory_space<hbm>> -> memref<8x4096xf32, #tpu.memory_space<hbm>>
      tpu.enqueue_dma source(%dma_start3A_240 : memref<8x4096xf32, #tpu.memory_space<hbm>>) target(%dma_start3A_238 : memref<8x4096xf32, #tpu.memory_space<vmem_shared>>) target_semaphore(%arg7 : memref<!tpu.dma_semaphore, #tpu.memory_space<semaphore_mem>>)
      %add3A_241 = arith.constant 48 : i32
      %add3A_242 = arith.addi %mul3A_2, %add3A_241 : i32
      %dma_wait3A_243 = arith.constant 15 : i32
      %dma_wait3A_244 = arith.constant 0 : i32
      %dma_wait3A_245 = arith.constant 0 : i32
      %dma_wait3A_246 = tpu.memref_slice %arg4[%dma_wait3A_243, %dma_wait3A_244, %dma_wait3A_245] : memref<16x16x4096xf32, #tpu.memory_space<vmem_shared>> -> memref<1x8x4096xf32, #tpu.memory_space<vmem_shared>>
      %dma_wait3A_247 = tpu.memref_squeeze %dma_wait3A_246 : memref<1x8x4096xf32, #tpu.memory_space<vmem_shared>> -> memref<8x4096xf32, #tpu.memory_space<vmem_shared>>
      %dma_wait3A_248 = arith.constant 0 : i32
      %dma_wait3A_249 = tpu.memref_slice %arg2[%add3A_242, %dma_wait3A_248] : memref<16384x4096xf32, #tpu.memory_space<hbm>> -> memref<8x4096xf32, #tpu.memory_space<hbm>>
      tpu.wait_dma2 semaphore(%arg6 : memref<!tpu.dma_semaphore, #tpu.memory_space<semaphore_mem>>) src(%dma_wait3A_249 : memref<8x4096xf32, #tpu.memory_space<hbm>>) dst(%dma_wait3A_247 : memref<8x4096xf32, #tpu.memory_space<vmem_shared>>)
      %add3A_250 = arith.constant 48 : i32
      %add3A_251 = arith.addi %mul3A_2, %add3A_250 : i32
      %dma_start3A_252 = arith.constant 15 : i32
      %dma_start3A_253 = arith.constant 0 : i32
      %dma_start3A_254 = tpu.memref_slice %arg3[%add3A_251, %dma_start3A_253] : memref<16384x4096xf32, #tpu.memory_space<hbm>> -> memref<8x4096xf32, #tpu.memory_space<hbm>>
      %dma_start3A_255 = arith.constant 0 : i32
      %dma_start3A_256 = arith.constant 0 : i32
      %dma_start3A_257 = tpu.memref_slice %arg4[%dma_start3A_252, %dma_start3A_255, %dma_start3A_256] : memref<16x16x4096xf32, #tpu.memory_space<vmem_shared>> -> memref<1x8x4096xf32, #tpu.memory_space<vmem_shared>>
      %dma_start3A_258 = tpu.memref_squeeze %dma_start3A_257 : memref<1x8x4096xf32, #tpu.memory_space<vmem_shared>> -> memref<8x4096xf32, #tpu.memory_space<vmem_shared>>
      tpu.enqueue_dma source(%dma_start3A_258 : memref<8x4096xf32, #tpu.memory_space<vmem_shared>>) target(%dma_start3A_254 : memref<8x4096xf32, #tpu.memory_space<hbm>>) target_semaphore(%arg8 : memref<!tpu.dma_semaphore, #tpu.memory_space<semaphore_mem>>)
      %add3A_259 = arith.constant 48 : i32
      %add3A_260 = arith.addi %mul3A_2, %add3A_259 : i32
      %dma_wait3A_261 = arith.constant 15 : i32
      %dma_wait3A_262 = arith.constant 0 : i32
      %dma_wait3A_263 = tpu.memref_slice %arg3[%add3A_260, %dma_wait3A_262] : memref<16384x4096xf32, #tpu.memory_space<hbm>> -> memref<8x4096xf32, #tpu.memory_space<hbm>>
      %dma_wait3A_264 = arith.constant 0 : i32
      %dma_wait3A_265 = arith.constant 0 : i32
      %dma_wait3A_266 = tpu.memref_slice %arg4[%dma_wait3A_261, %dma_wait3A_264, %dma_wait3A_265] : memref<16x16x4096xf32, #tpu.memory_space<vmem_shared>> -> memref<1x8x4096xf32, #tpu.memory_space<vmem_shared>>
      %dma_wait3A_267 = tpu.memref_squeeze %dma_wait3A_266 : memref<1x8x4096xf32, #tpu.memory_space<vmem_shared>> -> memref<8x4096xf32, #tpu.memory_space<vmem_shared>>
      tpu.wait_dma2 semaphore(%arg8 : memref<!tpu.dma_semaphore, #tpu.memory_space<semaphore_mem>>) src(%dma_wait3A_267 : memref<8x4096xf32, #tpu.memory_space<vmem_shared>>) dst(%dma_wait3A_263 : memref<8x4096xf32, #tpu.memory_space<hbm>>)
      %add3A_268 = arith.constant 64 : i32
      %add3A_269 = arith.addi %mul3A_2, %add3A_268 : i32
      %dma_start3A_270 = arith.constant 15 : i32
      %dma_start3A_271 = arith.constant 0 : i32
      %dma_start3A_272 = arith.constant 0 : i32
      %dma_start3A_273 = tpu.memref_slice %arg4[%dma_start3A_270, %dma_start3A_271, %dma_start3A_272] : memref<16x16x4096xf32, #tpu.memory_space<vmem_shared>> -> memref<1x8x4096xf32, #tpu.memory_space<vmem_shared>>
      %dma_start3A_274 = tpu.memref_squeeze %dma_start3A_273 : memref<1x8x4096xf32, #tpu.memory_space<vmem_shared>> -> memref<8x4096xf32, #tpu.memory_space<vmem_shared>>
      %dma_start3A_275 = arith.constant 0 : i32
      %dma_start3A_276 = tpu.memref_slice %arg2[%add3A_269, %dma_start3A_275] : memref<16384x4096xf32, #tpu.memory_space<hbm>> -> memref<8x4096xf32, #tpu.memory_space<hbm>>
      tpu.enqueue_dma source(%dma_start3A_276 : memref<8x4096xf32, #tpu.memory_space<hbm>>) target(%dma_start3A_274 : memref<8x4096xf32, #tpu.memory_space<vmem_shared>>) target_semaphore(%arg6 : memref<!tpu.dma_semaphore, #tpu.memory_space<semaphore_mem>>)
      %add3A_277 = arith.constant 56 : i32
      %add3A_278 = arith.addi %mul3A_2, %add3A_277 : i32
      %dma_wait3A_279 = arith.constant 15 : i32
      %dma_wait3A_280 = arith.constant 8 : i32
      %dma_wait3A_281 = arith.constant 0 : i32
      %dma_wait3A_282 = tpu.memref_slice %arg4[%dma_wait3A_279, %dma_wait3A_280, %dma_wait3A_281] : memref<16x16x4096xf32, #tpu.memory_space<vmem_shared>> -> memref<1x8x4096xf32, #tpu.memory_space<vmem_shared>>
      %dma_wait3A_283 = tpu.memref_squeeze %dma_wait3A_282 : memref<1x8x4096xf32, #tpu.memory_space<vmem_shared>> -> memref<8x4096xf32, #tpu.memory_space<vmem_shared>>
      %dma_wait3A_284 = arith.constant 0 : i32
      %dma_wait3A_285 = tpu.memref_slice %arg2[%add3A_278, %dma_wait3A_284] : memref<16384x4096xf32, #tpu.memory_space<hbm>> -> memref<8x4096xf32, #tpu.memory_space<hbm>>
      tpu.wait_dma2 semaphore(%arg7 : memref<!tpu.dma_semaphore, #tpu.memory_space<semaphore_mem>>) src(%dma_wait3A_285 : memref<8x4096xf32, #tpu.memory_space<hbm>>) dst(%dma_wait3A_283 : memref<8x4096xf32, #tpu.memory_space<vmem_shared>>)
      %add3A_286 = arith.constant 56 : i32
      %add3A_287 = arith.addi %mul3A_2, %add3A_286 : i32
      %dma_start3A_288 = arith.constant 15 : i32
      %dma_start3A_289 = arith.constant 0 : i32
      %dma_start3A_290 = tpu.memref_slice %arg3[%add3A_287, %dma_start3A_289] : memref<16384x4096xf32, #tpu.memory_space<hbm>> -> memref<8x4096xf32, #tpu.memory_space<hbm>>
      %dma_start3A_291 = arith.constant 8 : i32
      %dma_start3A_292 = arith.constant 0 : i32
      %dma_start3A_293 = tpu.memref_slice %arg4[%dma_start3A_288, %dma_start3A_291, %dma_start3A_292] : memref<16x16x4096xf32, #tpu.memory_space<vmem_shared>> -> memref<1x8x4096xf32, #tpu.memory_space<vmem_shared>>
      %dma_start3A_294 = tpu.memref_squeeze %dma_start3A_293 : memref<1x8x4096xf32, #tpu.memory_space<vmem_shared>> -> memref<8x4096xf32, #tpu.memory_space<vmem_shared>>
      tpu.enqueue_dma source(%dma_start3A_294 : memref<8x4096xf32, #tpu.memory_space<vmem_shared>>) target(%dma_start3A_290 : memref<8x4096xf32, #tpu.memory_space<hbm>>) target_semaphore(%arg9 : memref<!tpu.dma_semaphore, #tpu.memory_space<semaphore_mem>>)
      %add3A_295 = arith.constant 56 : i32
      %add3A_296 = arith.addi %mul3A_2, %add3A_295 : i32
      %dma_wait3A_297 = arith.constant 15 : i32
      %dma_wait3A_298 = arith.constant 0 : i32
      %dma_wait3A_299 = tpu.memref_slice %arg3[%add3A_296, %dma_wait3A_298] : memref<16384x4096xf32, #tpu.memory_space<hbm>> -> memref<8x4096xf32, #tpu.memory_space<hbm>>
      %dma_wait3A_300 = arith.constant 8 : i32
      %dma_wait3A_301 = arith.constant 0 : i32
      %dma_wait3A_302 = tpu.memref_slice %arg4[%dma_wait3A_297, %dma_wait3A_300, %dma_wait3A_301] : memref<16x16x4096xf32, #tpu.memory_space<vmem_shared>> -> memref<1x8x4096xf32, #tpu.memory_space<vmem_shared>>
      %dma_wait3A_303 = tpu.memref_squeeze %dma_wait3A_302 : memref<1x8x4096xf32, #tpu.memory_space<vmem_shared>> -> memref<8x4096xf32, #tpu.memory_space<vmem_shared>>
      tpu.wait_dma2 semaphore(%arg9 : memref<!tpu.dma_semaphore, #tpu.memory_space<semaphore_mem>>) src(%dma_wait3A_303 : memref<8x4096xf32, #tpu.memory_space<vmem_shared>>) dst(%dma_wait3A_299 : memref<8x4096xf32, #tpu.memory_space<hbm>>)
      %add3A_304 = arith.constant 72 : i32
      %add3A_305 = arith.addi %mul3A_2, %add3A_304 : i32
      %dma_start3A_306 = arith.constant 15 : i32
      %dma_start3A_307 = arith.constant 8 : i32
      %dma_start3A_308 = arith.constant 0 : i32
      %dma_start3A_309 = tpu.memref_slice %arg4[%dma_start3A_306, %dma_start3A_307, %dma_start3A_308] : memref<16x16x4096xf32, #tpu.memory_space<vmem_shared>> -> memref<1x8x4096xf32, #tpu.memory_space<vmem_shared>>
      %dma_start3A_310 = tpu.memref_squeeze %dma_start3A_309 : memref<1x8x4096xf32, #tpu.memory_space<vmem_shared>> -> memref<8x4096xf32, #tpu.memory_space<vmem_shared>>
      %dma_start3A_311 = arith.constant 0 : i32
      %dma_start3A_312 = tpu.memref_slice %arg2[%add3A_305, %dma_start3A_311] : memref<16384x4096xf32, #tpu.memory_space<hbm>> -> memref<8x4096xf32, #tpu.memory_space<hbm>>
      tpu.enqueue_dma source(%dma_start3A_312 : memref<8x4096xf32, #tpu.memory_space<hbm>>) target(%dma_start3A_310 : memref<8x4096xf32, #tpu.memory_space<vmem_shared>>) target_semaphore(%arg7 : memref<!tpu.dma_semaphore, #tpu.memory_space<semaphore_mem>>)
      %add3A_313 = arith.constant 64 : i32
      %add3A_314 = arith.addi %mul3A_2, %add3A_313 : i32
      %dma_wait3A_315 = arith.constant 15 : i32
      %dma_wait3A_316 = arith.constant 0 : i32
      %dma_wait3A_317 = arith.constant 0 : i32
      %dma_wait3A_318 = tpu.memref_slice %arg4[%dma_wait3A_315, %dma_wait3A_316, %dma_wait3A_317] : memref<16x16x4096xf32, #tpu.memory_space<vmem_shared>> -> memref<1x8x4096xf32, #tpu.memory_space<vmem_shared>>
      %dma_wait3A_319 = tpu.memref_squeeze %dma_wait3A_318 : memref<1x8x4096xf32, #tpu.memory_space<vmem_shared>> -> memref<8x4096xf32, #tpu.memory_space<vmem_shared>>
      %dma_wait3A_320 = arith.constant 0 : i32
      %dma_wait3A_321 = tpu.memref_slice %arg2[%add3A_314, %dma_wait3A_320] : memref<16384x4096xf32, #tpu.memory_space<hbm>> -> memref<8x4096xf32, #tpu.memory_space<hbm>>
      tpu.wait_dma2 semaphore(%arg6 : memref<!tpu.dma_semaphore, #tpu.memory_space<semaphore_mem>>) src(%dma_wait3A_321 : memref<8x4096xf32, #tpu.memory_space<hbm>>) dst(%dma_wait3A_319 : memref<8x4096xf32, #tpu.memory_space<vmem_shared>>)
      %add3A_322 = arith.constant 64 : i32
      %add3A_323 = arith.addi %mul3A_2, %add3A_322 : i32
      %dma_start3A_324 = arith.constant 15 : i32
      %dma_start3A_325 = arith.constant 0 : i32
      %dma_start3A_326 = tpu.memref_slice %arg3[%add3A_323, %dma_start3A_325] : memref<16384x4096xf32, #tpu.memory_space<hbm>> -> memref<8x4096xf32, #tpu.memory_space<hbm>>
      %dma_start3A_327 = arith.constant 0 : i32
      %dma_start3A_328 = arith.constant 0 : i32
      %dma_start3A_329 = tpu.memref_slice %arg4[%dma_start3A_324, %dma_start3A_327, %dma_start3A_328] : memref<16x16x4096xf32, #tpu.memory_space<vmem_shared>> -> memref<1x8x4096xf32, #tpu.memory_space<vmem_shared>>
      %dma_start3A_330 = tpu.memref_squeeze %dma_start3A_329 : memref<1x8x4096xf32, #tpu.memory_space<vmem_shared>> -> memref<8x4096xf32, #tpu.memory_space<vmem_shared>>
      tpu.enqueue_dma source(%dma_start3A_330 : memref<8x4096xf32, #tpu.memory_space<vmem_shared>>) target(%dma_start3A_326 : memref<8x4096xf32, #tpu.memory_space<hbm>>) target_semaphore(%arg8 : memref<!tpu.dma_semaphore, #tpu.memory_space<semaphore_mem>>)
      %add3A_331 = arith.constant 64 : i32
      %add3A_332 = arith.addi %mul3A_2, %add3A_331 : i32
      %dma_wait3A_333 = arith.constant 15 : i32
      %dma_wait3A_334 = arith.constant 0 : i32
      %dma_wait3A_335 = tpu.memref_slice %arg3[%add3A_332, %dma_wait3A_334] : memref<16384x4096xf32, #tpu.memory_space<hbm>> -> memref<8x4096xf32, #tpu.memory_space<hbm>>
      %dma_wait3A_336 = arith.constant 0 : i32
      %dma_wait3A_337 = arith.constant 0 : i32
      %dma_wait3A_338 = tpu.memref_slice %arg4[%dma_wait3A_333, %dma_wait3A_336, %dma_wait3A_337] : memref<16x16x4096xf32, #tpu.memory_space<vmem_shared>> -> memref<1x8x4096xf32, #tpu.memory_space<vmem_shared>>
      %dma_wait3A_339 = tpu.memref_squeeze %dma_wait3A_338 : memref<1x8x4096xf32, #tpu.memory_space<vmem_shared>> -> memref<8x4096xf32, #tpu.memory_space<vmem_shared>>
      tpu.wait_dma2 semaphore(%arg8 : memref<!tpu.dma_semaphore, #tpu.memory_space<semaphore_mem>>) src(%dma_wait3A_339 : memref<8x4096xf32, #tpu.memory_space<vmem_shared>>) dst(%dma_wait3A_335 : memref<8x4096xf32, #tpu.memory_space<hbm>>)
      %add3A_340 = arith.constant 80 : i32
      %add3A_341 = arith.addi %mul3A_2, %add3A_340 : i32
      %dma_start3A_342 = arith.constant 15 : i32
      %dma_start3A_343 = arith.constant 0 : i32
      %dma_start3A_344 = arith.constant 0 : i32
      %dma_start3A_345 = tpu.memref_slice %arg4[%dma_start3A_342, %dma_start3A_343, %dma_start3A_344] : memref<16x16x4096xf32, #tpu.memory_space<vmem_shared>> -> memref<1x8x4096xf32, #tpu.memory_space<vmem_shared>>
      %dma_start3A_346 = tpu.memref_squeeze %dma_start3A_345 : memref<1x8x4096xf32, #tpu.memory_space<vmem_shared>> -> memref<8x4096xf32, #tpu.memory_space<vmem_shared>>
      %dma_start3A_347 = arith.constant 0 : i32
      %dma_start3A_348 = tpu.memref_slice %arg2[%add3A_341, %dma_start3A_347] : memref<16384x4096xf32, #tpu.memory_space<hbm>> -> memref<8x4096xf32, #tpu.memory_space<hbm>>
      tpu.enqueue_dma source(%dma_start3A_348 : memref<8x4096xf32, #tpu.memory_space<hbm>>) target(%dma_start3A_346 : memref<8x4096xf32, #tpu.memory_space<vmem_shared>>) target_semaphore(%arg6 : memref<!tpu.dma_semaphore, #tpu.memory_space<semaphore_mem>>)
      %add3A_349 = arith.constant 72 : i32
      %add3A_350 = arith.addi %mul3A_2, %add3A_349 : i32
      %dma_wait3A_351 = arith.constant 15 : i32
      %dma_wait3A_352 = arith.constant 8 : i32
      %dma_wait3A_353 = arith.constant 0 : i32
      %dma_wait3A_354 = tpu.memref_slice %arg4[%dma_wait3A_351, %dma_wait3A_352, %dma_wait3A_353] : memref<16x16x4096xf32, #tpu.memory_space<vmem_shared>> -> memref<1x8x4096xf32, #tpu.memory_space<vmem_shared>>
      %dma_wait3A_355 = tpu.memref_squeeze %dma_wait3A_354 : memref<1x8x4096xf32, #tpu.memory_space<vmem_shared>> -> memref<8x4096xf32, #tpu.memory_space<vmem_shared>>
      %dma_wait3A_356 = arith.constant 0 : i32
      %dma_wait3A_357 = tpu.memref_slice %arg2[%add3A_350, %dma_wait3A_356] : memref<16384x4096xf32, #tpu.memory_space<hbm>> -> memref<8x4096xf32, #tpu.memory_space<hbm>>
      tpu.wait_dma2 semaphore(%arg7 : memref<!tpu.dma_semaphore, #tpu.memory_space<semaphore_mem>>) src(%dma_wait3A_357 : memref<8x4096xf32, #tpu.memory_space<hbm>>) dst(%dma_wait3A_355 : memref<8x4096xf32, #tpu.memory_space<vmem_shared>>)
      %add3A_358 = arith.constant 72 : i32
      %add3A_359 = arith.addi %mul3A_2, %add3A_358 : i32
      %dma_start3A_360 = arith.constant 15 : i32
      %dma_start3A_361 = arith.constant 0 : i32
      %dma_start3A_362 = tpu.memref_slice %arg3[%add3A_359, %dma_start3A_361] : memref<16384x4096xf32, #tpu.memory_space<hbm>> -> memref<8x4096xf32, #tpu.memory_space<hbm>>
      %dma_start3A_363 = arith.constant 8 : i32
      %dma_start3A_364 = arith.constant 0 : i32
      %dma_start3A_365 = tpu.memref_slice %arg4[%dma_start3A_360, %dma_start3A_363, %dma_start3A_364] : memref<16x16x4096xf32, #tpu.memory_space<vmem_shared>> -> memref<1x8x4096xf32, #tpu.memory_space<vmem_shared>>
      %dma_start3A_366 = tpu.memref_squeeze %dma_start3A_365 : memref<1x8x4096xf32, #tpu.memory_space<vmem_shared>> -> memref<8x4096xf32, #tpu.memory_space<vmem_shared>>
      tpu.enqueue_dma source(%dma_start3A_366 : memref<8x4096xf32, #tpu.memory_space<vmem_shared>>) target(%dma_start3A_362 : memref<8x4096xf32, #tpu.memory_space<hbm>>) target_semaphore(%arg9 : memref<!tpu.dma_semaphore, #tpu.memory_space<semaphore_mem>>)
      %add3A_367 = arith.constant 72 : i32
      %add3A_368 = arith.addi %mul3A_2, %add3A_367 : i32
      %dma_wait3A_369 = arith.constant 15 : i32
      %dma_wait3A_370 = arith.constant 0 : i32
      %dma_wait3A_371 = tpu.memref_slice %arg3[%add3A_368, %dma_wait3A_370] : memref<16384x4096xf32, #tpu.memory_space<hbm>> -> memref<8x4096xf32, #tpu.memory_space<hbm>>
      %dma_wait3A_372 = arith.constant 8 : i32
      %dma_wait3A_373 = arith.constant 0 : i32
      %dma_wait3A_374 = tpu.memref_slice %arg4[%dma_wait3A_369, %dma_wait3A_372, %dma_wait3A_373] : memref<16x16x4096xf32, #tpu.memory_space<vmem_shared>> -> memref<1x8x4096xf32, #tpu.memory_space<vmem_shared>>
      %dma_wait3A_375 = tpu.memref_squeeze %dma_wait3A_374 : memref<1x8x4096xf32, #tpu.memory_space<vmem_shared>> -> memref<8x4096xf32, #tpu.memory_space<vmem_shared>>
      tpu.wait_dma2 semaphore(%arg9 : memref<!tpu.dma_semaphore, #tpu.memory_space<semaphore_mem>>) src(%dma_wait3A_375 : memref<8x4096xf32, #tpu.memory_space<vmem_shared>>) dst(%dma_wait3A_371 : memref<8x4096xf32, #tpu.memory_space<hbm>>)
      %add3A_376 = arith.constant 88 : i32
      %add3A_377 = arith.addi %mul3A_2, %add3A_376 : i32
      %dma_start3A_378 = arith.constant 15 : i32
      %dma_start3A_379 = arith.constant 8 : i32
      %dma_start3A_380 = arith.constant 0 : i32
      %dma_start3A_381 = tpu.memref_slice %arg4[%dma_start3A_378, %dma_start3A_379, %dma_start3A_380] : memref<16x16x4096xf32, #tpu.memory_space<vmem_shared>> -> memref<1x8x4096xf32, #tpu.memory_space<vmem_shared>>
      %dma_start3A_382 = tpu.memref_squeeze %dma_start3A_381 : memref<1x8x4096xf32, #tpu.memory_space<vmem_shared>> -> memref<8x4096xf32, #tpu.memory_space<vmem_shared>>
      %dma_start3A_383 = arith.constant 0 : i32
      %dma_start3A_384 = tpu.memref_slice %arg2[%add3A_377, %dma_start3A_383] : memref<16384x4096xf32, #tpu.memory_space<hbm>> -> memref<8x4096xf32, #tpu.memory_space<hbm>>
      tpu.enqueue_dma source(%dma_start3A_384 : memref<8x4096xf32, #tpu.memory_space<hbm>>) target(%dma_start3A_382 : memref<8x4096xf32, #tpu.memory_space<vmem_shared>>) target_semaphore(%arg7 : memref<!tpu.dma_semaphore, #tpu.memory_space<semaphore_mem>>)
      %add3A_385 = arith.constant 80 : i32
      %add3A_386 = arith.addi %mul3A_2, %add3A_385 : i32
      %dma_wait3A_387 = arith.constant 15 : i32
      %dma_wait3A_388 = arith.constant 0 : i32
      %dma_wait3A_389 = arith.constant 0 : i32
      %dma_wait3A_390 = tpu.memref_slice %arg4[%dma_wait3A_387, %dma_wait3A_388, %dma_wait3A_389] : memref<16x16x4096xf32, #tpu.memory_space<vmem_shared>> -> memref<1x8x4096xf32, #tpu.memory_space<vmem_shared>>
      %dma_wait3A_391 = tpu.memref_squeeze %dma_wait3A_390 : memref<1x8x4096xf32, #tpu.memory_space<vmem_shared>> -> memref<8x4096xf32, #tpu.memory_space<vmem_shared>>
      %dma_wait3A_392 = arith.constant 0 : i32
      %dma_wait3A_393 = tpu.memref_slice %arg2[%add3A_386, %dma_wait3A_392] : memref<16384x4096xf32, #tpu.memory_space<hbm>> -> memref<8x4096xf32, #tpu.memory_space<hbm>>
      tpu.wait_dma2 semaphore(%arg6 : memref<!tpu.dma_semaphore, #tpu.memory_space<semaphore_mem>>) src(%dma_wait3A_393 : memref<8x4096xf32, #tpu.memory_space<hbm>>) dst(%dma_wait3A_391 : memref<8x4096xf32, #tpu.memory_space<vmem_shared>>)
      %add3A_394 = arith.constant 80 : i32
      %add3A_395 = arith.addi %mul3A_2, %add3A_394 : i32
      %dma_start3A_396 = arith.constant 15 : i32
      %dma_start3A_397 = arith.constant 0 : i32
      %dma_start3A_398 = tpu.memref_slice %arg3[%add3A_395, %dma_start3A_397] : memref<16384x4096xf32, #tpu.memory_space<hbm>> -> memref<8x4096xf32, #tpu.memory_space<hbm>>
      %dma_start3A_399 = arith.constant 0 : i32
      %dma_start3A_400 = arith.constant 0 : i32
      %dma_start3A_401 = tpu.memref_slice %arg4[%dma_start3A_396, %dma_start3A_399, %dma_start3A_400] : memref<16x16x4096xf32, #tpu.memory_space<vmem_shared>> -> memref<1x8x4096xf32, #tpu.memory_space<vmem_shared>>
      %dma_start3A_402 = tpu.memref_squeeze %dma_start3A_401 : memref<1x8x4096xf32, #tpu.memory_space<vmem_shared>> -> memref<8x4096xf32, #tpu.memory_space<vmem_shared>>
      tpu.enqueue_dma source(%dma_start3A_402 : memref<8x4096xf32, #tpu.memory_space<vmem_shared>>) target(%dma_start3A_398 : memref<8x4096xf32, #tpu.memory_space<hbm>>) target_semaphore(%arg8 : memref<!tpu.dma_semaphore, #tpu.memory_space<semaphore_mem>>)
      %add3A_403 = arith.constant 80 : i32
      %add3A_404 = arith.addi %mul3A_2, %add3A_403 : i32
      %dma_wait3A_405 = arith.constant 15 : i32
      %dma_wait3A_406 = arith.constant 0 : i32
      %dma_wait3A_407 = tpu.memref_slice %arg3[%add3A_404, %dma_wait3A_406] : memref<16384x4096xf32, #tpu.memory_space<hbm>> -> memref<8x4096xf32, #tpu.memory_space<hbm>>
      %dma_wait3A_408 = arith.constant 0 : i32
      %dma_wait3A_409 = arith.constant 0 : i32
      %dma_wait3A_410 = tpu.memref_slice %arg4[%dma_wait3A_405, %dma_wait3A_408, %dma_wait3A_409] : memref<16x16x4096xf32, #tpu.memory_space<vmem_shared>> -> memref<1x8x4096xf32, #tpu.memory_space<vmem_shared>>
      %dma_wait3A_411 = tpu.memref_squeeze %dma_wait3A_410 : memref<1x8x4096xf32, #tpu.memory_space<vmem_shared>> -> memref<8x4096xf32, #tpu.memory_space<vmem_shared>>
      tpu.wait_dma2 semaphore(%arg8 : memref<!tpu.dma_semaphore, #tpu.memory_space<semaphore_mem>>) src(%dma_wait3A_411 : memref<8x4096xf32, #tpu.memory_space<vmem_shared>>) dst(%dma_wait3A_407 : memref<8x4096xf32, #tpu.memory_space<hbm>>)
      %add3A_412 = arith.constant 96 : i32
      %add3A_413 = arith.addi %mul3A_2, %add3A_412 : i32
      %dma_start3A_414 = arith.constant 15 : i32
      %dma_start3A_415 = arith.constant 0 : i32
      %dma_start3A_416 = arith.constant 0 : i32
      %dma_start3A_417 = tpu.memref_slice %arg4[%dma_start3A_414, %dma_start3A_415, %dma_start3A_416] : memref<16x16x4096xf32, #tpu.memory_space<vmem_shared>> -> memref<1x8x4096xf32, #tpu.memory_space<vmem_shared>>
      %dma_start3A_418 = tpu.memref_squeeze %dma_start3A_417 : memref<1x8x4096xf32, #tpu.memory_space<vmem_shared>> -> memref<8x4096xf32, #tpu.memory_space<vmem_shared>>
      %dma_start3A_419 = arith.constant 0 : i32
      %dma_start3A_420 = tpu.memref_slice %arg2[%add3A_413, %dma_start3A_419] : memref<16384x4096xf32, #tpu.memory_space<hbm>> -> memref<8x4096xf32, #tpu.memory_space<hbm>>
      tpu.enqueue_dma source(%dma_start3A_420 : memref<8x4096xf32, #tpu.memory_space<hbm>>) target(%dma_start3A_418 : memref<8x4096xf32, #tpu.memory_space<vmem_shared>>) target_semaphore(%arg6 : memref<!tpu.dma_semaphore, #tpu.memory_space<semaphore_mem>>)
      %add3A_421 = arith.constant 88 : i32
      %add3A_422 = arith.addi %mul3A_2, %add3A_421 : i32
      %dma_wait3A_423 = arith.constant 15 : i32
      %dma_wait3A_424 = arith.constant 8 : i32
      %dma_wait3A_425 = arith.constant 0 : i32
      %dma_wait3A_426 = tpu.memref_slice %arg4[%dma_wait3A_423, %dma_wait3A_424, %dma_wait3A_425] : memref<16x16x4096xf32, #tpu.memory_space<vmem_shared>> -> memref<1x8x4096xf32, #tpu.memory_space<vmem_shared>>
      %dma_wait3A_427 = tpu.memref_squeeze %dma_wait3A_426 : memref<1x8x4096xf32, #tpu.memory_space<vmem_shared>> -> memref<8x4096xf32, #tpu.memory_space<vmem_shared>>
      %dma_wait3A_428 = arith.constant 0 : i32
      %dma_wait3A_429 = tpu.memref_slice %arg2[%add3A_422, %dma_wait3A_428] : memref<16384x4096xf32, #tpu.memory_space<hbm>> -> memref<8x4096xf32, #tpu.memory_space<hbm>>
      tpu.wait_dma2 semaphore(%arg7 : memref<!tpu.dma_semaphore, #tpu.memory_space<semaphore_mem>>) src(%dma_wait3A_429 : memref<8x4096xf32, #tpu.memory_space<hbm>>) dst(%dma_wait3A_427 : memref<8x4096xf32, #tpu.memory_space<vmem_shared>>)
      %add3A_430 = arith.constant 88 : i32
      %add3A_431 = arith.addi %mul3A_2, %add3A_430 : i32
      %dma_start3A_432 = arith.constant 15 : i32
      %dma_start3A_433 = arith.constant 0 : i32
      %dma_start3A_434 = tpu.memref_slice %arg3[%add3A_431, %dma_start3A_433] : memref<16384x4096xf32, #tpu.memory_space<hbm>> -> memref<8x4096xf32, #tpu.memory_space<hbm>>
      %dma_start3A_435 = arith.constant 8 : i32
      %dma_start3A_436 = arith.constant 0 : i32
      %dma_start3A_437 = tpu.memref_slice %arg4[%dma_start3A_432, %dma_start3A_435, %dma_start3A_436] : memref<16x16x4096xf32, #tpu.memory_space<vmem_shared>> -> memref<1x8x4096xf32, #tpu.memory_space<vmem_shared>>
      %dma_start3A_438 = tpu.memref_squeeze %dma_start3A_437 : memref<1x8x4096xf32, #tpu.memory_space<vmem_shared>> -> memref<8x4096xf32, #tpu.memory_space<vmem_shared>>
      tpu.enqueue_dma source(%dma_start3A_438 : memref<8x4096xf32, #tpu.memory_space<vmem_shared>>) target(%dma_start3A_434 : memref<8x4096xf32, #tpu.memory_space<hbm>>) target_semaphore(%arg9 : memref<!tpu.dma_semaphore, #tpu.memory_space<semaphore_mem>>)
      %add3A_439 = arith.constant 88 : i32
      %add3A_440 = arith.addi %mul3A_2, %add3A_439 : i32
      %dma_wait3A_441 = arith.constant 15 : i32
      %dma_wait3A_442 = arith.constant 0 : i32
      %dma_wait3A_443 = tpu.memref_slice %arg3[%add3A_440, %dma_wait3A_442] : memref<16384x4096xf32, #tpu.memory_space<hbm>> -> memref<8x4096xf32, #tpu.memory_space<hbm>>
      %dma_wait3A_444 = arith.constant 8 : i32
      %dma_wait3A_445 = arith.constant 0 : i32
      %dma_wait3A_446 = tpu.memref_slice %arg4[%dma_wait3A_441, %dma_wait3A_444, %dma_wait3A_445] : memref<16x16x4096xf32, #tpu.memory_space<vmem_shared>> -> memref<1x8x4096xf32, #tpu.memory_space<vmem_shared>>
      %dma_wait3A_447 = tpu.memref_squeeze %dma_wait3A_446 : memref<1x8x4096xf32, #tpu.memory_space<vmem_shared>> -> memref<8x4096xf32, #tpu.memory_space<vmem_shared>>
      tpu.wait_dma2 semaphore(%arg9 : memref<!tpu.dma_semaphore, #tpu.memory_space<semaphore_mem>>) src(%dma_wait3A_447 : memref<8x4096xf32, #tpu.memory_space<vmem_shared>>) dst(%dma_wait3A_443 : memref<8x4096xf32, #tpu.memory_space<hbm>>)
      %add3A_448 = arith.constant 104 : i32
      %add3A_449 = arith.addi %mul3A_2, %add3A_448 : i32
      %dma_start3A_450 = arith.constant 15 : i32
      %dma_start3A_451 = arith.constant 8 : i32
      %dma_start3A_452 = arith.constant 0 : i32
      %dma_start3A_453 = tpu.memref_slice %arg4[%dma_start3A_450, %dma_start3A_451, %dma_start3A_452] : memref<16x16x4096xf32, #tpu.memory_space<vmem_shared>> -> memref<1x8x4096xf32, #tpu.memory_space<vmem_shared>>
      %dma_start3A_454 = tpu.memref_squeeze %dma_start3A_453 : memref<1x8x4096xf32, #tpu.memory_space<vmem_shared>> -> memref<8x4096xf32, #tpu.memory_space<vmem_shared>>
      %dma_start3A_455 = arith.constant 0 : i32
      %dma_start3A_456 = tpu.memref_slice %arg2[%add3A_449, %dma_start3A_455] : memref<16384x4096xf32, #tpu.memory_space<hbm>> -> memref<8x4096xf32, #tpu.memory_space<hbm>>
      tpu.enqueue_dma source(%dma_start3A_456 : memref<8x4096xf32, #tpu.memory_space<hbm>>) target(%dma_start3A_454 : memref<8x4096xf32, #tpu.memory_space<vmem_shared>>) target_semaphore(%arg7 : memref<!tpu.dma_semaphore, #tpu.memory_space<semaphore_mem>>)
      %add3A_457 = arith.constant 96 : i32
      %add3A_458 = arith.addi %mul3A_2, %add3A_457 : i32
      %dma_wait3A_459 = arith.constant 15 : i32
      %dma_wait3A_460 = arith.constant 0 : i32
      %dma_wait3A_461 = arith.constant 0 : i32
      %dma_wait3A_462 = tpu.memref_slice %arg4[%dma_wait3A_459, %dma_wait3A_460, %dma_wait3A_461] : memref<16x16x4096xf32, #tpu.memory_space<vmem_shared>> -> memref<1x8x4096xf32, #tpu.memory_space<vmem_shared>>
      %dma_wait3A_463 = tpu.memref_squeeze %dma_wait3A_462 : memref<1x8x4096xf32, #tpu.memory_space<vmem_shared>> -> memref<8x4096xf32, #tpu.memory_space<vmem_shared>>
      %dma_wait3A_464 = arith.constant 0 : i32
      %dma_wait3A_465 = tpu.memref_slice %arg2[%add3A_458, %dma_wait3A_464] : memref<16384x4096xf32, #tpu.memory_space<hbm>> -> memref<8x4096xf32, #tpu.memory_space<hbm>>
      tpu.wait_dma2 semaphore(%arg6 : memref<!tpu.dma_semaphore, #tpu.memory_space<semaphore_mem>>) src(%dma_wait3A_465 : memref<8x4096xf32, #tpu.memory_space<hbm>>) dst(%dma_wait3A_463 : memref<8x4096xf32, #tpu.memory_space<vmem_shared>>)
      %add3A_466 = arith.constant 96 : i32
      %add3A_467 = arith.addi %mul3A_2, %add3A_466 : i32
      %dma_start3A_468 = arith.constant 15 : i32
      %dma_start3A_469 = arith.constant 0 : i32
      %dma_start3A_470 = tpu.memref_slice %arg3[%add3A_467, %dma_start3A_469] : memref<16384x4096xf32, #tpu.memory_space<hbm>> -> memref<8x4096xf32, #tpu.memory_space<hbm>>
      %dma_start3A_471 = arith.constant 0 : i32
      %dma_start3A_472 = arith.constant 0 : i32
      %dma_start3A_473 = tpu.memref_slice %arg4[%dma_start3A_468, %dma_start3A_471, %dma_start3A_472] : memref<16x16x4096xf32, #tpu.memory_space<vmem_shared>> -> memref<1x8x4096xf32, #tpu.memory_space<vmem_shared>>
      %dma_start3A_474 = tpu.memref_squeeze %dma_start3A_473 : memref<1x8x4096xf32, #tpu.memory_space<vmem_shared>> -> memref<8x4096xf32, #tpu.memory_space<vmem_shared>>
      tpu.enqueue_dma source(%dma_start3A_474 : memref<8x4096xf32, #tpu.memory_space<vmem_shared>>) target(%dma_start3A_470 : memref<8x4096xf32, #tpu.memory_space<hbm>>) target_semaphore(%arg8 : memref<!tpu.dma_semaphore, #tpu.memory_space<semaphore_mem>>)
      %add3A_475 = arith.constant 96 : i32
      %add3A_476 = arith.addi %mul3A_2, %add3A_475 : i32
      %dma_wait3A_477 = arith.constant 15 : i32
      %dma_wait3A_478 = arith.constant 0 : i32
      %dma_wait3A_479 = tpu.memref_slice %arg3[%add3A_476, %dma_wait3A_478] : memref<16384x4096xf32, #tpu.memory_space<hbm>> -> memref<8x4096xf32, #tpu.memory_space<hbm>>
      %dma_wait3A_480 = arith.constant 0 : i32
      %dma_wait3A_481 = arith.constant 0 : i32
      %dma_wait3A_482 = tpu.memref_slice %arg4[%dma_wait3A_477, %dma_wait3A_480, %dma_wait3A_481] : memref<16x16x4096xf32, #tpu.memory_space<vmem_shared>> -> memref<1x8x4096xf32, #tpu.memory_space<vmem_shared>>
      %dma_wait3A_483 = tpu.memref_squeeze %dma_wait3A_482 : memref<1x8x4096xf32, #tpu.memory_space<vmem_shared>> -> memref<8x4096xf32, #tpu.memory_space<vmem_shared>>
      tpu.wait_dma2 semaphore(%arg8 : memref<!tpu.dma_semaphore, #tpu.memory_space<semaphore_mem>>) src(%dma_wait3A_483 : memref<8x4096xf32, #tpu.memory_space<vmem_shared>>) dst(%dma_wait3A_479 : memref<8x4096xf32, #tpu.memory_space<hbm>>)
      %add3A_484 = arith.constant 112 : i32
      %add3A_485 = arith.addi %mul3A_2, %add3A_484 : i32
      %dma_start3A_486 = arith.constant 15 : i32
      %dma_start3A_487 = arith.constant 0 : i32
      %dma_start3A_488 = arith.constant 0 : i32
      %dma_start3A_489 = tpu.memref_slice %arg4[%dma_start3A_486, %dma_start3A_487, %dma_start3A_488] : memref<16x16x4096xf32, #tpu.memory_space<vmem_shared>> -> memref<1x8x4096xf32, #tpu.memory_space<vmem_shared>>
      %dma_start3A_490 = tpu.memref_squeeze %dma_start3A_489 : memref<1x8x4096xf32, #tpu.memory_space<vmem_shared>> -> memref<8x4096xf32, #tpu.memory_space<vmem_shared>>
      %dma_start3A_491 = arith.constant 0 : i32
      %dma_start3A_492 = tpu.memref_slice %arg2[%add3A_485, %dma_start3A_491] : memref<16384x4096xf32, #tpu.memory_space<hbm>> -> memref<8x4096xf32, #tpu.memory_space<hbm>>
      tpu.enqueue_dma source(%dma_start3A_492 : memref<8x4096xf32, #tpu.memory_space<hbm>>) target(%dma_start3A_490 : memref<8x4096xf32, #tpu.memory_space<vmem_shared>>) target_semaphore(%arg6 : memref<!tpu.dma_semaphore, #tpu.memory_space<semaphore_mem>>)
      %add3A_493 = arith.constant 104 : i32
      %add3A_494 = arith.addi %mul3A_2, %add3A_493 : i32
      %dma_wait3A_495 = arith.constant 15 : i32
      %dma_wait3A_496 = arith.constant 8 : i32
      %dma_wait3A_497 = arith.constant 0 : i32
      %dma_wait3A_498 = tpu.memref_slice %arg4[%dma_wait3A_495, %dma_wait3A_496, %dma_wait3A_497] : memref<16x16x4096xf32, #tpu.memory_space<vmem_shared>> -> memref<1x8x4096xf32, #tpu.memory_space<vmem_shared>>
      %dma_wait3A_499 = tpu.memref_squeeze %dma_wait3A_498 : memref<1x8x4096xf32, #tpu.memory_space<vmem_shared>> -> memref<8x4096xf32, #tpu.memory_space<vmem_shared>>
      %dma_wait3A_500 = arith.constant 0 : i32
      %dma_wait3A_501 = tpu.memref_slice %arg2[%add3A_494, %dma_wait3A_500] : memref<16384x4096xf32, #tpu.memory_space<hbm>> -> memref<8x4096xf32, #tpu.memory_space<hbm>>
      tpu.wait_dma2 semaphore(%arg7 : memref<!tpu.dma_semaphore, #tpu.memory_space<semaphore_mem>>) src(%dma_wait3A_501 : memref<8x4096xf32, #tpu.memory_space<hbm>>) dst(%dma_wait3A_499 : memref<8x4096xf32, #tpu.memory_space<vmem_shared>>)
      %add3A_502 = arith.constant 104 : i32
      %add3A_503 = arith.addi %mul3A_2, %add3A_502 : i32
      %dma_start3A_504 = arith.constant 15 : i32
      %dma_start3A_505 = arith.constant 0 : i32
      %dma_start3A_506 = tpu.memref_slice %arg3[%add3A_503, %dma_start3A_505] : memref<16384x4096xf32, #tpu.memory_space<hbm>> -> memref<8x4096xf32, #tpu.memory_space<hbm>>
      %dma_start3A_507 = arith.constant 8 : i32
      %dma_start3A_508 = arith.constant 0 : i32
      %dma_start3A_509 = tpu.memref_slice %arg4[%dma_start3A_504, %dma_start3A_507, %dma_start3A_508] : memref<16x16x4096xf32, #tpu.memory_space<vmem_shared>> -> memref<1x8x4096xf32, #tpu.memory_space<vmem_shared>>
      %dma_start3A_510 = tpu.memref_squeeze %dma_start3A_509 : memref<1x8x4096xf32, #tpu.memory_space<vmem_shared>> -> memref<8x4096xf32, #tpu.memory_space<vmem_shared>>
      tpu.enqueue_dma source(%dma_start3A_510 : memref<8x4096xf32, #tpu.memory_space<vmem_shared>>) target(%dma_start3A_506 : memref<8x4096xf32, #tpu.memory_space<hbm>>) target_semaphore(%arg9 : memref<!tpu.dma_semaphore, #tpu.memory_space<semaphore_mem>>)
      %add3A_511 = arith.constant 104 : i32
      %add3A_512 = arith.addi %mul3A_2, %add3A_511 : i32
      %dma_wait3A_513 = arith.constant 15 : i32
      %dma_wait3A_514 = arith.constant 0 : i32
      %dma_wait3A_515 = tpu.memref_slice %arg3[%add3A_512, %dma_wait3A_514] : memref<16384x4096xf32, #tpu.memory_space<hbm>> -> memref<8x4096xf32, #tpu.memory_space<hbm>>
      %dma_wait3A_516 = arith.constant 8 : i32
      %dma_wait3A_517 = arith.constant 0 : i32
      %dma_wait3A_518 = tpu.memref_slice %arg4[%dma_wait3A_513, %dma_wait3A_516, %dma_wait3A_517] : memref<16x16x4096xf32, #tpu.memory_space<vmem_shared>> -> memref<1x8x4096xf32, #tpu.memory_space<vmem_shared>>
      %dma_wait3A_519 = tpu.memref_squeeze %dma_wait3A_518 : memref<1x8x4096xf32, #tpu.memory_space<vmem_shared>> -> memref<8x4096xf32, #tpu.memory_space<vmem_shared>>
      tpu.wait_dma2 semaphore(%arg9 : memref<!tpu.dma_semaphore, #tpu.memory_space<semaphore_mem>>) src(%dma_wait3A_519 : memref<8x4096xf32, #tpu.memory_space<vmem_shared>>) dst(%dma_wait3A_515 : memref<8x4096xf32, #tpu.memory_space<hbm>>)
      %add3A_520 = arith.constant 120 : i32
      %add3A_521 = arith.addi %mul3A_2, %add3A_520 : i32
      %dma_start3A_522 = arith.constant 15 : i32
      %dma_start3A_523 = arith.constant 8 : i32
      %dma_start3A_524 = arith.constant 0 : i32
      %dma_start3A_525 = tpu.memref_slice %arg4[%dma_start3A_522, %dma_start3A_523, %dma_start3A_524] : memref<16x16x4096xf32, #tpu.memory_space<vmem_shared>> -> memref<1x8x4096xf32, #tpu.memory_space<vmem_shared>>
      %dma_start3A_526 = tpu.memref_squeeze %dma_start3A_525 : memref<1x8x4096xf32, #tpu.memory_space<vmem_shared>> -> memref<8x4096xf32, #tpu.memory_space<vmem_shared>>
      %dma_start3A_527 = arith.constant 0 : i32
      %dma_start3A_528 = tpu.memref_slice %arg2[%add3A_521, %dma_start3A_527] : memref<16384x4096xf32, #tpu.memory_space<hbm>> -> memref<8x4096xf32, #tpu.memory_space<hbm>>
      tpu.enqueue_dma source(%dma_start3A_528 : memref<8x4096xf32, #tpu.memory_space<hbm>>) target(%dma_start3A_526 : memref<8x4096xf32, #tpu.memory_space<vmem_shared>>) target_semaphore(%arg7 : memref<!tpu.dma_semaphore, #tpu.memory_space<semaphore_mem>>)
      %add3A_529 = arith.constant 112 : i32
      %add3A_530 = arith.addi %mul3A_2, %add3A_529 : i32
      %dma_wait3A_531 = arith.constant 15 : i32
      %dma_wait3A_532 = arith.constant 0 : i32
      %dma_wait3A_533 = arith.constant 0 : i32
      %dma_wait3A_534 = tpu.memref_slice %arg4[%dma_wait3A_531, %dma_wait3A_532, %dma_wait3A_533] : memref<16x16x4096xf32, #tpu.memory_space<vmem_shared>> -> memref<1x8x4096xf32, #tpu.memory_space<vmem_shared>>
      %dma_wait3A_535 = tpu.memref_squeeze %dma_wait3A_534 : memref<1x8x4096xf32, #tpu.memory_space<vmem_shared>> -> memref<8x4096xf32, #tpu.memory_space<vmem_shared>>
      %dma_wait3A_536 = arith.constant 0 : i32
      %dma_wait3A_537 = tpu.memref_slice %arg2[%add3A_530, %dma_wait3A_536] : memref<16384x4096xf32, #tpu.memory_space<hbm>> -> memref<8x4096xf32, #tpu.memory_space<hbm>>
      tpu.wait_dma2 semaphore(%arg6 : memref<!tpu.dma_semaphore, #tpu.memory_space<semaphore_mem>>) src(%dma_wait3A_537 : memref<8x4096xf32, #tpu.memory_space<hbm>>) dst(%dma_wait3A_535 : memref<8x4096xf32, #tpu.memory_space<vmem_shared>>)
      %add3A_538 = arith.constant 112 : i32
      %add3A_539 = arith.addi %mul3A_2, %add3A_538 : i32
      %dma_start3A_540 = arith.constant 15 : i32
      %dma_start3A_541 = arith.constant 0 : i32
      %dma_start3A_542 = tpu.memref_slice %arg3[%add3A_539, %dma_start3A_541] : memref<16384x4096xf32, #tpu.memory_space<hbm>> -> memref<8x4096xf32, #tpu.memory_space<hbm>>
      %dma_start3A_543 = arith.constant 0 : i32
      %dma_start3A_544 = arith.constant 0 : i32
      %dma_start3A_545 = tpu.memref_slice %arg4[%dma_start3A_540, %dma_start3A_543, %dma_start3A_544] : memref<16x16x4096xf32, #tpu.memory_space<vmem_shared>> -> memref<1x8x4096xf32, #tpu.memory_space<vmem_shared>>
      %dma_start3A_546 = tpu.memref_squeeze %dma_start3A_545 : memref<1x8x4096xf32, #tpu.memory_space<vmem_shared>> -> memref<8x4096xf32, #tpu.memory_space<vmem_shared>>
      tpu.enqueue_dma source(%dma_start3A_546 : memref<8x4096xf32, #tpu.memory_space<vmem_shared>>) target(%dma_start3A_542 : memref<8x4096xf32, #tpu.memory_space<hbm>>) target_semaphore(%arg8 : memref<!tpu.dma_semaphore, #tpu.memory_space<semaphore_mem>>)
      %add3A_547 = arith.constant 112 : i32
      %add3A_548 = arith.addi %mul3A_2, %add3A_547 : i32
      %dma_wait3A_549 = arith.constant 15 : i32
      %dma_wait3A_550 = arith.constant 0 : i32
      %dma_wait3A_551 = tpu.memref_slice %arg3[%add3A_548, %dma_wait3A_550] : memref<16384x4096xf32, #tpu.memory_space<hbm>> -> memref<8x4096xf32, #tpu.memory_space<hbm>>
      %dma_wait3A_552 = arith.constant 0 : i32
      %dma_wait3A_553 = arith.constant 0 : i32
      %dma_wait3A_554 = tpu.memref_slice %arg4[%dma_wait3A_549, %dma_wait3A_552, %dma_wait3A_553] : memref<16x16x4096xf32, #tpu.memory_space<vmem_shared>> -> memref<1x8x4096xf32, #tpu.memory_space<vmem_shared>>
      %dma_wait3A_555 = tpu.memref_squeeze %dma_wait3A_554 : memref<1x8x4096xf32, #tpu.memory_space<vmem_shared>> -> memref<8x4096xf32, #tpu.memory_space<vmem_shared>>
      tpu.wait_dma2 semaphore(%arg8 : memref<!tpu.dma_semaphore, #tpu.memory_space<semaphore_mem>>) src(%dma_wait3A_555 : memref<8x4096xf32, #tpu.memory_space<vmem_shared>>) dst(%dma_wait3A_551 : memref<8x4096xf32, #tpu.memory_space<hbm>>)
      %add3A_556 = arith.constant 128 : i32
      %add3A_557 = arith.addi %mul3A_2, %add3A_556 : i32
      %dma_start3A_558 = arith.constant 15 : i32
      %dma_start3A_559 = arith.constant 0 : i32
      %dma_start3A_560 = arith.constant 0 : i32
      %dma_start3A_561 = tpu.memref_slice %arg4[%dma_start3A_558, %dma_start3A_559, %dma_start3A_560] : memref<16x16x4096xf32, #tpu.memory_space<vmem_shared>> -> memref<1x8x4096xf32, #tpu.memory_space<vmem_shared>>
      %dma_start3A_562 = tpu.memref_squeeze %dma_start3A_561 : memref<1x8x4096xf32, #tpu.memory_space<vmem_shared>> -> memref<8x4096xf32, #tpu.memory_space<vmem_shared>>
      %dma_start3A_563 = arith.constant 0 : i32
      %dma_start3A_564 = tpu.memref_slice %arg2[%add3A_557, %dma_start3A_563] : memref<16384x4096xf32, #tpu.memory_space<hbm>> -> memref<8x4096xf32, #tpu.memory_space<hbm>>
      tpu.enqueue_dma source(%dma_start3A_564 : memref<8x4096xf32, #tpu.memory_space<hbm>>) target(%dma_start3A_562 : memref<8x4096xf32, #tpu.memory_space<vmem_shared>>) target_semaphore(%arg6 : memref<!tpu.dma_semaphore, #tpu.memory_space<semaphore_mem>>)
      %add3A_565 = arith.constant 120 : i32
      %add3A_566 = arith.addi %mul3A_2, %add3A_565 : i32
      %dma_wait3A_567 = arith.constant 15 : i32
      %dma_wait3A_568 = arith.constant 8 : i32
      %dma_wait3A_569 = arith.constant 0 : i32
      %dma_wait3A_570 = tpu.memref_slice %arg4[%dma_wait3A_567, %dma_wait3A_568, %dma_wait3A_569] : memref<16x16x4096xf32, #tpu.memory_space<vmem_shared>> -> memref<1x8x4096xf32, #tpu.memory_space<vmem_shared>>
      %dma_wait3A_571 = tpu.memref_squeeze %dma_wait3A_570 : memref<1x8x4096xf32, #tpu.memory_space<vmem_shared>> -> memref<8x4096xf32, #tpu.memory_space<vmem_shared>>
      %dma_wait3A_572 = arith.constant 0 : i32
      %dma_wait3A_573 = tpu.memref_slice %arg2[%add3A_566, %dma_wait3A_572] : memref<16384x4096xf32, #tpu.memory_space<hbm>> -> memref<8x4096xf32, #tpu.memory_space<hbm>>
      tpu.wait_dma2 semaphore(%arg7 : memref<!tpu.dma_semaphore, #tpu.memory_space<semaphore_mem>>) src(%dma_wait3A_573 : memref<8x4096xf32, #tpu.memory_space<hbm>>) dst(%dma_wait3A_571 : memref<8x4096xf32, #tpu.memory_space<vmem_shared>>)
      %add3A_574 = arith.constant 120 : i32
      %add3A_575 = arith.addi %mul3A_2, %add3A_574 : i32
      %dma_start3A_576 = arith.constant 15 : i32
      %dma_start3A_577 = arith.constant 0 : i32
      %dma_start3A_578 = tpu.memref_slice %arg3[%add3A_575, %dma_start3A_577] : memref<16384x4096xf32, #tpu.memory_space<hbm>> -> memref<8x4096xf32, #tpu.memory_space<hbm>>
      %dma_start3A_579 = arith.constant 8 : i32
      %dma_start3A_580 = arith.constant 0 : i32
      %dma_start3A_581 = tpu.memref_slice %arg4[%dma_start3A_576, %dma_start3A_579, %dma_start3A_580] : memref<16x16x4096xf32, #tpu.memory_space<vmem_shared>> -> memref<1x8x4096xf32, #tpu.memory_space<vmem_shared>>
      %dma_start3A_582 = tpu.memref_squeeze %dma_start3A_581 : memref<1x8x4096xf32, #tpu.memory_space<vmem_shared>> -> memref<8x4096xf32, #tpu.memory_space<vmem_shared>>
      tpu.enqueue_dma source(%dma_start3A_582 : memref<8x4096xf32, #tpu.memory_space<vmem_shared>>) target(%dma_start3A_578 : memref<8x4096xf32, #tpu.memory_space<hbm>>) target_semaphore(%arg9 : memref<!tpu.dma_semaphore, #tpu.memory_space<semaphore_mem>>)
      %add3A_583 = arith.constant 120 : i32
      %add3A_584 = arith.addi %mul3A_2, %add3A_583 : i32
      %dma_wait3A_585 = arith.constant 15 : i32
      %dma_wait3A_586 = arith.constant 0 : i32
      %dma_wait3A_587 = tpu.memref_slice %arg3[%add3A_584, %dma_wait3A_586] : memref<16384x4096xf32, #tpu.memory_space<hbm>> -> memref<8x4096xf32, #tpu.memory_space<hbm>>
      %dma_wait3A_588 = arith.constant 8 : i32
      %dma_wait3A_589 = arith.constant 0 : i32
      %dma_wait3A_590 = tpu.memref_slice %arg4[%dma_wait3A_585, %dma_wait3A_588, %dma_wait3A_589] : memref<16x16x4096xf32, #tpu.memory_space<vmem_shared>> -> memref<1x8x4096xf32, #tpu.memory_space<vmem_shared>>
      %dma_wait3A_591 = tpu.memref_squeeze %dma_wait3A_590 : memref<1x8x4096xf32, #tpu.memory_space<vmem_shared>> -> memref<8x4096xf32, #tpu.memory_space<vmem_shared>>
      tpu.wait_dma2 semaphore(%arg9 : memref<!tpu.dma_semaphore, #tpu.memory_space<semaphore_mem>>) src(%dma_wait3A_591 : memref<8x4096xf32, #tpu.memory_space<vmem_shared>>) dst(%dma_wait3A_587 : memref<8x4096xf32, #tpu.memory_space<hbm>>)
      %add3A_592 = arith.constant 136 : i32
      %add3A_593 = arith.addi %mul3A_2, %add3A_592 : i32
      %dma_start3A_594 = arith.constant 15 : i32
      %dma_start3A_595 = arith.constant 8 : i32
      %dma_start3A_596 = arith.constant 0 : i32
      %dma_start3A_597 = tpu.memref_slice %arg4[%dma_start3A_594, %dma_start3A_595, %dma_start3A_596] : memref<16x16x4096xf32, #tpu.memory_space<vmem_shared>> -> memref<1x8x4096xf32, #tpu.memory_space<vmem_shared>>
      %dma_start3A_598 = tpu.memref_squeeze %dma_start3A_597 : memref<1x8x4096xf32, #tpu.memory_space<vmem_shared>> -> memref<8x4096xf32, #tpu.memory_space<vmem_shared>>
      %dma_start3A_599 = arith.constant 0 : i32
      %dma_start3A_600 = tpu.memref_slice %arg2[%add3A_593, %dma_start3A_599] : memref<16384x4096xf32, #tpu.memory_space<hbm>> -> memref<8x4096xf32, #tpu.memory_space<hbm>>
      tpu.enqueue_dma source(%dma_start3A_600 : memref<8x4096xf32, #tpu.memory_space<hbm>>) target(%dma_start3A_598 : memref<8x4096xf32, #tpu.memory_space<vmem_shared>>) target_semaphore(%arg7 : memref<!tpu.dma_semaphore, #tpu.memory_space<semaphore_mem>>)
      %add3A_601 = arith.constant 128 : i32
      %add3A_602 = arith.addi %mul3A_2, %add3A_601 : i32
      %dma_wait3A_603 = arith.constant 15 : i32
      %dma_wait3A_604 = arith.constant 0 : i32
      %dma_wait3A_605 = arith.constant 0 : i32
      %dma_wait3A_606 = tpu.memref_slice %arg4[%dma_wait3A_603, %dma_wait3A_604, %dma_wait3A_605] : memref<16x16x4096xf32, #tpu.memory_space<vmem_shared>> -> memref<1x8x4096xf32, #tpu.memory_space<vmem_shared>>
      %dma_wait3A_607 = tpu.memref_squeeze %dma_wait3A_606 : memref<1x8x4096xf32, #tpu.memory_space<vmem_shared>> -> memref<8x4096xf32, #tpu.memory_space<vmem_shared>>
      %dma_wait3A_608 = arith.constant 0 : i32
      %dma_wait3A_609 = tpu.memref_slice %arg2[%add3A_602, %dma_wait3A_608] : memref<16384x4096xf32, #tpu.memory_space<hbm>> -> memref<8x4096xf32, #tpu.memory_space<hbm>>
      tpu.wait_dma2 semaphore(%arg6 : memref<!tpu.dma_semaphore, #tpu.memory_space<semaphore_mem>>) src(%dma_wait3A_609 : memref<8x4096xf32, #tpu.memory_space<hbm>>) dst(%dma_wait3A_607 : memref<8x4096xf32, #tpu.memory_space<vmem_shared>>)
      %add3A_610 = arith.constant 128 : i32
      %add3A_611 = arith.addi %mul3A_2, %add3A_610 : i32
      %dma_start3A_612 = arith.constant 15 : i32
      %dma_start3A_613 = arith.constant 0 : i32
      %dma_start3A_614 = tpu.memref_slice %arg3[%add3A_611, %dma_start3A_613] : memref<16384x4096xf32, #tpu.memory_space<hbm>> -> memref<8x4096xf32, #tpu.memory_space<hbm>>
      %dma_start3A_615 = arith.constant 0 : i32
      %dma_start3A_616 = arith.constant 0 : i32
      %dma_start3A_617 = tpu.memref_slice %arg4[%dma_start3A_612, %dma_start3A_615, %dma_start3A_616] : memref<16x16x4096xf32, #tpu.memory_space<vmem_shared>> -> memref<1x8x4096xf32, #tpu.memory_space<vmem_shared>>
      %dma_start3A_618 = tpu.memref_squeeze %dma_start3A_617 : memref<1x8x4096xf32, #tpu.memory_space<vmem_shared>> -> memref<8x4096xf32, #tpu.memory_space<vmem_shared>>
      tpu.enqueue_dma source(%dma_start3A_618 : memref<8x4096xf32, #tpu.memory_space<vmem_shared>>) target(%dma_start3A_614 : memref<8x4096xf32, #tpu.memory_space<hbm>>) target_semaphore(%arg8 : memref<!tpu.dma_semaphore, #tpu.memory_space<semaphore_mem>>)
      %add3A_619 = arith.constant 128 : i32
      %add3A_620 = arith.addi %mul3A_2, %add3A_619 : i32
      %dma_wait3A_621 = arith.constant 15 : i32
      %dma_wait3A_622 = arith.constant 0 : i32
      %dma_wait3A_623 = tpu.memref_slice %arg3[%add3A_620, %dma_wait3A_622] : memref<16384x4096xf32, #tpu.memory_space<hbm>> -> memref<8x4096xf32, #tpu.memory_space<hbm>>
      %dma_wait3A_624 = arith.constant 0 : i32
      %dma_wait3A_625 = arith.constant 0 : i32
      %dma_wait3A_626 = tpu.memref_slice %arg4[%dma_wait3A_621, %dma_wait3A_624, %dma_wait3A_625] : memref<16x16x4096xf32, #tpu.memory_space<vmem_shared>> -> memref<1x8x4096xf32, #tpu.memory_space<vmem_shared>>
      %dma_wait3A_627 = tpu.memref_squeeze %dma_wait3A_626 : memref<1x8x4096xf32, #tpu.memory_space<vmem_shared>> -> memref<8x4096xf32, #tpu.memory_space<vmem_shared>>
      tpu.wait_dma2 semaphore(%arg8 : memref<!tpu.dma_semaphore, #tpu.memory_space<semaphore_mem>>) src(%dma_wait3A_627 : memref<8x4096xf32, #tpu.memory_space<vmem_shared>>) dst(%dma_wait3A_623 : memref<8x4096xf32, #tpu.memory_space<hbm>>)
      %add3A_628 = arith.constant 144 : i32
      %add3A_629 = arith.addi %mul3A_2, %add3A_628 : i32
      %dma_start3A_630 = arith.constant 15 : i32
      %dma_start3A_631 = arith.constant 0 : i32
      %dma_start3A_632 = arith.constant 0 : i32
      %dma_start3A_633 = tpu.memref_slice %arg4[%dma_start3A_630, %dma_start3A_631, %dma_start3A_632] : memref<16x16x4096xf32, #tpu.memory_space<vmem_shared>> -> memref<1x8x4096xf32, #tpu.memory_space<vmem_shared>>
      %dma_start3A_634 = tpu.memref_squeeze %dma_start3A_633 : memref<1x8x4096xf32, #tpu.memory_space<vmem_shared>> -> memref<8x4096xf32, #tpu.memory_space<vmem_shared>>
      %dma_start3A_635 = arith.constant 0 : i32
      %dma_start3A_636 = tpu.memref_slice %arg2[%add3A_629, %dma_start3A_635] : memref<16384x4096xf32, #tpu.memory_space<hbm>> -> memref<8x4096xf32, #tpu.memory_space<hbm>>
      tpu.enqueue_dma source(%dma_start3A_636 : memref<8x4096xf32, #tpu.memory_space<hbm>>) target(%dma_start3A_634 : memref<8x4096xf32, #tpu.memory_space<vmem_shared>>) target_semaphore(%arg6 : memref<!tpu.dma_semaphore, #tpu.memory_space<semaphore_mem>>)
      %add3A_637 = arith.constant 136 : i32
      %add3A_638 = arith.addi %mul3A_2, %add3A_637 : i32
      %dma_wait3A_639 = arith.constant 15 : i32
      %dma_wait3A_640 = arith.constant 8 : i32
      %dma_wait3A_641 = arith.constant 0 : i32
      %dma_wait3A_642 = tpu.memref_slice %arg4[%dma_wait3A_639, %dma_wait3A_640, %dma_wait3A_641] : memref<16x16x4096xf32, #tpu.memory_space<vmem_shared>> -> memref<1x8x4096xf32, #tpu.memory_space<vmem_shared>>
      %dma_wait3A_643 = tpu.memref_squeeze %dma_wait3A_642 : memref<1x8x4096xf32, #tpu.memory_space<vmem_shared>> -> memref<8x4096xf32, #tpu.memory_space<vmem_shared>>
      %dma_wait3A_644 = arith.constant 0 : i32
      %dma_wait3A_645 = tpu.memref_slice %arg2[%add3A_638, %dma_wait3A_644] : memref<16384x4096xf32, #tpu.memory_space<hbm>> -> memref<8x4096xf32, #tpu.memory_space<hbm>>
      tpu.wait_dma2 semaphore(%arg7 : memref<!tpu.dma_semaphore, #tpu.memory_space<semaphore_mem>>) src(%dma_wait3A_645 : memref<8x4096xf32, #tpu.memory_space<hbm>>) dst(%dma_wait3A_643 : memref<8x4096xf32, #tpu.memory_space<vmem_shared>>)
      %add3A_646 = arith.constant 136 : i32
      %add3A_647 = arith.addi %mul3A_2, %add3A_646 : i32
      %dma_start3A_648 = arith.constant 15 : i32
      %dma_start3A_649 = arith.constant 0 : i32
      %dma_start3A_650 = tpu.memref_slice %arg3[%add3A_647, %dma_start3A_649] : memref<16384x4096xf32, #tpu.memory_space<hbm>> -> memref<8x4096xf32, #tpu.memory_space<hbm>>
      %dma_start3A_651 = arith.constant 8 : i32
      %dma_start3A_652 = arith.constant 0 : i32
      %dma_start3A_653 = tpu.memref_slice %arg4[%dma_start3A_648, %dma_start3A_651, %dma_start3A_652] : memref<16x16x4096xf32, #tpu.memory_space<vmem_shared>> -> memref<1x8x4096xf32, #tpu.memory_space<vmem_shared>>
      %dma_start3A_654 = tpu.memref_squeeze %dma_start3A_653 : memref<1x8x4096xf32, #tpu.memory_space<vmem_shared>> -> memref<8x4096xf32, #tpu.memory_space<vmem_shared>>
      tpu.enqueue_dma source(%dma_start3A_654 : memref<8x4096xf32, #tpu.memory_space<vmem_shared>>) target(%dma_start3A_650 : memref<8x4096xf32, #tpu.memory_space<hbm>>) target_semaphore(%arg9 : memref<!tpu.dma_semaphore, #tpu.memory_space<semaphore_mem>>)
      %add3A_655 = arith.constant 136 : i32
      %add3A_656 = arith.addi %mul3A_2, %add3A_655 : i32
      %dma_wait3A_657 = arith.constant 15 : i32
      %dma_wait3A_658 = arith.constant 0 : i32
      %dma_wait3A_659 = tpu.memref_slice %arg3[%add3A_656, %dma_wait3A_658] : memref<16384x4096xf32, #tpu.memory_space<hbm>> -> memref<8x4096xf32, #tpu.memory_space<hbm>>
      %dma_wait3A_660 = arith.constant 8 : i32
      %dma_wait3A_661 = arith.constant 0 : i32
      %dma_wait3A_662 = tpu.memref_slice %arg4[%dma_wait3A_657, %dma_wait3A_660, %dma_wait3A_661] : memref<16x16x4096xf32, #tpu.memory_space<vmem_shared>> -> memref<1x8x4096xf32, #tpu.memory_space<vmem_shared>>
      %dma_wait3A_663 = tpu.memref_squeeze %dma_wait3A_662 : memref<1x8x4096xf32, #tpu.memory_space<vmem_shared>> -> memref<8x4096xf32, #tpu.memory_space<vmem_shared>>
      tpu.wait_dma2 semaphore(%arg9 : memref<!tpu.dma_semaphore, #tpu.memory_space<semaphore_mem>>) src(%dma_wait3A_663 : memref<8x4096xf32, #tpu.memory_space<vmem_shared>>) dst(%dma_wait3A_659 : memref<8x4096xf32, #tpu.memory_space<hbm>>)
      %add3A_664 = arith.constant 152 : i32
      %add3A_665 = arith.addi %mul3A_2, %add3A_664 : i32
      %dma_start3A_666 = arith.constant 15 : i32
      %dma_start3A_667 = arith.constant 8 : i32
      %dma_start3A_668 = arith.constant 0 : i32
      %dma_start3A_669 = tpu.memref_slice %arg4[%dma_start3A_666, %dma_start3A_667, %dma_start3A_668] : memref<16x16x4096xf32, #tpu.memory_space<vmem_shared>> -> memref<1x8x4096xf32, #tpu.memory_space<vmem_shared>>
      %dma_start3A_670 = tpu.memref_squeeze %dma_start3A_669 : memref<1x8x4096xf32, #tpu.memory_space<vmem_shared>> -> memref<8x4096xf32, #tpu.memory_space<vmem_shared>>
      %dma_start3A_671 = arith.constant 0 : i32
      %dma_start3A_672 = tpu.memref_slice %arg2[%add3A_665, %dma_start3A_671] : memref<16384x4096xf32, #tpu.memory_space<hbm>> -> memref<8x4096xf32, #tpu.memory_space<hbm>>
      tpu.enqueue_dma source(%dma_start3A_672 : memref<8x4096xf32, #tpu.memory_space<hbm>>) target(%dma_start3A_670 : memref<8x4096xf32, #tpu.memory_space<vmem_shared>>) target_semaphore(%arg7 : memref<!tpu.dma_semaphore, #tpu.memory_space<semaphore_mem>>)
      %add3A_673 = arith.constant 144 : i32
      %add3A_674 = arith.addi %mul3A_2, %add3A_673 : i32
      %dma_wait3A_675 = arith.constant 15 : i32
      %dma_wait3A_676 = arith.constant 0 : i32
      %dma_wait3A_677 = arith.constant 0 : i32
      %dma_wait3A_678 = tpu.memref_slice %arg4[%dma_wait3A_675, %dma_wait3A_676, %dma_wait3A_677] : memref<16x16x4096xf32, #tpu.memory_space<vmem_shared>> -> memref<1x8x4096xf32, #tpu.memory_space<vmem_shared>>
      %dma_wait3A_679 = tpu.memref_squeeze %dma_wait3A_678 : memref<1x8x4096xf32, #tpu.memory_space<vmem_shared>> -> memref<8x4096xf32, #tpu.memory_space<vmem_shared>>
      %dma_wait3A_680 = arith.constant 0 : i32
      %dma_wait3A_681 = tpu.memref_slice %arg2[%add3A_674, %dma_wait3A_680] : memref<16384x4096xf32, #tpu.memory_space<hbm>> -> memref<8x4096xf32, #tpu.memory_space<hbm>>
      tpu.wait_dma2 semaphore(%arg6 : memref<!tpu.dma_semaphore, #tpu.memory_space<semaphore_mem>>) src(%dma_wait3A_681 : memref<8x4096xf32, #tpu.memory_space<hbm>>) dst(%dma_wait3A_679 : memref<8x4096xf32, #tpu.memory_space<vmem_shared>>)
      %add3A_682 = arith.constant 144 : i32
      %add3A_683 = arith.addi %mul3A_2, %add3A_682 : i32
      %dma_start3A_684 = arith.constant 15 : i32
      %dma_start3A_685 = arith.constant 0 : i32
      %dma_start3A_686 = tpu.memref_slice %arg3[%add3A_683, %dma_start3A_685] : memref<16384x4096xf32, #tpu.memory_space<hbm>> -> memref<8x4096xf32, #tpu.memory_space<hbm>>
      %dma_start3A_687 = arith.constant 0 : i32
      %dma_start3A_688 = arith.constant 0 : i32
      %dma_start3A_689 = tpu.memref_slice %arg4[%dma_start3A_684, %dma_start3A_687, %dma_start3A_688] : memref<16x16x4096xf32, #tpu.memory_space<vmem_shared>> -> memref<1x8x4096xf32, #tpu.memory_space<vmem_shared>>
      %dma_start3A_690 = tpu.memref_squeeze %dma_start3A_689 : memref<1x8x4096xf32, #tpu.memory_space<vmem_shared>> -> memref<8x4096xf32, #tpu.memory_space<vmem_shared>>
      tpu.enqueue_dma source(%dma_start3A_690 : memref<8x4096xf32, #tpu.memory_space<vmem_shared>>) target(%dma_start3A_686 : memref<8x4096xf32, #tpu.memory_space<hbm>>) target_semaphore(%arg8 : memref<!tpu.dma_semaphore, #tpu.memory_space<semaphore_mem>>)
      %add3A_691 = arith.constant 144 : i32
      %add3A_692 = arith.addi %mul3A_2, %add3A_691 : i32
      %dma_wait3A_693 = arith.constant 15 : i32
      %dma_wait3A_694 = arith.constant 0 : i32
      %dma_wait3A_695 = tpu.memref_slice %arg3[%add3A_692, %dma_wait3A_694] : memref<16384x4096xf32, #tpu.memory_space<hbm>> -> memref<8x4096xf32, #tpu.memory_space<hbm>>
      %dma_wait3A_696 = arith.constant 0 : i32
      %dma_wait3A_697 = arith.constant 0 : i32
      %dma_wait3A_698 = tpu.memref_slice %arg4[%dma_wait3A_693, %dma_wait3A_696, %dma_wait3A_697] : memref<16x16x4096xf32, #tpu.memory_space<vmem_shared>> -> memref<1x8x4096xf32, #tpu.memory_space<vmem_shared>>
      %dma_wait3A_699 = tpu.memref_squeeze %dma_wait3A_698 : memref<1x8x4096xf32, #tpu.memory_space<vmem_shared>> -> memref<8x4096xf32, #tpu.memory_space<vmem_shared>>
      tpu.wait_dma2 semaphore(%arg8 : memref<!tpu.dma_semaphore, #tpu.memory_space<semaphore_mem>>) src(%dma_wait3A_699 : memref<8x4096xf32, #tpu.memory_space<vmem_shared>>) dst(%dma_wait3A_695 : memref<8x4096xf32, #tpu.memory_space<hbm>>)
      %add3A_700 = arith.constant 160 : i32
      %add3A_701 = arith.addi %mul3A_2, %add3A_700 : i32
      %dma_start3A_702 = arith.constant 15 : i32
      %dma_start3A_703 = arith.constant 0 : i32
      %dma_start3A_704 = arith.constant 0 : i32
      %dma_start3A_705 = tpu.memref_slice %arg4[%dma_start3A_702, %dma_start3A_703, %dma_start3A_704] : memref<16x16x4096xf32, #tpu.memory_space<vmem_shared>> -> memref<1x8x4096xf32, #tpu.memory_space<vmem_shared>>
      %dma_start3A_706 = tpu.memref_squeeze %dma_start3A_705 : memref<1x8x4096xf32, #tpu.memory_space<vmem_shared>> -> memref<8x4096xf32, #tpu.memory_space<vmem_shared>>
      %dma_start3A_707 = arith.constant 0 : i32
      %dma_start3A_708 = tpu.memref_slice %arg2[%add3A_701, %dma_start3A_707] : memref<16384x4096xf32, #tpu.memory_space<hbm>> -> memref<8x4096xf32, #tpu.memory_space<hbm>>
      tpu.enqueue_dma source(%dma_start3A_708 : memref<8x4096xf32, #tpu.memory_space<hbm>>) target(%dma_start3A_706 : memref<8x4096xf32, #tpu.memory_space<vmem_shared>>) target_semaphore(%arg6 : memref<!tpu.dma_semaphore, #tpu.memory_space<semaphore_mem>>)
      %add3A_709 = arith.constant 152 : i32
      %add3A_710 = arith.addi %mul3A_2, %add3A_709 : i32
      %dma_wait3A_711 = arith.constant 15 : i32
      %dma_wait3A_712 = arith.constant 8 : i32
      %dma_wait3A_713 = arith.constant 0 : i32
      %dma_wait3A_714 = tpu.memref_slice %arg4[%dma_wait3A_711, %dma_wait3A_712, %dma_wait3A_713] : memref<16x16x4096xf32, #tpu.memory_space<vmem_shared>> -> memref<1x8x4096xf32, #tpu.memory_space<vmem_shared>>
      %dma_wait3A_715 = tpu.memref_squeeze %dma_wait3A_714 : memref<1x8x4096xf32, #tpu.memory_space<vmem_shared>> -> memref<8x4096xf32, #tpu.memory_space<vmem_shared>>
      %dma_wait3A_716 = arith.constant 0 : i32
      %dma_wait3A_717 = tpu.memref_slice %arg2[%add3A_710, %dma_wait3A_716] : memref<16384x4096xf32, #tpu.memory_space<hbm>> -> memref<8x4096xf32, #tpu.memory_space<hbm>>
      tpu.wait_dma2 semaphore(%arg7 : memref<!tpu.dma_semaphore, #tpu.memory_space<semaphore_mem>>) src(%dma_wait3A_717 : memref<8x4096xf32, #tpu.memory_space<hbm>>) dst(%dma_wait3A_715 : memref<8x4096xf32, #tpu.memory_space<vmem_shared>>)
      %add3A_718 = arith.constant 152 : i32
      %add3A_719 = arith.addi %mul3A_2, %add3A_718 : i32
      %dma_start3A_720 = arith.constant 15 : i32
      %dma_start3A_721 = arith.constant 0 : i32
      %dma_start3A_722 = tpu.memref_slice %arg3[%add3A_719, %dma_start3A_721] : memref<16384x4096xf32, #tpu.memory_space<hbm>> -> memref<8x4096xf32, #tpu.memory_space<hbm>>
      %dma_start3A_723 = arith.constant 8 : i32
      %dma_start3A_724 = arith.constant 0 : i32
      %dma_start3A_725 = tpu.memref_slice %arg4[%dma_start3A_720, %dma_start3A_723, %dma_start3A_724] : memref<16x16x4096xf32, #tpu.memory_space<vmem_shared>> -> memref<1x8x4096xf32, #tpu.memory_space<vmem_shared>>
      %dma_start3A_726 = tpu.memref_squeeze %dma_start3A_725 : memref<1x8x4096xf32, #tpu.memory_space<vmem_shared>> -> memref<8x4096xf32, #tpu.memory_space<vmem_shared>>
      tpu.enqueue_dma source(%dma_start3A_726 : memref<8x4096xf32, #tpu.memory_space<vmem_shared>>) target(%dma_start3A_722 : memref<8x4096xf32, #tpu.memory_space<hbm>>) target_semaphore(%arg9 : memref<!tpu.dma_semaphore, #tpu.memory_space<semaphore_mem>>)
      %add3A_727 = arith.constant 152 : i32
      %add3A_728 = arith.addi %mul3A_2, %add3A_727 : i32
      %dma_wait3A_729 = arith.constant 15 : i32
      %dma_wait3A_730 = arith.constant 0 : i32
      %dma_wait3A_731 = tpu.memref_slice %arg3[%add3A_728, %dma_wait3A_730] : memref<16384x4096xf32, #tpu.memory_space<hbm>> -> memref<8x4096xf32, #tpu.memory_space<hbm>>
      %dma_wait3A_732 = arith.constant 8 : i32
      %dma_wait3A_733 = arith.constant 0 : i32
      %dma_wait3A_734 = tpu.memref_slice %arg4[%dma_wait3A_729, %dma_wait3A_732, %dma_wait3A_733] : memref<16x16x4096xf32, #tpu.memory_space<vmem_shared>> -> memref<1x8x4096xf32, #tpu.memory_space<vmem_shared>>
      %dma_wait3A_735 = tpu.memref_squeeze %dma_wait3A_734 : memref<1x8x4096xf32, #tpu.memory_space<vmem_shared>> -> memref<8x4096xf32, #tpu.memory_space<vmem_shared>>
      tpu.wait_dma2 semaphore(%arg9 : memref<!tpu.dma_semaphore, #tpu.memory_space<semaphore_mem>>) src(%dma_wait3A_735 : memref<8x4096xf32, #tpu.memory_space<vmem_shared>>) dst(%dma_wait3A_731 : memref<8x4096xf32, #tpu.memory_space<hbm>>)
      %add3A_736 = arith.constant 168 : i32
      %add3A_737 = arith.addi %mul3A_2, %add3A_736 : i32
      %dma_start3A_738 = arith.constant 15 : i32
      %dma_start3A_739 = arith.constant 8 : i32
      %dma_start3A_740 = arith.constant 0 : i32
      %dma_start3A_741 = tpu.memref_slice %arg4[%dma_start3A_738, %dma_start3A_739, %dma_start3A_740] : memref<16x16x4096xf32, #tpu.memory_space<vmem_shared>> -> memref<1x8x4096xf32, #tpu.memory_space<vmem_shared>>
      %dma_start3A_742 = tpu.memref_squeeze %dma_start3A_741 : memref<1x8x4096xf32, #tpu.memory_space<vmem_shared>> -> memref<8x4096xf32, #tpu.memory_space<vmem_shared>>
      %dma_start3A_743 = arith.constant 0 : i32
      %dma_start3A_744 = tpu.memref_slice %arg2[%add3A_737, %dma_start3A_743] : memref<16384x4096xf32, #tpu.memory_space<hbm>> -> memref<8x4096xf32, #tpu.memory_space<hbm>>
      tpu.enqueue_dma source(%dma_start3A_744 : memref<8x4096xf32, #tpu.memory_space<hbm>>) target(%dma_start3A_742 : memref<8x4096xf32, #tpu.memory_space<vmem_shared>>) target_semaphore(%arg7 : memref<!tpu.dma_semaphore, #tpu.memory_space<semaphore_mem>>)
      %add3A_745 = arith.constant 160 : i32
      %add3A_746 = arith.addi %mul3A_2, %add3A_745 : i32
      %dma_wait3A_747 = arith.constant 15 : i32
      %dma_wait3A_748 = arith.constant 0 : i32
      %dma_wait3A_749 = arith.constant 0 : i32
      %dma_wait3A_750 = tpu.memref_slice %arg4[%dma_wait3A_747, %dma_wait3A_748, %dma_wait3A_749] : memref<16x16x4096xf32, #tpu.memory_space<vmem_shared>> -> memref<1x8x4096xf32, #tpu.memory_space<vmem_shared>>
      %dma_wait3A_751 = tpu.memref_squeeze %dma_wait3A_750 : memref<1x8x4096xf32, #tpu.memory_space<vmem_shared>> -> memref<8x4096xf32, #tpu.memory_space<vmem_shared>>
      %dma_wait3A_752 = arith.constant 0 : i32
      %dma_wait3A_753 = tpu.memref_slice %arg2[%add3A_746, %dma_wait3A_752] : memref<16384x4096xf32, #tpu.memory_space<hbm>> -> memref<8x4096xf32, #tpu.memory_space<hbm>>
      tpu.wait_dma2 semaphore(%arg6 : memref<!tpu.dma_semaphore, #tpu.memory_space<semaphore_mem>>) src(%dma_wait3A_753 : memref<8x4096xf32, #tpu.memory_space<hbm>>) dst(%dma_wait3A_751 : memref<8x4096xf32, #tpu.memory_space<vmem_shared>>)
      %add3A_754 = arith.constant 160 : i32
      %add3A_755 = arith.addi %mul3A_2, %add3A_754 : i32
      %dma_start3A_756 = arith.constant 15 : i32
      %dma_start3A_757 = arith.constant 0 : i32
      %dma_start3A_758 = tpu.memref_slice %arg3[%add3A_755, %dma_start3A_757] : memref<16384x4096xf32, #tpu.memory_space<hbm>> -> memref<8x4096xf32, #tpu.memory_space<hbm>>
      %dma_start3A_759 = arith.constant 0 : i32
      %dma_start3A_760 = arith.constant 0 : i32
      %dma_start3A_761 = tpu.memref_slice %arg4[%dma_start3A_756, %dma_start3A_759, %dma_start3A_760] : memref<16x16x4096xf32, #tpu.memory_space<vmem_shared>> -> memref<1x8x4096xf32, #tpu.memory_space<vmem_shared>>
      %dma_start3A_762 = tpu.memref_squeeze %dma_start3A_761 : memref<1x8x4096xf32, #tpu.memory_space<vmem_shared>> -> memref<8x4096xf32, #tpu.memory_space<vmem_shared>>
      tpu.enqueue_dma source(%dma_start3A_762 : memref<8x4096xf32, #tpu.memory_space<vmem_shared>>) target(%dma_start3A_758 : memref<8x4096xf32, #tpu.memory_space<hbm>>) target_semaphore(%arg8 : memref<!tpu.dma_semaphore, #tpu.memory_space<semaphore_mem>>)
      %add3A_763 = arith.constant 160 : i32
      %add3A_764 = arith.addi %mul3A_2, %add3A_763 : i32
      %dma_wait3A_765 = arith.constant 15 : i32
      %dma_wait3A_766 = arith.constant 0 : i32
      %dma_wait3A_767 = tpu.memref_slice %arg3[%add3A_764, %dma_wait3A_766] : memref<16384x4096xf32, #tpu.memory_space<hbm>> -> memref<8x4096xf32, #tpu.memory_space<hbm>>
      %dma_wait3A_768 = arith.constant 0 : i32
      %dma_wait3A_769 = arith.constant 0 : i32
      %dma_wait3A_770 = tpu.memref_slice %arg4[%dma_wait3A_765, %dma_wait3A_768, %dma_wait3A_769] : memref<16x16x4096xf32, #tpu.memory_space<vmem_shared>> -> memref<1x8x4096xf32, #tpu.memory_space<vmem_shared>>
      %dma_wait3A_771 = tpu.memref_squeeze %dma_wait3A_770 : memref<1x8x4096xf32, #tpu.memory_space<vmem_shared>> -> memref<8x4096xf32, #tpu.memory_space<vmem_shared>>
      tpu.wait_dma2 semaphore(%arg8 : memref<!tpu.dma_semaphore, #tpu.memory_space<semaphore_mem>>) src(%dma_wait3A_771 : memref<8x4096xf32, #tpu.memory_space<vmem_shared>>) dst(%dma_wait3A_767 : memref<8x4096xf32, #tpu.memory_space<hbm>>)
      %add3A_772 = arith.constant 176 : i32
      %add3A_773 = arith.addi %mul3A_2, %add3A_772 : i32
      %dma_start3A_774 = arith.constant 15 : i32
      %dma_start3A_775 = arith.constant 0 : i32
      %dma_start3A_776 = arith.constant 0 : i32
      %dma_start3A_777 = tpu.memref_slice %arg4[%dma_start3A_774, %dma_start3A_775, %dma_start3A_776] : memref<16x16x4096xf32, #tpu.memory_space<vmem_shared>> -> memref<1x8x4096xf32, #tpu.memory_space<vmem_shared>>
      %dma_start3A_778 = tpu.memref_squeeze %dma_start3A_777 : memref<1x8x4096xf32, #tpu.memory_space<vmem_shared>> -> memref<8x4096xf32, #tpu.memory_space<vmem_shared>>
      %dma_start3A_779 = arith.constant 0 : i32
      %dma_start3A_780 = tpu.memref_slice %arg2[%add3A_773, %dma_start3A_779] : memref<16384x4096xf32, #tpu.memory_space<hbm>> -> memref<8x4096xf32, #tpu.memory_space<hbm>>
      tpu.enqueue_dma source(%dma_start3A_780 : memref<8x4096xf32, #tpu.memory_space<hbm>>) target(%dma_start3A_778 : memref<8x4096xf32, #tpu.memory_space<vmem_shared>>) target_semaphore(%arg6 : memref<!tpu.dma_semaphore, #tpu.memory_space<semaphore_mem>>)
      %add3A_781 = arith.constant 168 : i32
      %add3A_782 = arith.addi %mul3A_2, %add3A_781 : i32
      %dma_wait3A_783 = arith.constant 15 : i32
      %dma_wait3A_784 = arith.constant 8 : i32
      %dma_wait3A_785 = arith.constant 0 : i32
      %dma_wait3A_786 = tpu.memref_slice %arg4[%dma_wait3A_783, %dma_wait3A_784, %dma_wait3A_785] : memref<16x16x4096xf32, #tpu.memory_space<vmem_shared>> -> memref<1x8x4096xf32, #tpu.memory_space<vmem_shared>>
      %dma_wait3A_787 = tpu.memref_squeeze %dma_wait3A_786 : memref<1x8x4096xf32, #tpu.memory_space<vmem_shared>> -> memref<8x4096xf32, #tpu.memory_space<vmem_shared>>
      %dma_wait3A_788 = arith.constant 0 : i32
      %dma_wait3A_789 = tpu.memref_slice %arg2[%add3A_782, %dma_wait3A_788] : memref<16384x4096xf32, #tpu.memory_space<hbm>> -> memref<8x4096xf32, #tpu.memory_space<hbm>>
      tpu.wait_dma2 semaphore(%arg7 : memref<!tpu.dma_semaphore, #tpu.memory_space<semaphore_mem>>) src(%dma_wait3A_789 : memref<8x4096xf32, #tpu.memory_space<hbm>>) dst(%dma_wait3A_787 : memref<8x4096xf32, #tpu.memory_space<vmem_shared>>)
      %add3A_790 = arith.constant 168 : i32
      %add3A_791 = arith.addi %mul3A_2, %add3A_790 : i32
      %dma_start3A_792 = arith.constant 15 : i32
      %dma_start3A_793 = arith.constant 0 : i32
      %dma_start3A_794 = tpu.memref_slice %arg3[%add3A_791, %dma_start3A_793] : memref<16384x4096xf32, #tpu.memory_space<hbm>> -> memref<8x4096xf32, #tpu.memory_space<hbm>>
      %dma_start3A_795 = arith.constant 8 : i32
      %dma_start3A_796 = arith.constant 0 : i32
      %dma_start3A_797 = tpu.memref_slice %arg4[%dma_start3A_792, %dma_start3A_795, %dma_start3A_796] : memref<16x16x4096xf32, #tpu.memory_space<vmem_shared>> -> memref<1x8x4096xf32, #tpu.memory_space<vmem_shared>>
      %dma_start3A_798 = tpu.memref_squeeze %dma_start3A_797 : memref<1x8x4096xf32, #tpu.memory_space<vmem_shared>> -> memref<8x4096xf32, #tpu.memory_space<vmem_shared>>
      tpu.enqueue_dma source(%dma_start3A_798 : memref<8x4096xf32, #tpu.memory_space<vmem_shared>>) target(%dma_start3A_794 : memref<8x4096xf32, #tpu.memory_space<hbm>>) target_semaphore(%arg9 : memref<!tpu.dma_semaphore, #tpu.memory_space<semaphore_mem>>)
      %add3A_799 = arith.constant 168 : i32
      %add3A_800 = arith.addi %mul3A_2, %add3A_799 : i32
      %dma_wait3A_801 = arith.constant 15 : i32
      %dma_wait3A_802 = arith.constant 0 : i32
      %dma_wait3A_803 = tpu.memref_slice %arg3[%add3A_800, %dma_wait3A_802] : memref<16384x4096xf32, #tpu.memory_space<hbm>> -> memref<8x4096xf32, #tpu.memory_space<hbm>>
      %dma_wait3A_804 = arith.constant 8 : i32
      %dma_wait3A_805 = arith.constant 0 : i32
      %dma_wait3A_806 = tpu.memref_slice %arg4[%dma_wait3A_801, %dma_wait3A_804, %dma_wait3A_805] : memref<16x16x4096xf32, #tpu.memory_space<vmem_shared>> -> memref<1x8x4096xf32, #tpu.memory_space<vmem_shared>>
      %dma_wait3A_807 = tpu.memref_squeeze %dma_wait3A_806 : memref<1x8x4096xf32, #tpu.memory_space<vmem_shared>> -> memref<8x4096xf32, #tpu.memory_space<vmem_shared>>
      tpu.wait_dma2 semaphore(%arg9 : memref<!tpu.dma_semaphore, #tpu.memory_space<semaphore_mem>>) src(%dma_wait3A_807 : memref<8x4096xf32, #tpu.memory_space<vmem_shared>>) dst(%dma_wait3A_803 : memref<8x4096xf32, #tpu.memory_space<hbm>>)
      %add3A_808 = arith.constant 184 : i32
      %add3A_809 = arith.addi %mul3A_2, %add3A_808 : i32
      %dma_start3A_810 = arith.constant 15 : i32
      %dma_start3A_811 = arith.constant 8 : i32
      %dma_start3A_812 = arith.constant 0 : i32
      %dma_start3A_813 = tpu.memref_slice %arg4[%dma_start3A_810, %dma_start3A_811, %dma_start3A_812] : memref<16x16x4096xf32, #tpu.memory_space<vmem_shared>> -> memref<1x8x4096xf32, #tpu.memory_space<vmem_shared>>
      %dma_start3A_814 = tpu.memref_squeeze %dma_start3A_813 : memref<1x8x4096xf32, #tpu.memory_space<vmem_shared>> -> memref<8x4096xf32, #tpu.memory_space<vmem_shared>>
      %dma_start3A_815 = arith.constant 0 : i32
      %dma_start3A_816 = tpu.memref_slice %arg2[%add3A_809, %dma_start3A_815] : memref<16384x4096xf32, #tpu.memory_space<hbm>> -> memref<8x4096xf32, #tpu.memory_space<hbm>>
      tpu.enqueue_dma source(%dma_start3A_816 : memref<8x4096xf32, #tpu.memory_space<hbm>>) target(%dma_start3A_814 : memref<8x4096xf32, #tpu.memory_space<vmem_shared>>) target_semaphore(%arg7 : memref<!tpu.dma_semaphore, #tpu.memory_space<semaphore_mem>>)
      %add3A_817 = arith.constant 176 : i32
      %add3A_818 = arith.addi %mul3A_2, %add3A_817 : i32
      %dma_wait3A_819 = arith.constant 15 : i32
      %dma_wait3A_820 = arith.constant 0 : i32
      %dma_wait3A_821 = arith.constant 0 : i32
      %dma_wait3A_822 = tpu.memref_slice %arg4[%dma_wait3A_819, %dma_wait3A_820, %dma_wait3A_821] : memref<16x16x4096xf32, #tpu.memory_space<vmem_shared>> -> memref<1x8x4096xf32, #tpu.memory_space<vmem_shared>>
      %dma_wait3A_823 = tpu.memref_squeeze %dma_wait3A_822 : memref<1x8x4096xf32, #tpu.memory_space<vmem_shared>> -> memref<8x4096xf32, #tpu.memory_space<vmem_shared>>
      %dma_wait3A_824 = arith.constant 0 : i32
      %dma_wait3A_825 = tpu.memref_slice %arg2[%add3A_818, %dma_wait3A_824] : memref<16384x4096xf32, #tpu.memory_space<hbm>> -> memref<8x4096xf32, #tpu.memory_space<hbm>>
      tpu.wait_dma2 semaphore(%arg6 : memref<!tpu.dma_semaphore, #tpu.memory_space<semaphore_mem>>) src(%dma_wait3A_825 : memref<8x4096xf32, #tpu.memory_space<hbm>>) dst(%dma_wait3A_823 : memref<8x4096xf32, #tpu.memory_space<vmem_shared>>)
      %add3A_826 = arith.constant 176 : i32
      %add3A_827 = arith.addi %mul3A_2, %add3A_826 : i32
      %dma_start3A_828 = arith.constant 15 : i32
      %dma_start3A_829 = arith.constant 0 : i32
      %dma_start3A_830 = tpu.memref_slice %arg3[%add3A_827, %dma_start3A_829] : memref<16384x4096xf32, #tpu.memory_space<hbm>> -> memref<8x4096xf32, #tpu.memory_space<hbm>>
      %dma_start3A_831 = arith.constant 0 : i32
      %dma_start3A_832 = arith.constant 0 : i32
      %dma_start3A_833 = tpu.memref_slice %arg4[%dma_start3A_828, %dma_start3A_831, %dma_start3A_832] : memref<16x16x4096xf32, #tpu.memory_space<vmem_shared>> -> memref<1x8x4096xf32, #tpu.memory_space<vmem_shared>>
      %dma_start3A_834 = tpu.memref_squeeze %dma_start3A_833 : memref<1x8x4096xf32, #tpu.memory_space<vmem_shared>> -> memref<8x4096xf32, #tpu.memory_space<vmem_shared>>
      tpu.enqueue_dma source(%dma_start3A_834 : memref<8x4096xf32, #tpu.memory_space<vmem_shared>>) target(%dma_start3A_830 : memref<8x4096xf32, #tpu.memory_space<hbm>>) target_semaphore(%arg8 : memref<!tpu.dma_semaphore, #tpu.memory_space<semaphore_mem>>)
      %add3A_835 = arith.constant 176 : i32
      %add3A_836 = arith.addi %mul3A_2, %add3A_835 : i32
      %dma_wait3A_837 = arith.constant 15 : i32
      %dma_wait3A_838 = arith.constant 0 : i32
      %dma_wait3A_839 = tpu.memref_slice %arg3[%add3A_836, %dma_wait3A_838] : memref<16384x4096xf32, #tpu.memory_space<hbm>> -> memref<8x4096xf32, #tpu.memory_space<hbm>>
      %dma_wait3A_840 = arith.constant 0 : i32
      %dma_wait3A_841 = arith.constant 0 : i32
      %dma_wait3A_842 = tpu.memref_slice %arg4[%dma_wait3A_837, %dma_wait3A_840, %dma_wait3A_841] : memref<16x16x4096xf32, #tpu.memory_space<vmem_shared>> -> memref<1x8x4096xf32, #tpu.memory_space<vmem_shared>>
      %dma_wait3A_843 = tpu.memref_squeeze %dma_wait3A_842 : memref<1x8x4096xf32, #tpu.memory_space<vmem_shared>> -> memref<8x4096xf32, #tpu.memory_space<vmem_shared>>
      tpu.wait_dma2 semaphore(%arg8 : memref<!tpu.dma_semaphore, #tpu.memory_space<semaphore_mem>>) src(%dma_wait3A_843 : memref<8x4096xf32, #tpu.memory_space<vmem_shared>>) dst(%dma_wait3A_839 : memref<8x4096xf32, #tpu.memory_space<hbm>>)
      %add3A_844 = arith.constant 192 : i32
      %add3A_845 = arith.addi %mul3A_2, %add3A_844 : i32
      %dma_start3A_846 = arith.constant 15 : i32
      %dma_start3A_847 = arith.constant 0 : i32
      %dma_start3A_848 = arith.constant 0 : i32
      %dma_start3A_849 = tpu.memref_slice %arg4[%dma_start3A_846, %dma_start3A_847, %dma_start3A_848] : memref<16x16x4096xf32, #tpu.memory_space<vmem_shared>> -> memref<1x8x4096xf32, #tpu.memory_space<vmem_shared>>
      %dma_start3A_850 = tpu.memref_squeeze %dma_start3A_849 : memref<1x8x4096xf32, #tpu.memory_space<vmem_shared>> -> memref<8x4096xf32, #tpu.memory_space<vmem_shared>>
      %dma_start3A_851 = arith.constant 0 : i32
      %dma_start3A_852 = tpu.memref_slice %arg2[%add3A_845, %dma_start3A_851] : memref<16384x4096xf32, #tpu.memory_space<hbm>> -> memref<8x4096xf32, #tpu.memory_space<hbm>>
      tpu.enqueue_dma source(%dma_start3A_852 : memref<8x4096xf32, #tpu.memory_space<hbm>>) target(%dma_start3A_850 : memref<8x4096xf32, #tpu.memory_space<vmem_shared>>) target_semaphore(%arg6 : memref<!tpu.dma_semaphore, #tpu.memory_space<semaphore_mem>>)
      %add3A_853 = arith.constant 184 : i32
      %add3A_854 = arith.addi %mul3A_2, %add3A_853 : i32
      %dma_wait3A_855 = arith.constant 15 : i32
      %dma_wait3A_856 = arith.constant 8 : i32
      %dma_wait3A_857 = arith.constant 0 : i32
      %dma_wait3A_858 = tpu.memref_slice %arg4[%dma_wait3A_855, %dma_wait3A_856, %dma_wait3A_857] : memref<16x16x4096xf32, #tpu.memory_space<vmem_shared>> -> memref<1x8x4096xf32, #tpu.memory_space<vmem_shared>>
      %dma_wait3A_859 = tpu.memref_squeeze %dma_wait3A_858 : memref<1x8x4096xf32, #tpu.memory_space<vmem_shared>> -> memref<8x4096xf32, #tpu.memory_space<vmem_shared>>
      %dma_wait3A_860 = arith.constant 0 : i32
      %dma_wait3A_861 = tpu.memref_slice %arg2[%add3A_854, %dma_wait3A_860] : memref<16384x4096xf32, #tpu.memory_space<hbm>> -> memref<8x4096xf32, #tpu.memory_space<hbm>>
      tpu.wait_dma2 semaphore(%arg7 : memref<!tpu.dma_semaphore, #tpu.memory_space<semaphore_mem>>) src(%dma_wait3A_861 : memref<8x4096xf32, #tpu.memory_space<hbm>>) dst(%dma_wait3A_859 : memref<8x4096xf32, #tpu.memory_space<vmem_shared>>)
      %add3A_862 = arith.constant 184 : i32
      %add3A_863 = arith.addi %mul3A_2, %add3A_862 : i32
      %dma_start3A_864 = arith.constant 15 : i32
      %dma_start3A_865 = arith.constant 0 : i32
      %dma_start3A_866 = tpu.memref_slice %arg3[%add3A_863, %dma_start3A_865] : memref<16384x4096xf32, #tpu.memory_space<hbm>> -> memref<8x4096xf32, #tpu.memory_space<hbm>>
      %dma_start3A_867 = arith.constant 8 : i32
      %dma_start3A_868 = arith.constant 0 : i32
      %dma_start3A_869 = tpu.memref_slice %arg4[%dma_start3A_864, %dma_start3A_867, %dma_start3A_868] : memref<16x16x4096xf32, #tpu.memory_space<vmem_shared>> -> memref<1x8x4096xf32, #tpu.memory_space<vmem_shared>>
      %dma_start3A_870 = tpu.memref_squeeze %dma_start3A_869 : memref<1x8x4096xf32, #tpu.memory_space<vmem_shared>> -> memref<8x4096xf32, #tpu.memory_space<vmem_shared>>
      tpu.enqueue_dma source(%dma_start3A_870 : memref<8x4096xf32, #tpu.memory_space<vmem_shared>>) target(%dma_start3A_866 : memref<8x4096xf32, #tpu.memory_space<hbm>>) target_semaphore(%arg9 : memref<!tpu.dma_semaphore, #tpu.memory_space<semaphore_mem>>)
      %add3A_871 = arith.constant 184 : i32
      %add3A_872 = arith.addi %mul3A_2, %add3A_871 : i32
      %dma_wait3A_873 = arith.constant 15 : i32
      %dma_wait3A_874 = arith.constant 0 : i32
      %dma_wait3A_875 = tpu.memref_slice %arg3[%add3A_872, %dma_wait3A_874] : memref<16384x4096xf32, #tpu.memory_space<hbm>> -> memref<8x4096xf32, #tpu.memory_space<hbm>>
      %dma_wait3A_876 = arith.constant 8 : i32
      %dma_wait3A_877 = arith.constant 0 : i32
      %dma_wait3A_878 = tpu.memref_slice %arg4[%dma_wait3A_873, %dma_wait3A_876, %dma_wait3A_877] : memref<16x16x4096xf32, #tpu.memory_space<vmem_shared>> -> memref<1x8x4096xf32, #tpu.memory_space<vmem_shared>>
      %dma_wait3A_879 = tpu.memref_squeeze %dma_wait3A_878 : memref<1x8x4096xf32, #tpu.memory_space<vmem_shared>> -> memref<8x4096xf32, #tpu.memory_space<vmem_shared>>
      tpu.wait_dma2 semaphore(%arg9 : memref<!tpu.dma_semaphore, #tpu.memory_space<semaphore_mem>>) src(%dma_wait3A_879 : memref<8x4096xf32, #tpu.memory_space<vmem_shared>>) dst(%dma_wait3A_875 : memref<8x4096xf32, #tpu.memory_space<hbm>>)
      %add3A_880 = arith.constant 200 : i32
      %add3A_881 = arith.addi %mul3A_2, %add3A_880 : i32
      %dma_start3A_882 = arith.constant 15 : i32
      %dma_start3A_883 = arith.constant 8 : i32
      %dma_start3A_884 = arith.constant 0 : i32
      %dma_start3A_885 = tpu.memref_slice %arg4[%dma_start3A_882, %dma_start3A_883, %dma_start3A_884] : memref<16x16x4096xf32, #tpu.memory_space<vmem_shared>> -> memref<1x8x4096xf32, #tpu.memory_space<vmem_shared>>
      %dma_start3A_886 = tpu.memref_squeeze %dma_start3A_885 : memref<1x8x4096xf32, #tpu.memory_space<vmem_shared>> -> memref<8x4096xf32, #tpu.memory_space<vmem_shared>>
      %dma_start3A_887 = arith.constant 0 : i32
      %dma_start3A_888 = tpu.memref_slice %arg2[%add3A_881, %dma_start3A_887] : memref<16384x4096xf32, #tpu.memory_space<hbm>> -> memref<8x4096xf32, #tpu.memory_space<hbm>>
      tpu.enqueue_dma source(%dma_start3A_888 : memref<8x4096xf32, #tpu.memory_space<hbm>>) target(%dma_start3A_886 : memref<8x4096xf32, #tpu.memory_space<vmem_shared>>) target_semaphore(%arg7 : memref<!tpu.dma_semaphore, #tpu.memory_space<semaphore_mem>>)
      %add3A_889 = arith.constant 192 : i32
      %add3A_890 = arith.addi %mul3A_2, %add3A_889 : i32
      %dma_wait3A_891 = arith.constant 15 : i32
      %dma_wait3A_892 = arith.constant 0 : i32
      %dma_wait3A_893 = arith.constant 0 : i32
      %dma_wait3A_894 = tpu.memref_slice %arg4[%dma_wait3A_891, %dma_wait3A_892, %dma_wait3A_893] : memref<16x16x4096xf32, #tpu.memory_space<vmem_shared>> -> memref<1x8x4096xf32, #tpu.memory_space<vmem_shared>>
      %dma_wait3A_895 = tpu.memref_squeeze %dma_wait3A_894 : memref<1x8x4096xf32, #tpu.memory_space<vmem_shared>> -> memref<8x4096xf32, #tpu.memory_space<vmem_shared>>
      %dma_wait3A_896 = arith.constant 0 : i32
      %dma_wait3A_897 = tpu.memref_slice %arg2[%add3A_890, %dma_wait3A_896] : memref<16384x4096xf32, #tpu.memory_space<hbm>> -> memref<8x4096xf32, #tpu.memory_space<hbm>>
      tpu.wait_dma2 semaphore(%arg6 : memref<!tpu.dma_semaphore, #tpu.memory_space<semaphore_mem>>) src(%dma_wait3A_897 : memref<8x4096xf32, #tpu.memory_space<hbm>>) dst(%dma_wait3A_895 : memref<8x4096xf32, #tpu.memory_space<vmem_shared>>)
      %add3A_898 = arith.constant 192 : i32
      %add3A_899 = arith.addi %mul3A_2, %add3A_898 : i32
      %dma_start3A_900 = arith.constant 15 : i32
      %dma_start3A_901 = arith.constant 0 : i32
      %dma_start3A_902 = tpu.memref_slice %arg3[%add3A_899, %dma_start3A_901] : memref<16384x4096xf32, #tpu.memory_space<hbm>> -> memref<8x4096xf32, #tpu.memory_space<hbm>>
      %dma_start3A_903 = arith.constant 0 : i32
      %dma_start3A_904 = arith.constant 0 : i32
      %dma_start3A_905 = tpu.memref_slice %arg4[%dma_start3A_900, %dma_start3A_903, %dma_start3A_904] : memref<16x16x4096xf32, #tpu.memory_space<vmem_shared>> -> memref<1x8x4096xf32, #tpu.memory_space<vmem_shared>>
      %dma_start3A_906 = tpu.memref_squeeze %dma_start3A_905 : memref<1x8x4096xf32, #tpu.memory_space<vmem_shared>> -> memref<8x4096xf32, #tpu.memory_space<vmem_shared>>
      tpu.enqueue_dma source(%dma_start3A_906 : memref<8x4096xf32, #tpu.memory_space<vmem_shared>>) target(%dma_start3A_902 : memref<8x4096xf32, #tpu.memory_space<hbm>>) target_semaphore(%arg8 : memref<!tpu.dma_semaphore, #tpu.memory_space<semaphore_mem>>)
      %add3A_907 = arith.constant 192 : i32
      %add3A_908 = arith.addi %mul3A_2, %add3A_907 : i32
      %dma_wait3A_909 = arith.constant 15 : i32
      %dma_wait3A_910 = arith.constant 0 : i32
      %dma_wait3A_911 = tpu.memref_slice %arg3[%add3A_908, %dma_wait3A_910] : memref<16384x4096xf32, #tpu.memory_space<hbm>> -> memref<8x4096xf32, #tpu.memory_space<hbm>>
      %dma_wait3A_912 = arith.constant 0 : i32
      %dma_wait3A_913 = arith.constant 0 : i32
      %dma_wait3A_914 = tpu.memref_slice %arg4[%dma_wait3A_909, %dma_wait3A_912, %dma_wait3A_913] : memref<16x16x4096xf32, #tpu.memory_space<vmem_shared>> -> memref<1x8x4096xf32, #tpu.memory_space<vmem_shared>>
      %dma_wait3A_915 = tpu.memref_squeeze %dma_wait3A_914 : memref<1x8x4096xf32, #tpu.memory_space<vmem_shared>> -> memref<8x4096xf32, #tpu.memory_space<vmem_shared>>
      tpu.wait_dma2 semaphore(%arg8 : memref<!tpu.dma_semaphore, #tpu.memory_space<semaphore_mem>>) src(%dma_wait3A_915 : memref<8x4096xf32, #tpu.memory_space<vmem_shared>>) dst(%dma_wait3A_911 : memref<8x4096xf32, #tpu.memory_space<hbm>>)
      %add3A_916 = arith.constant 208 : i32
      %add3A_917 = arith.addi %mul3A_2, %add3A_916 : i32
      %dma_start3A_918 = arith.constant 15 : i32
      %dma_start3A_919 = arith.constant 0 : i32
      %dma_start3A_920 = arith.constant 0 : i32
      %dma_start3A_921 = tpu.memref_slice %arg4[%dma_start3A_918, %dma_start3A_919, %dma_start3A_920] : memref<16x16x4096xf32, #tpu.memory_space<vmem_shared>> -> memref<1x8x4096xf32, #tpu.memory_space<vmem_shared>>
      %dma_start3A_922 = tpu.memref_squeeze %dma_start3A_921 : memref<1x8x4096xf32, #tpu.memory_space<vmem_shared>> -> memref<8x4096xf32, #tpu.memory_space<vmem_shared>>
      %dma_start3A_923 = arith.constant 0 : i32
      %dma_start3A_924 = tpu.memref_slice %arg2[%add3A_917, %dma_start3A_923] : memref<16384x4096xf32, #tpu.memory_space<hbm>> -> memref<8x4096xf32, #tpu.memory_space<hbm>>
      tpu.enqueue_dma source(%dma_start3A_924 : memref<8x4096xf32, #tpu.memory_space<hbm>>) target(%dma_start3A_922 : memref<8x4096xf32, #tpu.memory_space<vmem_shared>>) target_semaphore(%arg6 : memref<!tpu.dma_semaphore, #tpu.memory_space<semaphore_mem>>)
      %add3A_925 = arith.constant 200 : i32
      %add3A_926 = arith.addi %mul3A_2, %add3A_925 : i32
      %dma_wait3A_927 = arith.constant 15 : i32
      %dma_wait3A_928 = arith.constant 8 : i32
      %dma_wait3A_929 = arith.constant 0 : i32
      %dma_wait3A_930 = tpu.memref_slice %arg4[%dma_wait3A_927, %dma_wait3A_928, %dma_wait3A_929] : memref<16x16x4096xf32, #tpu.memory_space<vmem_shared>> -> memref<1x8x4096xf32, #tpu.memory_space<vmem_shared>>
      %dma_wait3A_931 = tpu.memref_squeeze %dma_wait3A_930 : memref<1x8x4096xf32, #tpu.memory_space<vmem_shared>> -> memref<8x4096xf32, #tpu.memory_space<vmem_shared>>
      %dma_wait3A_932 = arith.constant 0 : i32
      %dma_wait3A_933 = tpu.memref_slice %arg2[%add3A_926, %dma_wait3A_932] : memref<16384x4096xf32, #tpu.memory_space<hbm>> -> memref<8x4096xf32, #tpu.memory_space<hbm>>
      tpu.wait_dma2 semaphore(%arg7 : memref<!tpu.dma_semaphore, #tpu.memory_space<semaphore_mem>>) src(%dma_wait3A_933 : memref<8x4096xf32, #tpu.memory_space<hbm>>) dst(%dma_wait3A_931 : memref<8x4096xf32, #tpu.memory_space<vmem_shared>>)
      %add3A_934 = arith.constant 200 : i32
      %add3A_935 = arith.addi %mul3A_2, %add3A_934 : i32
      %dma_start3A_936 = arith.constant 15 : i32
      %dma_start3A_937 = arith.constant 0 : i32
      %dma_start3A_938 = tpu.memref_slice %arg3[%add3A_935, %dma_start3A_937] : memref<16384x4096xf32, #tpu.memory_space<hbm>> -> memref<8x4096xf32, #tpu.memory_space<hbm>>
      %dma_start3A_939 = arith.constant 8 : i32
      %dma_start3A_940 = arith.constant 0 : i32
      %dma_start3A_941 = tpu.memref_slice %arg4[%dma_start3A_936, %dma_start3A_939, %dma_start3A_940] : memref<16x16x4096xf32, #tpu.memory_space<vmem_shared>> -> memref<1x8x4096xf32, #tpu.memory_space<vmem_shared>>
      %dma_start3A_942 = tpu.memref_squeeze %dma_start3A_941 : memref<1x8x4096xf32, #tpu.memory_space<vmem_shared>> -> memref<8x4096xf32, #tpu.memory_space<vmem_shared>>
      tpu.enqueue_dma source(%dma_start3A_942 : memref<8x4096xf32, #tpu.memory_space<vmem_shared>>) target(%dma_start3A_938 : memref<8x4096xf32, #tpu.memory_space<hbm>>) target_semaphore(%arg9 : memref<!tpu.dma_semaphore, #tpu.memory_space<semaphore_mem>>)
      %add3A_943 = arith.constant 200 : i32
      %add3A_944 = arith.addi %mul3A_2, %add3A_943 : i32
      %dma_wait3A_945 = arith.constant 15 : i32
      %dma_wait3A_946 = arith.constant 0 : i32
      %dma_wait3A_947 = tpu.memref_slice %arg3[%add3A_944, %dma_wait3A_946] : memref<16384x4096xf32, #tpu.memory_space<hbm>> -> memref<8x4096xf32, #tpu.memory_space<hbm>>
      %dma_wait3A_948 = arith.constant 8 : i32
      %dma_wait3A_949 = arith.constant 0 : i32
      %dma_wait3A_950 = tpu.memref_slice %arg4[%dma_wait3A_945, %dma_wait3A_948, %dma_wait3A_949] : memref<16x16x4096xf32, #tpu.memory_space<vmem_shared>> -> memref<1x8x4096xf32, #tpu.memory_space<vmem_shared>>
      %dma_wait3A_951 = tpu.memref_squeeze %dma_wait3A_950 : memref<1x8x4096xf32, #tpu.memory_space<vmem_shared>> -> memref<8x4096xf32, #tpu.memory_space<vmem_shared>>
      tpu.wait_dma2 semaphore(%arg9 : memref<!tpu.dma_semaphore, #tpu.memory_space<semaphore_mem>>) src(%dma_wait3A_951 : memref<8x4096xf32, #tpu.memory_space<vmem_shared>>) dst(%dma_wait3A_947 : memref<8x4096xf32, #tpu.memory_space<hbm>>)
      %add3A_952 = arith.constant 216 : i32
      %add3A_953 = arith.addi %mul3A_2, %add3A_952 : i32
      %dma_start3A_954 = arith.constant 15 : i32
      %dma_start3A_955 = arith.constant 8 : i32
      %dma_start3A_956 = arith.constant 0 : i32
      %dma_start3A_957 = tpu.memref_slice %arg4[%dma_start3A_954, %dma_start3A_955, %dma_start3A_956] : memref<16x16x4096xf32, #tpu.memory_space<vmem_shared>> -> memref<1x8x4096xf32, #tpu.memory_space<vmem_shared>>
      %dma_start3A_958 = tpu.memref_squeeze %dma_start3A_957 : memref<1x8x4096xf32, #tpu.memory_space<vmem_shared>> -> memref<8x4096xf32, #tpu.memory_space<vmem_shared>>
      %dma_start3A_959 = arith.constant 0 : i32
      %dma_start3A_960 = tpu.memref_slice %arg2[%add3A_953, %dma_start3A_959] : memref<16384x4096xf32, #tpu.memory_space<hbm>> -> memref<8x4096xf32, #tpu.memory_space<hbm>>
      tpu.enqueue_dma source(%dma_start3A_960 : memref<8x4096xf32, #tpu.memory_space<hbm>>) target(%dma_start3A_958 : memref<8x4096xf32, #tpu.memory_space<vmem_shared>>) target_semaphore(%arg7 : memref<!tpu.dma_semaphore, #tpu.memory_space<semaphore_mem>>)
      %add3A_961 = arith.constant 208 : i32
      %add3A_962 = arith.addi %mul3A_2, %add3A_961 : i32
      %dma_wait3A_963 = arith.constant 15 : i32
      %dma_wait3A_964 = arith.constant 0 : i32
      %dma_wait3A_965 = arith.constant 0 : i32
      %dma_wait3A_966 = tpu.memref_slice %arg4[%dma_wait3A_963, %dma_wait3A_964, %dma_wait3A_965] : memref<16x16x4096xf32, #tpu.memory_space<vmem_shared>> -> memref<1x8x4096xf32, #tpu.memory_space<vmem_shared>>
      %dma_wait3A_967 = tpu.memref_squeeze %dma_wait3A_966 : memref<1x8x4096xf32, #tpu.memory_space<vmem_shared>> -> memref<8x4096xf32, #tpu.memory_space<vmem_shared>>
      %dma_wait3A_968 = arith.constant 0 : i32
      %dma_wait3A_969 = tpu.memref_slice %arg2[%add3A_962, %dma_wait3A_968] : memref<16384x4096xf32, #tpu.memory_space<hbm>> -> memref<8x4096xf32, #tpu.memory_space<hbm>>
      tpu.wait_dma2 semaphore(%arg6 : memref<!tpu.dma_semaphore, #tpu.memory_space<semaphore_mem>>) src(%dma_wait3A_969 : memref<8x4096xf32, #tpu.memory_space<hbm>>) dst(%dma_wait3A_967 : memref<8x4096xf32, #tpu.memory_space<vmem_shared>>)
      %add3A_970 = arith.constant 208 : i32
      %add3A_971 = arith.addi %mul3A_2, %add3A_970 : i32
      %dma_start3A_972 = arith.constant 15 : i32
      %dma_start3A_973 = arith.constant 0 : i32
      %dma_start3A_974 = tpu.memref_slice %arg3[%add3A_971, %dma_start3A_973] : memref<16384x4096xf32, #tpu.memory_space<hbm>> -> memref<8x4096xf32, #tpu.memory_space<hbm>>
      %dma_start3A_975 = arith.constant 0 : i32
      %dma_start3A_976 = arith.constant 0 : i32
      %dma_start3A_977 = tpu.memref_slice %arg4[%dma_start3A_972, %dma_start3A_975, %dma_start3A_976] : memref<16x16x4096xf32, #tpu.memory_space<vmem_shared>> -> memref<1x8x4096xf32, #tpu.memory_space<vmem_shared>>
      %dma_start3A_978 = tpu.memref_squeeze %dma_start3A_977 : memref<1x8x4096xf32, #tpu.memory_space<vmem_shared>> -> memref<8x4096xf32, #tpu.memory_space<vmem_shared>>
      tpu.enqueue_dma source(%dma_start3A_978 : memref<8x4096xf32, #tpu.memory_space<vmem_shared>>) target(%dma_start3A_974 : memref<8x4096xf32, #tpu.memory_space<hbm>>) target_semaphore(%arg8 : memref<!tpu.dma_semaphore, #tpu.memory_space<semaphore_mem>>)
      %add3A_979 = arith.constant 208 : i32
      %add3A_980 = arith.addi %mul3A_2, %add3A_979 : i32
      %dma_wait3A_981 = arith.constant 15 : i32
      %dma_wait3A_982 = arith.constant 0 : i32
      %dma_wait3A_983 = tpu.memref_slice %arg3[%add3A_980, %dma_wait3A_982] : memref<16384x4096xf32, #tpu.memory_space<hbm>> -> memref<8x4096xf32, #tpu.memory_space<hbm>>
      %dma_wait3A_984 = arith.constant 0 : i32
      %dma_wait3A_985 = arith.constant 0 : i32
      %dma_wait3A_986 = tpu.memref_slice %arg4[%dma_wait3A_981, %dma_wait3A_984, %dma_wait3A_985] : memref<16x16x4096xf32, #tpu.memory_space<vmem_shared>> -> memref<1x8x4096xf32, #tpu.memory_space<vmem_shared>>
      %dma_wait3A_987 = tpu.memref_squeeze %dma_wait3A_986 : memref<1x8x4096xf32, #tpu.memory_space<vmem_shared>> -> memref<8x4096xf32, #tpu.memory_space<vmem_shared>>
      tpu.wait_dma2 semaphore(%arg8 : memref<!tpu.dma_semaphore, #tpu.memory_space<semaphore_mem>>) src(%dma_wait3A_987 : memref<8x4096xf32, #tpu.memory_space<vmem_shared>>) dst(%dma_wait3A_983 : memref<8x4096xf32, #tpu.memory_space<hbm>>)
      %add3A_988 = arith.constant 224 : i32
      %add3A_989 = arith.addi %mul3A_2, %add3A_988 : i32
      %dma_start3A_990 = arith.constant 15 : i32
      %dma_start3A_991 = arith.constant 0 : i32
      %dma_start3A_992 = arith.constant 0 : i32
      %dma_start3A_993 = tpu.memref_slice %arg4[%dma_start3A_990, %dma_start3A_991, %dma_start3A_992] : memref<16x16x4096xf32, #tpu.memory_space<vmem_shared>> -> memref<1x8x4096xf32, #tpu.memory_space<vmem_shared>>
      %dma_start3A_994 = tpu.memref_squeeze %dma_start3A_993 : memref<1x8x4096xf32, #tpu.memory_space<vmem_shared>> -> memref<8x4096xf32, #tpu.memory_space<vmem_shared>>
      %dma_start3A_995 = arith.constant 0 : i32
      %dma_start3A_996 = tpu.memref_slice %arg2[%add3A_989, %dma_start3A_995] : memref<16384x4096xf32, #tpu.memory_space<hbm>> -> memref<8x4096xf32, #tpu.memory_space<hbm>>
      tpu.enqueue_dma source(%dma_start3A_996 : memref<8x4096xf32, #tpu.memory_space<hbm>>) target(%dma_start3A_994 : memref<8x4096xf32, #tpu.memory_space<vmem_shared>>) target_semaphore(%arg6 : memref<!tpu.dma_semaphore, #tpu.memory_space<semaphore_mem>>)
      %add3A_997 = arith.constant 216 : i32
      %add3A_998 = arith.addi %mul3A_2, %add3A_997 : i32
      %dma_wait3A_999 = arith.constant 15 : i32
      %dma_wait3A_1000 = arith.constant 8 : i32
      %dma_wait3A_1001 = arith.constant 0 : i32
      %dma_wait3A_1002 = tpu.memref_slice %arg4[%dma_wait3A_999, %dma_wait3A_1000, %dma_wait3A_1001] : memref<16x16x4096xf32, #tpu.memory_space<vmem_shared>> -> memref<1x8x4096xf32, #tpu.memory_space<vmem_shared>>
      %dma_wait3A_1003 = tpu.memref_squeeze %dma_wait3A_1002 : memref<1x8x4096xf32, #tpu.memory_space<vmem_shared>> -> memref<8x4096xf32, #tpu.memory_space<vmem_shared>>
      %dma_wait3A_1004 = arith.constant 0 : i32
      %dma_wait3A_1005 = tpu.memref_slice %arg2[%add3A_998, %dma_wait3A_1004] : memref<16384x4096xf32, #tpu.memory_space<hbm>> -> memref<8x4096xf32, #tpu.memory_space<hbm>>
      tpu.wait_dma2 semaphore(%arg7 : memref<!tpu.dma_semaphore, #tpu.memory_space<semaphore_mem>>) src(%dma_wait3A_1005 : memref<8x4096xf32, #tpu.memory_space<hbm>>) dst(%dma_wait3A_1003 : memref<8x4096xf32, #tpu.memory_space<vmem_shared>>)
      %add3A_1006 = arith.constant 216 : i32
      %add3A_1007 = arith.addi %mul3A_2, %add3A_1006 : i32
      %dma_start3A_1008 = arith.constant 15 : i32
      %dma_start3A_1009 = arith.constant 0 : i32
      %dma_start3A_1010 = tpu.memref_slice %arg3[%add3A_1007, %dma_start3A_1009] : memref<16384x4096xf32, #tpu.memory_space<hbm>> -> memref<8x4096xf32, #tpu.memory_space<hbm>>
      %dma_start3A_1011 = arith.constant 8 : i32
      %dma_start3A_1012 = arith.constant 0 : i32
      %dma_start3A_1013 = tpu.memref_slice %arg4[%dma_start3A_1008, %dma_start3A_1011, %dma_start3A_1012] : memref<16x16x4096xf32, #tpu.memory_space<vmem_shared>> -> memref<1x8x4096xf32, #tpu.memory_space<vmem_shared>>
      %dma_start3A_1014 = tpu.memref_squeeze %dma_start3A_1013 : memref<1x8x4096xf32, #tpu.memory_space<vmem_shared>> -> memref<8x4096xf32, #tpu.memory_space<vmem_shared>>
      tpu.enqueue_dma source(%dma_start3A_1014 : memref<8x4096xf32, #tpu.memory_space<vmem_shared>>) target(%dma_start3A_1010 : memref<8x4096xf32, #tpu.memory_space<hbm>>) target_semaphore(%arg9 : memref<!tpu.dma_semaphore, #tpu.memory_space<semaphore_mem>>)
      %add3A_1015 = arith.constant 216 : i32
      %add3A_1016 = arith.addi %mul3A_2, %add3A_1015 : i32
      %dma_wait3A_1017 = arith.constant 15 : i32
      %dma_wait3A_1018 = arith.constant 0 : i32
      %dma_wait3A_1019 = tpu.memref_slice %arg3[%add3A_1016, %dma_wait3A_1018] : memref<16384x4096xf32, #tpu.memory_space<hbm>> -> memref<8x4096xf32, #tpu.memory_space<hbm>>
      %dma_wait3A_1020 = arith.constant 8 : i32
      %dma_wait3A_1021 = arith.constant 0 : i32
      %dma_wait3A_1022 = tpu.memref_slice %arg4[%dma_wait3A_1017, %dma_wait3A_1020, %dma_wait3A_1021] : memref<16x16x4096xf32, #tpu.memory_space<vmem_shared>> -> memref<1x8x4096xf32, #tpu.memory_space<vmem_shared>>
      %dma_wait3A_1023 = tpu.memref_squeeze %dma_wait3A_1022 : memref<1x8x4096xf32, #tpu.memory_space<vmem_shared>> -> memref<8x4096xf32, #tpu.memory_space<vmem_shared>>
      tpu.wait_dma2 semaphore(%arg9 : memref<!tpu.dma_semaphore, #tpu.memory_space<semaphore_mem>>) src(%dma_wait3A_1023 : memref<8x4096xf32, #tpu.memory_space<vmem_shared>>) dst(%dma_wait3A_1019 : memref<8x4096xf32, #tpu.memory_space<hbm>>)
      %add3A_1024 = arith.constant 232 : i32
      %add3A_1025 = arith.addi %mul3A_2, %add3A_1024 : i32
      %dma_start3A_1026 = arith.constant 15 : i32
      %dma_start3A_1027 = arith.constant 8 : i32
      %dma_start3A_1028 = arith.constant 0 : i32
      %dma_start3A_1029 = tpu.memref_slice %arg4[%dma_start3A_1026, %dma_start3A_1027, %dma_start3A_1028] : memref<16x16x4096xf32, #tpu.memory_space<vmem_shared>> -> memref<1x8x4096xf32, #tpu.memory_space<vmem_shared>>
      %dma_start3A_1030 = tpu.memref_squeeze %dma_start3A_1029 : memref<1x8x4096xf32, #tpu.memory_space<vmem_shared>> -> memref<8x4096xf32, #tpu.memory_space<vmem_shared>>
      %dma_start3A_1031 = arith.constant 0 : i32
      %dma_start3A_1032 = tpu.memref_slice %arg2[%add3A_1025, %dma_start3A_1031] : memref<16384x4096xf32, #tpu.memory_space<hbm>> -> memref<8x4096xf32, #tpu.memory_space<hbm>>
      tpu.enqueue_dma source(%dma_start3A_1032 : memref<8x4096xf32, #tpu.memory_space<hbm>>) target(%dma_start3A_1030 : memref<8x4096xf32, #tpu.memory_space<vmem_shared>>) target_semaphore(%arg7 : memref<!tpu.dma_semaphore, #tpu.memory_space<semaphore_mem>>)
      %add3A_1033 = arith.constant 224 : i32
      %add3A_1034 = arith.addi %mul3A_2, %add3A_1033 : i32
      %dma_wait3A_1035 = arith.constant 15 : i32
      %dma_wait3A_1036 = arith.constant 0 : i32
      %dma_wait3A_1037 = arith.constant 0 : i32
      %dma_wait3A_1038 = tpu.memref_slice %arg4[%dma_wait3A_1035, %dma_wait3A_1036, %dma_wait3A_1037] : memref<16x16x4096xf32, #tpu.memory_space<vmem_shared>> -> memref<1x8x4096xf32, #tpu.memory_space<vmem_shared>>
      %dma_wait3A_1039 = tpu.memref_squeeze %dma_wait3A_1038 : memref<1x8x4096xf32, #tpu.memory_space<vmem_shared>> -> memref<8x4096xf32, #tpu.memory_space<vmem_shared>>
      %dma_wait3A_1040 = arith.constant 0 : i32
      %dma_wait3A_1041 = tpu.memref_slice %arg2[%add3A_1034, %dma_wait3A_1040] : memref<16384x4096xf32, #tpu.memory_space<hbm>> -> memref<8x4096xf32, #tpu.memory_space<hbm>>
      tpu.wait_dma2 semaphore(%arg6 : memref<!tpu.dma_semaphore, #tpu.memory_space<semaphore_mem>>) src(%dma_wait3A_1041 : memref<8x4096xf32, #tpu.memory_space<hbm>>) dst(%dma_wait3A_1039 : memref<8x4096xf32, #tpu.memory_space<vmem_shared>>)
      %add3A_1042 = arith.constant 224 : i32
      %add3A_1043 = arith.addi %mul3A_2, %add3A_1042 : i32
      %dma_start3A_1044 = arith.constant 15 : i32
      %dma_start3A_1045 = arith.constant 0 : i32
      %dma_start3A_1046 = tpu.memref_slice %arg3[%add3A_1043, %dma_start3A_1045] : memref<16384x4096xf32, #tpu.memory_space<hbm>> -> memref<8x4096xf32, #tpu.memory_space<hbm>>
      %dma_start3A_1047 = arith.constant 0 : i32
      %dma_start3A_1048 = arith.constant 0 : i32
      %dma_start3A_1049 = tpu.memref_slice %arg4[%dma_start3A_1044, %dma_start3A_1047, %dma_start3A_1048] : memref<16x16x4096xf32, #tpu.memory_space<vmem_shared>> -> memref<1x8x4096xf32, #tpu.memory_space<vmem_shared>>
      %dma_start3A_1050 = tpu.memref_squeeze %dma_start3A_1049 : memref<1x8x4096xf32, #tpu.memory_space<vmem_shared>> -> memref<8x4096xf32, #tpu.memory_space<vmem_shared>>
      tpu.enqueue_dma source(%dma_start3A_1050 : memref<8x4096xf32, #tpu.memory_space<vmem_shared>>) target(%dma_start3A_1046 : memref<8x4096xf32, #tpu.memory_space<hbm>>) target_semaphore(%arg8 : memref<!tpu.dma_semaphore, #tpu.memory_space<semaphore_mem>>)
      %add3A_1051 = arith.constant 224 : i32
      %add3A_1052 = arith.addi %mul3A_2, %add3A_1051 : i32
      %dma_wait3A_1053 = arith.constant 15 : i32
      %dma_wait3A_1054 = arith.constant 0 : i32
      %dma_wait3A_1055 = tpu.memref_slice %arg3[%add3A_1052, %dma_wait3A_1054] : memref<16384x4096xf32, #tpu.memory_space<hbm>> -> memref<8x4096xf32, #tpu.memory_space<hbm>>
      %dma_wait3A_1056 = arith.constant 0 : i32
      %dma_wait3A_1057 = arith.constant 0 : i32
      %dma_wait3A_1058 = tpu.memref_slice %arg4[%dma_wait3A_1053, %dma_wait3A_1056, %dma_wait3A_1057] : memref<16x16x4096xf32, #tpu.memory_space<vmem_shared>> -> memref<1x8x4096xf32, #tpu.memory_space<vmem_shared>>
      %dma_wait3A_1059 = tpu.memref_squeeze %dma_wait3A_1058 : memref<1x8x4096xf32, #tpu.memory_space<vmem_shared>> -> memref<8x4096xf32, #tpu.memory_space<vmem_shared>>
      tpu.wait_dma2 semaphore(%arg8 : memref<!tpu.dma_semaphore, #tpu.memory_space<semaphore_mem>>) src(%dma_wait3A_1059 : memref<8x4096xf32, #tpu.memory_space<vmem_shared>>) dst(%dma_wait3A_1055 : memref<8x4096xf32, #tpu.memory_space<hbm>>)
      %add3A_1060 = arith.constant 240 : i32
      %add3A_1061 = arith.addi %mul3A_2, %add3A_1060 : i32
      %dma_start3A_1062 = arith.constant 15 : i32
      %dma_start3A_1063 = arith.constant 0 : i32
      %dma_start3A_1064 = arith.constant 0 : i32
      %dma_start3A_1065 = tpu.memref_slice %arg4[%dma_start3A_1062, %dma_start3A_1063, %dma_start3A_1064] : memref<16x16x4096xf32, #tpu.memory_space<vmem_shared>> -> memref<1x8x4096xf32, #tpu.memory_space<vmem_shared>>
      %dma_start3A_1066 = tpu.memref_squeeze %dma_start3A_1065 : memref<1x8x4096xf32, #tpu.memory_space<vmem_shared>> -> memref<8x4096xf32, #tpu.memory_space<vmem_shared>>
      %dma_start3A_1067 = arith.constant 0 : i32
      %dma_start3A_1068 = tpu.memref_slice %arg2[%add3A_1061, %dma_start3A_1067] : memref<16384x4096xf32, #tpu.memory_space<hbm>> -> memref<8x4096xf32, #tpu.memory_space<hbm>>
      tpu.enqueue_dma source(%dma_start3A_1068 : memref<8x4096xf32, #tpu.memory_space<hbm>>) target(%dma_start3A_1066 : memref<8x4096xf32, #tpu.memory_space<vmem_shared>>) target_semaphore(%arg6 : memref<!tpu.dma_semaphore, #tpu.memory_space<semaphore_mem>>)
      %add3A_1069 = arith.constant 232 : i32
      %add3A_1070 = arith.addi %mul3A_2, %add3A_1069 : i32
      %dma_wait3A_1071 = arith.constant 15 : i32
      %dma_wait3A_1072 = arith.constant 8 : i32
      %dma_wait3A_1073 = arith.constant 0 : i32
      %dma_wait3A_1074 = tpu.memref_slice %arg4[%dma_wait3A_1071, %dma_wait3A_1072, %dma_wait3A_1073] : memref<16x16x4096xf32, #tpu.memory_space<vmem_shared>> -> memref<1x8x4096xf32, #tpu.memory_space<vmem_shared>>
      %dma_wait3A_1075 = tpu.memref_squeeze %dma_wait3A_1074 : memref<1x8x4096xf32, #tpu.memory_space<vmem_shared>> -> memref<8x4096xf32, #tpu.memory_space<vmem_shared>>
      %dma_wait3A_1076 = arith.constant 0 : i32
      %dma_wait3A_1077 = tpu.memref_slice %arg2[%add3A_1070, %dma_wait3A_1076] : memref<16384x4096xf32, #tpu.memory_space<hbm>> -> memref<8x4096xf32, #tpu.memory_space<hbm>>
      tpu.wait_dma2 semaphore(%arg7 : memref<!tpu.dma_semaphore, #tpu.memory_space<semaphore_mem>>) src(%dma_wait3A_1077 : memref<8x4096xf32, #tpu.memory_space<hbm>>) dst(%dma_wait3A_1075 : memref<8x4096xf32, #tpu.memory_space<vmem_shared>>)
      %add3A_1078 = arith.constant 232 : i32
      %add3A_1079 = arith.addi %mul3A_2, %add3A_1078 : i32
      %dma_start3A_1080 = arith.constant 15 : i32
      %dma_start3A_1081 = arith.constant 0 : i32
      %dma_start3A_1082 = tpu.memref_slice %arg3[%add3A_1079, %dma_start3A_1081] : memref<16384x4096xf32, #tpu.memory_space<hbm>> -> memref<8x4096xf32, #tpu.memory_space<hbm>>
      %dma_start3A_1083 = arith.constant 8 : i32
      %dma_start3A_1084 = arith.constant 0 : i32
      %dma_start3A_1085 = tpu.memref_slice %arg4[%dma_start3A_1080, %dma_start3A_1083, %dma_start3A_1084] : memref<16x16x4096xf32, #tpu.memory_space<vmem_shared>> -> memref<1x8x4096xf32, #tpu.memory_space<vmem_shared>>
      %dma_start3A_1086 = tpu.memref_squeeze %dma_start3A_1085 : memref<1x8x4096xf32, #tpu.memory_space<vmem_shared>> -> memref<8x4096xf32, #tpu.memory_space<vmem_shared>>
      tpu.enqueue_dma source(%dma_start3A_1086 : memref<8x4096xf32, #tpu.memory_space<vmem_shared>>) target(%dma_start3A_1082 : memref<8x4096xf32, #tpu.memory_space<hbm>>) target_semaphore(%arg9 : memref<!tpu.dma_semaphore, #tpu.memory_space<semaphore_mem>>)
      %add3A_1087 = arith.constant 232 : i32
      %add3A_1088 = arith.addi %mul3A_2, %add3A_1087 : i32
      %dma_wait3A_1089 = arith.constant 15 : i32
      %dma_wait3A_1090 = arith.constant 0 : i32
      %dma_wait3A_1091 = tpu.memref_slice %arg3[%add3A_1088, %dma_wait3A_1090] : memref<16384x4096xf32, #tpu.memory_space<hbm>> -> memref<8x4096xf32, #tpu.memory_space<hbm>>
      %dma_wait3A_1092 = arith.constant 8 : i32
      %dma_wait3A_1093 = arith.constant 0 : i32
      %dma_wait3A_1094 = tpu.memref_slice %arg4[%dma_wait3A_1089, %dma_wait3A_1092, %dma_wait3A_1093] : memref<16x16x4096xf32, #tpu.memory_space<vmem_shared>> -> memref<1x8x4096xf32, #tpu.memory_space<vmem_shared>>
      %dma_wait3A_1095 = tpu.memref_squeeze %dma_wait3A_1094 : memref<1x8x4096xf32, #tpu.memory_space<vmem_shared>> -> memref<8x4096xf32, #tpu.memory_space<vmem_shared>>
      tpu.wait_dma2 semaphore(%arg9 : memref<!tpu.dma_semaphore, #tpu.memory_space<semaphore_mem>>) src(%dma_wait3A_1095 : memref<8x4096xf32, #tpu.memory_space<vmem_shared>>) dst(%dma_wait3A_1091 : memref<8x4096xf32, #tpu.memory_space<hbm>>)
      %add3A_1096 = arith.constant 248 : i32
      %add3A_1097 = arith.addi %mul3A_2, %add3A_1096 : i32
      %dma_start3A_1098 = arith.constant 15 : i32
      %dma_start3A_1099 = arith.constant 8 : i32
      %dma_start3A_1100 = arith.constant 0 : i32
      %dma_start3A_1101 = tpu.memref_slice %arg4[%dma_start3A_1098, %dma_start3A_1099, %dma_start3A_1100] : memref<16x16x4096xf32, #tpu.memory_space<vmem_shared>> -> memref<1x8x4096xf32, #tpu.memory_space<vmem_shared>>
      %dma_start3A_1102 = tpu.memref_squeeze %dma_start3A_1101 : memref<1x8x4096xf32, #tpu.memory_space<vmem_shared>> -> memref<8x4096xf32, #tpu.memory_space<vmem_shared>>
      %dma_start3A_1103 = arith.constant 0 : i32
      %dma_start3A_1104 = tpu.memref_slice %arg2[%add3A_1097, %dma_start3A_1103] : memref<16384x4096xf32, #tpu.memory_space<hbm>> -> memref<8x4096xf32, #tpu.memory_space<hbm>>
      tpu.enqueue_dma source(%dma_start3A_1104 : memref<8x4096xf32, #tpu.memory_space<hbm>>) target(%dma_start3A_1102 : memref<8x4096xf32, #tpu.memory_space<vmem_shared>>) target_semaphore(%arg7 : memref<!tpu.dma_semaphore, #tpu.memory_space<semaphore_mem>>)
      %add3A_1105 = arith.constant 240 : i32
      %add3A_1106 = arith.addi %mul3A_2, %add3A_1105 : i32
      %dma_wait3A_1107 = arith.constant 15 : i32
      %dma_wait3A_1108 = arith.constant 0 : i32
      %dma_wait3A_1109 = arith.constant 0 : i32
      %dma_wait3A_1110 = tpu.memref_slice %arg4[%dma_wait3A_1107, %dma_wait3A_1108, %dma_wait3A_1109] : memref<16x16x4096xf32, #tpu.memory_space<vmem_shared>> -> memref<1x8x4096xf32, #tpu.memory_space<vmem_shared>>
      %dma_wait3A_1111 = tpu.memref_squeeze %dma_wait3A_1110 : memref<1x8x4096xf32, #tpu.memory_space<vmem_shared>> -> memref<8x4096xf32, #tpu.memory_space<vmem_shared>>
      %dma_wait3A_1112 = arith.constant 0 : i32
      %dma_wait3A_1113 = tpu.memref_slice %arg2[%add3A_1106, %dma_wait3A_1112] : memref<16384x4096xf32, #tpu.memory_space<hbm>> -> memref<8x4096xf32, #tpu.memory_space<hbm>>
      tpu.wait_dma2 semaphore(%arg6 : memref<!tpu.dma_semaphore, #tpu.memory_space<semaphore_mem>>) src(%dma_wait3A_1113 : memref<8x4096xf32, #tpu.memory_space<hbm>>) dst(%dma_wait3A_1111 : memref<8x4096xf32, #tpu.memory_space<vmem_shared>>)
      %add3A_1114 = arith.constant 240 : i32
      %add3A_1115 = arith.addi %mul3A_2, %add3A_1114 : i32
      %dma_start3A_1116 = arith.constant 15 : i32
      %dma_start3A_1117 = arith.constant 0 : i32
      %dma_start3A_1118 = tpu.memref_slice %arg3[%add3A_1115, %dma_start3A_1117] : memref<16384x4096xf32, #tpu.memory_space<hbm>> -> memref<8x4096xf32, #tpu.memory_space<hbm>>
      %dma_start3A_1119 = arith.constant 0 : i32
      %dma_start3A_1120 = arith.constant 0 : i32
      %dma_start3A_1121 = tpu.memref_slice %arg4[%dma_start3A_1116, %dma_start3A_1119, %dma_start3A_1120] : memref<16x16x4096xf32, #tpu.memory_space<vmem_shared>> -> memref<1x8x4096xf32, #tpu.memory_space<vmem_shared>>
      %dma_start3A_1122 = tpu.memref_squeeze %dma_start3A_1121 : memref<1x8x4096xf32, #tpu.memory_space<vmem_shared>> -> memref<8x4096xf32, #tpu.memory_space<vmem_shared>>
      tpu.enqueue_dma source(%dma_start3A_1122 : memref<8x4096xf32, #tpu.memory_space<vmem_shared>>) target(%dma_start3A_1118 : memref<8x4096xf32, #tpu.memory_space<hbm>>) target_semaphore(%arg8 : memref<!tpu.dma_semaphore, #tpu.memory_space<semaphore_mem>>)
      %add3A_1123 = arith.constant 240 : i32
      %add3A_1124 = arith.addi %mul3A_2, %add3A_1123 : i32
      %dma_wait3A_1125 = arith.constant 15 : i32
      %dma_wait3A_1126 = arith.constant 0 : i32
      %dma_wait3A_1127 = tpu.memref_slice %arg3[%add3A_1124, %dma_wait3A_1126] : memref<16384x4096xf32, #tpu.memory_space<hbm>> -> memref<8x4096xf32, #tpu.memory_space<hbm>>
      %dma_wait3A_1128 = arith.constant 0 : i32
      %dma_wait3A_1129 = arith.constant 0 : i32
      %dma_wait3A_1130 = tpu.memref_slice %arg4[%dma_wait3A_1125, %dma_wait3A_1128, %dma_wait3A_1129] : memref<16x16x4096xf32, #tpu.memory_space<vmem_shared>> -> memref<1x8x4096xf32, #tpu.memory_space<vmem_shared>>
      %dma_wait3A_1131 = tpu.memref_squeeze %dma_wait3A_1130 : memref<1x8x4096xf32, #tpu.memory_space<vmem_shared>> -> memref<8x4096xf32, #tpu.memory_space<vmem_shared>>
      tpu.wait_dma2 semaphore(%arg8 : memref<!tpu.dma_semaphore, #tpu.memory_space<semaphore_mem>>) src(%dma_wait3A_1131 : memref<8x4096xf32, #tpu.memory_space<vmem_shared>>) dst(%dma_wait3A_1127 : memref<8x4096xf32, #tpu.memory_space<hbm>>)
      %add3A_1132 = arith.constant 256 : i32
      %add3A_1133 = arith.addi %mul3A_2, %add3A_1132 : i32
      %dma_start3A_1134 = arith.constant 15 : i32
      %dma_start3A_1135 = arith.constant 0 : i32
      %dma_start3A_1136 = arith.constant 0 : i32
      %dma_start3A_1137 = tpu.memref_slice %arg4[%dma_start3A_1134, %dma_start3A_1135, %dma_start3A_1136] : memref<16x16x4096xf32, #tpu.memory_space<vmem_shared>> -> memref<1x8x4096xf32, #tpu.memory_space<vmem_shared>>
      %dma_start3A_1138 = tpu.memref_squeeze %dma_start3A_1137 : memref<1x8x4096xf32, #tpu.memory_space<vmem_shared>> -> memref<8x4096xf32, #tpu.memory_space<vmem_shared>>
      %dma_start3A_1139 = arith.constant 0 : i32
      %dma_start3A_1140 = tpu.memref_slice %arg2[%add3A_1133, %dma_start3A_1139] : memref<16384x4096xf32, #tpu.memory_space<hbm>> -> memref<8x4096xf32, #tpu.memory_space<hbm>>
      tpu.enqueue_dma source(%dma_start3A_1140 : memref<8x4096xf32, #tpu.memory_space<hbm>>) target(%dma_start3A_1138 : memref<8x4096xf32, #tpu.memory_space<vmem_shared>>) target_semaphore(%arg6 : memref<!tpu.dma_semaphore, #tpu.memory_space<semaphore_mem>>)
      %add3A_1141 = arith.constant 248 : i32
      %add3A_1142 = arith.addi %mul3A_2, %add3A_1141 : i32
      %dma_wait3A_1143 = arith.constant 15 : i32
      %dma_wait3A_1144 = arith.constant 8 : i32
      %dma_wait3A_1145 = arith.constant 0 : i32
      %dma_wait3A_1146 = tpu.memref_slice %arg4[%dma_wait3A_1143, %dma_wait3A_1144, %dma_wait3A_1145] : memref<16x16x4096xf32, #tpu.memory_space<vmem_shared>> -> memref<1x8x4096xf32, #tpu.memory_space<vmem_shared>>
      %dma_wait3A_1147 = tpu.memref_squeeze %dma_wait3A_1146 : memref<1x8x4096xf32, #tpu.memory_space<vmem_shared>> -> memref<8x4096xf32, #tpu.memory_space<vmem_shared>>
      %dma_wait3A_1148 = arith.constant 0 : i32
      %dma_wait3A_1149 = tpu.memref_slice %arg2[%add3A_1142, %dma_wait3A_1148] : memref<16384x4096xf32, #tpu.memory_space<hbm>> -> memref<8x4096xf32, #tpu.memory_space<hbm>>
      tpu.wait_dma2 semaphore(%arg7 : memref<!tpu.dma_semaphore, #tpu.memory_space<semaphore_mem>>) src(%dma_wait3A_1149 : memref<8x4096xf32, #tpu.memory_space<hbm>>) dst(%dma_wait3A_1147 : memref<8x4096xf32, #tpu.memory_space<vmem_shared>>)
      %add3A_1150 = arith.constant 248 : i32
      %add3A_1151 = arith.addi %mul3A_2, %add3A_1150 : i32
      %dma_start3A_1152 = arith.constant 15 : i32
      %dma_start3A_1153 = arith.constant 0 : i32
      %dma_start3A_1154 = tpu.memref_slice %arg3[%add3A_1151, %dma_start3A_1153] : memref<16384x4096xf32, #tpu.memory_space<hbm>> -> memref<8x4096xf32, #tpu.memory_space<hbm>>
      %dma_start3A_1155 = arith.constant 8 : i32
      %dma_start3A_1156 = arith.constant 0 : i32
      %dma_start3A_1157 = tpu.memref_slice %arg4[%dma_start3A_1152, %dma_start3A_1155, %dma_start3A_1156] : memref<16x16x4096xf32, #tpu.memory_space<vmem_shared>> -> memref<1x8x4096xf32, #tpu.memory_space<vmem_shared>>
      %dma_start3A_1158 = tpu.memref_squeeze %dma_start3A_1157 : memref<1x8x4096xf32, #tpu.memory_space<vmem_shared>> -> memref<8x4096xf32, #tpu.memory_space<vmem_shared>>
      tpu.enqueue_dma source(%dma_start3A_1158 : memref<8x4096xf32, #tpu.memory_space<vmem_shared>>) target(%dma_start3A_1154 : memref<8x4096xf32, #tpu.memory_space<hbm>>) target_semaphore(%arg9 : memref<!tpu.dma_semaphore, #tpu.memory_space<semaphore_mem>>)
      %add3A_1159 = arith.constant 248 : i32
      %add3A_1160 = arith.addi %mul3A_2, %add3A_1159 : i32
      %dma_wait3A_1161 = arith.constant 15 : i32
      %dma_wait3A_1162 = arith.constant 0 : i32
      %dma_wait3A_1163 = tpu.memref_slice %arg3[%add3A_1160, %dma_wait3A_1162] : memref<16384x4096xf32, #tpu.memory_space<hbm>> -> memref<8x4096xf32, #tpu.memory_space<hbm>>
      %dma_wait3A_1164 = arith.constant 8 : i32
      %dma_wait3A_1165 = arith.constant 0 : i32
      %dma_wait3A_1166 = tpu.memref_slice %arg4[%dma_wait3A_1161, %dma_wait3A_1164, %dma_wait3A_1165] : memref<16x16x4096xf32, #tpu.memory_space<vmem_shared>> -> memref<1x8x4096xf32, #tpu.memory_space<vmem_shared>>
      %dma_wait3A_1167 = tpu.memref_squeeze %dma_wait3A_1166 : memref<1x8x4096xf32, #tpu.memory_space<vmem_shared>> -> memref<8x4096xf32, #tpu.memory_space<vmem_shared>>
      tpu.wait_dma2 semaphore(%arg9 : memref<!tpu.dma_semaphore, #tpu.memory_space<semaphore_mem>>) src(%dma_wait3A_1167 : memref<8x4096xf32, #tpu.memory_space<vmem_shared>>) dst(%dma_wait3A_1163 : memref<8x4096xf32, #tpu.memory_space<hbm>>)
      %add3A_1168 = arith.constant 264 : i32
      %add3A_1169 = arith.addi %mul3A_2, %add3A_1168 : i32
      %dma_start3A_1170 = arith.constant 15 : i32
      %dma_start3A_1171 = arith.constant 8 : i32
      %dma_start3A_1172 = arith.constant 0 : i32
      %dma_start3A_1173 = tpu.memref_slice %arg4[%dma_start3A_1170, %dma_start3A_1171, %dma_start3A_1172] : memref<16x16x4096xf32, #tpu.memory_space<vmem_shared>> -> memref<1x8x4096xf32, #tpu.memory_space<vmem_shared>>
      %dma_start3A_1174 = tpu.memref_squeeze %dma_start3A_1173 : memref<1x8x4096xf32, #tpu.memory_space<vmem_shared>> -> memref<8x4096xf32, #tpu.memory_space<vmem_shared>>
      %dma_start3A_1175 = arith.constant 0 : i32
      %dma_start3A_1176 = tpu.memref_slice %arg2[%add3A_1169, %dma_start3A_1175] : memref<16384x4096xf32, #tpu.memory_space<hbm>> -> memref<8x4096xf32, #tpu.memory_space<hbm>>
      tpu.enqueue_dma source(%dma_start3A_1176 : memref<8x4096xf32, #tpu.memory_space<hbm>>) target(%dma_start3A_1174 : memref<8x4096xf32, #tpu.memory_space<vmem_shared>>) target_semaphore(%arg7 : memref<!tpu.dma_semaphore, #tpu.memory_space<semaphore_mem>>)
      %add3A_1177 = arith.constant 256 : i32
      %add3A_1178 = arith.addi %mul3A_2, %add3A_1177 : i32
      %dma_wait3A_1179 = arith.constant 15 : i32
      %dma_wait3A_1180 = arith.constant 0 : i32
      %dma_wait3A_1181 = arith.constant 0 : i32
      %dma_wait3A_1182 = tpu.memref_slice %arg4[%dma_wait3A_1179, %dma_wait3A_1180, %dma_wait3A_1181] : memref<16x16x4096xf32, #tpu.memory_space<vmem_shared>> -> memref<1x8x4096xf32, #tpu.memory_space<vmem_shared>>
      %dma_wait3A_1183 = tpu.memref_squeeze %dma_wait3A_1182 : memref<1x8x4096xf32, #tpu.memory_space<vmem_shared>> -> memref<8x4096xf32, #tpu.memory_space<vmem_shared>>
      %dma_wait3A_1184 = arith.constant 0 : i32
      %dma_wait3A_1185 = tpu.memref_slice %arg2[%add3A_1178, %dma_wait3A_1184] : memref<16384x4096xf32, #tpu.memory_space<hbm>> -> memref<8x4096xf32, #tpu.memory_space<hbm>>
      tpu.wait_dma2 semaphore(%arg6 : memref<!tpu.dma_semaphore, #tpu.memory_space<semaphore_mem>>) src(%dma_wait3A_1185 : memref<8x4096xf32, #tpu.memory_space<hbm>>) dst(%dma_wait3A_1183 : memref<8x4096xf32, #tpu.memory_space<vmem_shared>>)
      %add3A_1186 = arith.constant 256 : i32
      %add3A_1187 = arith.addi %mul3A_2, %add3A_1186 : i32
      %dma_start3A_1188 = arith.constant 15 : i32
      %dma_start3A_1189 = arith.constant 0 : i32
      %dma_start3A_1190 = tpu.memref_slice %arg3[%add3A_1187, %dma_start3A_1189] : memref<16384x4096xf32, #tpu.memory_space<hbm>> -> memref<8x4096xf32, #tpu.memory_space<hbm>>
      %dma_start3A_1191 = arith.constant 0 : i32
      %dma_start3A_1192 = arith.constant 0 : i32
      %dma_start3A_1193 = tpu.memref_slice %arg4[%dma_start3A_1188, %dma_start3A_1191, %dma_start3A_1192] : memref<16x16x4096xf32, #tpu.memory_space<vmem_shared>> -> memref<1x8x4096xf32, #tpu.memory_space<vmem_shared>>
      %dma_start3A_1194 = tpu.memref_squeeze %dma_start3A_1193 : memref<1x8x4096xf32, #tpu.memory_space<vmem_shared>> -> memref<8x4096xf32, #tpu.memory_space<vmem_shared>>
      tpu.enqueue_dma source(%dma_start3A_1194 : memref<8x4096xf32, #tpu.memory_space<vmem_shared>>) target(%dma_start3A_1190 : memref<8x4096xf32, #tpu.memory_space<hbm>>) target_semaphore(%arg8 : memref<!tpu.dma_semaphore, #tpu.memory_space<semaphore_mem>>)
      %add3A_1195 = arith.constant 256 : i32
      %add3A_1196 = arith.addi %mul3A_2, %add3A_1195 : i32
      %dma_wait3A_1197 = arith.constant 15 : i32
      %dma_wait3A_1198 = arith.constant 0 : i32
      %dma_wait3A_1199 = tpu.memref_slice %arg3[%add3A_1196, %dma_wait3A_1198] : memref<16384x4096xf32, #tpu.memory_space<hbm>> -> memref<8x4096xf32, #tpu.memory_space<hbm>>
      %dma_wait3A_1200 = arith.constant 0 : i32
      %dma_wait3A_1201 = arith.constant 0 : i32
      %dma_wait3A_1202 = tpu.memref_slice %arg4[%dma_wait3A_1197, %dma_wait3A_1200, %dma_wait3A_1201] : memref<16x16x4096xf32, #tpu.memory_space<vmem_shared>> -> memref<1x8x4096xf32, #tpu.memory_space<vmem_shared>>
      %dma_wait3A_1203 = tpu.memref_squeeze %dma_wait3A_1202 : memref<1x8x4096xf32, #tpu.memory_space<vmem_shared>> -> memref<8x4096xf32, #tpu.memory_space<vmem_shared>>
      tpu.wait_dma2 semaphore(%arg8 : memref<!tpu.dma_semaphore, #tpu.memory_space<semaphore_mem>>) src(%dma_wait3A_1203 : memref<8x4096xf32, #tpu.memory_space<vmem_shared>>) dst(%dma_wait3A_1199 : memref<8x4096xf32, #tpu.memory_space<hbm>>)
      %add3A_1204 = arith.constant 272 : i32
      %add3A_1205 = arith.addi %mul3A_2, %add3A_1204 : i32
      %dma_start3A_1206 = arith.constant 15 : i32
      %dma_start3A_1207 = arith.constant 0 : i32
      %dma_start3A_1208 = arith.constant 0 : i32
      %dma_start3A_1209 = tpu.memref_slice %arg4[%dma_start3A_1206, %dma_start3A_1207, %dma_start3A_1208] : memref<16x16x4096xf32, #tpu.memory_space<vmem_shared>> -> memref<1x8x4096xf32, #tpu.memory_space<vmem_shared>>
      %dma_start3A_1210 = tpu.memref_squeeze %dma_start3A_1209 : memref<1x8x4096xf32, #tpu.memory_space<vmem_shared>> -> memref<8x4096xf32, #tpu.memory_space<vmem_shared>>
      %dma_start3A_1211 = arith.constant 0 : i32
      %dma_start3A_1212 = tpu.memref_slice %arg2[%add3A_1205, %dma_start3A_1211] : memref<16384x4096xf32, #tpu.memory_space<hbm>> -> memref<8x4096xf32, #tpu.memory_space<hbm>>
      tpu.enqueue_dma source(%dma_start3A_1212 : memref<8x4096xf32, #tpu.memory_space<hbm>>) target(%dma_start3A_1210 : memref<8x4096xf32, #tpu.memory_space<vmem_shared>>) target_semaphore(%arg6 : memref<!tpu.dma_semaphore, #tpu.memory_space<semaphore_mem>>)
      %add3A_1213 = arith.constant 264 : i32
      %add3A_1214 = arith.addi %mul3A_2, %add3A_1213 : i32
      %dma_wait3A_1215 = arith.constant 15 : i32
      %dma_wait3A_1216 = arith.constant 8 : i32
      %dma_wait3A_1217 = arith.constant 0 : i32
      %dma_wait3A_1218 = tpu.memref_slice %arg4[%dma_wait3A_1215, %dma_wait3A_1216, %dma_wait3A_1217] : memref<16x16x4096xf32, #tpu.memory_space<vmem_shared>> -> memref<1x8x4096xf32, #tpu.memory_space<vmem_shared>>
      %dma_wait3A_1219 = tpu.memref_squeeze %dma_wait3A_1218 : memref<1x8x4096xf32, #tpu.memory_space<vmem_shared>> -> memref<8x4096xf32, #tpu.memory_space<vmem_shared>>
      %dma_wait3A_1220 = arith.constant 0 : i32
      %dma_wait3A_1221 = tpu.memref_slice %arg2[%add3A_1214, %dma_wait3A_1220] : memref<16384x4096xf32, #tpu.memory_space<hbm>> -> memref<8x4096xf32, #tpu.memory_space<hbm>>
      tpu.wait_dma2 semaphore(%arg7 : memref<!tpu.dma_semaphore, #tpu.memory_space<semaphore_mem>>) src(%dma_wait3A_1221 : memref<8x4096xf32, #tpu.memory_space<hbm>>) dst(%dma_wait3A_1219 : memref<8x4096xf32, #tpu.memory_space<vmem_shared>>)
      %add3A_1222 = arith.constant 264 : i32
      %add3A_1223 = arith.addi %mul3A_2, %add3A_1222 : i32
      %dma_start3A_1224 = arith.constant 15 : i32
      %dma_start3A_1225 = arith.constant 0 : i32
      %dma_start3A_1226 = tpu.memref_slice %arg3[%add3A_1223, %dma_start3A_1225] : memref<16384x4096xf32, #tpu.memory_space<hbm>> -> memref<8x4096xf32, #tpu.memory_space<hbm>>
      %dma_start3A_1227 = arith.constant 8 : i32
      %dma_start3A_1228 = arith.constant 0 : i32
      %dma_start3A_1229 = tpu.memref_slice %arg4[%dma_start3A_1224, %dma_start3A_1227, %dma_start3A_1228] : memref<16x16x4096xf32, #tpu.memory_space<vmem_shared>> -> memref<1x8x4096xf32, #tpu.memory_space<vmem_shared>>
      %dma_start3A_1230 = tpu.memref_squeeze %dma_start3A_1229 : memref<1x8x4096xf32, #tpu.memory_space<vmem_shared>> -> memref<8x4096xf32, #tpu.memory_space<vmem_shared>>
      tpu.enqueue_dma source(%dma_start3A_1230 : memref<8x4096xf32, #tpu.memory_space<vmem_shared>>) target(%dma_start3A_1226 : memref<8x4096xf32, #tpu.memory_space<hbm>>) target_semaphore(%arg9 : memref<!tpu.dma_semaphore, #tpu.memory_space<semaphore_mem>>)
      %add3A_1231 = arith.constant 264 : i32
      %add3A_1232 = arith.addi %mul3A_2, %add3A_1231 : i32
      %dma_wait3A_1233 = arith.constant 15 : i32
      %dma_wait3A_1234 = arith.constant 0 : i32
      %dma_wait3A_1235 = tpu.memref_slice %arg3[%add3A_1232, %dma_wait3A_1234] : memref<16384x4096xf32, #tpu.memory_space<hbm>> -> memref<8x4096xf32, #tpu.memory_space<hbm>>
      %dma_wait3A_1236 = arith.constant 8 : i32
      %dma_wait3A_1237 = arith.constant 0 : i32
      %dma_wait3A_1238 = tpu.memref_slice %arg4[%dma_wait3A_1233, %dma_wait3A_1236, %dma_wait3A_1237] : memref<16x16x4096xf32, #tpu.memory_space<vmem_shared>> -> memref<1x8x4096xf32, #tpu.memory_space<vmem_shared>>
      %dma_wait3A_1239 = tpu.memref_squeeze %dma_wait3A_1238 : memref<1x8x4096xf32, #tpu.memory_space<vmem_shared>> -> memref<8x4096xf32, #tpu.memory_space<vmem_shared>>
      tpu.wait_dma2 semaphore(%arg9 : memref<!tpu.dma_semaphore, #tpu.memory_space<semaphore_mem>>) src(%dma_wait3A_1239 : memref<8x4096xf32, #tpu.memory_space<vmem_shared>>) dst(%dma_wait3A_1235 : memref<8x4096xf32, #tpu.memory_space<hbm>>)
      %add3A_1240 = arith.constant 280 : i32
      %add3A_1241 = arith.addi %mul3A_2, %add3A_1240 : i32
      %dma_start3A_1242 = arith.constant 15 : i32
      %dma_start3A_1243 = arith.constant 8 : i32
      %dma_start3A_1244 = arith.constant 0 : i32
      %dma_start3A_1245 = tpu.memref_slice %arg4[%dma_start3A_1242, %dma_start3A_1243, %dma_start3A_1244] : memref<16x16x4096xf32, #tpu.memory_space<vmem_shared>> -> memref<1x8x4096xf32, #tpu.memory_space<vmem_shared>>
      %dma_start3A_1246 = tpu.memref_squeeze %dma_start3A_1245 : memref<1x8x4096xf32, #tpu.memory_space<vmem_shared>> -> memref<8x4096xf32, #tpu.memory_space<vmem_shared>>
      %dma_start3A_1247 = arith.constant 0 : i32
      %dma_start3A_1248 = tpu.memref_slice %arg2[%add3A_1241, %dma_start3A_1247] : memref<16384x4096xf32, #tpu.memory_space<hbm>> -> memref<8x4096xf32, #tpu.memory_space<hbm>>
      tpu.enqueue_dma source(%dma_start3A_1248 : memref<8x4096xf32, #tpu.memory_space<hbm>>) target(%dma_start3A_1246 : memref<8x4096xf32, #tpu.memory_space<vmem_shared>>) target_semaphore(%arg7 : memref<!tpu.dma_semaphore, #tpu.memory_space<semaphore_mem>>)
      %add3A_1249 = arith.constant 272 : i32
      %add3A_1250 = arith.addi %mul3A_2, %add3A_1249 : i32
      %dma_wait3A_1251 = arith.constant 15 : i32
      %dma_wait3A_1252 = arith.constant 0 : i32
      %dma_wait3A_1253 = arith.constant 0 : i32
      %dma_wait3A_1254 = tpu.memref_slice %arg4[%dma_wait3A_1251, %dma_wait3A_1252, %dma_wait3A_1253] : memref<16x16x4096xf32, #tpu.memory_space<vmem_shared>> -> memref<1x8x4096xf32, #tpu.memory_space<vmem_shared>>
      %dma_wait3A_1255 = tpu.memref_squeeze %dma_wait3A_1254 : memref<1x8x4096xf32, #tpu.memory_space<vmem_shared>> -> memref<8x4096xf32, #tpu.memory_space<vmem_shared>>
      %dma_wait3A_1256 = arith.constant 0 : i32
      %dma_wait3A_1257 = tpu.memref_slice %arg2[%add3A_1250, %dma_wait3A_1256] : memref<16384x4096xf32, #tpu.memory_space<hbm>> -> memref<8x4096xf32, #tpu.memory_space<hbm>>
      tpu.wait_dma2 semaphore(%arg6 : memref<!tpu.dma_semaphore, #tpu.memory_space<semaphore_mem>>) src(%dma_wait3A_1257 : memref<8x4096xf32, #tpu.memory_space<hbm>>) dst(%dma_wait3A_1255 : memref<8x4096xf32, #tpu.memory_space<vmem_shared>>)
      %add3A_1258 = arith.constant 272 : i32
      %add3A_1259 = arith.addi %mul3A_2, %add3A_1258 : i32
      %dma_start3A_1260 = arith.constant 15 : i32
      %dma_start3A_1261 = arith.constant 0 : i32
      %dma_start3A_1262 = tpu.memref_slice %arg3[%add3A_1259, %dma_start3A_1261] : memref<16384x4096xf32, #tpu.memory_space<hbm>> -> memref<8x4096xf32, #tpu.memory_space<hbm>>
      %dma_start3A_1263 = arith.constant 0 : i32
      %dma_start3A_1264 = arith.constant 0 : i32
      %dma_start3A_1265 = tpu.memref_slice %arg4[%dma_start3A_1260, %dma_start3A_1263, %dma_start3A_1264] : memref<16x16x4096xf32, #tpu.memory_space<vmem_shared>> -> memref<1x8x4096xf32, #tpu.memory_space<vmem_shared>>
      %dma_start3A_1266 = tpu.memref_squeeze %dma_start3A_1265 : memref<1x8x4096xf32, #tpu.memory_space<vmem_shared>> -> memref<8x4096xf32, #tpu.memory_space<vmem_shared>>
      tpu.enqueue_dma source(%dma_start3A_1266 : memref<8x4096xf32, #tpu.memory_space<vmem_shared>>) target(%dma_start3A_1262 : memref<8x4096xf32, #tpu.memory_space<hbm>>) target_semaphore(%arg8 : memref<!tpu.dma_semaphore, #tpu.memory_space<semaphore_mem>>)
      %add3A_1267 = arith.constant 272 : i32
      %add3A_1268 = arith.addi %mul3A_2, %add3A_1267 : i32
      %dma_wait3A_1269 = arith.constant 15 : i32
      %dma_wait3A_1270 = arith.constant 0 : i32
      %dma_wait3A_1271 = tpu.memref_slice %arg3[%add3A_1268, %dma_wait3A_1270] : memref<16384x4096xf32, #tpu.memory_space<hbm>> -> memref<8x4096xf32, #tpu.memory_space<hbm>>
      %dma_wait3A_1272 = arith.constant 0 : i32
      %dma_wait3A_1273 = arith.constant 0 : i32
      %dma_wait3A_1274 = tpu.memref_slice %arg4[%dma_wait3A_1269, %dma_wait3A_1272, %dma_wait3A_1273] : memref<16x16x4096xf32, #tpu.memory_space<vmem_shared>> -> memref<1x8x4096xf32, #tpu.memory_space<vmem_shared>>
      %dma_wait3A_1275 = tpu.memref_squeeze %dma_wait3A_1274 : memref<1x8x4096xf32, #tpu.memory_space<vmem_shared>> -> memref<8x4096xf32, #tpu.memory_space<vmem_shared>>
      tpu.wait_dma2 semaphore(%arg8 : memref<!tpu.dma_semaphore, #tpu.memory_space<semaphore_mem>>) src(%dma_wait3A_1275 : memref<8x4096xf32, #tpu.memory_space<vmem_shared>>) dst(%dma_wait3A_1271 : memref<8x4096xf32, #tpu.memory_space<hbm>>)
      %add3A_1276 = arith.constant 288 : i32
      %add3A_1277 = arith.addi %mul3A_2, %add3A_1276 : i32
      %dma_start3A_1278 = arith.constant 15 : i32
      %dma_start3A_1279 = arith.constant 0 : i32
      %dma_start3A_1280 = arith.constant 0 : i32
      %dma_start3A_1281 = tpu.memref_slice %arg4[%dma_start3A_1278, %dma_start3A_1279, %dma_start3A_1280] : memref<16x16x4096xf32, #tpu.memory_space<vmem_shared>> -> memref<1x8x4096xf32, #tpu.memory_space<vmem_shared>>
      %dma_start3A_1282 = tpu.memref_squeeze %dma_start3A_1281 : memref<1x8x4096xf32, #tpu.memory_space<vmem_shared>> -> memref<8x4096xf32, #tpu.memory_space<vmem_shared>>
      %dma_start3A_1283 = arith.constant 0 : i32
      %dma_start3A_1284 = tpu.memref_slice %arg2[%add3A_1277, %dma_start3A_1283] : memref<16384x4096xf32, #tpu.memory_space<hbm>> -> memref<8x4096xf32, #tpu.memory_space<hbm>>
      tpu.enqueue_dma source(%dma_start3A_1284 : memref<8x4096xf32, #tpu.memory_space<hbm>>) target(%dma_start3A_1282 : memref<8x4096xf32, #tpu.memory_space<vmem_shared>>) target_semaphore(%arg6 : memref<!tpu.dma_semaphore, #tpu.memory_space<semaphore_mem>>)
      %add3A_1285 = arith.constant 280 : i32
      %add3A_1286 = arith.addi %mul3A_2, %add3A_1285 : i32
      %dma_wait3A_1287 = arith.constant 15 : i32
      %dma_wait3A_1288 = arith.constant 8 : i32
      %dma_wait3A_1289 = arith.constant 0 : i32
      %dma_wait3A_1290 = tpu.memref_slice %arg4[%dma_wait3A_1287, %dma_wait3A_1288, %dma_wait3A_1289] : memref<16x16x4096xf32, #tpu.memory_space<vmem_shared>> -> memref<1x8x4096xf32, #tpu.memory_space<vmem_shared>>
      %dma_wait3A_1291 = tpu.memref_squeeze %dma_wait3A_1290 : memref<1x8x4096xf32, #tpu.memory_space<vmem_shared>> -> memref<8x4096xf32, #tpu.memory_space<vmem_shared>>
      %dma_wait3A_1292 = arith.constant 0 : i32
      %dma_wait3A_1293 = tpu.memref_slice %arg2[%add3A_1286, %dma_wait3A_1292] : memref<16384x4096xf32, #tpu.memory_space<hbm>> -> memref<8x4096xf32, #tpu.memory_space<hbm>>
      tpu.wait_dma2 semaphore(%arg7 : memref<!tpu.dma_semaphore, #tpu.memory_space<semaphore_mem>>) src(%dma_wait3A_1293 : memref<8x4096xf32, #tpu.memory_space<hbm>>) dst(%dma_wait3A_1291 : memref<8x4096xf32, #tpu.memory_space<vmem_shared>>)
      %add3A_1294 = arith.constant 280 : i32
      %add3A_1295 = arith.addi %mul3A_2, %add3A_1294 : i32
      %dma_start3A_1296 = arith.constant 15 : i32
      %dma_start3A_1297 = arith.constant 0 : i32
      %dma_start3A_1298 = tpu.memref_slice %arg3[%add3A_1295, %dma_start3A_1297] : memref<16384x4096xf32, #tpu.memory_space<hbm>> -> memref<8x4096xf32, #tpu.memory_space<hbm>>
      %dma_start3A_1299 = arith.constant 8 : i32
      %dma_start3A_1300 = arith.constant 0 : i32
      %dma_start3A_1301 = tpu.memref_slice %arg4[%dma_start3A_1296, %dma_start3A_1299, %dma_start3A_1300] : memref<16x16x4096xf32, #tpu.memory_space<vmem_shared>> -> memref<1x8x4096xf32, #tpu.memory_space<vmem_shared>>
      %dma_start3A_1302 = tpu.memref_squeeze %dma_start3A_1301 : memref<1x8x4096xf32, #tpu.memory_space<vmem_shared>> -> memref<8x4096xf32, #tpu.memory_space<vmem_shared>>
      tpu.enqueue_dma source(%dma_start3A_1302 : memref<8x4096xf32, #tpu.memory_space<vmem_shared>>) target(%dma_start3A_1298 : memref<8x4096xf32, #tpu.memory_space<hbm>>) target_semaphore(%arg9 : memref<!tpu.dma_semaphore, #tpu.memory_space<semaphore_mem>>)
      %add3A_1303 = arith.constant 280 : i32
      %add3A_1304 = arith.addi %mul3A_2, %add3A_1303 : i32
      %dma_wait3A_1305 = arith.constant 15 : i32
      %dma_wait3A_1306 = arith.constant 0 : i32
      %dma_wait3A_1307 = tpu.memref_slice %arg3[%add3A_1304, %dma_wait3A_1306] : memref<16384x4096xf32, #tpu.memory_space<hbm>> -> memref<8x4096xf32, #tpu.memory_space<hbm>>
      %dma_wait3A_1308 = arith.constant 8 : i32
      %dma_wait3A_1309 = arith.constant 0 : i32
      %dma_wait3A_1310 = tpu.memref_slice %arg4[%dma_wait3A_1305, %dma_wait3A_1308, %dma_wait3A_1309] : memref<16x16x4096xf32, #tpu.memory_space<vmem_shared>> -> memref<1x8x4096xf32, #tpu.memory_space<vmem_shared>>
      %dma_wait3A_1311 = tpu.memref_squeeze %dma_wait3A_1310 : memref<1x8x4096xf32, #tpu.memory_space<vmem_shared>> -> memref<8x4096xf32, #tpu.memory_space<vmem_shared>>
      tpu.wait_dma2 semaphore(%arg9 : memref<!tpu.dma_semaphore, #tpu.memory_space<semaphore_mem>>) src(%dma_wait3A_1311 : memref<8x4096xf32, #tpu.memory_space<vmem_shared>>) dst(%dma_wait3A_1307 : memref<8x4096xf32, #tpu.memory_space<hbm>>)
      %add3A_1312 = arith.constant 296 : i32
      %add3A_1313 = arith.addi %mul3A_2, %add3A_1312 : i32
      %dma_start3A_1314 = arith.constant 15 : i32
      %dma_start3A_1315 = arith.constant 8 : i32
      %dma_start3A_1316 = arith.constant 0 : i32
      %dma_start3A_1317 = tpu.memref_slice %arg4[%dma_start3A_1314, %dma_start3A_1315, %dma_start3A_1316] : memref<16x16x4096xf32, #tpu.memory_space<vmem_shared>> -> memref<1x8x4096xf32, #tpu.memory_space<vmem_shared>>
      %dma_start3A_1318 = tpu.memref_squeeze %dma_start3A_1317 : memref<1x8x4096xf32, #tpu.memory_space<vmem_shared>> -> memref<8x4096xf32, #tpu.memory_space<vmem_shared>>
      %dma_start3A_1319 = arith.constant 0 : i32
      %dma_start3A_1320 = tpu.memref_slice %arg2[%add3A_1313, %dma_start3A_1319] : memref<16384x4096xf32, #tpu.memory_space<hbm>> -> memref<8x4096xf32, #tpu.memory_space<hbm>>
      tpu.enqueue_dma source(%dma_start3A_1320 : memref<8x4096xf32, #tpu.memory_space<hbm>>) target(%dma_start3A_1318 : memref<8x4096xf32, #tpu.memory_space<vmem_shared>>) target_semaphore(%arg7 : memref<!tpu.dma_semaphore, #tpu.memory_space<semaphore_mem>>)
      %add3A_1321 = arith.constant 288 : i32
      %add3A_1322 = arith.addi %mul3A_2, %add3A_1321 : i32
      %dma_wait3A_1323 = arith.constant 15 : i32
      %dma_wait3A_1324 = arith.constant 0 : i32
      %dma_wait3A_1325 = arith.constant 0 : i32
      %dma_wait3A_1326 = tpu.memref_slice %arg4[%dma_wait3A_1323, %dma_wait3A_1324, %dma_wait3A_1325] : memref<16x16x4096xf32, #tpu.memory_space<vmem_shared>> -> memref<1x8x4096xf32, #tpu.memory_space<vmem_shared>>
      %dma_wait3A_1327 = tpu.memref_squeeze %dma_wait3A_1326 : memref<1x8x4096xf32, #tpu.memory_space<vmem_shared>> -> memref<8x4096xf32, #tpu.memory_space<vmem_shared>>
      %dma_wait3A_1328 = arith.constant 0 : i32
      %dma_wait3A_1329 = tpu.memref_slice %arg2[%add3A_1322, %dma_wait3A_1328] : memref<16384x4096xf32, #tpu.memory_space<hbm>> -> memref<8x4096xf32, #tpu.memory_space<hbm>>
      tpu.wait_dma2 semaphore(%arg6 : memref<!tpu.dma_semaphore, #tpu.memory_space<semaphore_mem>>) src(%dma_wait3A_1329 : memref<8x4096xf32, #tpu.memory_space<hbm>>) dst(%dma_wait3A_1327 : memref<8x4096xf32, #tpu.memory_space<vmem_shared>>)
      %add3A_1330 = arith.constant 288 : i32
      %add3A_1331 = arith.addi %mul3A_2, %add3A_1330 : i32
      %dma_start3A_1332 = arith.constant 15 : i32
      %dma_start3A_1333 = arith.constant 0 : i32
      %dma_start3A_1334 = tpu.memref_slice %arg3[%add3A_1331, %dma_start3A_1333] : memref<16384x4096xf32, #tpu.memory_space<hbm>> -> memref<8x4096xf32, #tpu.memory_space<hbm>>
      %dma_start3A_1335 = arith.constant 0 : i32
      %dma_start3A_1336 = arith.constant 0 : i32
      %dma_start3A_1337 = tpu.memref_slice %arg4[%dma_start3A_1332, %dma_start3A_1335, %dma_start3A_1336] : memref<16x16x4096xf32, #tpu.memory_space<vmem_shared>> -> memref<1x8x4096xf32, #tpu.memory_space<vmem_shared>>
      %dma_start3A_1338 = tpu.memref_squeeze %dma_start3A_1337 : memref<1x8x4096xf32, #tpu.memory_space<vmem_shared>> -> memref<8x4096xf32, #tpu.memory_space<vmem_shared>>
      tpu.enqueue_dma source(%dma_start3A_1338 : memref<8x4096xf32, #tpu.memory_space<vmem_shared>>) target(%dma_start3A_1334 : memref<8x4096xf32, #tpu.memory_space<hbm>>) target_semaphore(%arg8 : memref<!tpu.dma_semaphore, #tpu.memory_space<semaphore_mem>>)
      %add3A_1339 = arith.constant 288 : i32
      %add3A_1340 = arith.addi %mul3A_2, %add3A_1339 : i32
      %dma_wait3A_1341 = arith.constant 15 : i32
      %dma_wait3A_1342 = arith.constant 0 : i32
      %dma_wait3A_1343 = tpu.memref_slice %arg3[%add3A_1340, %dma_wait3A_1342] : memref<16384x4096xf32, #tpu.memory_space<hbm>> -> memref<8x4096xf32, #tpu.memory_space<hbm>>
      %dma_wait3A_1344 = arith.constant 0 : i32
      %dma_wait3A_1345 = arith.constant 0 : i32
      %dma_wait3A_1346 = tpu.memref_slice %arg4[%dma_wait3A_1341, %dma_wait3A_1344, %dma_wait3A_1345] : memref<16x16x4096xf32, #tpu.memory_space<vmem_shared>> -> memref<1x8x4096xf32, #tpu.memory_space<vmem_shared>>
      %dma_wait3A_1347 = tpu.memref_squeeze %dma_wait3A_1346 : memref<1x8x4096xf32, #tpu.memory_space<vmem_shared>> -> memref<8x4096xf32, #tpu.memory_space<vmem_shared>>
      tpu.wait_dma2 semaphore(%arg8 : memref<!tpu.dma_semaphore, #tpu.memory_space<semaphore_mem>>) src(%dma_wait3A_1347 : memref<8x4096xf32, #tpu.memory_space<vmem_shared>>) dst(%dma_wait3A_1343 : memref<8x4096xf32, #tpu.memory_space<hbm>>)
      %add3A_1348 = arith.constant 304 : i32
      %add3A_1349 = arith.addi %mul3A_2, %add3A_1348 : i32
      %dma_start3A_1350 = arith.constant 15 : i32
      %dma_start3A_1351 = arith.constant 0 : i32
      %dma_start3A_1352 = arith.constant 0 : i32
      %dma_start3A_1353 = tpu.memref_slice %arg4[%dma_start3A_1350, %dma_start3A_1351, %dma_start3A_1352] : memref<16x16x4096xf32, #tpu.memory_space<vmem_shared>> -> memref<1x8x4096xf32, #tpu.memory_space<vmem_shared>>
      %dma_start3A_1354 = tpu.memref_squeeze %dma_start3A_1353 : memref<1x8x4096xf32, #tpu.memory_space<vmem_shared>> -> memref<8x4096xf32, #tpu.memory_space<vmem_shared>>
      %dma_start3A_1355 = arith.constant 0 : i32
      %dma_start3A_1356 = tpu.memref_slice %arg2[%add3A_1349, %dma_start3A_1355] : memref<16384x4096xf32, #tpu.memory_space<hbm>> -> memref<8x4096xf32, #tpu.memory_space<hbm>>
      tpu.enqueue_dma source(%dma_start3A_1356 : memref<8x4096xf32, #tpu.memory_space<hbm>>) target(%dma_start3A_1354 : memref<8x4096xf32, #tpu.memory_space<vmem_shared>>) target_semaphore(%arg6 : memref<!tpu.dma_semaphore, #tpu.memory_space<semaphore_mem>>)
      %add3A_1357 = arith.constant 296 : i32
      %add3A_1358 = arith.addi %mul3A_2, %add3A_1357 : i32
      %dma_wait3A_1359 = arith.constant 15 : i32
      %dma_wait3A_1360 = arith.constant 8 : i32
      %dma_wait3A_1361 = arith.constant 0 : i32
      %dma_wait3A_1362 = tpu.memref_slice %arg4[%dma_wait3A_1359, %dma_wait3A_1360, %dma_wait3A_1361] : memref<16x16x4096xf32, #tpu.memory_space<vmem_shared>> -> memref<1x8x4096xf32, #tpu.memory_space<vmem_shared>>
      %dma_wait3A_1363 = tpu.memref_squeeze %dma_wait3A_1362 : memref<1x8x4096xf32, #tpu.memory_space<vmem_shared>> -> memref<8x4096xf32, #tpu.memory_space<vmem_shared>>
      %dma_wait3A_1364 = arith.constant 0 : i32
      %dma_wait3A_1365 = tpu.memref_slice %arg2[%add3A_1358, %dma_wait3A_1364] : memref<16384x4096xf32, #tpu.memory_space<hbm>> -> memref<8x4096xf32, #tpu.memory_space<hbm>>
      tpu.wait_dma2 semaphore(%arg7 : memref<!tpu.dma_semaphore, #tpu.memory_space<semaphore_mem>>) src(%dma_wait3A_1365 : memref<8x4096xf32, #tpu.memory_space<hbm>>) dst(%dma_wait3A_1363 : memref<8x4096xf32, #tpu.memory_space<vmem_shared>>)
      %add3A_1366 = arith.constant 296 : i32
      %add3A_1367 = arith.addi %mul3A_2, %add3A_1366 : i32
      %dma_start3A_1368 = arith.constant 15 : i32
      %dma_start3A_1369 = arith.constant 0 : i32
      %dma_start3A_1370 = tpu.memref_slice %arg3[%add3A_1367, %dma_start3A_1369] : memref<16384x4096xf32, #tpu.memory_space<hbm>> -> memref<8x4096xf32, #tpu.memory_space<hbm>>
      %dma_start3A_1371 = arith.constant 8 : i32
      %dma_start3A_1372 = arith.constant 0 : i32
      %dma_start3A_1373 = tpu.memref_slice %arg4[%dma_start3A_1368, %dma_start3A_1371, %dma_start3A_1372] : memref<16x16x4096xf32, #tpu.memory_space<vmem_shared>> -> memref<1x8x4096xf32, #tpu.memory_space<vmem_shared>>
      %dma_start3A_1374 = tpu.memref_squeeze %dma_start3A_1373 : memref<1x8x4096xf32, #tpu.memory_space<vmem_shared>> -> memref<8x4096xf32, #tpu.memory_space<vmem_shared>>
      tpu.enqueue_dma source(%dma_start3A_1374 : memref<8x4096xf32, #tpu.memory_space<vmem_shared>>) target(%dma_start3A_1370 : memref<8x4096xf32, #tpu.memory_space<hbm>>) target_semaphore(%arg9 : memref<!tpu.dma_semaphore, #tpu.memory_space<semaphore_mem>>)
      %add3A_1375 = arith.constant 296 : i32
      %add3A_1376 = arith.addi %mul3A_2, %add3A_1375 : i32
      %dma_wait3A_1377 = arith.constant 15 : i32
      %dma_wait3A_1378 = arith.constant 0 : i32
      %dma_wait3A_1379 = tpu.memref_slice %arg3[%add3A_1376, %dma_wait3A_1378] : memref<16384x4096xf32, #tpu.memory_space<hbm>> -> memref<8x4096xf32, #tpu.memory_space<hbm>>
      %dma_wait3A_1380 = arith.constant 8 : i32
      %dma_wait3A_1381 = arith.constant 0 : i32
      %dma_wait3A_1382 = tpu.memref_slice %arg4[%dma_wait3A_1377, %dma_wait3A_1380, %dma_wait3A_1381] : memref<16x16x4096xf32, #tpu.memory_space<vmem_shared>> -> memref<1x8x4096xf32, #tpu.memory_space<vmem_shared>>
      %dma_wait3A_1383 = tpu.memref_squeeze %dma_wait3A_1382 : memref<1x8x4096xf32, #tpu.memory_space<vmem_shared>> -> memref<8x4096xf32, #tpu.memory_space<vmem_shared>>
      tpu.wait_dma2 semaphore(%arg9 : memref<!tpu.dma_semaphore, #tpu.memory_space<semaphore_mem>>) src(%dma_wait3A_1383 : memref<8x4096xf32, #tpu.memory_space<vmem_shared>>) dst(%dma_wait3A_1379 : memref<8x4096xf32, #tpu.memory_space<hbm>>)
      %add3A_1384 = arith.constant 312 : i32
      %add3A_1385 = arith.addi %mul3A_2, %add3A_1384 : i32
      %dma_start3A_1386 = arith.constant 15 : i32
      %dma_start3A_1387 = arith.constant 8 : i32
      %dma_start3A_1388 = arith.constant 0 : i32
      %dma_start3A_1389 = tpu.memref_slice %arg4[%dma_start3A_1386, %dma_start3A_1387, %dma_start3A_1388] : memref<16x16x4096xf32, #tpu.memory_space<vmem_shared>> -> memref<1x8x4096xf32, #tpu.memory_space<vmem_shared>>
      %dma_start3A_1390 = tpu.memref_squeeze %dma_start3A_1389 : memref<1x8x4096xf32, #tpu.memory_space<vmem_shared>> -> memref<8x4096xf32, #tpu.memory_space<vmem_shared>>
      %dma_start3A_1391 = arith.constant 0 : i32
      %dma_start3A_1392 = tpu.memref_slice %arg2[%add3A_1385, %dma_start3A_1391] : memref<16384x4096xf32, #tpu.memory_space<hbm>> -> memref<8x4096xf32, #tpu.memory_space<hbm>>
      tpu.enqueue_dma source(%dma_start3A_1392 : memref<8x4096xf32, #tpu.memory_space<hbm>>) target(%dma_start3A_1390 : memref<8x4096xf32, #tpu.memory_space<vmem_shared>>) target_semaphore(%arg7 : memref<!tpu.dma_semaphore, #tpu.memory_space<semaphore_mem>>)
      %add3A_1393 = arith.constant 304 : i32
      %add3A_1394 = arith.addi %mul3A_2, %add3A_1393 : i32
      %dma_wait3A_1395 = arith.constant 15 : i32
      %dma_wait3A_1396 = arith.constant 0 : i32
      %dma_wait3A_1397 = arith.constant 0 : i32
      %dma_wait3A_1398 = tpu.memref_slice %arg4[%dma_wait3A_1395, %dma_wait3A_1396, %dma_wait3A_1397] : memref<16x16x4096xf32, #tpu.memory_space<vmem_shared>> -> memref<1x8x4096xf32, #tpu.memory_space<vmem_shared>>
      %dma_wait3A_1399 = tpu.memref_squeeze %dma_wait3A_1398 : memref<1x8x4096xf32, #tpu.memory_space<vmem_shared>> -> memref<8x4096xf32, #tpu.memory_space<vmem_shared>>
      %dma_wait3A_1400 = arith.constant 0 : i32
      %dma_wait3A_1401 = tpu.memref_slice %arg2[%add3A_1394, %dma_wait3A_1400] : memref<16384x4096xf32, #tpu.memory_space<hbm>> -> memref<8x4096xf32, #tpu.memory_space<hbm>>
      tpu.wait_dma2 semaphore(%arg6 : memref<!tpu.dma_semaphore, #tpu.memory_space<semaphore_mem>>) src(%dma_wait3A_1401 : memref<8x4096xf32, #tpu.memory_space<hbm>>) dst(%dma_wait3A_1399 : memref<8x4096xf32, #tpu.memory_space<vmem_shared>>)
      %add3A_1402 = arith.constant 304 : i32
      %add3A_1403 = arith.addi %mul3A_2, %add3A_1402 : i32
      %dma_start3A_1404 = arith.constant 15 : i32
      %dma_start3A_1405 = arith.constant 0 : i32
      %dma_start3A_1406 = tpu.memref_slice %arg3[%add3A_1403, %dma_start3A_1405] : memref<16384x4096xf32, #tpu.memory_space<hbm>> -> memref<8x4096xf32, #tpu.memory_space<hbm>>
      %dma_start3A_1407 = arith.constant 0 : i32
      %dma_start3A_1408 = arith.constant 0 : i32
      %dma_start3A_1409 = tpu.memref_slice %arg4[%dma_start3A_1404, %dma_start3A_1407, %dma_start3A_1408] : memref<16x16x4096xf32, #tpu.memory_space<vmem_shared>> -> memref<1x8x4096xf32, #tpu.memory_space<vmem_shared>>
      %dma_start3A_1410 = tpu.memref_squeeze %dma_start3A_1409 : memref<1x8x4096xf32, #tpu.memory_space<vmem_shared>> -> memref<8x4096xf32, #tpu.memory_space<vmem_shared>>
      tpu.enqueue_dma source(%dma_start3A_1410 : memref<8x4096xf32, #tpu.memory_space<vmem_shared>>) target(%dma_start3A_1406 : memref<8x4096xf32, #tpu.memory_space<hbm>>) target_semaphore(%arg8 : memref<!tpu.dma_semaphore, #tpu.memory_space<semaphore_mem>>)
      %add3A_1411 = arith.constant 304 : i32
      %add3A_1412 = arith.addi %mul3A_2, %add3A_1411 : i32
      %dma_wait3A_1413 = arith.constant 15 : i32
      %dma_wait3A_1414 = arith.constant 0 : i32
      %dma_wait3A_1415 = tpu.memref_slice %arg3[%add3A_1412, %dma_wait3A_1414] : memref<16384x4096xf32, #tpu.memory_space<hbm>> -> memref<8x4096xf32, #tpu.memory_space<hbm>>
      %dma_wait3A_1416 = arith.constant 0 : i32
      %dma_wait3A_1417 = arith.constant 0 : i32
      %dma_wait3A_1418 = tpu.memref_slice %arg4[%dma_wait3A_1413, %dma_wait3A_1416, %dma_wait3A_1417] : memref<16x16x4096xf32, #tpu.memory_space<vmem_shared>> -> memref<1x8x4096xf32, #tpu.memory_space<vmem_shared>>
      %dma_wait3A_1419 = tpu.memref_squeeze %dma_wait3A_1418 : memref<1x8x4096xf32, #tpu.memory_space<vmem_shared>> -> memref<8x4096xf32, #tpu.memory_space<vmem_shared>>
      tpu.wait_dma2 semaphore(%arg8 : memref<!tpu.dma_semaphore, #tpu.memory_space<semaphore_mem>>) src(%dma_wait3A_1419 : memref<8x4096xf32, #tpu.memory_space<vmem_shared>>) dst(%dma_wait3A_1415 : memref<8x4096xf32, #tpu.memory_space<hbm>>)
      %add3A_1420 = arith.constant 320 : i32
      %add3A_1421 = arith.addi %mul3A_2, %add3A_1420 : i32
      %dma_start3A_1422 = arith.constant 15 : i32
      %dma_start3A_1423 = arith.constant 0 : i32
      %dma_start3A_1424 = arith.constant 0 : i32
      %dma_start3A_1425 = tpu.memref_slice %arg4[%dma_start3A_1422, %dma_start3A_1423, %dma_start3A_1424] : memref<16x16x4096xf32, #tpu.memory_space<vmem_shared>> -> memref<1x8x4096xf32, #tpu.memory_space<vmem_shared>>
      %dma_start3A_1426 = tpu.memref_squeeze %dma_start3A_1425 : memref<1x8x4096xf32, #tpu.memory_space<vmem_shared>> -> memref<8x4096xf32, #tpu.memory_space<vmem_shared>>
      %dma_start3A_1427 = arith.constant 0 : i32
      %dma_start3A_1428 = tpu.memref_slice %arg2[%add3A_1421, %dma_start3A_1427] : memref<16384x4096xf32, #tpu.memory_space<hbm>> -> memref<8x4096xf32, #tpu.memory_space<hbm>>
      tpu.enqueue_dma source(%dma_start3A_1428 : memref<8x4096xf32, #tpu.memory_space<hbm>>) target(%dma_start3A_1426 : memref<8x4096xf32, #tpu.memory_space<vmem_shared>>) target_semaphore(%arg6 : memref<!tpu.dma_semaphore, #tpu.memory_space<semaphore_mem>>)
      %add3A_1429 = arith.constant 312 : i32
      %add3A_1430 = arith.addi %mul3A_2, %add3A_1429 : i32
      %dma_wait3A_1431 = arith.constant 15 : i32
      %dma_wait3A_1432 = arith.constant 8 : i32
      %dma_wait3A_1433 = arith.constant 0 : i32
      %dma_wait3A_1434 = tpu.memref_slice %arg4[%dma_wait3A_1431, %dma_wait3A_1432, %dma_wait3A_1433] : memref<16x16x4096xf32, #tpu.memory_space<vmem_shared>> -> memref<1x8x4096xf32, #tpu.memory_space<vmem_shared>>
      %dma_wait3A_1435 = tpu.memref_squeeze %dma_wait3A_1434 : memref<1x8x4096xf32, #tpu.memory_space<vmem_shared>> -> memref<8x4096xf32, #tpu.memory_space<vmem_shared>>
      %dma_wait3A_1436 = arith.constant 0 : i32
      %dma_wait3A_1437 = tpu.memref_slice %arg2[%add3A_1430, %dma_wait3A_1436] : memref<16384x4096xf32, #tpu.memory_space<hbm>> -> memref<8x4096xf32, #tpu.memory_space<hbm>>
      tpu.wait_dma2 semaphore(%arg7 : memref<!tpu.dma_semaphore, #tpu.memory_space<semaphore_mem>>) src(%dma_wait3A_1437 : memref<8x4096xf32, #tpu.memory_space<hbm>>) dst(%dma_wait3A_1435 : memref<8x4096xf32, #tpu.memory_space<vmem_shared>>)
      %add3A_1438 = arith.constant 312 : i32
      %add3A_1439 = arith.addi %mul3A_2, %add3A_1438 : i32
      %dma_start3A_1440 = arith.constant 15 : i32
      %dma_start3A_1441 = arith.constant 0 : i32
      %dma_start3A_1442 = tpu.memref_slice %arg3[%add3A_1439, %dma_start3A_1441] : memref<16384x4096xf32, #tpu.memory_space<hbm>> -> memref<8x4096xf32, #tpu.memory_space<hbm>>
      %dma_start3A_1443 = arith.constant 8 : i32
      %dma_start3A_1444 = arith.constant 0 : i32
      %dma_start3A_1445 = tpu.memref_slice %arg4[%dma_start3A_1440, %dma_start3A_1443, %dma_start3A_1444] : memref<16x16x4096xf32, #tpu.memory_space<vmem_shared>> -> memref<1x8x4096xf32, #tpu.memory_space<vmem_shared>>
      %dma_start3A_1446 = tpu.memref_squeeze %dma_start3A_1445 : memref<1x8x4096xf32, #tpu.memory_space<vmem_shared>> -> memref<8x4096xf32, #tpu.memory_space<vmem_shared>>
      tpu.enqueue_dma source(%dma_start3A_1446 : memref<8x4096xf32, #tpu.memory_space<vmem_shared>>) target(%dma_start3A_1442 : memref<8x4096xf32, #tpu.memory_space<hbm>>) target_semaphore(%arg9 : memref<!tpu.dma_semaphore, #tpu.memory_space<semaphore_mem>>)
      %add3A_1447 = arith.constant 312 : i32
      %add3A_1448 = arith.addi %mul3A_2, %add3A_1447 : i32
      %dma_wait3A_1449 = arith.constant 15 : i32
      %dma_wait3A_1450 = arith.constant 0 : i32
      %dma_wait3A_1451 = tpu.memref_slice %arg3[%add3A_1448, %dma_wait3A_1450] : memref<16384x4096xf32, #tpu.memory_space<hbm>> -> memref<8x4096xf32, #tpu.memory_space<hbm>>
      %dma_wait3A_1452 = arith.constant 8 : i32
      %dma_wait3A_1453 = arith.constant 0 : i32
      %dma_wait3A_1454 = tpu.memref_slice %arg4[%dma_wait3A_1449, %dma_wait3A_1452, %dma_wait3A_1453] : memref<16x16x4096xf32, #tpu.memory_space<vmem_shared>> -> memref<1x8x4096xf32, #tpu.memory_space<vmem_shared>>
      %dma_wait3A_1455 = tpu.memref_squeeze %dma_wait3A_1454 : memref<1x8x4096xf32, #tpu.memory_space<vmem_shared>> -> memref<8x4096xf32, #tpu.memory_space<vmem_shared>>
      tpu.wait_dma2 semaphore(%arg9 : memref<!tpu.dma_semaphore, #tpu.memory_space<semaphore_mem>>) src(%dma_wait3A_1455 : memref<8x4096xf32, #tpu.memory_space<vmem_shared>>) dst(%dma_wait3A_1451 : memref<8x4096xf32, #tpu.memory_space<hbm>>)
      %add3A_1456 = arith.constant 328 : i32
      %add3A_1457 = arith.addi %mul3A_2, %add3A_1456 : i32
      %dma_start3A_1458 = arith.constant 15 : i32
      %dma_start3A_1459 = arith.constant 8 : i32
      %dma_start3A_1460 = arith.constant 0 : i32
      %dma_start3A_1461 = tpu.memref_slice %arg4[%dma_start3A_1458, %dma_start3A_1459, %dma_start3A_1460] : memref<16x16x4096xf32, #tpu.memory_space<vmem_shared>> -> memref<1x8x4096xf32, #tpu.memory_space<vmem_shared>>
      %dma_start3A_1462 = tpu.memref_squeeze %dma_start3A_1461 : memref<1x8x4096xf32, #tpu.memory_space<vmem_shared>> -> memref<8x4096xf32, #tpu.memory_space<vmem_shared>>
      %dma_start3A_1463 = arith.constant 0 : i32
      %dma_start3A_1464 = tpu.memref_slice %arg2[%add3A_1457, %dma_start3A_1463] : memref<16384x4096xf32, #tpu.memory_space<hbm>> -> memref<8x4096xf32, #tpu.memory_space<hbm>>
      tpu.enqueue_dma source(%dma_start3A_1464 : memref<8x4096xf32, #tpu.memory_space<hbm>>) target(%dma_start3A_1462 : memref<8x4096xf32, #tpu.memory_space<vmem_shared>>) target_semaphore(%arg7 : memref<!tpu.dma_semaphore, #tpu.memory_space<semaphore_mem>>)
      %add3A_1465 = arith.constant 320 : i32
      %add3A_1466 = arith.addi %mul3A_2, %add3A_1465 : i32
      %dma_wait3A_1467 = arith.constant 15 : i32
      %dma_wait3A_1468 = arith.constant 0 : i32
      %dma_wait3A_1469 = arith.constant 0 : i32
      %dma_wait3A_1470 = tpu.memref_slice %arg4[%dma_wait3A_1467, %dma_wait3A_1468, %dma_wait3A_1469] : memref<16x16x4096xf32, #tpu.memory_space<vmem_shared>> -> memref<1x8x4096xf32, #tpu.memory_space<vmem_shared>>
      %dma_wait3A_1471 = tpu.memref_squeeze %dma_wait3A_1470 : memref<1x8x4096xf32, #tpu.memory_space<vmem_shared>> -> memref<8x4096xf32, #tpu.memory_space<vmem_shared>>
      %dma_wait3A_1472 = arith.constant 0 : i32
      %dma_wait3A_1473 = tpu.memref_slice %arg2[%add3A_1466, %dma_wait3A_1472] : memref<16384x4096xf32, #tpu.memory_space<hbm>> -> memref<8x4096xf32, #tpu.memory_space<hbm>>
      tpu.wait_dma2 semaphore(%arg6 : memref<!tpu.dma_semaphore, #tpu.memory_space<semaphore_mem>>) src(%dma_wait3A_1473 : memref<8x4096xf32, #tpu.memory_space<hbm>>) dst(%dma_wait3A_1471 : memref<8x4096xf32, #tpu.memory_space<vmem_shared>>)
      %add3A_1474 = arith.constant 320 : i32
      %add3A_1475 = arith.addi %mul3A_2, %add3A_1474 : i32
      %dma_start3A_1476 = arith.constant 15 : i32
      %dma_start3A_1477 = arith.constant 0 : i32
      %dma_start3A_1478 = tpu.memref_slice %arg3[%add3A_1475, %dma_start3A_1477] : memref<16384x4096xf32, #tpu.memory_space<hbm>> -> memref<8x4096xf32, #tpu.memory_space<hbm>>
      %dma_start3A_1479 = arith.constant 0 : i32
      %dma_start3A_1480 = arith.constant 0 : i32
      %dma_start3A_1481 = tpu.memref_slice %arg4[%dma_start3A_1476, %dma_start3A_1479, %dma_start3A_1480] : memref<16x16x4096xf32, #tpu.memory_space<vmem_shared>> -> memref<1x8x4096xf32, #tpu.memory_space<vmem_shared>>
      %dma_start3A_1482 = tpu.memref_squeeze %dma_start3A_1481 : memref<1x8x4096xf32, #tpu.memory_space<vmem_shared>> -> memref<8x4096xf32, #tpu.memory_space<vmem_shared>>
      tpu.enqueue_dma source(%dma_start3A_1482 : memref<8x4096xf32, #tpu.memory_space<vmem_shared>>) target(%dma_start3A_1478 : memref<8x4096xf32, #tpu.memory_space<hbm>>) target_semaphore(%arg8 : memref<!tpu.dma_semaphore, #tpu.memory_space<semaphore_mem>>)
      %add3A_1483 = arith.constant 320 : i32
      %add3A_1484 = arith.addi %mul3A_2, %add3A_1483 : i32
      %dma_wait3A_1485 = arith.constant 15 : i32
      %dma_wait3A_1486 = arith.constant 0 : i32
      %dma_wait3A_1487 = tpu.memref_slice %arg3[%add3A_1484, %dma_wait3A_1486] : memref<16384x4096xf32, #tpu.memory_space<hbm>> -> memref<8x4096xf32, #tpu.memory_space<hbm>>
      %dma_wait3A_1488 = arith.constant 0 : i32
      %dma_wait3A_1489 = arith.constant 0 : i32
      %dma_wait3A_1490 = tpu.memref_slice %arg4[%dma_wait3A_1485, %dma_wait3A_1488, %dma_wait3A_1489] : memref<16x16x4096xf32, #tpu.memory_space<vmem_shared>> -> memref<1x8x4096xf32, #tpu.memory_space<vmem_shared>>
      %dma_wait3A_1491 = tpu.memref_squeeze %dma_wait3A_1490 : memref<1x8x4096xf32, #tpu.memory_space<vmem_shared>> -> memref<8x4096xf32, #tpu.memory_space<vmem_shared>>
      tpu.wait_dma2 semaphore(%arg8 : memref<!tpu.dma_semaphore, #tpu.memory_space<semaphore_mem>>) src(%dma_wait3A_1491 : memref<8x4096xf32, #tpu.memory_space<vmem_shared>>) dst(%dma_wait3A_1487 : memref<8x4096xf32, #tpu.memory_space<hbm>>)
      %add3A_1492 = arith.constant 336 : i32
      %add3A_1493 = arith.addi %mul3A_2, %add3A_1492 : i32
      %dma_start3A_1494 = arith.constant 15 : i32
      %dma_start3A_1495 = arith.constant 0 : i32
      %dma_start3A_1496 = arith.constant 0 : i32
      %dma_start3A_1497 = tpu.memref_slice %arg4[%dma_start3A_1494, %dma_start3A_1495, %dma_start3A_1496] : memref<16x16x4096xf32, #tpu.memory_space<vmem_shared>> -> memref<1x8x4096xf32, #tpu.memory_space<vmem_shared>>
      %dma_start3A_1498 = tpu.memref_squeeze %dma_start3A_1497 : memref<1x8x4096xf32, #tpu.memory_space<vmem_shared>> -> memref<8x4096xf32, #tpu.memory_space<vmem_shared>>
      %dma_start3A_1499 = arith.constant 0 : i32
      %dma_start3A_1500 = tpu.memref_slice %arg2[%add3A_1493, %dma_start3A_1499] : memref<16384x4096xf32, #tpu.memory_space<hbm>> -> memref<8x4096xf32, #tpu.memory_space<hbm>>
      tpu.enqueue_dma source(%dma_start3A_1500 : memref<8x4096xf32, #tpu.memory_space<hbm>>) target(%dma_start3A_1498 : memref<8x4096xf32, #tpu.memory_space<vmem_shared>>) target_semaphore(%arg6 : memref<!tpu.dma_semaphore, #tpu.memory_space<semaphore_mem>>)
      %add3A_1501 = arith.constant 328 : i32
      %add3A_1502 = arith.addi %mul3A_2, %add3A_1501 : i32
      %dma_wait3A_1503 = arith.constant 15 : i32
      %dma_wait3A_1504 = arith.constant 8 : i32
      %dma_wait3A_1505 = arith.constant 0 : i32
      %dma_wait3A_1506 = tpu.memref_slice %arg4[%dma_wait3A_1503, %dma_wait3A_1504, %dma_wait3A_1505] : memref<16x16x4096xf32, #tpu.memory_space<vmem_shared>> -> memref<1x8x4096xf32, #tpu.memory_space<vmem_shared>>
      %dma_wait3A_1507 = tpu.memref_squeeze %dma_wait3A_1506 : memref<1x8x4096xf32, #tpu.memory_space<vmem_shared>> -> memref<8x4096xf32, #tpu.memory_space<vmem_shared>>
      %dma_wait3A_1508 = arith.constant 0 : i32
      %dma_wait3A_1509 = tpu.memref_slice %arg2[%add3A_1502, %dma_wait3A_1508] : memref<16384x4096xf32, #tpu.memory_space<hbm>> -> memref<8x4096xf32, #tpu.memory_space<hbm>>
      tpu.wait_dma2 semaphore(%arg7 : memref<!tpu.dma_semaphore, #tpu.memory_space<semaphore_mem>>) src(%dma_wait3A_1509 : memref<8x4096xf32, #tpu.memory_space<hbm>>) dst(%dma_wait3A_1507 : memref<8x4096xf32, #tpu.memory_space<vmem_shared>>)
      %add3A_1510 = arith.constant 328 : i32
      %add3A_1511 = arith.addi %mul3A_2, %add3A_1510 : i32
      %dma_start3A_1512 = arith.constant 15 : i32
      %dma_start3A_1513 = arith.constant 0 : i32
      %dma_start3A_1514 = tpu.memref_slice %arg3[%add3A_1511, %dma_start3A_1513] : memref<16384x4096xf32, #tpu.memory_space<hbm>> -> memref<8x4096xf32, #tpu.memory_space<hbm>>
      %dma_start3A_1515 = arith.constant 8 : i32
      %dma_start3A_1516 = arith.constant 0 : i32
      %dma_start3A_1517 = tpu.memref_slice %arg4[%dma_start3A_1512, %dma_start3A_1515, %dma_start3A_1516] : memref<16x16x4096xf32, #tpu.memory_space<vmem_shared>> -> memref<1x8x4096xf32, #tpu.memory_space<vmem_shared>>
      %dma_start3A_1518 = tpu.memref_squeeze %dma_start3A_1517 : memref<1x8x4096xf32, #tpu.memory_space<vmem_shared>> -> memref<8x4096xf32, #tpu.memory_space<vmem_shared>>
      tpu.enqueue_dma source(%dma_start3A_1518 : memref<8x4096xf32, #tpu.memory_space<vmem_shared>>) target(%dma_start3A_1514 : memref<8x4096xf32, #tpu.memory_space<hbm>>) target_semaphore(%arg9 : memref<!tpu.dma_semaphore, #tpu.memory_space<semaphore_mem>>)
      %add3A_1519 = arith.constant 328 : i32
      %add3A_1520 = arith.addi %mul3A_2, %add3A_1519 : i32
      %dma_wait3A_1521 = arith.constant 15 : i32
      %dma_wait3A_1522 = arith.constant 0 : i32
      %dma_wait3A_1523 = tpu.memref_slice %arg3[%add3A_1520, %dma_wait3A_1522] : memref<16384x4096xf32, #tpu.memory_space<hbm>> -> memref<8x4096xf32, #tpu.memory_space<hbm>>
      %dma_wait3A_1524 = arith.constant 8 : i32
      %dma_wait3A_1525 = arith.constant 0 : i32
      %dma_wait3A_1526 = tpu.memref_slice %arg4[%dma_wait3A_1521, %dma_wait3A_1524, %dma_wait3A_1525] : memref<16x16x4096xf32, #tpu.memory_space<vmem_shared>> -> memref<1x8x4096xf32, #tpu.memory_space<vmem_shared>>
      %dma_wait3A_1527 = tpu.memref_squeeze %dma_wait3A_1526 : memref<1x8x4096xf32, #tpu.memory_space<vmem_shared>> -> memref<8x4096xf32, #tpu.memory_space<vmem_shared>>
      tpu.wait_dma2 semaphore(%arg9 : memref<!tpu.dma_semaphore, #tpu.memory_space<semaphore_mem>>) src(%dma_wait3A_1527 : memref<8x4096xf32, #tpu.memory_space<vmem_shared>>) dst(%dma_wait3A_1523 : memref<8x4096xf32, #tpu.memory_space<hbm>>)
      %add3A_1528 = arith.constant 344 : i32
      %add3A_1529 = arith.addi %mul3A_2, %add3A_1528 : i32
      %dma_start3A_1530 = arith.constant 15 : i32
      %dma_start3A_1531 = arith.constant 8 : i32
      %dma_start3A_1532 = arith.constant 0 : i32
      %dma_start3A_1533 = tpu.memref_slice %arg4[%dma_start3A_1530, %dma_start3A_1531, %dma_start3A_1532] : memref<16x16x4096xf32, #tpu.memory_space<vmem_shared>> -> memref<1x8x4096xf32, #tpu.memory_space<vmem_shared>>
      %dma_start3A_1534 = tpu.memref_squeeze %dma_start3A_1533 : memref<1x8x4096xf32, #tpu.memory_space<vmem_shared>> -> memref<8x4096xf32, #tpu.memory_space<vmem_shared>>
      %dma_start3A_1535 = arith.constant 0 : i32
      %dma_start3A_1536 = tpu.memref_slice %arg2[%add3A_1529, %dma_start3A_1535] : memref<16384x4096xf32, #tpu.memory_space<hbm>> -> memref<8x4096xf32, #tpu.memory_space<hbm>>
      tpu.enqueue_dma source(%dma_start3A_1536 : memref<8x4096xf32, #tpu.memory_space<hbm>>) target(%dma_start3A_1534 : memref<8x4096xf32, #tpu.memory_space<vmem_shared>>) target_semaphore(%arg7 : memref<!tpu.dma_semaphore, #tpu.memory_space<semaphore_mem>>)
      %add3A_1537 = arith.constant 336 : i32
      %add3A_1538 = arith.addi %mul3A_2, %add3A_1537 : i32
      %dma_wait3A_1539 = arith.constant 15 : i32
      %dma_wait3A_1540 = arith.constant 0 : i32
      %dma_wait3A_1541 = arith.constant 0 : i32
      %dma_wait3A_1542 = tpu.memref_slice %arg4[%dma_wait3A_1539, %dma_wait3A_1540, %dma_wait3A_1541] : memref<16x16x4096xf32, #tpu.memory_space<vmem_shared>> -> memref<1x8x4096xf32, #tpu.memory_space<vmem_shared>>
      %dma_wait3A_1543 = tpu.memref_squeeze %dma_wait3A_1542 : memref<1x8x4096xf32, #tpu.memory_space<vmem_shared>> -> memref<8x4096xf32, #tpu.memory_space<vmem_shared>>
      %dma_wait3A_1544 = arith.constant 0 : i32
      %dma_wait3A_1545 = tpu.memref_slice %arg2[%add3A_1538, %dma_wait3A_1544] : memref<16384x4096xf32, #tpu.memory_space<hbm>> -> memref<8x4096xf32, #tpu.memory_space<hbm>>
      tpu.wait_dma2 semaphore(%arg6 : memref<!tpu.dma_semaphore, #tpu.memory_space<semaphore_mem>>) src(%dma_wait3A_1545 : memref<8x4096xf32, #tpu.memory_space<hbm>>) dst(%dma_wait3A_1543 : memref<8x4096xf32, #tpu.memory_space<vmem_shared>>)
      %add3A_1546 = arith.constant 336 : i32
      %add3A_1547 = arith.addi %mul3A_2, %add3A_1546 : i32
      %dma_start3A_1548 = arith.constant 15 : i32
      %dma_start3A_1549 = arith.constant 0 : i32
      %dma_start3A_1550 = tpu.memref_slice %arg3[%add3A_1547, %dma_start3A_1549] : memref<16384x4096xf32, #tpu.memory_space<hbm>> -> memref<8x4096xf32, #tpu.memory_space<hbm>>
      %dma_start3A_1551 = arith.constant 0 : i32
      %dma_start3A_1552 = arith.constant 0 : i32
      %dma_start3A_1553 = tpu.memref_slice %arg4[%dma_start3A_1548, %dma_start3A_1551, %dma_start3A_1552] : memref<16x16x4096xf32, #tpu.memory_space<vmem_shared>> -> memref<1x8x4096xf32, #tpu.memory_space<vmem_shared>>
      %dma_start3A_1554 = tpu.memref_squeeze %dma_start3A_1553 : memref<1x8x4096xf32, #tpu.memory_space<vmem_shared>> -> memref<8x4096xf32, #tpu.memory_space<vmem_shared>>
      tpu.enqueue_dma source(%dma_start3A_1554 : memref<8x4096xf32, #tpu.memory_space<vmem_shared>>) target(%dma_start3A_1550 : memref<8x4096xf32, #tpu.memory_space<hbm>>) target_semaphore(%arg8 : memref<!tpu.dma_semaphore, #tpu.memory_space<semaphore_mem>>)
      %add3A_1555 = arith.constant 336 : i32
      %add3A_1556 = arith.addi %mul3A_2, %add3A_1555 : i32
      %dma_wait3A_1557 = arith.constant 15 : i32
      %dma_wait3A_1558 = arith.constant 0 : i32
      %dma_wait3A_1559 = tpu.memref_slice %arg3[%add3A_1556, %dma_wait3A_1558] : memref<16384x4096xf32, #tpu.memory_space<hbm>> -> memref<8x4096xf32, #tpu.memory_space<hbm>>
      %dma_wait3A_1560 = arith.constant 0 : i32
      %dma_wait3A_1561 = arith.constant 0 : i32
      %dma_wait3A_1562 = tpu.memref_slice %arg4[%dma_wait3A_1557, %dma_wait3A_1560, %dma_wait3A_1561] : memref<16x16x4096xf32, #tpu.memory_space<vmem_shared>> -> memref<1x8x4096xf32, #tpu.memory_space<vmem_shared>>
      %dma_wait3A_1563 = tpu.memref_squeeze %dma_wait3A_1562 : memref<1x8x4096xf32, #tpu.memory_space<vmem_shared>> -> memref<8x4096xf32, #tpu.memory_space<vmem_shared>>
      tpu.wait_dma2 semaphore(%arg8 : memref<!tpu.dma_semaphore, #tpu.memory_space<semaphore_mem>>) src(%dma_wait3A_1563 : memref<8x4096xf32, #tpu.memory_space<vmem_shared>>) dst(%dma_wait3A_1559 : memref<8x4096xf32, #tpu.memory_space<hbm>>)
      %add3A_1564 = arith.constant 352 : i32
      %add3A_1565 = arith.addi %mul3A_2, %add3A_1564 : i32
      %dma_start3A_1566 = arith.constant 15 : i32
      %dma_start3A_1567 = arith.constant 0 : i32
      %dma_start3A_1568 = arith.constant 0 : i32
      %dma_start3A_1569 = tpu.memref_slice %arg4[%dma_start3A_1566, %dma_start3A_1567, %dma_start3A_1568] : memref<16x16x4096xf32, #tpu.memory_space<vmem_shared>> -> memref<1x8x4096xf32, #tpu.memory_space<vmem_shared>>
      %dma_start3A_1570 = tpu.memref_squeeze %dma_start3A_1569 : memref<1x8x4096xf32, #tpu.memory_space<vmem_shared>> -> memref<8x4096xf32, #tpu.memory_space<vmem_shared>>
      %dma_start3A_1571 = arith.constant 0 : i32
      %dma_start3A_1572 = tpu.memref_slice %arg2[%add3A_1565, %dma_start3A_1571] : memref<16384x4096xf32, #tpu.memory_space<hbm>> -> memref<8x4096xf32, #tpu.memory_space<hbm>>
      tpu.enqueue_dma source(%dma_start3A_1572 : memref<8x4096xf32, #tpu.memory_space<hbm>>) target(%dma_start3A_1570 : memref<8x4096xf32, #tpu.memory_space<vmem_shared>>) target_semaphore(%arg6 : memref<!tpu.dma_semaphore, #tpu.memory_space<semaphore_mem>>)
      %add3A_1573 = arith.constant 344 : i32
      %add3A_1574 = arith.addi %mul3A_2, %add3A_1573 : i32
      %dma_wait3A_1575 = arith.constant 15 : i32
      %dma_wait3A_1576 = arith.constant 8 : i32
      %dma_wait3A_1577 = arith.constant 0 : i32
      %dma_wait3A_1578 = tpu.memref_slice %arg4[%dma_wait3A_1575, %dma_wait3A_1576, %dma_wait3A_1577] : memref<16x16x4096xf32, #tpu.memory_space<vmem_shared>> -> memref<1x8x4096xf32, #tpu.memory_space<vmem_shared>>
      %dma_wait3A_1579 = tpu.memref_squeeze %dma_wait3A_1578 : memref<1x8x4096xf32, #tpu.memory_space<vmem_shared>> -> memref<8x4096xf32, #tpu.memory_space<vmem_shared>>
      %dma_wait3A_1580 = arith.constant 0 : i32
      %dma_wait3A_1581 = tpu.memref_slice %arg2[%add3A_1574, %dma_wait3A_1580] : memref<16384x4096xf32, #tpu.memory_space<hbm>> -> memref<8x4096xf32, #tpu.memory_space<hbm>>
      tpu.wait_dma2 semaphore(%arg7 : memref<!tpu.dma_semaphore, #tpu.memory_space<semaphore_mem>>) src(%dma_wait3A_1581 : memref<8x4096xf32, #tpu.memory_space<hbm>>) dst(%dma_wait3A_1579 : memref<8x4096xf32, #tpu.memory_space<vmem_shared>>)
      %add3A_1582 = arith.constant 344 : i32
      %add3A_1583 = arith.addi %mul3A_2, %add3A_1582 : i32
      %dma_start3A_1584 = arith.constant 15 : i32
      %dma_start3A_1585 = arith.constant 0 : i32
      %dma_start3A_1586 = tpu.memref_slice %arg3[%add3A_1583, %dma_start3A_1585] : memref<16384x4096xf32, #tpu.memory_space<hbm>> -> memref<8x4096xf32, #tpu.memory_space<hbm>>
      %dma_start3A_1587 = arith.constant 8 : i32
      %dma_start3A_1588 = arith.constant 0 : i32
      %dma_start3A_1589 = tpu.memref_slice %arg4[%dma_start3A_1584, %dma_start3A_1587, %dma_start3A_1588] : memref<16x16x4096xf32, #tpu.memory_space<vmem_shared>> -> memref<1x8x4096xf32, #tpu.memory_space<vmem_shared>>
      %dma_start3A_1590 = tpu.memref_squeeze %dma_start3A_1589 : memref<1x8x4096xf32, #tpu.memory_space<vmem_shared>> -> memref<8x4096xf32, #tpu.memory_space<vmem_shared>>
      tpu.enqueue_dma source(%dma_start3A_1590 : memref<8x4096xf32, #tpu.memory_space<vmem_shared>>) target(%dma_start3A_1586 : memref<8x4096xf32, #tpu.memory_space<hbm>>) target_semaphore(%arg9 : memref<!tpu.dma_semaphore, #tpu.memory_space<semaphore_mem>>)
      %add3A_1591 = arith.constant 344 : i32
      %add3A_1592 = arith.addi %mul3A_2, %add3A_1591 : i32
      %dma_wait3A_1593 = arith.constant 15 : i32
      %dma_wait3A_1594 = arith.constant 0 : i32
      %dma_wait3A_1595 = tpu.memref_slice %arg3[%add3A_1592, %dma_wait3A_1594] : memref<16384x4096xf32, #tpu.memory_space<hbm>> -> memref<8x4096xf32, #tpu.memory_space<hbm>>
      %dma_wait3A_1596 = arith.constant 8 : i32
      %dma_wait3A_1597 = arith.constant 0 : i32
      %dma_wait3A_1598 = tpu.memref_slice %arg4[%dma_wait3A_1593, %dma_wait3A_1596, %dma_wait3A_1597] : memref<16x16x4096xf32, #tpu.memory_space<vmem_shared>> -> memref<1x8x4096xf32, #tpu.memory_space<vmem_shared>>
      %dma_wait3A_1599 = tpu.memref_squeeze %dma_wait3A_1598 : memref<1x8x4096xf32, #tpu.memory_space<vmem_shared>> -> memref<8x4096xf32, #tpu.memory_space<vmem_shared>>
      tpu.wait_dma2 semaphore(%arg9 : memref<!tpu.dma_semaphore, #tpu.memory_space<semaphore_mem>>) src(%dma_wait3A_1599 : memref<8x4096xf32, #tpu.memory_space<vmem_shared>>) dst(%dma_wait3A_1595 : memref<8x4096xf32, #tpu.memory_space<hbm>>)
      %add3A_1600 = arith.constant 360 : i32
      %add3A_1601 = arith.addi %mul3A_2, %add3A_1600 : i32
      %dma_start3A_1602 = arith.constant 15 : i32
      %dma_start3A_1603 = arith.constant 8 : i32
      %dma_start3A_1604 = arith.constant 0 : i32
      %dma_start3A_1605 = tpu.memref_slice %arg4[%dma_start3A_1602, %dma_start3A_1603, %dma_start3A_1604] : memref<16x16x4096xf32, #tpu.memory_space<vmem_shared>> -> memref<1x8x4096xf32, #tpu.memory_space<vmem_shared>>
      %dma_start3A_1606 = tpu.memref_squeeze %dma_start3A_1605 : memref<1x8x4096xf32, #tpu.memory_space<vmem_shared>> -> memref<8x4096xf32, #tpu.memory_space<vmem_shared>>
      %dma_start3A_1607 = arith.constant 0 : i32
      %dma_start3A_1608 = tpu.memref_slice %arg2[%add3A_1601, %dma_start3A_1607] : memref<16384x4096xf32, #tpu.memory_space<hbm>> -> memref<8x4096xf32, #tpu.memory_space<hbm>>
      tpu.enqueue_dma source(%dma_start3A_1608 : memref<8x4096xf32, #tpu.memory_space<hbm>>) target(%dma_start3A_1606 : memref<8x4096xf32, #tpu.memory_space<vmem_shared>>) target_semaphore(%arg7 : memref<!tpu.dma_semaphore, #tpu.memory_space<semaphore_mem>>)
      %add3A_1609 = arith.constant 352 : i32
      %add3A_1610 = arith.addi %mul3A_2, %add3A_1609 : i32
      %dma_wait3A_1611 = arith.constant 15 : i32
      %dma_wait3A_1612 = arith.constant 0 : i32
      %dma_wait3A_1613 = arith.constant 0 : i32
      %dma_wait3A_1614 = tpu.memref_slice %arg4[%dma_wait3A_1611, %dma_wait3A_1612, %dma_wait3A_1613] : memref<16x16x4096xf32, #tpu.memory_space<vmem_shared>> -> memref<1x8x4096xf32, #tpu.memory_space<vmem_shared>>
      %dma_wait3A_1615 = tpu.memref_squeeze %dma_wait3A_1614 : memref<1x8x4096xf32, #tpu.memory_space<vmem_shared>> -> memref<8x4096xf32, #tpu.memory_space<vmem_shared>>
      %dma_wait3A_1616 = arith.constant 0 : i32
      %dma_wait3A_1617 = tpu.memref_slice %arg2[%add3A_1610, %dma_wait3A_1616] : memref<16384x4096xf32, #tpu.memory_space<hbm>> -> memref<8x4096xf32, #tpu.memory_space<hbm>>
      tpu.wait_dma2 semaphore(%arg6 : memref<!tpu.dma_semaphore, #tpu.memory_space<semaphore_mem>>) src(%dma_wait3A_1617 : memref<8x4096xf32, #tpu.memory_space<hbm>>) dst(%dma_wait3A_1615 : memref<8x4096xf32, #tpu.memory_space<vmem_shared>>)
      %add3A_1618 = arith.constant 352 : i32
      %add3A_1619 = arith.addi %mul3A_2, %add3A_1618 : i32
      %dma_start3A_1620 = arith.constant 15 : i32
      %dma_start3A_1621 = arith.constant 0 : i32
      %dma_start3A_1622 = tpu.memref_slice %arg3[%add3A_1619, %dma_start3A_1621] : memref<16384x4096xf32, #tpu.memory_space<hbm>> -> memref<8x4096xf32, #tpu.memory_space<hbm>>
      %dma_start3A_1623 = arith.constant 0 : i32
      %dma_start3A_1624 = arith.constant 0 : i32
      %dma_start3A_1625 = tpu.memref_slice %arg4[%dma_start3A_1620, %dma_start3A_1623, %dma_start3A_1624] : memref<16x16x4096xf32, #tpu.memory_space<vmem_shared>> -> memref<1x8x4096xf32, #tpu.memory_space<vmem_shared>>
      %dma_start3A_1626 = tpu.memref_squeeze %dma_start3A_1625 : memref<1x8x4096xf32, #tpu.memory_space<vmem_shared>> -> memref<8x4096xf32, #tpu.memory_space<vmem_shared>>
      tpu.enqueue_dma source(%dma_start3A_1626 : memref<8x4096xf32, #tpu.memory_space<vmem_shared>>) target(%dma_start3A_1622 : memref<8x4096xf32, #tpu.memory_space<hbm>>) target_semaphore(%arg8 : memref<!tpu.dma_semaphore, #tpu.memory_space<semaphore_mem>>)
      %add3A_1627 = arith.constant 352 : i32
      %add3A_1628 = arith.addi %mul3A_2, %add3A_1627 : i32
      %dma_wait3A_1629 = arith.constant 15 : i32
      %dma_wait3A_1630 = arith.constant 0 : i32
      %dma_wait3A_1631 = tpu.memref_slice %arg3[%add3A_1628, %dma_wait3A_1630] : memref<16384x4096xf32, #tpu.memory_space<hbm>> -> memref<8x4096xf32, #tpu.memory_space<hbm>>
      %dma_wait3A_1632 = arith.constant 0 : i32
      %dma_wait3A_1633 = arith.constant 0 : i32
      %dma_wait3A_1634 = tpu.memref_slice %arg4[%dma_wait3A_1629, %dma_wait3A_1632, %dma_wait3A_1633] : memref<16x16x4096xf32, #tpu.memory_space<vmem_shared>> -> memref<1x8x4096xf32, #tpu.memory_space<vmem_shared>>
      %dma_wait3A_1635 = tpu.memref_squeeze %dma_wait3A_1634 : memref<1x8x4096xf32, #tpu.memory_space<vmem_shared>> -> memref<8x4096xf32, #tpu.memory_space<vmem_shared>>
      tpu.wait_dma2 semaphore(%arg8 : memref<!tpu.dma_semaphore, #tpu.memory_space<semaphore_mem>>) src(%dma_wait3A_1635 : memref<8x4096xf32, #tpu.memory_space<vmem_shared>>) dst(%dma_wait3A_1631 : memref<8x4096xf32, #tpu.memory_space<hbm>>)
      %add3A_1636 = arith.constant 368 : i32
      %add3A_1637 = arith.addi %mul3A_2, %add3A_1636 : i32
      %dma_start3A_1638 = arith.constant 15 : i32
      %dma_start3A_1639 = arith.constant 0 : i32
      %dma_start3A_1640 = arith.constant 0 : i32
      %dma_start3A_1641 = tpu.memref_slice %arg4[%dma_start3A_1638, %dma_start3A_1639, %dma_start3A_1640] : memref<16x16x4096xf32, #tpu.memory_space<vmem_shared>> -> memref<1x8x4096xf32, #tpu.memory_space<vmem_shared>>
      %dma_start3A_1642 = tpu.memref_squeeze %dma_start3A_1641 : memref<1x8x4096xf32, #tpu.memory_space<vmem_shared>> -> memref<8x4096xf32, #tpu.memory_space<vmem_shared>>
      %dma_start3A_1643 = arith.constant 0 : i32
      %dma_start3A_1644 = tpu.memref_slice %arg2[%add3A_1637, %dma_start3A_1643] : memref<16384x4096xf32, #tpu.memory_space<hbm>> -> memref<8x4096xf32, #tpu.memory_space<hbm>>
      tpu.enqueue_dma source(%dma_start3A_1644 : memref<8x4096xf32, #tpu.memory_space<hbm>>) target(%dma_start3A_1642 : memref<8x4096xf32, #tpu.memory_space<vmem_shared>>) target_semaphore(%arg6 : memref<!tpu.dma_semaphore, #tpu.memory_space<semaphore_mem>>)
      %add3A_1645 = arith.constant 360 : i32
      %add3A_1646 = arith.addi %mul3A_2, %add3A_1645 : i32
      %dma_wait3A_1647 = arith.constant 15 : i32
      %dma_wait3A_1648 = arith.constant 8 : i32
      %dma_wait3A_1649 = arith.constant 0 : i32
      %dma_wait3A_1650 = tpu.memref_slice %arg4[%dma_wait3A_1647, %dma_wait3A_1648, %dma_wait3A_1649] : memref<16x16x4096xf32, #tpu.memory_space<vmem_shared>> -> memref<1x8x4096xf32, #tpu.memory_space<vmem_shared>>
      %dma_wait3A_1651 = tpu.memref_squeeze %dma_wait3A_1650 : memref<1x8x4096xf32, #tpu.memory_space<vmem_shared>> -> memref<8x4096xf32, #tpu.memory_space<vmem_shared>>
      %dma_wait3A_1652 = arith.constant 0 : i32
      %dma_wait3A_1653 = tpu.memref_slice %arg2[%add3A_1646, %dma_wait3A_1652] : memref<16384x4096xf32, #tpu.memory_space<hbm>> -> memref<8x4096xf32, #tpu.memory_space<hbm>>
      tpu.wait_dma2 semaphore(%arg7 : memref<!tpu.dma_semaphore, #tpu.memory_space<semaphore_mem>>) src(%dma_wait3A_1653 : memref<8x4096xf32, #tpu.memory_space<hbm>>) dst(%dma_wait3A_1651 : memref<8x4096xf32, #tpu.memory_space<vmem_shared>>)
      %add3A_1654 = arith.constant 360 : i32
      %add3A_1655 = arith.addi %mul3A_2, %add3A_1654 : i32
      %dma_start3A_1656 = arith.constant 15 : i32
      %dma_start3A_1657 = arith.constant 0 : i32
      %dma_start3A_1658 = tpu.memref_slice %arg3[%add3A_1655, %dma_start3A_1657] : memref<16384x4096xf32, #tpu.memory_space<hbm>> -> memref<8x4096xf32, #tpu.memory_space<hbm>>
      %dma_start3A_1659 = arith.constant 8 : i32
      %dma_start3A_1660 = arith.constant 0 : i32
      %dma_start3A_1661 = tpu.memref_slice %arg4[%dma_start3A_1656, %dma_start3A_1659, %dma_start3A_1660] : memref<16x16x4096xf32, #tpu.memory_space<vmem_shared>> -> memref<1x8x4096xf32, #tpu.memory_space<vmem_shared>>
      %dma_start3A_1662 = tpu.memref_squeeze %dma_start3A_1661 : memref<1x8x4096xf32, #tpu.memory_space<vmem_shared>> -> memref<8x4096xf32, #tpu.memory_space<vmem_shared>>
      tpu.enqueue_dma source(%dma_start3A_1662 : memref<8x4096xf32, #tpu.memory_space<vmem_shared>>) target(%dma_start3A_1658 : memref<8x4096xf32, #tpu.memory_space<hbm>>) target_semaphore(%arg9 : memref<!tpu.dma_semaphore, #tpu.memory_space<semaphore_mem>>)
      %add3A_1663 = arith.constant 360 : i32
      %add3A_1664 = arith.addi %mul3A_2, %add3A_1663 : i32
      %dma_wait3A_1665 = arith.constant 15 : i32
      %dma_wait3A_1666 = arith.constant 0 : i32
      %dma_wait3A_1667 = tpu.memref_slice %arg3[%add3A_1664, %dma_wait3A_1666] : memref<16384x4096xf32, #tpu.memory_space<hbm>> -> memref<8x4096xf32, #tpu.memory_space<hbm>>
      %dma_wait3A_1668 = arith.constant 8 : i32
      %dma_wait3A_1669 = arith.constant 0 : i32
      %dma_wait3A_1670 = tpu.memref_slice %arg4[%dma_wait3A_1665, %dma_wait3A_1668, %dma_wait3A_1669] : memref<16x16x4096xf32, #tpu.memory_space<vmem_shared>> -> memref<1x8x4096xf32, #tpu.memory_space<vmem_shared>>
      %dma_wait3A_1671 = tpu.memref_squeeze %dma_wait3A_1670 : memref<1x8x4096xf32, #tpu.memory_space<vmem_shared>> -> memref<8x4096xf32, #tpu.memory_space<vmem_shared>>
      tpu.wait_dma2 semaphore(%arg9 : memref<!tpu.dma_semaphore, #tpu.memory_space<semaphore_mem>>) src(%dma_wait3A_1671 : memref<8x4096xf32, #tpu.memory_space<vmem_shared>>) dst(%dma_wait3A_1667 : memref<8x4096xf32, #tpu.memory_space<hbm>>)
      %add3A_1672 = arith.constant 376 : i32
      %add3A_1673 = arith.addi %mul3A_2, %add3A_1672 : i32
      %dma_start3A_1674 = arith.constant 15 : i32
      %dma_start3A_1675 = arith.constant 8 : i32
      %dma_start3A_1676 = arith.constant 0 : i32
      %dma_start3A_1677 = tpu.memref_slice %arg4[%dma_start3A_1674, %dma_start3A_1675, %dma_start3A_1676] : memref<16x16x4096xf32, #tpu.memory_space<vmem_shared>> -> memref<1x8x4096xf32, #tpu.memory_space<vmem_shared>>
      %dma_start3A_1678 = tpu.memref_squeeze %dma_start3A_1677 : memref<1x8x4096xf32, #tpu.memory_space<vmem_shared>> -> memref<8x4096xf32, #tpu.memory_space<vmem_shared>>
      %dma_start3A_1679 = arith.constant 0 : i32
      %dma_start3A_1680 = tpu.memref_slice %arg2[%add3A_1673, %dma_start3A_1679] : memref<16384x4096xf32, #tpu.memory_space<hbm>> -> memref<8x4096xf32, #tpu.memory_space<hbm>>
      tpu.enqueue_dma source(%dma_start3A_1680 : memref<8x4096xf32, #tpu.memory_space<hbm>>) target(%dma_start3A_1678 : memref<8x4096xf32, #tpu.memory_space<vmem_shared>>) target_semaphore(%arg7 : memref<!tpu.dma_semaphore, #tpu.memory_space<semaphore_mem>>)
      %add3A_1681 = arith.constant 368 : i32
      %add3A_1682 = arith.addi %mul3A_2, %add3A_1681 : i32
      %dma_wait3A_1683 = arith.constant 15 : i32
      %dma_wait3A_1684 = arith.constant 0 : i32
      %dma_wait3A_1685 = arith.constant 0 : i32
      %dma_wait3A_1686 = tpu.memref_slice %arg4[%dma_wait3A_1683, %dma_wait3A_1684, %dma_wait3A_1685] : memref<16x16x4096xf32, #tpu.memory_space<vmem_shared>> -> memref<1x8x4096xf32, #tpu.memory_space<vmem_shared>>
      %dma_wait3A_1687 = tpu.memref_squeeze %dma_wait3A_1686 : memref<1x8x4096xf32, #tpu.memory_space<vmem_shared>> -> memref<8x4096xf32, #tpu.memory_space<vmem_shared>>
      %dma_wait3A_1688 = arith.constant 0 : i32
      %dma_wait3A_1689 = tpu.memref_slice %arg2[%add3A_1682, %dma_wait3A_1688] : memref<16384x4096xf32, #tpu.memory_space<hbm>> -> memref<8x4096xf32, #tpu.memory_space<hbm>>
      tpu.wait_dma2 semaphore(%arg6 : memref<!tpu.dma_semaphore, #tpu.memory_space<semaphore_mem>>) src(%dma_wait3A_1689 : memref<8x4096xf32, #tpu.memory_space<hbm>>) dst(%dma_wait3A_1687 : memref<8x4096xf32, #tpu.memory_space<vmem_shared>>)
      %add3A_1690 = arith.constant 368 : i32
      %add3A_1691 = arith.addi %mul3A_2, %add3A_1690 : i32
      %dma_start3A_1692 = arith.constant 15 : i32
      %dma_start3A_1693 = arith.constant 0 : i32
      %dma_start3A_1694 = tpu.memref_slice %arg3[%add3A_1691, %dma_start3A_1693] : memref<16384x4096xf32, #tpu.memory_space<hbm>> -> memref<8x4096xf32, #tpu.memory_space<hbm>>
      %dma_start3A_1695 = arith.constant 0 : i32
      %dma_start3A_1696 = arith.constant 0 : i32
      %dma_start3A_1697 = tpu.memref_slice %arg4[%dma_start3A_1692, %dma_start3A_1695, %dma_start3A_1696] : memref<16x16x4096xf32, #tpu.memory_space<vmem_shared>> -> memref<1x8x4096xf32, #tpu.memory_space<vmem_shared>>
      %dma_start3A_1698 = tpu.memref_squeeze %dma_start3A_1697 : memref<1x8x4096xf32, #tpu.memory_space<vmem_shared>> -> memref<8x4096xf32, #tpu.memory_space<vmem_shared>>
      tpu.enqueue_dma source(%dma_start3A_1698 : memref<8x4096xf32, #tpu.memory_space<vmem_shared>>) target(%dma_start3A_1694 : memref<8x4096xf32, #tpu.memory_space<hbm>>) target_semaphore(%arg8 : memref<!tpu.dma_semaphore, #tpu.memory_space<semaphore_mem>>)
      %add3A_1699 = arith.constant 368 : i32
      %add3A_1700 = arith.addi %mul3A_2, %add3A_1699 : i32
      %dma_wait3A_1701 = arith.constant 15 : i32
      %dma_wait3A_1702 = arith.constant 0 : i32
      %dma_wait3A_1703 = tpu.memref_slice %arg3[%add3A_1700, %dma_wait3A_1702] : memref<16384x4096xf32, #tpu.memory_space<hbm>> -> memref<8x4096xf32, #tpu.memory_space<hbm>>
      %dma_wait3A_1704 = arith.constant 0 : i32
      %dma_wait3A_1705 = arith.constant 0 : i32
      %dma_wait3A_1706 = tpu.memref_slice %arg4[%dma_wait3A_1701, %dma_wait3A_1704, %dma_wait3A_1705] : memref<16x16x4096xf32, #tpu.memory_space<vmem_shared>> -> memref<1x8x4096xf32, #tpu.memory_space<vmem_shared>>
      %dma_wait3A_1707 = tpu.memref_squeeze %dma_wait3A_1706 : memref<1x8x4096xf32, #tpu.memory_space<vmem_shared>> -> memref<8x4096xf32, #tpu.memory_space<vmem_shared>>
      tpu.wait_dma2 semaphore(%arg8 : memref<!tpu.dma_semaphore, #tpu.memory_space<semaphore_mem>>) src(%dma_wait3A_1707 : memref<8x4096xf32, #tpu.memory_space<vmem_shared>>) dst(%dma_wait3A_1703 : memref<8x4096xf32, #tpu.memory_space<hbm>>)
      %add3A_1708 = arith.constant 384 : i32
      %add3A_1709 = arith.addi %mul3A_2, %add3A_1708 : i32
      %dma_start3A_1710 = arith.constant 15 : i32
      %dma_start3A_1711 = arith.constant 0 : i32
      %dma_start3A_1712 = arith.constant 0 : i32
      %dma_start3A_1713 = tpu.memref_slice %arg4[%dma_start3A_1710, %dma_start3A_1711, %dma_start3A_1712] : memref<16x16x4096xf32, #tpu.memory_space<vmem_shared>> -> memref<1x8x4096xf32, #tpu.memory_space<vmem_shared>>
      %dma_start3A_1714 = tpu.memref_squeeze %dma_start3A_1713 : memref<1x8x4096xf32, #tpu.memory_space<vmem_shared>> -> memref<8x4096xf32, #tpu.memory_space<vmem_shared>>
      %dma_start3A_1715 = arith.constant 0 : i32
      %dma_start3A_1716 = tpu.memref_slice %arg2[%add3A_1709, %dma_start3A_1715] : memref<16384x4096xf32, #tpu.memory_space<hbm>> -> memref<8x4096xf32, #tpu.memory_space<hbm>>
      tpu.enqueue_dma source(%dma_start3A_1716 : memref<8x4096xf32, #tpu.memory_space<hbm>>) target(%dma_start3A_1714 : memref<8x4096xf32, #tpu.memory_space<vmem_shared>>) target_semaphore(%arg6 : memref<!tpu.dma_semaphore, #tpu.memory_space<semaphore_mem>>)
      %add3A_1717 = arith.constant 376 : i32
      %add3A_1718 = arith.addi %mul3A_2, %add3A_1717 : i32
      %dma_wait3A_1719 = arith.constant 15 : i32
      %dma_wait3A_1720 = arith.constant 8 : i32
      %dma_wait3A_1721 = arith.constant 0 : i32
      %dma_wait3A_1722 = tpu.memref_slice %arg4[%dma_wait3A_1719, %dma_wait3A_1720, %dma_wait3A_1721] : memref<16x16x4096xf32, #tpu.memory_space<vmem_shared>> -> memref<1x8x4096xf32, #tpu.memory_space<vmem_shared>>
      %dma_wait3A_1723 = tpu.memref_squeeze %dma_wait3A_1722 : memref<1x8x4096xf32, #tpu.memory_space<vmem_shared>> -> memref<8x4096xf32, #tpu.memory_space<vmem_shared>>
      %dma_wait3A_1724 = arith.constant 0 : i32
      %dma_wait3A_1725 = tpu.memref_slice %arg2[%add3A_1718, %dma_wait3A_1724] : memref<16384x4096xf32, #tpu.memory_space<hbm>> -> memref<8x4096xf32, #tpu.memory_space<hbm>>
      tpu.wait_dma2 semaphore(%arg7 : memref<!tpu.dma_semaphore, #tpu.memory_space<semaphore_mem>>) src(%dma_wait3A_1725 : memref<8x4096xf32, #tpu.memory_space<hbm>>) dst(%dma_wait3A_1723 : memref<8x4096xf32, #tpu.memory_space<vmem_shared>>)
      %add3A_1726 = arith.constant 376 : i32
      %add3A_1727 = arith.addi %mul3A_2, %add3A_1726 : i32
      %dma_start3A_1728 = arith.constant 15 : i32
      %dma_start3A_1729 = arith.constant 0 : i32
      %dma_start3A_1730 = tpu.memref_slice %arg3[%add3A_1727, %dma_start3A_1729] : memref<16384x4096xf32, #tpu.memory_space<hbm>> -> memref<8x4096xf32, #tpu.memory_space<hbm>>
      %dma_start3A_1731 = arith.constant 8 : i32
      %dma_start3A_1732 = arith.constant 0 : i32
      %dma_start3A_1733 = tpu.memref_slice %arg4[%dma_start3A_1728, %dma_start3A_1731, %dma_start3A_1732] : memref<16x16x4096xf32, #tpu.memory_space<vmem_shared>> -> memref<1x8x4096xf32, #tpu.memory_space<vmem_shared>>
      %dma_start3A_1734 = tpu.memref_squeeze %dma_start3A_1733 : memref<1x8x4096xf32, #tpu.memory_space<vmem_shared>> -> memref<8x4096xf32, #tpu.memory_space<vmem_shared>>
      tpu.enqueue_dma source(%dma_start3A_1734 : memref<8x4096xf32, #tpu.memory_space<vmem_shared>>) target(%dma_start3A_1730 : memref<8x4096xf32, #tpu.memory_space<hbm>>) target_semaphore(%arg9 : memref<!tpu.dma_semaphore, #tpu.memory_space<semaphore_mem>>)
      %add3A_1735 = arith.constant 376 : i32
      %add3A_1736 = arith.addi %mul3A_2, %add3A_1735 : i32
      %dma_wait3A_1737 = arith.constant 15 : i32
      %dma_wait3A_1738 = arith.constant 0 : i32
      %dma_wait3A_1739 = tpu.memref_slice %arg3[%add3A_1736, %dma_wait3A_1738] : memref<16384x4096xf32, #tpu.memory_space<hbm>> -> memref<8x4096xf32, #tpu.memory_space<hbm>>
      %dma_wait3A_1740 = arith.constant 8 : i32
      %dma_wait3A_1741 = arith.constant 0 : i32
      %dma_wait3A_1742 = tpu.memref_slice %arg4[%dma_wait3A_1737, %dma_wait3A_1740, %dma_wait3A_1741] : memref<16x16x4096xf32, #tpu.memory_space<vmem_shared>> -> memref<1x8x4096xf32, #tpu.memory_space<vmem_shared>>
      %dma_wait3A_1743 = tpu.memref_squeeze %dma_wait3A_1742 : memref<1x8x4096xf32, #tpu.memory_space<vmem_shared>> -> memref<8x4096xf32, #tpu.memory_space<vmem_shared>>
      tpu.wait_dma2 semaphore(%arg9 : memref<!tpu.dma_semaphore, #tpu.memory_space<semaphore_mem>>) src(%dma_wait3A_1743 : memref<8x4096xf32, #tpu.memory_space<vmem_shared>>) dst(%dma_wait3A_1739 : memref<8x4096xf32, #tpu.memory_space<hbm>>)
      %add3A_1744 = arith.constant 392 : i32
      %add3A_1745 = arith.addi %mul3A_2, %add3A_1744 : i32
      %dma_start3A_1746 = arith.constant 15 : i32
      %dma_start3A_1747 = arith.constant 8 : i32
      %dma_start3A_1748 = arith.constant 0 : i32
      %dma_start3A_1749 = tpu.memref_slice %arg4[%dma_start3A_1746, %dma_start3A_1747, %dma_start3A_1748] : memref<16x16x4096xf32, #tpu.memory_space<vmem_shared>> -> memref<1x8x4096xf32, #tpu.memory_space<vmem_shared>>
      %dma_start3A_1750 = tpu.memref_squeeze %dma_start3A_1749 : memref<1x8x4096xf32, #tpu.memory_space<vmem_shared>> -> memref<8x4096xf32, #tpu.memory_space<vmem_shared>>
      %dma_start3A_1751 = arith.constant 0 : i32
      %dma_start3A_1752 = tpu.memref_slice %arg2[%add3A_1745, %dma_start3A_1751] : memref<16384x4096xf32, #tpu.memory_space<hbm>> -> memref<8x4096xf32, #tpu.memory_space<hbm>>
      tpu.enqueue_dma source(%dma_start3A_1752 : memref<8x4096xf32, #tpu.memory_space<hbm>>) target(%dma_start3A_1750 : memref<8x4096xf32, #tpu.memory_space<vmem_shared>>) target_semaphore(%arg7 : memref<!tpu.dma_semaphore, #tpu.memory_space<semaphore_mem>>)
      %add3A_1753 = arith.constant 384 : i32
      %add3A_1754 = arith.addi %mul3A_2, %add3A_1753 : i32
      %dma_wait3A_1755 = arith.constant 15 : i32
      %dma_wait3A_1756 = arith.constant 0 : i32
      %dma_wait3A_1757 = arith.constant 0 : i32
      %dma_wait3A_1758 = tpu.memref_slice %arg4[%dma_wait3A_1755, %dma_wait3A_1756, %dma_wait3A_1757] : memref<16x16x4096xf32, #tpu.memory_space<vmem_shared>> -> memref<1x8x4096xf32, #tpu.memory_space<vmem_shared>>
      %dma_wait3A_1759 = tpu.memref_squeeze %dma_wait3A_1758 : memref<1x8x4096xf32, #tpu.memory_space<vmem_shared>> -> memref<8x4096xf32, #tpu.memory_space<vmem_shared>>
      %dma_wait3A_1760 = arith.constant 0 : i32
      %dma_wait3A_1761 = tpu.memref_slice %arg2[%add3A_1754, %dma_wait3A_1760] : memref<16384x4096xf32, #tpu.memory_space<hbm>> -> memref<8x4096xf32, #tpu.memory_space<hbm>>
      tpu.wait_dma2 semaphore(%arg6 : memref<!tpu.dma_semaphore, #tpu.memory_space<semaphore_mem>>) src(%dma_wait3A_1761 : memref<8x4096xf32, #tpu.memory_space<hbm>>) dst(%dma_wait3A_1759 : memref<8x4096xf32, #tpu.memory_space<vmem_shared>>)
      %add3A_1762 = arith.constant 384 : i32
      %add3A_1763 = arith.addi %mul3A_2, %add3A_1762 : i32
      %dma_start3A_1764 = arith.constant 15 : i32
      %dma_start3A_1765 = arith.constant 0 : i32
      %dma_start3A_1766 = tpu.memref_slice %arg3[%add3A_1763, %dma_start3A_1765] : memref<16384x4096xf32, #tpu.memory_space<hbm>> -> memref<8x4096xf32, #tpu.memory_space<hbm>>
      %dma_start3A_1767 = arith.constant 0 : i32
      %dma_start3A_1768 = arith.constant 0 : i32
      %dma_start3A_1769 = tpu.memref_slice %arg4[%dma_start3A_1764, %dma_start3A_1767, %dma_start3A_1768] : memref<16x16x4096xf32, #tpu.memory_space<vmem_shared>> -> memref<1x8x4096xf32, #tpu.memory_space<vmem_shared>>
      %dma_start3A_1770 = tpu.memref_squeeze %dma_start3A_1769 : memref<1x8x4096xf32, #tpu.memory_space<vmem_shared>> -> memref<8x4096xf32, #tpu.memory_space<vmem_shared>>
      tpu.enqueue_dma source(%dma_start3A_1770 : memref<8x4096xf32, #tpu.memory_space<vmem_shared>>) target(%dma_start3A_1766 : memref<8x4096xf32, #tpu.memory_space<hbm>>) target_semaphore(%arg8 : memref<!tpu.dma_semaphore, #tpu.memory_space<semaphore_mem>>)
      %add3A_1771 = arith.constant 384 : i32
      %add3A_1772 = arith.addi %mul3A_2, %add3A_1771 : i32
      %dma_wait3A_1773 = arith.constant 15 : i32
      %dma_wait3A_1774 = arith.constant 0 : i32
      %dma_wait3A_1775 = tpu.memref_slice %arg3[%add3A_1772, %dma_wait3A_1774] : memref<16384x4096xf32, #tpu.memory_space<hbm>> -> memref<8x4096xf32, #tpu.memory_space<hbm>>
      %dma_wait3A_1776 = arith.constant 0 : i32
      %dma_wait3A_1777 = arith.constant 0 : i32
      %dma_wait3A_1778 = tpu.memref_slice %arg4[%dma_wait3A_1773, %dma_wait3A_1776, %dma_wait3A_1777] : memref<16x16x4096xf32, #tpu.memory_space<vmem_shared>> -> memref<1x8x4096xf32, #tpu.memory_space<vmem_shared>>
      %dma_wait3A_1779 = tpu.memref_squeeze %dma_wait3A_1778 : memref<1x8x4096xf32, #tpu.memory_space<vmem_shared>> -> memref<8x4096xf32, #tpu.memory_space<vmem_shared>>
      tpu.wait_dma2 semaphore(%arg8 : memref<!tpu.dma_semaphore, #tpu.memory_space<semaphore_mem>>) src(%dma_wait3A_1779 : memref<8x4096xf32, #tpu.memory_space<vmem_shared>>) dst(%dma_wait3A_1775 : memref<8x4096xf32, #tpu.memory_space<hbm>>)
      %add3A_1780 = arith.constant 400 : i32
      %add3A_1781 = arith.addi %mul3A_2, %add3A_1780 : i32
      %dma_start3A_1782 = arith.constant 15 : i32
      %dma_start3A_1783 = arith.constant 0 : i32
      %dma_start3A_1784 = arith.constant 0 : i32
      %dma_start3A_1785 = tpu.memref_slice %arg4[%dma_start3A_1782, %dma_start3A_1783, %dma_start3A_1784] : memref<16x16x4096xf32, #tpu.memory_space<vmem_shared>> -> memref<1x8x4096xf32, #tpu.memory_space<vmem_shared>>
      %dma_start3A_1786 = tpu.memref_squeeze %dma_start3A_1785 : memref<1x8x4096xf32, #tpu.memory_space<vmem_shared>> -> memref<8x4096xf32, #tpu.memory_space<vmem_shared>>
      %dma_start3A_1787 = arith.constant 0 : i32
      %dma_start3A_1788 = tpu.memref_slice %arg2[%add3A_1781, %dma_start3A_1787] : memref<16384x4096xf32, #tpu.memory_space<hbm>> -> memref<8x4096xf32, #tpu.memory_space<hbm>>
      tpu.enqueue_dma source(%dma_start3A_1788 : memref<8x4096xf32, #tpu.memory_space<hbm>>) target(%dma_start3A_1786 : memref<8x4096xf32, #tpu.memory_space<vmem_shared>>) target_semaphore(%arg6 : memref<!tpu.dma_semaphore, #tpu.memory_space<semaphore_mem>>)
      %add3A_1789 = arith.constant 392 : i32
      %add3A_1790 = arith.addi %mul3A_2, %add3A_1789 : i32
      %dma_wait3A_1791 = arith.constant 15 : i32
      %dma_wait3A_1792 = arith.constant 8 : i32
      %dma_wait3A_1793 = arith.constant 0 : i32
      %dma_wait3A_1794 = tpu.memref_slice %arg4[%dma_wait3A_1791, %dma_wait3A_1792, %dma_wait3A_1793] : memref<16x16x4096xf32, #tpu.memory_space<vmem_shared>> -> memref<1x8x4096xf32, #tpu.memory_space<vmem_shared>>
      %dma_wait3A_1795 = tpu.memref_squeeze %dma_wait3A_1794 : memref<1x8x4096xf32, #tpu.memory_space<vmem_shared>> -> memref<8x4096xf32, #tpu.memory_space<vmem_shared>>
      %dma_wait3A_1796 = arith.constant 0 : i32
      %dma_wait3A_1797 = tpu.memref_slice %arg2[%add3A_1790, %dma_wait3A_1796] : memref<16384x4096xf32, #tpu.memory_space<hbm>> -> memref<8x4096xf32, #tpu.memory_space<hbm>>
      tpu.wait_dma2 semaphore(%arg7 : memref<!tpu.dma_semaphore, #tpu.memory_space<semaphore_mem>>) src(%dma_wait3A_1797 : memref<8x4096xf32, #tpu.memory_space<hbm>>) dst(%dma_wait3A_1795 : memref<8x4096xf32, #tpu.memory_space<vmem_shared>>)
      %add3A_1798 = arith.constant 392 : i32
      %add3A_1799 = arith.addi %mul3A_2, %add3A_1798 : i32
      %dma_start3A_1800 = arith.constant 15 : i32
      %dma_start3A_1801 = arith.constant 0 : i32
      %dma_start3A_1802 = tpu.memref_slice %arg3[%add3A_1799, %dma_start3A_1801] : memref<16384x4096xf32, #tpu.memory_space<hbm>> -> memref<8x4096xf32, #tpu.memory_space<hbm>>
      %dma_start3A_1803 = arith.constant 8 : i32
      %dma_start3A_1804 = arith.constant 0 : i32
      %dma_start3A_1805 = tpu.memref_slice %arg4[%dma_start3A_1800, %dma_start3A_1803, %dma_start3A_1804] : memref<16x16x4096xf32, #tpu.memory_space<vmem_shared>> -> memref<1x8x4096xf32, #tpu.memory_space<vmem_shared>>
      %dma_start3A_1806 = tpu.memref_squeeze %dma_start3A_1805 : memref<1x8x4096xf32, #tpu.memory_space<vmem_shared>> -> memref<8x4096xf32, #tpu.memory_space<vmem_shared>>
      tpu.enqueue_dma source(%dma_start3A_1806 : memref<8x4096xf32, #tpu.memory_space<vmem_shared>>) target(%dma_start3A_1802 : memref<8x4096xf32, #tpu.memory_space<hbm>>) target_semaphore(%arg9 : memref<!tpu.dma_semaphore, #tpu.memory_space<semaphore_mem>>)
      %add3A_1807 = arith.constant 392 : i32
      %add3A_1808 = arith.addi %mul3A_2, %add3A_1807 : i32
      %dma_wait3A_1809 = arith.constant 15 : i32
      %dma_wait3A_1810 = arith.constant 0 : i32
      %dma_wait3A_1811 = tpu.memref_slice %arg3[%add3A_1808, %dma_wait3A_1810] : memref<16384x4096xf32, #tpu.memory_space<hbm>> -> memref<8x4096xf32, #tpu.memory_space<hbm>>
      %dma_wait3A_1812 = arith.constant 8 : i32
      %dma_wait3A_1813 = arith.constant 0 : i32
      %dma_wait3A_1814 = tpu.memref_slice %arg4[%dma_wait3A_1809, %dma_wait3A_1812, %dma_wait3A_1813] : memref<16x16x4096xf32, #tpu.memory_space<vmem_shared>> -> memref<1x8x4096xf32, #tpu.memory_space<vmem_shared>>
      %dma_wait3A_1815 = tpu.memref_squeeze %dma_wait3A_1814 : memref<1x8x4096xf32, #tpu.memory_space<vmem_shared>> -> memref<8x4096xf32, #tpu.memory_space<vmem_shared>>
      tpu.wait_dma2 semaphore(%arg9 : memref<!tpu.dma_semaphore, #tpu.memory_space<semaphore_mem>>) src(%dma_wait3A_1815 : memref<8x4096xf32, #tpu.memory_space<vmem_shared>>) dst(%dma_wait3A_1811 : memref<8x4096xf32, #tpu.memory_space<hbm>>)
      %add3A_1816 = arith.constant 408 : i32
      %add3A_1817 = arith.addi %mul3A_2, %add3A_1816 : i32
      %dma_start3A_1818 = arith.constant 15 : i32
      %dma_start3A_1819 = arith.constant 8 : i32
      %dma_start3A_1820 = arith.constant 0 : i32
      %dma_start3A_1821 = tpu.memref_slice %arg4[%dma_start3A_1818, %dma_start3A_1819, %dma_start3A_1820] : memref<16x16x4096xf32, #tpu.memory_space<vmem_shared>> -> memref<1x8x4096xf32, #tpu.memory_space<vmem_shared>>
      %dma_start3A_1822 = tpu.memref_squeeze %dma_start3A_1821 : memref<1x8x4096xf32, #tpu.memory_space<vmem_shared>> -> memref<8x4096xf32, #tpu.memory_space<vmem_shared>>
      %dma_start3A_1823 = arith.constant 0 : i32
      %dma_start3A_1824 = tpu.memref_slice %arg2[%add3A_1817, %dma_start3A_1823] : memref<16384x4096xf32, #tpu.memory_space<hbm>> -> memref<8x4096xf32, #tpu.memory_space<hbm>>
      tpu.enqueue_dma source(%dma_start3A_1824 : memref<8x4096xf32, #tpu.memory_space<hbm>>) target(%dma_start3A_1822 : memref<8x4096xf32, #tpu.memory_space<vmem_shared>>) target_semaphore(%arg7 : memref<!tpu.dma_semaphore, #tpu.memory_space<semaphore_mem>>)
      %add3A_1825 = arith.constant 400 : i32
      %add3A_1826 = arith.addi %mul3A_2, %add3A_1825 : i32
      %dma_wait3A_1827 = arith.constant 15 : i32
      %dma_wait3A_1828 = arith.constant 0 : i32
      %dma_wait3A_1829 = arith.constant 0 : i32
      %dma_wait3A_1830 = tpu.memref_slice %arg4[%dma_wait3A_1827, %dma_wait3A_1828, %dma_wait3A_1829] : memref<16x16x4096xf32, #tpu.memory_space<vmem_shared>> -> memref<1x8x4096xf32, #tpu.memory_space<vmem_shared>>
      %dma_wait3A_1831 = tpu.memref_squeeze %dma_wait3A_1830 : memref<1x8x4096xf32, #tpu.memory_space<vmem_shared>> -> memref<8x4096xf32, #tpu.memory_space<vmem_shared>>
      %dma_wait3A_1832 = arith.constant 0 : i32
      %dma_wait3A_1833 = tpu.memref_slice %arg2[%add3A_1826, %dma_wait3A_1832] : memref<16384x4096xf32, #tpu.memory_space<hbm>> -> memref<8x4096xf32, #tpu.memory_space<hbm>>
      tpu.wait_dma2 semaphore(%arg6 : memref<!tpu.dma_semaphore, #tpu.memory_space<semaphore_mem>>) src(%dma_wait3A_1833 : memref<8x4096xf32, #tpu.memory_space<hbm>>) dst(%dma_wait3A_1831 : memref<8x4096xf32, #tpu.memory_space<vmem_shared>>)
      %add3A_1834 = arith.constant 400 : i32
      %add3A_1835 = arith.addi %mul3A_2, %add3A_1834 : i32
      %dma_start3A_1836 = arith.constant 15 : i32
      %dma_start3A_1837 = arith.constant 0 : i32
      %dma_start3A_1838 = tpu.memref_slice %arg3[%add3A_1835, %dma_start3A_1837] : memref<16384x4096xf32, #tpu.memory_space<hbm>> -> memref<8x4096xf32, #tpu.memory_space<hbm>>
      %dma_start3A_1839 = arith.constant 0 : i32
      %dma_start3A_1840 = arith.constant 0 : i32
      %dma_start3A_1841 = tpu.memref_slice %arg4[%dma_start3A_1836, %dma_start3A_1839, %dma_start3A_1840] : memref<16x16x4096xf32, #tpu.memory_space<vmem_shared>> -> memref<1x8x4096xf32, #tpu.memory_space<vmem_shared>>
      %dma_start3A_1842 = tpu.memref_squeeze %dma_start3A_1841 : memref<1x8x4096xf32, #tpu.memory_space<vmem_shared>> -> memref<8x4096xf32, #tpu.memory_space<vmem_shared>>
      tpu.enqueue_dma source(%dma_start3A_1842 : memref<8x4096xf32, #tpu.memory_space<vmem_shared>>) target(%dma_start3A_1838 : memref<8x4096xf32, #tpu.memory_space<hbm>>) target_semaphore(%arg8 : memref<!tpu.dma_semaphore, #tpu.memory_space<semaphore_mem>>)
      %add3A_1843 = arith.constant 400 : i32
      %add3A_1844 = arith.addi %mul3A_2, %add3A_1843 : i32
      %dma_wait3A_1845 = arith.constant 15 : i32
      %dma_wait3A_1846 = arith.constant 0 : i32
      %dma_wait3A_1847 = tpu.memref_slice %arg3[%add3A_1844, %dma_wait3A_1846] : memref<16384x4096xf32, #tpu.memory_space<hbm>> -> memref<8x4096xf32, #tpu.memory_space<hbm>>
      %dma_wait3A_1848 = arith.constant 0 : i32
      %dma_wait3A_1849 = arith.constant 0 : i32
      %dma_wait3A_1850 = tpu.memref_slice %arg4[%dma_wait3A_1845, %dma_wait3A_1848, %dma_wait3A_1849] : memref<16x16x4096xf32, #tpu.memory_space<vmem_shared>> -> memref<1x8x4096xf32, #tpu.memory_space<vmem_shared>>
      %dma_wait3A_1851 = tpu.memref_squeeze %dma_wait3A_1850 : memref<1x8x4096xf32, #tpu.memory_space<vmem_shared>> -> memref<8x4096xf32, #tpu.memory_space<vmem_shared>>
      tpu.wait_dma2 semaphore(%arg8 : memref<!tpu.dma_semaphore, #tpu.memory_space<semaphore_mem>>) src(%dma_wait3A_1851 : memref<8x4096xf32, #tpu.memory_space<vmem_shared>>) dst(%dma_wait3A_1847 : memref<8x4096xf32, #tpu.memory_space<hbm>>)
      %add3A_1852 = arith.constant 416 : i32
      %add3A_1853 = arith.addi %mul3A_2, %add3A_1852 : i32
      %dma_start3A_1854 = arith.constant 15 : i32
      %dma_start3A_1855 = arith.constant 0 : i32
      %dma_start3A_1856 = arith.constant 0 : i32
      %dma_start3A_1857 = tpu.memref_slice %arg4[%dma_start3A_1854, %dma_start3A_1855, %dma_start3A_1856] : memref<16x16x4096xf32, #tpu.memory_space<vmem_shared>> -> memref<1x8x4096xf32, #tpu.memory_space<vmem_shared>>
      %dma_start3A_1858 = tpu.memref_squeeze %dma_start3A_1857 : memref<1x8x4096xf32, #tpu.memory_space<vmem_shared>> -> memref<8x4096xf32, #tpu.memory_space<vmem_shared>>
      %dma_start3A_1859 = arith.constant 0 : i32
      %dma_start3A_1860 = tpu.memref_slice %arg2[%add3A_1853, %dma_start3A_1859] : memref<16384x4096xf32, #tpu.memory_space<hbm>> -> memref<8x4096xf32, #tpu.memory_space<hbm>>
      tpu.enqueue_dma source(%dma_start3A_1860 : memref<8x4096xf32, #tpu.memory_space<hbm>>) target(%dma_start3A_1858 : memref<8x4096xf32, #tpu.memory_space<vmem_shared>>) target_semaphore(%arg6 : memref<!tpu.dma_semaphore, #tpu.memory_space<semaphore_mem>>)
      %add3A_1861 = arith.constant 408 : i32
      %add3A_1862 = arith.addi %mul3A_2, %add3A_1861 : i32
      %dma_wait3A_1863 = arith.constant 15 : i32
      %dma_wait3A_1864 = arith.constant 8 : i32
      %dma_wait3A_1865 = arith.constant 0 : i32
      %dma_wait3A_1866 = tpu.memref_slice %arg4[%dma_wait3A_1863, %dma_wait3A_1864, %dma_wait3A_1865] : memref<16x16x4096xf32, #tpu.memory_space<vmem_shared>> -> memref<1x8x4096xf32, #tpu.memory_space<vmem_shared>>
      %dma_wait3A_1867 = tpu.memref_squeeze %dma_wait3A_1866 : memref<1x8x4096xf32, #tpu.memory_space<vmem_shared>> -> memref<8x4096xf32, #tpu.memory_space<vmem_shared>>
      %dma_wait3A_1868 = arith.constant 0 : i32
      %dma_wait3A_1869 = tpu.memref_slice %arg2[%add3A_1862, %dma_wait3A_1868] : memref<16384x4096xf32, #tpu.memory_space<hbm>> -> memref<8x4096xf32, #tpu.memory_space<hbm>>
      tpu.wait_dma2 semaphore(%arg7 : memref<!tpu.dma_semaphore, #tpu.memory_space<semaphore_mem>>) src(%dma_wait3A_1869 : memref<8x4096xf32, #tpu.memory_space<hbm>>) dst(%dma_wait3A_1867 : memref<8x4096xf32, #tpu.memory_space<vmem_shared>>)
      %add3A_1870 = arith.constant 408 : i32
      %add3A_1871 = arith.addi %mul3A_2, %add3A_1870 : i32
      %dma_start3A_1872 = arith.constant 15 : i32
      %dma_start3A_1873 = arith.constant 0 : i32
      %dma_start3A_1874 = tpu.memref_slice %arg3[%add3A_1871, %dma_start3A_1873] : memref<16384x4096xf32, #tpu.memory_space<hbm>> -> memref<8x4096xf32, #tpu.memory_space<hbm>>
      %dma_start3A_1875 = arith.constant 8 : i32
      %dma_start3A_1876 = arith.constant 0 : i32
      %dma_start3A_1877 = tpu.memref_slice %arg4[%dma_start3A_1872, %dma_start3A_1875, %dma_start3A_1876] : memref<16x16x4096xf32, #tpu.memory_space<vmem_shared>> -> memref<1x8x4096xf32, #tpu.memory_space<vmem_shared>>
      %dma_start3A_1878 = tpu.memref_squeeze %dma_start3A_1877 : memref<1x8x4096xf32, #tpu.memory_space<vmem_shared>> -> memref<8x4096xf32, #tpu.memory_space<vmem_shared>>
      tpu.enqueue_dma source(%dma_start3A_1878 : memref<8x4096xf32, #tpu.memory_space<vmem_shared>>) target(%dma_start3A_1874 : memref<8x4096xf32, #tpu.memory_space<hbm>>) target_semaphore(%arg9 : memref<!tpu.dma_semaphore, #tpu.memory_space<semaphore_mem>>)
      %add3A_1879 = arith.constant 408 : i32
      %add3A_1880 = arith.addi %mul3A_2, %add3A_1879 : i32
      %dma_wait3A_1881 = arith.constant 15 : i32
      %dma_wait3A_1882 = arith.constant 0 : i32
      %dma_wait3A_1883 = tpu.memref_slice %arg3[%add3A_1880, %dma_wait3A_1882] : memref<16384x4096xf32, #tpu.memory_space<hbm>> -> memref<8x4096xf32, #tpu.memory_space<hbm>>
      %dma_wait3A_1884 = arith.constant 8 : i32
      %dma_wait3A_1885 = arith.constant 0 : i32
      %dma_wait3A_1886 = tpu.memref_slice %arg4[%dma_wait3A_1881, %dma_wait3A_1884, %dma_wait3A_1885] : memref<16x16x4096xf32, #tpu.memory_space<vmem_shared>> -> memref<1x8x4096xf32, #tpu.memory_space<vmem_shared>>
      %dma_wait3A_1887 = tpu.memref_squeeze %dma_wait3A_1886 : memref<1x8x4096xf32, #tpu.memory_space<vmem_shared>> -> memref<8x4096xf32, #tpu.memory_space<vmem_shared>>
      tpu.wait_dma2 semaphore(%arg9 : memref<!tpu.dma_semaphore, #tpu.memory_space<semaphore_mem>>) src(%dma_wait3A_1887 : memref<8x4096xf32, #tpu.memory_space<vmem_shared>>) dst(%dma_wait3A_1883 : memref<8x4096xf32, #tpu.memory_space<hbm>>)
      %add3A_1888 = arith.constant 424 : i32
      %add3A_1889 = arith.addi %mul3A_2, %add3A_1888 : i32
      %dma_start3A_1890 = arith.constant 15 : i32
      %dma_start3A_1891 = arith.constant 8 : i32
      %dma_start3A_1892 = arith.constant 0 : i32
      %dma_start3A_1893 = tpu.memref_slice %arg4[%dma_start3A_1890, %dma_start3A_1891, %dma_start3A_1892] : memref<16x16x4096xf32, #tpu.memory_space<vmem_shared>> -> memref<1x8x4096xf32, #tpu.memory_space<vmem_shared>>
      %dma_start3A_1894 = tpu.memref_squeeze %dma_start3A_1893 : memref<1x8x4096xf32, #tpu.memory_space<vmem_shared>> -> memref<8x4096xf32, #tpu.memory_space<vmem_shared>>
      %dma_start3A_1895 = arith.constant 0 : i32
      %dma_start3A_1896 = tpu.memref_slice %arg2[%add3A_1889, %dma_start3A_1895] : memref<16384x4096xf32, #tpu.memory_space<hbm>> -> memref<8x4096xf32, #tpu.memory_space<hbm>>
      tpu.enqueue_dma source(%dma_start3A_1896 : memref<8x4096xf32, #tpu.memory_space<hbm>>) target(%dma_start3A_1894 : memref<8x4096xf32, #tpu.memory_space<vmem_shared>>) target_semaphore(%arg7 : memref<!tpu.dma_semaphore, #tpu.memory_space<semaphore_mem>>)
      %add3A_1897 = arith.constant 416 : i32
      %add3A_1898 = arith.addi %mul3A_2, %add3A_1897 : i32
      %dma_wait3A_1899 = arith.constant 15 : i32
      %dma_wait3A_1900 = arith.constant 0 : i32
      %dma_wait3A_1901 = arith.constant 0 : i32
      %dma_wait3A_1902 = tpu.memref_slice %arg4[%dma_wait3A_1899, %dma_wait3A_1900, %dma_wait3A_1901] : memref<16x16x4096xf32, #tpu.memory_space<vmem_shared>> -> memref<1x8x4096xf32, #tpu.memory_space<vmem_shared>>
      %dma_wait3A_1903 = tpu.memref_squeeze %dma_wait3A_1902 : memref<1x8x4096xf32, #tpu.memory_space<vmem_shared>> -> memref<8x4096xf32, #tpu.memory_space<vmem_shared>>
      %dma_wait3A_1904 = arith.constant 0 : i32
      %dma_wait3A_1905 = tpu.memref_slice %arg2[%add3A_1898, %dma_wait3A_1904] : memref<16384x4096xf32, #tpu.memory_space<hbm>> -> memref<8x4096xf32, #tpu.memory_space<hbm>>
      tpu.wait_dma2 semaphore(%arg6 : memref<!tpu.dma_semaphore, #tpu.memory_space<semaphore_mem>>) src(%dma_wait3A_1905 : memref<8x4096xf32, #tpu.memory_space<hbm>>) dst(%dma_wait3A_1903 : memref<8x4096xf32, #tpu.memory_space<vmem_shared>>)
      %add3A_1906 = arith.constant 416 : i32
      %add3A_1907 = arith.addi %mul3A_2, %add3A_1906 : i32
      %dma_start3A_1908 = arith.constant 15 : i32
      %dma_start3A_1909 = arith.constant 0 : i32
      %dma_start3A_1910 = tpu.memref_slice %arg3[%add3A_1907, %dma_start3A_1909] : memref<16384x4096xf32, #tpu.memory_space<hbm>> -> memref<8x4096xf32, #tpu.memory_space<hbm>>
      %dma_start3A_1911 = arith.constant 0 : i32
      %dma_start3A_1912 = arith.constant 0 : i32
      %dma_start3A_1913 = tpu.memref_slice %arg4[%dma_start3A_1908, %dma_start3A_1911, %dma_start3A_1912] : memref<16x16x4096xf32, #tpu.memory_space<vmem_shared>> -> memref<1x8x4096xf32, #tpu.memory_space<vmem_shared>>
      %dma_start3A_1914 = tpu.memref_squeeze %dma_start3A_1913 : memref<1x8x4096xf32, #tpu.memory_space<vmem_shared>> -> memref<8x4096xf32, #tpu.memory_space<vmem_shared>>
      tpu.enqueue_dma source(%dma_start3A_1914 : memref<8x4096xf32, #tpu.memory_space<vmem_shared>>) target(%dma_start3A_1910 : memref<8x4096xf32, #tpu.memory_space<hbm>>) target_semaphore(%arg8 : memref<!tpu.dma_semaphore, #tpu.memory_space<semaphore_mem>>)
      %add3A_1915 = arith.constant 416 : i32
      %add3A_1916 = arith.addi %mul3A_2, %add3A_1915 : i32
      %dma_wait3A_1917 = arith.constant 15 : i32
      %dma_wait3A_1918 = arith.constant 0 : i32
      %dma_wait3A_1919 = tpu.memref_slice %arg3[%add3A_1916, %dma_wait3A_1918] : memref<16384x4096xf32, #tpu.memory_space<hbm>> -> memref<8x4096xf32, #tpu.memory_space<hbm>>
      %dma_wait3A_1920 = arith.constant 0 : i32
      %dma_wait3A_1921 = arith.constant 0 : i32
      %dma_wait3A_1922 = tpu.memref_slice %arg4[%dma_wait3A_1917, %dma_wait3A_1920, %dma_wait3A_1921] : memref<16x16x4096xf32, #tpu.memory_space<vmem_shared>> -> memref<1x8x4096xf32, #tpu.memory_space<vmem_shared>>
      %dma_wait3A_1923 = tpu.memref_squeeze %dma_wait3A_1922 : memref<1x8x4096xf32, #tpu.memory_space<vmem_shared>> -> memref<8x4096xf32, #tpu.memory_space<vmem_shared>>
      tpu.wait_dma2 semaphore(%arg8 : memref<!tpu.dma_semaphore, #tpu.memory_space<semaphore_mem>>) src(%dma_wait3A_1923 : memref<8x4096xf32, #tpu.memory_space<vmem_shared>>) dst(%dma_wait3A_1919 : memref<8x4096xf32, #tpu.memory_space<hbm>>)
      %add3A_1924 = arith.constant 432 : i32
      %add3A_1925 = arith.addi %mul3A_2, %add3A_1924 : i32
      %dma_start3A_1926 = arith.constant 15 : i32
      %dma_start3A_1927 = arith.constant 0 : i32
      %dma_start3A_1928 = arith.constant 0 : i32
      %dma_start3A_1929 = tpu.memref_slice %arg4[%dma_start3A_1926, %dma_start3A_1927, %dma_start3A_1928] : memref<16x16x4096xf32, #tpu.memory_space<vmem_shared>> -> memref<1x8x4096xf32, #tpu.memory_space<vmem_shared>>
      %dma_start3A_1930 = tpu.memref_squeeze %dma_start3A_1929 : memref<1x8x4096xf32, #tpu.memory_space<vmem_shared>> -> memref<8x4096xf32, #tpu.memory_space<vmem_shared>>
      %dma_start3A_1931 = arith.constant 0 : i32
      %dma_start3A_1932 = tpu.memref_slice %arg2[%add3A_1925, %dma_start3A_1931] : memref<16384x4096xf32, #tpu.memory_space<hbm>> -> memref<8x4096xf32, #tpu.memory_space<hbm>>
      tpu.enqueue_dma source(%dma_start3A_1932 : memref<8x4096xf32, #tpu.memory_space<hbm>>) target(%dma_start3A_1930 : memref<8x4096xf32, #tpu.memory_space<vmem_shared>>) target_semaphore(%arg6 : memref<!tpu.dma_semaphore, #tpu.memory_space<semaphore_mem>>)
      %add3A_1933 = arith.constant 424 : i32
      %add3A_1934 = arith.addi %mul3A_2, %add3A_1933 : i32
      %dma_wait3A_1935 = arith.constant 15 : i32
      %dma_wait3A_1936 = arith.constant 8 : i32
      %dma_wait3A_1937 = arith.constant 0 : i32
      %dma_wait3A_1938 = tpu.memref_slice %arg4[%dma_wait3A_1935, %dma_wait3A_1936, %dma_wait3A_1937] : memref<16x16x4096xf32, #tpu.memory_space<vmem_shared>> -> memref<1x8x4096xf32, #tpu.memory_space<vmem_shared>>
      %dma_wait3A_1939 = tpu.memref_squeeze %dma_wait3A_1938 : memref<1x8x4096xf32, #tpu.memory_space<vmem_shared>> -> memref<8x4096xf32, #tpu.memory_space<vmem_shared>>
      %dma_wait3A_1940 = arith.constant 0 : i32
      %dma_wait3A_1941 = tpu.memref_slice %arg2[%add3A_1934, %dma_wait3A_1940] : memref<16384x4096xf32, #tpu.memory_space<hbm>> -> memref<8x4096xf32, #tpu.memory_space<hbm>>
      tpu.wait_dma2 semaphore(%arg7 : memref<!tpu.dma_semaphore, #tpu.memory_space<semaphore_mem>>) src(%dma_wait3A_1941 : memref<8x4096xf32, #tpu.memory_space<hbm>>) dst(%dma_wait3A_1939 : memref<8x4096xf32, #tpu.memory_space<vmem_shared>>)
      %add3A_1942 = arith.constant 424 : i32
      %add3A_1943 = arith.addi %mul3A_2, %add3A_1942 : i32
      %dma_start3A_1944 = arith.constant 15 : i32
      %dma_start3A_1945 = arith.constant 0 : i32
      %dma_start3A_1946 = tpu.memref_slice %arg3[%add3A_1943, %dma_start3A_1945] : memref<16384x4096xf32, #tpu.memory_space<hbm>> -> memref<8x4096xf32, #tpu.memory_space<hbm>>
      %dma_start3A_1947 = arith.constant 8 : i32
      %dma_start3A_1948 = arith.constant 0 : i32
      %dma_start3A_1949 = tpu.memref_slice %arg4[%dma_start3A_1944, %dma_start3A_1947, %dma_start3A_1948] : memref<16x16x4096xf32, #tpu.memory_space<vmem_shared>> -> memref<1x8x4096xf32, #tpu.memory_space<vmem_shared>>
      %dma_start3A_1950 = tpu.memref_squeeze %dma_start3A_1949 : memref<1x8x4096xf32, #tpu.memory_space<vmem_shared>> -> memref<8x4096xf32, #tpu.memory_space<vmem_shared>>
      tpu.enqueue_dma source(%dma_start3A_1950 : memref<8x4096xf32, #tpu.memory_space<vmem_shared>>) target(%dma_start3A_1946 : memref<8x4096xf32, #tpu.memory_space<hbm>>) target_semaphore(%arg9 : memref<!tpu.dma_semaphore, #tpu.memory_space<semaphore_mem>>)
      %add3A_1951 = arith.constant 424 : i32
      %add3A_1952 = arith.addi %mul3A_2, %add3A_1951 : i32
      %dma_wait3A_1953 = arith.constant 15 : i32
      %dma_wait3A_1954 = arith.constant 0 : i32
      %dma_wait3A_1955 = tpu.memref_slice %arg3[%add3A_1952, %dma_wait3A_1954] : memref<16384x4096xf32, #tpu.memory_space<hbm>> -> memref<8x4096xf32, #tpu.memory_space<hbm>>
      %dma_wait3A_1956 = arith.constant 8 : i32
      %dma_wait3A_1957 = arith.constant 0 : i32
      %dma_wait3A_1958 = tpu.memref_slice %arg4[%dma_wait3A_1953, %dma_wait3A_1956, %dma_wait3A_1957] : memref<16x16x4096xf32, #tpu.memory_space<vmem_shared>> -> memref<1x8x4096xf32, #tpu.memory_space<vmem_shared>>
      %dma_wait3A_1959 = tpu.memref_squeeze %dma_wait3A_1958 : memref<1x8x4096xf32, #tpu.memory_space<vmem_shared>> -> memref<8x4096xf32, #tpu.memory_space<vmem_shared>>
      tpu.wait_dma2 semaphore(%arg9 : memref<!tpu.dma_semaphore, #tpu.memory_space<semaphore_mem>>) src(%dma_wait3A_1959 : memref<8x4096xf32, #tpu.memory_space<vmem_shared>>) dst(%dma_wait3A_1955 : memref<8x4096xf32, #tpu.memory_space<hbm>>)
      %add3A_1960 = arith.constant 440 : i32
      %add3A_1961 = arith.addi %mul3A_2, %add3A_1960 : i32
      %dma_start3A_1962 = arith.constant 15 : i32
      %dma_start3A_1963 = arith.constant 8 : i32
      %dma_start3A_1964 = arith.constant 0 : i32
      %dma_start3A_1965 = tpu.memref_slice %arg4[%dma_start3A_1962, %dma_start3A_1963, %dma_start3A_1964] : memref<16x16x4096xf32, #tpu.memory_space<vmem_shared>> -> memref<1x8x4096xf32, #tpu.memory_space<vmem_shared>>
      %dma_start3A_1966 = tpu.memref_squeeze %dma_start3A_1965 : memref<1x8x4096xf32, #tpu.memory_space<vmem_shared>> -> memref<8x4096xf32, #tpu.memory_space<vmem_shared>>
      %dma_start3A_1967 = arith.constant 0 : i32
      %dma_start3A_1968 = tpu.memref_slice %arg2[%add3A_1961, %dma_start3A_1967] : memref<16384x4096xf32, #tpu.memory_space<hbm>> -> memref<8x4096xf32, #tpu.memory_space<hbm>>
      tpu.enqueue_dma source(%dma_start3A_1968 : memref<8x4096xf32, #tpu.memory_space<hbm>>) target(%dma_start3A_1966 : memref<8x4096xf32, #tpu.memory_space<vmem_shared>>) target_semaphore(%arg7 : memref<!tpu.dma_semaphore, #tpu.memory_space<semaphore_mem>>)
      %add3A_1969 = arith.constant 432 : i32
      %add3A_1970 = arith.addi %mul3A_2, %add3A_1969 : i32
      %dma_wait3A_1971 = arith.constant 15 : i32
      %dma_wait3A_1972 = arith.constant 0 : i32
      %dma_wait3A_1973 = arith.constant 0 : i32
      %dma_wait3A_1974 = tpu.memref_slice %arg4[%dma_wait3A_1971, %dma_wait3A_1972, %dma_wait3A_1973] : memref<16x16x4096xf32, #tpu.memory_space<vmem_shared>> -> memref<1x8x4096xf32, #tpu.memory_space<vmem_shared>>
      %dma_wait3A_1975 = tpu.memref_squeeze %dma_wait3A_1974 : memref<1x8x4096xf32, #tpu.memory_space<vmem_shared>> -> memref<8x4096xf32, #tpu.memory_space<vmem_shared>>
      %dma_wait3A_1976 = arith.constant 0 : i32
      %dma_wait3A_1977 = tpu.memref_slice %arg2[%add3A_1970, %dma_wait3A_1976] : memref<16384x4096xf32, #tpu.memory_space<hbm>> -> memref<8x4096xf32, #tpu.memory_space<hbm>>
      tpu.wait_dma2 semaphore(%arg6 : memref<!tpu.dma_semaphore, #tpu.memory_space<semaphore_mem>>) src(%dma_wait3A_1977 : memref<8x4096xf32, #tpu.memory_space<hbm>>) dst(%dma_wait3A_1975 : memref<8x4096xf32, #tpu.memory_space<vmem_shared>>)
      %add3A_1978 = arith.constant 432 : i32
      %add3A_1979 = arith.addi %mul3A_2, %add3A_1978 : i32
      %dma_start3A_1980 = arith.constant 15 : i32
      %dma_start3A_1981 = arith.constant 0 : i32
      %dma_start3A_1982 = tpu.memref_slice %arg3[%add3A_1979, %dma_start3A_1981] : memref<16384x4096xf32, #tpu.memory_space<hbm>> -> memref<8x4096xf32, #tpu.memory_space<hbm>>
      %dma_start3A_1983 = arith.constant 0 : i32
      %dma_start3A_1984 = arith.constant 0 : i32
      %dma_start3A_1985 = tpu.memref_slice %arg4[%dma_start3A_1980, %dma_start3A_1983, %dma_start3A_1984] : memref<16x16x4096xf32, #tpu.memory_space<vmem_shared>> -> memref<1x8x4096xf32, #tpu.memory_space<vmem_shared>>
      %dma_start3A_1986 = tpu.memref_squeeze %dma_start3A_1985 : memref<1x8x4096xf32, #tpu.memory_space<vmem_shared>> -> memref<8x4096xf32, #tpu.memory_space<vmem_shared>>
      tpu.enqueue_dma source(%dma_start3A_1986 : memref<8x4096xf32, #tpu.memory_space<vmem_shared>>) target(%dma_start3A_1982 : memref<8x4096xf32, #tpu.memory_space<hbm>>) target_semaphore(%arg8 : memref<!tpu.dma_semaphore, #tpu.memory_space<semaphore_mem>>)
      %add3A_1987 = arith.constant 432 : i32
      %add3A_1988 = arith.addi %mul3A_2, %add3A_1987 : i32
      %dma_wait3A_1989 = arith.constant 15 : i32
      %dma_wait3A_1990 = arith.constant 0 : i32
      %dma_wait3A_1991 = tpu.memref_slice %arg3[%add3A_1988, %dma_wait3A_1990] : memref<16384x4096xf32, #tpu.memory_space<hbm>> -> memref<8x4096xf32, #tpu.memory_space<hbm>>
      %dma_wait3A_1992 = arith.constant 0 : i32
      %dma_wait3A_1993 = arith.constant 0 : i32
      %dma_wait3A_1994 = tpu.memref_slice %arg4[%dma_wait3A_1989, %dma_wait3A_1992, %dma_wait3A_1993] : memref<16x16x4096xf32, #tpu.memory_space<vmem_shared>> -> memref<1x8x4096xf32, #tpu.memory_space<vmem_shared>>
      %dma_wait3A_1995 = tpu.memref_squeeze %dma_wait3A_1994 : memref<1x8x4096xf32, #tpu.memory_space<vmem_shared>> -> memref<8x4096xf32, #tpu.memory_space<vmem_shared>>
      tpu.wait_dma2 semaphore(%arg8 : memref<!tpu.dma_semaphore, #tpu.memory_space<semaphore_mem>>) src(%dma_wait3A_1995 : memref<8x4096xf32, #tpu.memory_space<vmem_shared>>) dst(%dma_wait3A_1991 : memref<8x4096xf32, #tpu.memory_space<hbm>>)
      %add3A_1996 = arith.constant 448 : i32
      %add3A_1997 = arith.addi %mul3A_2, %add3A_1996 : i32
      %dma_start3A_1998 = arith.constant 15 : i32
      %dma_start3A_1999 = arith.constant 0 : i32
      %dma_start3A_2000 = arith.constant 0 : i32
      %dma_start3A_2001 = tpu.memref_slice %arg4[%dma_start3A_1998, %dma_start3A_1999, %dma_start3A_2000] : memref<16x16x4096xf32, #tpu.memory_space<vmem_shared>> -> memref<1x8x4096xf32, #tpu.memory_space<vmem_shared>>
      %dma_start3A_2002 = tpu.memref_squeeze %dma_start3A_2001 : memref<1x8x4096xf32, #tpu.memory_space<vmem_shared>> -> memref<8x4096xf32, #tpu.memory_space<vmem_shared>>
      %dma_start3A_2003 = arith.constant 0 : i32
      %dma_start3A_2004 = tpu.memref_slice %arg2[%add3A_1997, %dma_start3A_2003] : memref<16384x4096xf32, #tpu.memory_space<hbm>> -> memref<8x4096xf32, #tpu.memory_space<hbm>>
      tpu.enqueue_dma source(%dma_start3A_2004 : memref<8x4096xf32, #tpu.memory_space<hbm>>) target(%dma_start3A_2002 : memref<8x4096xf32, #tpu.memory_space<vmem_shared>>) target_semaphore(%arg6 : memref<!tpu.dma_semaphore, #tpu.memory_space<semaphore_mem>>)
      %add3A_2005 = arith.constant 440 : i32
      %add3A_2006 = arith.addi %mul3A_2, %add3A_2005 : i32
      %dma_wait3A_2007 = arith.constant 15 : i32
      %dma_wait3A_2008 = arith.constant 8 : i32
      %dma_wait3A_2009 = arith.constant 0 : i32
      %dma_wait3A_2010 = tpu.memref_slice %arg4[%dma_wait3A_2007, %dma_wait3A_2008, %dma_wait3A_2009] : memref<16x16x4096xf32, #tpu.memory_space<vmem_shared>> -> memref<1x8x4096xf32, #tpu.memory_space<vmem_shared>>
      %dma_wait3A_2011 = tpu.memref_squeeze %dma_wait3A_2010 : memref<1x8x4096xf32, #tpu.memory_space<vmem_shared>> -> memref<8x4096xf32, #tpu.memory_space<vmem_shared>>
      %dma_wait3A_2012 = arith.constant 0 : i32
      %dma_wait3A_2013 = tpu.memref_slice %arg2[%add3A_2006, %dma_wait3A_2012] : memref<16384x4096xf32, #tpu.memory_space<hbm>> -> memref<8x4096xf32, #tpu.memory_space<hbm>>
      tpu.wait_dma2 semaphore(%arg7 : memref<!tpu.dma_semaphore, #tpu.memory_space<semaphore_mem>>) src(%dma_wait3A_2013 : memref<8x4096xf32, #tpu.memory_space<hbm>>) dst(%dma_wait3A_2011 : memref<8x4096xf32, #tpu.memory_space<vmem_shared>>)
      %add3A_2014 = arith.constant 440 : i32
      %add3A_2015 = arith.addi %mul3A_2, %add3A_2014 : i32
      %dma_start3A_2016 = arith.constant 15 : i32
      %dma_start3A_2017 = arith.constant 0 : i32
      %dma_start3A_2018 = tpu.memref_slice %arg3[%add3A_2015, %dma_start3A_2017] : memref<16384x4096xf32, #tpu.memory_space<hbm>> -> memref<8x4096xf32, #tpu.memory_space<hbm>>
      %dma_start3A_2019 = arith.constant 8 : i32
      %dma_start3A_2020 = arith.constant 0 : i32
      %dma_start3A_2021 = tpu.memref_slice %arg4[%dma_start3A_2016, %dma_start3A_2019, %dma_start3A_2020] : memref<16x16x4096xf32, #tpu.memory_space<vmem_shared>> -> memref<1x8x4096xf32, #tpu.memory_space<vmem_shared>>
      %dma_start3A_2022 = tpu.memref_squeeze %dma_start3A_2021 : memref<1x8x4096xf32, #tpu.memory_space<vmem_shared>> -> memref<8x4096xf32, #tpu.memory_space<vmem_shared>>
      tpu.enqueue_dma source(%dma_start3A_2022 : memref<8x4096xf32, #tpu.memory_space<vmem_shared>>) target(%dma_start3A_2018 : memref<8x4096xf32, #tpu.memory_space<hbm>>) target_semaphore(%arg9 : memref<!tpu.dma_semaphore, #tpu.memory_space<semaphore_mem>>)
      %add3A_2023 = arith.constant 440 : i32
      %add3A_2024 = arith.addi %mul3A_2, %add3A_2023 : i32
      %dma_wait3A_2025 = arith.constant 15 : i32
      %dma_wait3A_2026 = arith.constant 0 : i32
      %dma_wait3A_2027 = tpu.memref_slice %arg3[%add3A_2024, %dma_wait3A_2026] : memref<16384x4096xf32, #tpu.memory_space<hbm>> -> memref<8x4096xf32, #tpu.memory_space<hbm>>
      %dma_wait3A_2028 = arith.constant 8 : i32
      %dma_wait3A_2029 = arith.constant 0 : i32
      %dma_wait3A_2030 = tpu.memref_slice %arg4[%dma_wait3A_2025, %dma_wait3A_2028, %dma_wait3A_2029] : memref<16x16x4096xf32, #tpu.memory_space<vmem_shared>> -> memref<1x8x4096xf32, #tpu.memory_space<vmem_shared>>
      %dma_wait3A_2031 = tpu.memref_squeeze %dma_wait3A_2030 : memref<1x8x4096xf32, #tpu.memory_space<vmem_shared>> -> memref<8x4096xf32, #tpu.memory_space<vmem_shared>>
      tpu.wait_dma2 semaphore(%arg9 : memref<!tpu.dma_semaphore, #tpu.memory_space<semaphore_mem>>) src(%dma_wait3A_2031 : memref<8x4096xf32, #tpu.memory_space<vmem_shared>>) dst(%dma_wait3A_2027 : memref<8x4096xf32, #tpu.memory_space<hbm>>)
      %add3A_2032 = arith.constant 456 : i32
      %add3A_2033 = arith.addi %mul3A_2, %add3A_2032 : i32
      %dma_start3A_2034 = arith.constant 15 : i32
      %dma_start3A_2035 = arith.constant 8 : i32
      %dma_start3A_2036 = arith.constant 0 : i32
      %dma_start3A_2037 = tpu.memref_slice %arg4[%dma_start3A_2034, %dma_start3A_2035, %dma_start3A_2036] : memref<16x16x4096xf32, #tpu.memory_space<vmem_shared>> -> memref<1x8x4096xf32, #tpu.memory_space<vmem_shared>>
      %dma_start3A_2038 = tpu.memref_squeeze %dma_start3A_2037 : memref<1x8x4096xf32, #tpu.memory_space<vmem_shared>> -> memref<8x4096xf32, #tpu.memory_space<vmem_shared>>
      %dma_start3A_2039 = arith.constant 0 : i32
      %dma_start3A_2040 = tpu.memref_slice %arg2[%add3A_2033, %dma_start3A_2039] : memref<16384x4096xf32, #tpu.memory_space<hbm>> -> memref<8x4096xf32, #tpu.memory_space<hbm>>
      tpu.enqueue_dma source(%dma_start3A_2040 : memref<8x4096xf32, #tpu.memory_space<hbm>>) target(%dma_start3A_2038 : memref<8x4096xf32, #tpu.memory_space<vmem_shared>>) target_semaphore(%arg7 : memref<!tpu.dma_semaphore, #tpu.memory_space<semaphore_mem>>)
      %add3A_2041 = arith.constant 448 : i32
      %add3A_2042 = arith.addi %mul3A_2, %add3A_2041 : i32
      %dma_wait3A_2043 = arith.constant 15 : i32
      %dma_wait3A_2044 = arith.constant 0 : i32
      %dma_wait3A_2045 = arith.constant 0 : i32
      %dma_wait3A_2046 = tpu.memref_slice %arg4[%dma_wait3A_2043, %dma_wait3A_2044, %dma_wait3A_2045] : memref<16x16x4096xf32, #tpu.memory_space<vmem_shared>> -> memref<1x8x4096xf32, #tpu.memory_space<vmem_shared>>
      %dma_wait3A_2047 = tpu.memref_squeeze %dma_wait3A_2046 : memref<1x8x4096xf32, #tpu.memory_space<vmem_shared>> -> memref<8x4096xf32, #tpu.memory_space<vmem_shared>>
      %dma_wait3A_2048 = arith.constant 0 : i32
      %dma_wait3A_2049 = tpu.memref_slice %arg2[%add3A_2042, %dma_wait3A_2048] : memref<16384x4096xf32, #tpu.memory_space<hbm>> -> memref<8x4096xf32, #tpu.memory_space<hbm>>
      tpu.wait_dma2 semaphore(%arg6 : memref<!tpu.dma_semaphore, #tpu.memory_space<semaphore_mem>>) src(%dma_wait3A_2049 : memref<8x4096xf32, #tpu.memory_space<hbm>>) dst(%dma_wait3A_2047 : memref<8x4096xf32, #tpu.memory_space<vmem_shared>>)
      %add3A_2050 = arith.constant 448 : i32
      %add3A_2051 = arith.addi %mul3A_2, %add3A_2050 : i32
      %dma_start3A_2052 = arith.constant 15 : i32
      %dma_start3A_2053 = arith.constant 0 : i32
      %dma_start3A_2054 = tpu.memref_slice %arg3[%add3A_2051, %dma_start3A_2053] : memref<16384x4096xf32, #tpu.memory_space<hbm>> -> memref<8x4096xf32, #tpu.memory_space<hbm>>
      %dma_start3A_2055 = arith.constant 0 : i32
      %dma_start3A_2056 = arith.constant 0 : i32
      %dma_start3A_2057 = tpu.memref_slice %arg4[%dma_start3A_2052, %dma_start3A_2055, %dma_start3A_2056] : memref<16x16x4096xf32, #tpu.memory_space<vmem_shared>> -> memref<1x8x4096xf32, #tpu.memory_space<vmem_shared>>
      %dma_start3A_2058 = tpu.memref_squeeze %dma_start3A_2057 : memref<1x8x4096xf32, #tpu.memory_space<vmem_shared>> -> memref<8x4096xf32, #tpu.memory_space<vmem_shared>>
      tpu.enqueue_dma source(%dma_start3A_2058 : memref<8x4096xf32, #tpu.memory_space<vmem_shared>>) target(%dma_start3A_2054 : memref<8x4096xf32, #tpu.memory_space<hbm>>) target_semaphore(%arg8 : memref<!tpu.dma_semaphore, #tpu.memory_space<semaphore_mem>>)
      %add3A_2059 = arith.constant 448 : i32
      %add3A_2060 = arith.addi %mul3A_2, %add3A_2059 : i32
      %dma_wait3A_2061 = arith.constant 15 : i32
      %dma_wait3A_2062 = arith.constant 0 : i32
      %dma_wait3A_2063 = tpu.memref_slice %arg3[%add3A_2060, %dma_wait3A_2062] : memref<16384x4096xf32, #tpu.memory_space<hbm>> -> memref<8x4096xf32, #tpu.memory_space<hbm>>
      %dma_wait3A_2064 = arith.constant 0 : i32
      %dma_wait3A_2065 = arith.constant 0 : i32
      %dma_wait3A_2066 = tpu.memref_slice %arg4[%dma_wait3A_2061, %dma_wait3A_2064, %dma_wait3A_2065] : memref<16x16x4096xf32, #tpu.memory_space<vmem_shared>> -> memref<1x8x4096xf32, #tpu.memory_space<vmem_shared>>
      %dma_wait3A_2067 = tpu.memref_squeeze %dma_wait3A_2066 : memref<1x8x4096xf32, #tpu.memory_space<vmem_shared>> -> memref<8x4096xf32, #tpu.memory_space<vmem_shared>>
      tpu.wait_dma2 semaphore(%arg8 : memref<!tpu.dma_semaphore, #tpu.memory_space<semaphore_mem>>) src(%dma_wait3A_2067 : memref<8x4096xf32, #tpu.memory_space<vmem_shared>>) dst(%dma_wait3A_2063 : memref<8x4096xf32, #tpu.memory_space<hbm>>)
      %add3A_2068 = arith.constant 464 : i32
      %add3A_2069 = arith.addi %mul3A_2, %add3A_2068 : i32
      %dma_start3A_2070 = arith.constant 15 : i32
      %dma_start3A_2071 = arith.constant 0 : i32
      %dma_start3A_2072 = arith.constant 0 : i32
      %dma_start3A_2073 = tpu.memref_slice %arg4[%dma_start3A_2070, %dma_start3A_2071, %dma_start3A_2072] : memref<16x16x4096xf32, #tpu.memory_space<vmem_shared>> -> memref<1x8x4096xf32, #tpu.memory_space<vmem_shared>>
      %dma_start3A_2074 = tpu.memref_squeeze %dma_start3A_2073 : memref<1x8x4096xf32, #tpu.memory_space<vmem_shared>> -> memref<8x4096xf32, #tpu.memory_space<vmem_shared>>
      %dma_start3A_2075 = arith.constant 0 : i32
      %dma_start3A_2076 = tpu.memref_slice %arg2[%add3A_2069, %dma_start3A_2075] : memref<16384x4096xf32, #tpu.memory_space<hbm>> -> memref<8x4096xf32, #tpu.memory_space<hbm>>
      tpu.enqueue_dma source(%dma_start3A_2076 : memref<8x4096xf32, #tpu.memory_space<hbm>>) target(%dma_start3A_2074 : memref<8x4096xf32, #tpu.memory_space<vmem_shared>>) target_semaphore(%arg6 : memref<!tpu.dma_semaphore, #tpu.memory_space<semaphore_mem>>)
      %add3A_2077 = arith.constant 456 : i32
      %add3A_2078 = arith.addi %mul3A_2, %add3A_2077 : i32
      %dma_wait3A_2079 = arith.constant 15 : i32
      %dma_wait3A_2080 = arith.constant 8 : i32
      %dma_wait3A_2081 = arith.constant 0 : i32
      %dma_wait3A_2082 = tpu.memref_slice %arg4[%dma_wait3A_2079, %dma_wait3A_2080, %dma_wait3A_2081] : memref<16x16x4096xf32, #tpu.memory_space<vmem_shared>> -> memref<1x8x4096xf32, #tpu.memory_space<vmem_shared>>
      %dma_wait3A_2083 = tpu.memref_squeeze %dma_wait3A_2082 : memref<1x8x4096xf32, #tpu.memory_space<vmem_shared>> -> memref<8x4096xf32, #tpu.memory_space<vmem_shared>>
      %dma_wait3A_2084 = arith.constant 0 : i32
      %dma_wait3A_2085 = tpu.memref_slice %arg2[%add3A_2078, %dma_wait3A_2084] : memref<16384x4096xf32, #tpu.memory_space<hbm>> -> memref<8x4096xf32, #tpu.memory_space<hbm>>
      tpu.wait_dma2 semaphore(%arg7 : memref<!tpu.dma_semaphore, #tpu.memory_space<semaphore_mem>>) src(%dma_wait3A_2085 : memref<8x4096xf32, #tpu.memory_space<hbm>>) dst(%dma_wait3A_2083 : memref<8x4096xf32, #tpu.memory_space<vmem_shared>>)
      %add3A_2086 = arith.constant 456 : i32
      %add3A_2087 = arith.addi %mul3A_2, %add3A_2086 : i32
      %dma_start3A_2088 = arith.constant 15 : i32
      %dma_start3A_2089 = arith.constant 0 : i32
      %dma_start3A_2090 = tpu.memref_slice %arg3[%add3A_2087, %dma_start3A_2089] : memref<16384x4096xf32, #tpu.memory_space<hbm>> -> memref<8x4096xf32, #tpu.memory_space<hbm>>
      %dma_start3A_2091 = arith.constant 8 : i32
      %dma_start3A_2092 = arith.constant 0 : i32
      %dma_start3A_2093 = tpu.memref_slice %arg4[%dma_start3A_2088, %dma_start3A_2091, %dma_start3A_2092] : memref<16x16x4096xf32, #tpu.memory_space<vmem_shared>> -> memref<1x8x4096xf32, #tpu.memory_space<vmem_shared>>
      %dma_start3A_2094 = tpu.memref_squeeze %dma_start3A_2093 : memref<1x8x4096xf32, #tpu.memory_space<vmem_shared>> -> memref<8x4096xf32, #tpu.memory_space<vmem_shared>>
      tpu.enqueue_dma source(%dma_start3A_2094 : memref<8x4096xf32, #tpu.memory_space<vmem_shared>>) target(%dma_start3A_2090 : memref<8x4096xf32, #tpu.memory_space<hbm>>) target_semaphore(%arg9 : memref<!tpu.dma_semaphore, #tpu.memory_space<semaphore_mem>>)
      %add3A_2095 = arith.constant 456 : i32
      %add3A_2096 = arith.addi %mul3A_2, %add3A_2095 : i32
      %dma_wait3A_2097 = arith.constant 15 : i32
      %dma_wait3A_2098 = arith.constant 0 : i32
      %dma_wait3A_2099 = tpu.memref_slice %arg3[%add3A_2096, %dma_wait3A_2098] : memref<16384x4096xf32, #tpu.memory_space<hbm>> -> memref<8x4096xf32, #tpu.memory_space<hbm>>
      %dma_wait3A_2100 = arith.constant 8 : i32
      %dma_wait3A_2101 = arith.constant 0 : i32
      %dma_wait3A_2102 = tpu.memref_slice %arg4[%dma_wait3A_2097, %dma_wait3A_2100, %dma_wait3A_2101] : memref<16x16x4096xf32, #tpu.memory_space<vmem_shared>> -> memref<1x8x4096xf32, #tpu.memory_space<vmem_shared>>
      %dma_wait3A_2103 = tpu.memref_squeeze %dma_wait3A_2102 : memref<1x8x4096xf32, #tpu.memory_space<vmem_shared>> -> memref<8x4096xf32, #tpu.memory_space<vmem_shared>>
      tpu.wait_dma2 semaphore(%arg9 : memref<!tpu.dma_semaphore, #tpu.memory_space<semaphore_mem>>) src(%dma_wait3A_2103 : memref<8x4096xf32, #tpu.memory_space<vmem_shared>>) dst(%dma_wait3A_2099 : memref<8x4096xf32, #tpu.memory_space<hbm>>)
      %add3A_2104 = arith.constant 472 : i32
      %add3A_2105 = arith.addi %mul3A_2, %add3A_2104 : i32
      %dma_start3A_2106 = arith.constant 15 : i32
      %dma_start3A_2107 = arith.constant 8 : i32
      %dma_start3A_2108 = arith.constant 0 : i32
      %dma_start3A_2109 = tpu.memref_slice %arg4[%dma_start3A_2106, %dma_start3A_2107, %dma_start3A_2108] : memref<16x16x4096xf32, #tpu.memory_space<vmem_shared>> -> memref<1x8x4096xf32, #tpu.memory_space<vmem_shared>>
      %dma_start3A_2110 = tpu.memref_squeeze %dma_start3A_2109 : memref<1x8x4096xf32, #tpu.memory_space<vmem_shared>> -> memref<8x4096xf32, #tpu.memory_space<vmem_shared>>
      %dma_start3A_2111 = arith.constant 0 : i32
      %dma_start3A_2112 = tpu.memref_slice %arg2[%add3A_2105, %dma_start3A_2111] : memref<16384x4096xf32, #tpu.memory_space<hbm>> -> memref<8x4096xf32, #tpu.memory_space<hbm>>
      tpu.enqueue_dma source(%dma_start3A_2112 : memref<8x4096xf32, #tpu.memory_space<hbm>>) target(%dma_start3A_2110 : memref<8x4096xf32, #tpu.memory_space<vmem_shared>>) target_semaphore(%arg7 : memref<!tpu.dma_semaphore, #tpu.memory_space<semaphore_mem>>)
      %add3A_2113 = arith.constant 464 : i32
      %add3A_2114 = arith.addi %mul3A_2, %add3A_2113 : i32
      %dma_wait3A_2115 = arith.constant 15 : i32
      %dma_wait3A_2116 = arith.constant 0 : i32
      %dma_wait3A_2117 = arith.constant 0 : i32
      %dma_wait3A_2118 = tpu.memref_slice %arg4[%dma_wait3A_2115, %dma_wait3A_2116, %dma_wait3A_2117] : memref<16x16x4096xf32, #tpu.memory_space<vmem_shared>> -> memref<1x8x4096xf32, #tpu.memory_space<vmem_shared>>
      %dma_wait3A_2119 = tpu.memref_squeeze %dma_wait3A_2118 : memref<1x8x4096xf32, #tpu.memory_space<vmem_shared>> -> memref<8x4096xf32, #tpu.memory_space<vmem_shared>>
      %dma_wait3A_2120 = arith.constant 0 : i32
      %dma_wait3A_2121 = tpu.memref_slice %arg2[%add3A_2114, %dma_wait3A_2120] : memref<16384x4096xf32, #tpu.memory_space<hbm>> -> memref<8x4096xf32, #tpu.memory_space<hbm>>
      tpu.wait_dma2 semaphore(%arg6 : memref<!tpu.dma_semaphore, #tpu.memory_space<semaphore_mem>>) src(%dma_wait3A_2121 : memref<8x4096xf32, #tpu.memory_space<hbm>>) dst(%dma_wait3A_2119 : memref<8x4096xf32, #tpu.memory_space<vmem_shared>>)
      %add3A_2122 = arith.constant 464 : i32
      %add3A_2123 = arith.addi %mul3A_2, %add3A_2122 : i32
      %dma_start3A_2124 = arith.constant 15 : i32
      %dma_start3A_2125 = arith.constant 0 : i32
      %dma_start3A_2126 = tpu.memref_slice %arg3[%add3A_2123, %dma_start3A_2125] : memref<16384x4096xf32, #tpu.memory_space<hbm>> -> memref<8x4096xf32, #tpu.memory_space<hbm>>
      %dma_start3A_2127 = arith.constant 0 : i32
      %dma_start3A_2128 = arith.constant 0 : i32
      %dma_start3A_2129 = tpu.memref_slice %arg4[%dma_start3A_2124, %dma_start3A_2127, %dma_start3A_2128] : memref<16x16x4096xf32, #tpu.memory_space<vmem_shared>> -> memref<1x8x4096xf32, #tpu.memory_space<vmem_shared>>
      %dma_start3A_2130 = tpu.memref_squeeze %dma_start3A_2129 : memref<1x8x4096xf32, #tpu.memory_space<vmem_shared>> -> memref<8x4096xf32, #tpu.memory_space<vmem_shared>>
      tpu.enqueue_dma source(%dma_start3A_2130 : memref<8x4096xf32, #tpu.memory_space<vmem_shared>>) target(%dma_start3A_2126 : memref<8x4096xf32, #tpu.memory_space<hbm>>) target_semaphore(%arg8 : memref<!tpu.dma_semaphore, #tpu.memory_space<semaphore_mem>>)
      %add3A_2131 = arith.constant 464 : i32
      %add3A_2132 = arith.addi %mul3A_2, %add3A_2131 : i32
      %dma_wait3A_2133 = arith.constant 15 : i32
      %dma_wait3A_2134 = arith.constant 0 : i32
      %dma_wait3A_2135 = tpu.memref_slice %arg3[%add3A_2132, %dma_wait3A_2134] : memref<16384x4096xf32, #tpu.memory_space<hbm>> -> memref<8x4096xf32, #tpu.memory_space<hbm>>
      %dma_wait3A_2136 = arith.constant 0 : i32
      %dma_wait3A_2137 = arith.constant 0 : i32
      %dma_wait3A_2138 = tpu.memref_slice %arg4[%dma_wait3A_2133, %dma_wait3A_2136, %dma_wait3A_2137] : memref<16x16x4096xf32, #tpu.memory_space<vmem_shared>> -> memref<1x8x4096xf32, #tpu.memory_space<vmem_shared>>
      %dma_wait3A_2139 = tpu.memref_squeeze %dma_wait3A_2138 : memref<1x8x4096xf32, #tpu.memory_space<vmem_shared>> -> memref<8x4096xf32, #tpu.memory_space<vmem_shared>>
      tpu.wait_dma2 semaphore(%arg8 : memref<!tpu.dma_semaphore, #tpu.memory_space<semaphore_mem>>) src(%dma_wait3A_2139 : memref<8x4096xf32, #tpu.memory_space<vmem_shared>>) dst(%dma_wait3A_2135 : memref<8x4096xf32, #tpu.memory_space<hbm>>)
      %add3A_2140 = arith.constant 480 : i32
      %add3A_2141 = arith.addi %mul3A_2, %add3A_2140 : i32
      %dma_start3A_2142 = arith.constant 15 : i32
      %dma_start3A_2143 = arith.constant 0 : i32
      %dma_start3A_2144 = arith.constant 0 : i32
      %dma_start3A_2145 = tpu.memref_slice %arg4[%dma_start3A_2142, %dma_start3A_2143, %dma_start3A_2144] : memref<16x16x4096xf32, #tpu.memory_space<vmem_shared>> -> memref<1x8x4096xf32, #tpu.memory_space<vmem_shared>>
      %dma_start3A_2146 = tpu.memref_squeeze %dma_start3A_2145 : memref<1x8x4096xf32, #tpu.memory_space<vmem_shared>> -> memref<8x4096xf32, #tpu.memory_space<vmem_shared>>
      %dma_start3A_2147 = arith.constant 0 : i32
      %dma_start3A_2148 = tpu.memref_slice %arg2[%add3A_2141, %dma_start3A_2147] : memref<16384x4096xf32, #tpu.memory_space<hbm>> -> memref<8x4096xf32, #tpu.memory_space<hbm>>
      tpu.enqueue_dma source(%dma_start3A_2148 : memref<8x4096xf32, #tpu.memory_space<hbm>>) target(%dma_start3A_2146 : memref<8x4096xf32, #tpu.memory_space<vmem_shared>>) target_semaphore(%arg6 : memref<!tpu.dma_semaphore, #tpu.memory_space<semaphore_mem>>)
      %add3A_2149 = arith.constant 472 : i32
      %add3A_2150 = arith.addi %mul3A_2, %add3A_2149 : i32
      %dma_wait3A_2151 = arith.constant 15 : i32
      %dma_wait3A_2152 = arith.constant 8 : i32
      %dma_wait3A_2153 = arith.constant 0 : i32
      %dma_wait3A_2154 = tpu.memref_slice %arg4[%dma_wait3A_2151, %dma_wait3A_2152, %dma_wait3A_2153] : memref<16x16x4096xf32, #tpu.memory_space<vmem_shared>> -> memref<1x8x4096xf32, #tpu.memory_space<vmem_shared>>
      %dma_wait3A_2155 = tpu.memref_squeeze %dma_wait3A_2154 : memref<1x8x4096xf32, #tpu.memory_space<vmem_shared>> -> memref<8x4096xf32, #tpu.memory_space<vmem_shared>>
      %dma_wait3A_2156 = arith.constant 0 : i32
      %dma_wait3A_2157 = tpu.memref_slice %arg2[%add3A_2150, %dma_wait3A_2156] : memref<16384x4096xf32, #tpu.memory_space<hbm>> -> memref<8x4096xf32, #tpu.memory_space<hbm>>
      tpu.wait_dma2 semaphore(%arg7 : memref<!tpu.dma_semaphore, #tpu.memory_space<semaphore_mem>>) src(%dma_wait3A_2157 : memref<8x4096xf32, #tpu.memory_space<hbm>>) dst(%dma_wait3A_2155 : memref<8x4096xf32, #tpu.memory_space<vmem_shared>>)
      %add3A_2158 = arith.constant 472 : i32
      %add3A_2159 = arith.addi %mul3A_2, %add3A_2158 : i32
      %dma_start3A_2160 = arith.constant 15 : i32
      %dma_start3A_2161 = arith.constant 0 : i32
      %dma_start3A_2162 = tpu.memref_slice %arg3[%add3A_2159, %dma_start3A_2161] : memref<16384x4096xf32, #tpu.memory_space<hbm>> -> memref<8x4096xf32, #tpu.memory_space<hbm>>
      %dma_start3A_2163 = arith.constant 8 : i32
      %dma_start3A_2164 = arith.constant 0 : i32
      %dma_start3A_2165 = tpu.memref_slice %arg4[%dma_start3A_2160, %dma_start3A_2163, %dma_start3A_2164] : memref<16x16x4096xf32, #tpu.memory_space<vmem_shared>> -> memref<1x8x4096xf32, #tpu.memory_space<vmem_shared>>
      %dma_start3A_2166 = tpu.memref_squeeze %dma_start3A_2165 : memref<1x8x4096xf32, #tpu.memory_space<vmem_shared>> -> memref<8x4096xf32, #tpu.memory_space<vmem_shared>>
      tpu.enqueue_dma source(%dma_start3A_2166 : memref<8x4096xf32, #tpu.memory_space<vmem_shared>>) target(%dma_start3A_2162 : memref<8x4096xf32, #tpu.memory_space<hbm>>) target_semaphore(%arg9 : memref<!tpu.dma_semaphore, #tpu.memory_space<semaphore_mem>>)
      %add3A_2167 = arith.constant 472 : i32
      %add3A_2168 = arith.addi %mul3A_2, %add3A_2167 : i32
      %dma_wait3A_2169 = arith.constant 15 : i32
      %dma_wait3A_2170 = arith.constant 0 : i32
      %dma_wait3A_2171 = tpu.memref_slice %arg3[%add3A_2168, %dma_wait3A_2170] : memref<16384x4096xf32, #tpu.memory_space<hbm>> -> memref<8x4096xf32, #tpu.memory_space<hbm>>
      %dma_wait3A_2172 = arith.constant 8 : i32
      %dma_wait3A_2173 = arith.constant 0 : i32
      %dma_wait3A_2174 = tpu.memref_slice %arg4[%dma_wait3A_2169, %dma_wait3A_2172, %dma_wait3A_2173] : memref<16x16x4096xf32, #tpu.memory_space<vmem_shared>> -> memref<1x8x4096xf32, #tpu.memory_space<vmem_shared>>
      %dma_wait3A_2175 = tpu.memref_squeeze %dma_wait3A_2174 : memref<1x8x4096xf32, #tpu.memory_space<vmem_shared>> -> memref<8x4096xf32, #tpu.memory_space<vmem_shared>>
      tpu.wait_dma2 semaphore(%arg9 : memref<!tpu.dma_semaphore, #tpu.memory_space<semaphore_mem>>) src(%dma_wait3A_2175 : memref<8x4096xf32, #tpu.memory_space<vmem_shared>>) dst(%dma_wait3A_2171 : memref<8x4096xf32, #tpu.memory_space<hbm>>)
      %add3A_2176 = arith.constant 488 : i32
      %add3A_2177 = arith.addi %mul3A_2, %add3A_2176 : i32
      %dma_start3A_2178 = arith.constant 15 : i32
      %dma_start3A_2179 = arith.constant 8 : i32
      %dma_start3A_2180 = arith.constant 0 : i32
      %dma_start3A_2181 = tpu.memref_slice %arg4[%dma_start3A_2178, %dma_start3A_2179, %dma_start3A_2180] : memref<16x16x4096xf32, #tpu.memory_space<vmem_shared>> -> memref<1x8x4096xf32, #tpu.memory_space<vmem_shared>>
      %dma_start3A_2182 = tpu.memref_squeeze %dma_start3A_2181 : memref<1x8x4096xf32, #tpu.memory_space<vmem_shared>> -> memref<8x4096xf32, #tpu.memory_space<vmem_shared>>
      %dma_start3A_2183 = arith.constant 0 : i32
      %dma_start3A_2184 = tpu.memref_slice %arg2[%add3A_2177, %dma_start3A_2183] : memref<16384x4096xf32, #tpu.memory_space<hbm>> -> memref<8x4096xf32, #tpu.memory_space<hbm>>
      tpu.enqueue_dma source(%dma_start3A_2184 : memref<8x4096xf32, #tpu.memory_space<hbm>>) target(%dma_start3A_2182 : memref<8x4096xf32, #tpu.memory_space<vmem_shared>>) target_semaphore(%arg7 : memref<!tpu.dma_semaphore, #tpu.memory_space<semaphore_mem>>)
      %add3A_2185 = arith.constant 480 : i32
      %add3A_2186 = arith.addi %mul3A_2, %add3A_2185 : i32
      %dma_wait3A_2187 = arith.constant 15 : i32
      %dma_wait3A_2188 = arith.constant 0 : i32
      %dma_wait3A_2189 = arith.constant 0 : i32
      %dma_wait3A_2190 = tpu.memref_slice %arg4[%dma_wait3A_2187, %dma_wait3A_2188, %dma_wait3A_2189] : memref<16x16x4096xf32, #tpu.memory_space<vmem_shared>> -> memref<1x8x4096xf32, #tpu.memory_space<vmem_shared>>
      %dma_wait3A_2191 = tpu.memref_squeeze %dma_wait3A_2190 : memref<1x8x4096xf32, #tpu.memory_space<vmem_shared>> -> memref<8x4096xf32, #tpu.memory_space<vmem_shared>>
      %dma_wait3A_2192 = arith.constant 0 : i32
      %dma_wait3A_2193 = tpu.memref_slice %arg2[%add3A_2186, %dma_wait3A_2192] : memref<16384x4096xf32, #tpu.memory_space<hbm>> -> memref<8x4096xf32, #tpu.memory_space<hbm>>
      tpu.wait_dma2 semaphore(%arg6 : memref<!tpu.dma_semaphore, #tpu.memory_space<semaphore_mem>>) src(%dma_wait3A_2193 : memref<8x4096xf32, #tpu.memory_space<hbm>>) dst(%dma_wait3A_2191 : memref<8x4096xf32, #tpu.memory_space<vmem_shared>>)
      %add3A_2194 = arith.constant 480 : i32
      %add3A_2195 = arith.addi %mul3A_2, %add3A_2194 : i32
      %dma_start3A_2196 = arith.constant 15 : i32
      %dma_start3A_2197 = arith.constant 0 : i32
      %dma_start3A_2198 = tpu.memref_slice %arg3[%add3A_2195, %dma_start3A_2197] : memref<16384x4096xf32, #tpu.memory_space<hbm>> -> memref<8x4096xf32, #tpu.memory_space<hbm>>
      %dma_start3A_2199 = arith.constant 0 : i32
      %dma_start3A_2200 = arith.constant 0 : i32
      %dma_start3A_2201 = tpu.memref_slice %arg4[%dma_start3A_2196, %dma_start3A_2199, %dma_start3A_2200] : memref<16x16x4096xf32, #tpu.memory_space<vmem_shared>> -> memref<1x8x4096xf32, #tpu.memory_space<vmem_shared>>
      %dma_start3A_2202 = tpu.memref_squeeze %dma_start3A_2201 : memref<1x8x4096xf32, #tpu.memory_space<vmem_shared>> -> memref<8x4096xf32, #tpu.memory_space<vmem_shared>>
      tpu.enqueue_dma source(%dma_start3A_2202 : memref<8x4096xf32, #tpu.memory_space<vmem_shared>>) target(%dma_start3A_2198 : memref<8x4096xf32, #tpu.memory_space<hbm>>) target_semaphore(%arg8 : memref<!tpu.dma_semaphore, #tpu.memory_space<semaphore_mem>>)
      %add3A_2203 = arith.constant 480 : i32
      %add3A_2204 = arith.addi %mul3A_2, %add3A_2203 : i32
      %dma_wait3A_2205 = arith.constant 15 : i32
      %dma_wait3A_2206 = arith.constant 0 : i32
      %dma_wait3A_2207 = tpu.memref_slice %arg3[%add3A_2204, %dma_wait3A_2206] : memref<16384x4096xf32, #tpu.memory_space<hbm>> -> memref<8x4096xf32, #tpu.memory_space<hbm>>
      %dma_wait3A_2208 = arith.constant 0 : i32
      %dma_wait3A_2209 = arith.constant 0 : i32
      %dma_wait3A_2210 = tpu.memref_slice %arg4[%dma_wait3A_2205, %dma_wait3A_2208, %dma_wait3A_2209] : memref<16x16x4096xf32, #tpu.memory_space<vmem_shared>> -> memref<1x8x4096xf32, #tpu.memory_space<vmem_shared>>
      %dma_wait3A_2211 = tpu.memref_squeeze %dma_wait3A_2210 : memref<1x8x4096xf32, #tpu.memory_space<vmem_shared>> -> memref<8x4096xf32, #tpu.memory_space<vmem_shared>>
      tpu.wait_dma2 semaphore(%arg8 : memref<!tpu.dma_semaphore, #tpu.memory_space<semaphore_mem>>) src(%dma_wait3A_2211 : memref<8x4096xf32, #tpu.memory_space<vmem_shared>>) dst(%dma_wait3A_2207 : memref<8x4096xf32, #tpu.memory_space<hbm>>)
      %add3A_2212 = arith.constant 496 : i32
      %add3A_2213 = arith.addi %mul3A_2, %add3A_2212 : i32
      %dma_start3A_2214 = arith.constant 15 : i32
      %dma_start3A_2215 = arith.constant 0 : i32
      %dma_start3A_2216 = arith.constant 0 : i32
      %dma_start3A_2217 = tpu.memref_slice %arg4[%dma_start3A_2214, %dma_start3A_2215, %dma_start3A_2216] : memref<16x16x4096xf32, #tpu.memory_space<vmem_shared>> -> memref<1x8x4096xf32, #tpu.memory_space<vmem_shared>>
      %dma_start3A_2218 = tpu.memref_squeeze %dma_start3A_2217 : memref<1x8x4096xf32, #tpu.memory_space<vmem_shared>> -> memref<8x4096xf32, #tpu.memory_space<vmem_shared>>
      %dma_start3A_2219 = arith.constant 0 : i32
      %dma_start3A_2220 = tpu.memref_slice %arg2[%add3A_2213, %dma_start3A_2219] : memref<16384x4096xf32, #tpu.memory_space<hbm>> -> memref<8x4096xf32, #tpu.memory_space<hbm>>
      tpu.enqueue_dma source(%dma_start3A_2220 : memref<8x4096xf32, #tpu.memory_space<hbm>>) target(%dma_start3A_2218 : memref<8x4096xf32, #tpu.memory_space<vmem_shared>>) target_semaphore(%arg6 : memref<!tpu.dma_semaphore, #tpu.memory_space<semaphore_mem>>)
      %add3A_2221 = arith.constant 488 : i32
      %add3A_2222 = arith.addi %mul3A_2, %add3A_2221 : i32
      %dma_wait3A_2223 = arith.constant 15 : i32
      %dma_wait3A_2224 = arith.constant 8 : i32
      %dma_wait3A_2225 = arith.constant 0 : i32
      %dma_wait3A_2226 = tpu.memref_slice %arg4[%dma_wait3A_2223, %dma_wait3A_2224, %dma_wait3A_2225] : memref<16x16x4096xf32, #tpu.memory_space<vmem_shared>> -> memref<1x8x4096xf32, #tpu.memory_space<vmem_shared>>
      %dma_wait3A_2227 = tpu.memref_squeeze %dma_wait3A_2226 : memref<1x8x4096xf32, #tpu.memory_space<vmem_shared>> -> memref<8x4096xf32, #tpu.memory_space<vmem_shared>>
      %dma_wait3A_2228 = arith.constant 0 : i32
      %dma_wait3A_2229 = tpu.memref_slice %arg2[%add3A_2222, %dma_wait3A_2228] : memref<16384x4096xf32, #tpu.memory_space<hbm>> -> memref<8x4096xf32, #tpu.memory_space<hbm>>
      tpu.wait_dma2 semaphore(%arg7 : memref<!tpu.dma_semaphore, #tpu.memory_space<semaphore_mem>>) src(%dma_wait3A_2229 : memref<8x4096xf32, #tpu.memory_space<hbm>>) dst(%dma_wait3A_2227 : memref<8x4096xf32, #tpu.memory_space<vmem_shared>>)
      %add3A_2230 = arith.constant 488 : i32
      %add3A_2231 = arith.addi %mul3A_2, %add3A_2230 : i32
      %dma_start3A_2232 = arith.constant 15 : i32
      %dma_start3A_2233 = arith.constant 0 : i32
      %dma_start3A_2234 = tpu.memref_slice %arg3[%add3A_2231, %dma_start3A_2233] : memref<16384x4096xf32, #tpu.memory_space<hbm>> -> memref<8x4096xf32, #tpu.memory_space<hbm>>
      %dma_start3A_2235 = arith.constant 8 : i32
      %dma_start3A_2236 = arith.constant 0 : i32
      %dma_start3A_2237 = tpu.memref_slice %arg4[%dma_start3A_2232, %dma_start3A_2235, %dma_start3A_2236] : memref<16x16x4096xf32, #tpu.memory_space<vmem_shared>> -> memref<1x8x4096xf32, #tpu.memory_space<vmem_shared>>
      %dma_start3A_2238 = tpu.memref_squeeze %dma_start3A_2237 : memref<1x8x4096xf32, #tpu.memory_space<vmem_shared>> -> memref<8x4096xf32, #tpu.memory_space<vmem_shared>>
      tpu.enqueue_dma source(%dma_start3A_2238 : memref<8x4096xf32, #tpu.memory_space<vmem_shared>>) target(%dma_start3A_2234 : memref<8x4096xf32, #tpu.memory_space<hbm>>) target_semaphore(%arg9 : memref<!tpu.dma_semaphore, #tpu.memory_space<semaphore_mem>>)
      %add3A_2239 = arith.constant 488 : i32
      %add3A_2240 = arith.addi %mul3A_2, %add3A_2239 : i32
      %dma_wait3A_2241 = arith.constant 15 : i32
      %dma_wait3A_2242 = arith.constant 0 : i32
      %dma_wait3A_2243 = tpu.memref_slice %arg3[%add3A_2240, %dma_wait3A_2242] : memref<16384x4096xf32, #tpu.memory_space<hbm>> -> memref<8x4096xf32, #tpu.memory_space<hbm>>
      %dma_wait3A_2244 = arith.constant 8 : i32
      %dma_wait3A_2245 = arith.constant 0 : i32
      %dma_wait3A_2246 = tpu.memref_slice %arg4[%dma_wait3A_2241, %dma_wait3A_2244, %dma_wait3A_2245] : memref<16x16x4096xf32, #tpu.memory_space<vmem_shared>> -> memref<1x8x4096xf32, #tpu.memory_space<vmem_shared>>
      %dma_wait3A_2247 = tpu.memref_squeeze %dma_wait3A_2246 : memref<1x8x4096xf32, #tpu.memory_space<vmem_shared>> -> memref<8x4096xf32, #tpu.memory_space<vmem_shared>>
      tpu.wait_dma2 semaphore(%arg9 : memref<!tpu.dma_semaphore, #tpu.memory_space<semaphore_mem>>) src(%dma_wait3A_2247 : memref<8x4096xf32, #tpu.memory_space<vmem_shared>>) dst(%dma_wait3A_2243 : memref<8x4096xf32, #tpu.memory_space<hbm>>)
      %add3A_2248 = arith.constant 504 : i32
      %add3A_2249 = arith.addi %mul3A_2, %add3A_2248 : i32
      %dma_start3A_2250 = arith.constant 15 : i32
      %dma_start3A_2251 = arith.constant 8 : i32
      %dma_start3A_2252 = arith.constant 0 : i32
      %dma_start3A_2253 = tpu.memref_slice %arg4[%dma_start3A_2250, %dma_start3A_2251, %dma_start3A_2252] : memref<16x16x4096xf32, #tpu.memory_space<vmem_shared>> -> memref<1x8x4096xf32, #tpu.memory_space<vmem_shared>>
      %dma_start3A_2254 = tpu.memref_squeeze %dma_start3A_2253 : memref<1x8x4096xf32, #tpu.memory_space<vmem_shared>> -> memref<8x4096xf32, #tpu.memory_space<vmem_shared>>
      %dma_start3A_2255 = arith.constant 0 : i32
      %dma_start3A_2256 = tpu.memref_slice %arg2[%add3A_2249, %dma_start3A_2255] : memref<16384x4096xf32, #tpu.memory_space<hbm>> -> memref<8x4096xf32, #tpu.memory_space<hbm>>
      tpu.enqueue_dma source(%dma_start3A_2256 : memref<8x4096xf32, #tpu.memory_space<hbm>>) target(%dma_start3A_2254 : memref<8x4096xf32, #tpu.memory_space<vmem_shared>>) target_semaphore(%arg7 : memref<!tpu.dma_semaphore, #tpu.memory_space<semaphore_mem>>)
      %add3A_2257 = arith.constant 496 : i32
      %add3A_2258 = arith.addi %mul3A_2, %add3A_2257 : i32
      %dma_wait3A_2259 = arith.constant 15 : i32
      %dma_wait3A_2260 = arith.constant 0 : i32
      %dma_wait3A_2261 = arith.constant 0 : i32
      %dma_wait3A_2262 = tpu.memref_slice %arg4[%dma_wait3A_2259, %dma_wait3A_2260, %dma_wait3A_2261] : memref<16x16x4096xf32, #tpu.memory_space<vmem_shared>> -> memref<1x8x4096xf32, #tpu.memory_space<vmem_shared>>
      %dma_wait3A_2263 = tpu.memref_squeeze %dma_wait3A_2262 : memref<1x8x4096xf32, #tpu.memory_space<vmem_shared>> -> memref<8x4096xf32, #tpu.memory_space<vmem_shared>>
      %dma_wait3A_2264 = arith.constant 0 : i32
      %dma_wait3A_2265 = tpu.memref_slice %arg2[%add3A_2258, %dma_wait3A_2264] : memref<16384x4096xf32, #tpu.memory_space<hbm>> -> memref<8x4096xf32, #tpu.memory_space<hbm>>
      tpu.wait_dma2 semaphore(%arg6 : memref<!tpu.dma_semaphore, #tpu.memory_space<semaphore_mem>>) src(%dma_wait3A_2265 : memref<8x4096xf32, #tpu.memory_space<hbm>>) dst(%dma_wait3A_2263 : memref<8x4096xf32, #tpu.memory_space<vmem_shared>>)
      %add3A_2266 = arith.constant 496 : i32
      %add3A_2267 = arith.addi %mul3A_2, %add3A_2266 : i32
      %dma_start3A_2268 = arith.constant 15 : i32
      %dma_start3A_2269 = arith.constant 0 : i32
      %dma_start3A_2270 = tpu.memref_slice %arg3[%add3A_2267, %dma_start3A_2269] : memref<16384x4096xf32, #tpu.memory_space<hbm>> -> memref<8x4096xf32, #tpu.memory_space<hbm>>
      %dma_start3A_2271 = arith.constant 0 : i32
      %dma_start3A_2272 = arith.constant 0 : i32
      %dma_start3A_2273 = tpu.memref_slice %arg4[%dma_start3A_2268, %dma_start3A_2271, %dma_start3A_2272] : memref<16x16x4096xf32, #tpu.memory_space<vmem_shared>> -> memref<1x8x4096xf32, #tpu.memory_space<vmem_shared>>
      %dma_start3A_2274 = tpu.memref_squeeze %dma_start3A_2273 : memref<1x8x4096xf32, #tpu.memory_space<vmem_shared>> -> memref<8x4096xf32, #tpu.memory_space<vmem_shared>>
      tpu.enqueue_dma source(%dma_start3A_2274 : memref<8x4096xf32, #tpu.memory_space<vmem_shared>>) target(%dma_start3A_2270 : memref<8x4096xf32, #tpu.memory_space<hbm>>) target_semaphore(%arg8 : memref<!tpu.dma_semaphore, #tpu.memory_space<semaphore_mem>>)
      %add3A_2275 = arith.constant 504 : i32
      %add3A_2276 = arith.addi %mul3A_2, %add3A_2275 : i32
      %dma_wait3A_2277 = arith.constant 15 : i32
      %dma_wait3A_2278 = arith.constant 8 : i32
      %dma_wait3A_2279 = arith.constant 0 : i32
      %dma_wait3A_2280 = tpu.memref_slice %arg4[%dma_wait3A_2277, %dma_wait3A_2278, %dma_wait3A_2279] : memref<16x16x4096xf32, #tpu.memory_space<vmem_shared>> -> memref<1x8x4096xf32, #tpu.memory_space<vmem_shared>>
      %dma_wait3A_2281 = tpu.memref_squeeze %dma_wait3A_2280 : memref<1x8x4096xf32, #tpu.memory_space<vmem_shared>> -> memref<8x4096xf32, #tpu.memory_space<vmem_shared>>
      %dma_wait3A_2282 = arith.constant 0 : i32
      %dma_wait3A_2283 = tpu.memref_slice %arg2[%add3A_2276, %dma_wait3A_2282] : memref<16384x4096xf32, #tpu.memory_space<hbm>> -> memref<8x4096xf32, #tpu.memory_space<hbm>>
      tpu.wait_dma2 semaphore(%arg7 : memref<!tpu.dma_semaphore, #tpu.memory_space<semaphore_mem>>) src(%dma_wait3A_2283 : memref<8x4096xf32, #tpu.memory_space<hbm>>) dst(%dma_wait3A_2281 : memref<8x4096xf32, #tpu.memory_space<vmem_shared>>)
      %add3A_2284 = arith.constant 504 : i32
      %add3A_2285 = arith.addi %mul3A_2, %add3A_2284 : i32
      %dma_start3A_2286 = arith.constant 15 : i32
      %dma_start3A_2287 = arith.constant 0 : i32
      %dma_start3A_2288 = tpu.memref_slice %arg3[%add3A_2285, %dma_start3A_2287] : memref<16384x4096xf32, #tpu.memory_space<hbm>> -> memref<8x4096xf32, #tpu.memory_space<hbm>>
      %dma_start3A_2289 = arith.constant 8 : i32
      %dma_start3A_2290 = arith.constant 0 : i32
      %dma_start3A_2291 = tpu.memref_slice %arg4[%dma_start3A_2286, %dma_start3A_2289, %dma_start3A_2290] : memref<16x16x4096xf32, #tpu.memory_space<vmem_shared>> -> memref<1x8x4096xf32, #tpu.memory_space<vmem_shared>>
      %dma_start3A_2292 = tpu.memref_squeeze %dma_start3A_2291 : memref<1x8x4096xf32, #tpu.memory_space<vmem_shared>> -> memref<8x4096xf32, #tpu.memory_space<vmem_shared>>
      tpu.enqueue_dma source(%dma_start3A_2292 : memref<8x4096xf32, #tpu.memory_space<vmem_shared>>) target(%dma_start3A_2288 : memref<8x4096xf32, #tpu.memory_space<hbm>>) target_semaphore(%arg9 : memref<!tpu.dma_semaphore, #tpu.memory_space<semaphore_mem>>)
      %add3A_2293 = arith.constant 496 : i32
      %add3A_2294 = arith.addi %mul3A_2, %add3A_2293 : i32
      %dma_wait3A_2295 = arith.constant 15 : i32
      %dma_wait3A_2296 = arith.constant 0 : i32
      %dma_wait3A_2297 = tpu.memref_slice %arg3[%add3A_2294, %dma_wait3A_2296] : memref<16384x4096xf32, #tpu.memory_space<hbm>> -> memref<8x4096xf32, #tpu.memory_space<hbm>>
      %dma_wait3A_2298 = arith.constant 0 : i32
      %dma_wait3A_2299 = arith.constant 0 : i32
      %dma_wait3A_2300 = tpu.memref_slice %arg4[%dma_wait3A_2295, %dma_wait3A_2298, %dma_wait3A_2299] : memref<16x16x4096xf32, #tpu.memory_space<vmem_shared>> -> memref<1x8x4096xf32, #tpu.memory_space<vmem_shared>>
      %dma_wait3A_2301 = tpu.memref_squeeze %dma_wait3A_2300 : memref<1x8x4096xf32, #tpu.memory_space<vmem_shared>> -> memref<8x4096xf32, #tpu.memory_space<vmem_shared>>
      tpu.wait_dma2 semaphore(%arg8 : memref<!tpu.dma_semaphore, #tpu.memory_space<semaphore_mem>>) src(%dma_wait3A_2301 : memref<8x4096xf32, #tpu.memory_space<vmem_shared>>) dst(%dma_wait3A_2297 : memref<8x4096xf32, #tpu.memory_space<hbm>>)
      %add3A_2302 = arith.constant 504 : i32
      %add3A_2303 = arith.addi %mul3A_2, %add3A_2302 : i32
      %dma_wait3A_2304 = arith.constant 15 : i32
      %dma_wait3A_2305 = arith.constant 0 : i32
      %dma_wait3A_2306 = tpu.memref_slice %arg3[%add3A_2303, %dma_wait3A_2305] : memref<16384x4096xf32, #tpu.memory_space<hbm>> -> memref<8x4096xf32, #tpu.memory_space<hbm>>
      %dma_wait3A_2307 = arith.constant 8 : i32
      %dma_wait3A_2308 = arith.constant 0 : i32
      %dma_wait3A_2309 = tpu.memref_slice %arg4[%dma_wait3A_2304, %dma_wait3A_2307, %dma_wait3A_2308] : memref<16x16x4096xf32, #tpu.memory_space<vmem_shared>> -> memref<1x8x4096xf32, #tpu.memory_space<vmem_shared>>
      %dma_wait3A_2310 = tpu.memref_squeeze %dma_wait3A_2309 : memref<1x8x4096xf32, #tpu.memory_space<vmem_shared>> -> memref<8x4096xf32, #tpu.memory_space<vmem_shared>>
      tpu.wait_dma2 semaphore(%arg9 : memref<!tpu.dma_semaphore, #tpu.memory_space<semaphore_mem>>) src(%dma_wait3A_2310 : memref<8x4096xf32, #tpu.memory_space<vmem_shared>>) dst(%dma_wait3A_2306 : memref<8x4096xf32, #tpu.memory_space<hbm>>)
    } else {
    }
    return
  }
}

</mosaic_0001>

<sc_bundles>
// kernel: kernel.3.cloned.1.call-start
scs
__scs_entry_jumppad:
0x0: {  	(pc) =	sbr.rel $0x88, $3  }
0x1: {  	(tag) =	ssettag $0x0;
	lr =	simm.s32 $0x1  }
0x2: {  	[smem:$0x3FA0] =	sst lr;
	_ =	strace $0xD0000000  }
0x3: {  	_ = 	snop  }
0x4: {  	_ = 	snop  }
0x5: {  	_ = 	snop  }
0x6: {  	_ = 	snop  }
0x7: {  	_ = 	snop  }
__scs_overlays_trampoline_lowered:
0x8: {  	[smem:$0x3FAF] =	sst s0  }
0x9: {  	[smem:$0x3FB0] =	sst s1  }
0xa: {  	[smem:$0x3FB1] =	sst s2  }
0xb: {  	[smem:$0x3FB2] =	sst s3  }
0xc: {  	[smem:$0x3FB3] =	sst s4  }
0xd: {  	[smem:$0x3FB4] =	sst s5  }
0xe: {  	[smem:$0x3FB5] =	sst s6  }
0xf: {  	[smem:$0x3FB6] =	sst s7  }
0x10: {  	[smem:$0x3FB7] =	sst s8  }
0x11: {  	[smem:$0x3FB8] =	sst s9;
	s0 =	simm.s32 @!p0 $0x0  }
0x12: {  	s1 =	sld [smem:$0x3F9E];
	s0 =	simm.s32 @p0 $0x1  }
0x13: {  	[smem:$0x3FB9] =	sst s0;
	s0 =	simm.s32 @!p1 $0x0  }
0x14: {  	s2 =	sld [smem:$0x3F9D];
	s0 =	simm.s32 @p1 $0x1  }
0x15: {  	[smem:$0x3FBA] =	sst s0;
	s0 =	simm.s32 @!p2 $0x0  }
0x16: {  	s3 =	sld [smem:$0x3FDB];
	s0 =	simm.s32 @p2 $0x1  }
0x17: {  	s4 =	simm.s32 $0x1BF5;
	[smem:$0x3FBC] =	sst s0  }
0x18: {  	s0 =	sld [smem:$0x3F9F];
	_ =	swait.ge [sflag:s4], $0x0  }
0x19: {  	s7 =	sld [smem:$0x3FA0]  }
0x1a: {  	s8 =	sadd.s32 $0xFFFFE003, lr  }
0x1b: {  	s9 =	sadd.s32 $0xFFFFFEF7, lr;
	s5 =	simm.s32 $0xFFFFFFFF;
	p2 =	slt.u32 s8, $0xFFFFF086  }
0x1c: {  	p1 =	slt.u32 s9, $0xF7A;
	s5 =	simm.s32 @!p2 $0x0  }
0x1d: {  	s5 =	simm.s32 @p1 $0x1;
	p0 =	seq.s32 s7, s2  }
0x1e: {  	s7 =	smul.u32 @!p0 $0xF7A, s2;
	p2 =	seq.s32 @!p0 s5, $0x0  }
0x1f: {  	s9 =	smul.u32 $0xF7A, s1;
	s8 =	simm.s32 @!p0 $0x1BF5;
	p2 =	por !p2, p0  }
0x20: {  	[sflag:s8] =	ssyncset.s32 @!p0 $0xFFFFF086;
	s6 =	sadd.s32 @!p0 s3, s7;
	s7 =	simm.s32 @!p0 $0x108  }
0x21: {  	s3 =	sadd.s32 s3, s9;
	s6 =	sadd.s32 @!p0 $0x88, s6;
	s7 =	simm.s32 @p2 $0x1082  }
0x22: {  	[simem:s7], [sflag:s8] =	dma.local @!p0 [hbm:s6], $0xF7A  }
0x23: {  	s9 =	sor.u32 $0xD0000000, s2;
	s6 =	simm.s32 $0x108;
	_ =	swait.ge @!p0 [sflag:s8], $0x0  }
0x24: {  	s3 =	sadd.s32 $0x88, s3;
	s6 =	simm.s32 @!p1 $0x1082;
	[sflag:s4] =	ssyncset.s32 $0xFFFFF086  }
0x25: {  	[simem:s6], [sflag:s4] =	dma.local [hbm:s3], $0xF7A  }
0x26: {  	[smem:$0x3FA0] =	sst s1;
	(tag) =	ssettag s2;
	_ =	strace s9  }
0x27: {  	s1 =	sld [smem:$0x3FB0]  }
0x28: {  	s2 =	sld [smem:$0x3FB1]  }
0x29: {  	s4 =	sld [smem:$0x3FB3]  }
0x2a: {  	p0 =	seq.s32 s5, $0x0;
	s5 =	sld [smem:$0x3FB4]  }
0x2b: {  	s6 =	sld [smem:$0x3FB5]  }
0x2c: {  	s7 =	sld [smem:$0x3FB6]  }
0x2d: {  	s3 =	simm.s32 $0x108;
	s8 =	sld [smem:$0x3FB7]  }
0x2e: {  	s3 =	simm.s32 @!p0 $0x1082;
	s9 =	sld [smem:$0x3FB8]  }
0x2f: {  	lr =	sadd.s32 s0, s3;
	s0 =	sld [smem:$0x3FAF]  }
0x30: {  	s3 =	sld [smem:$0x3FB2]  }
0x31: {  	[smem:$0x3FBB] =	sst s10  }
0x32: {  	s10 =	sld [smem:$0x3FB9];
	_ =	sdelay $0x3  }
0x33: {  	p0 =	seq.s32 s10, $0x1;
	s10 =	sld [smem:$0x3FBB];
	_ =	sdelay $0x3  }
0x34: {  	[smem:$0x3FBB] =	sst s10  }
0x35: {  	s10 =	sld [smem:$0x3FBA];
	_ =	sdelay $0x3  }
0x36: {  	p1 =	seq.s32 s10, $0x1;
	s10 =	sld [smem:$0x3FBB];
	_ =	sdelay $0x3  }
0x37: {  	[smem:$0x3FBB] =	sst s10  }
0x38: {  	s10 =	sld [smem:$0x3FBC]  }
0x39: {  	_ = 	snop;
	(pc) =	sbr.ind lr, $3  }
0x3a: {  	_ = 	snop  }
0x3b: {  	_ = 	snop  }
0x3c: {  	p2 =	seq.s32 s10, $0x1;
	s10 =	sld [smem:$0x3FBB]  }
0x3d: {  	_ =	shalt  }
0x3e: {  	_ =	shalt  }
0x3f: {  	_ =	shalt  }
0x40: {  	_ =	shalt  }
0x41: {  	_ =	shalt  }
0x42: {  	_ =	shalt  }
0x43: {  	_ =	shalt  }
0x44: {  	_ =	shalt  }
0x45: {  	_ =	shalt  }
0x46: {  	_ =	shalt  }
0x47: {  	_ =	shalt  }
0x48: {  	_ =	shalt  }
0x49: {  	_ =	shalt  }
0x4a: {  	_ =	shalt  }
0x4b: {  	_ =	shalt  }
0x4c: {  	_ =	shalt  }
0x4d: {  	_ =	shalt  }
0x4e: {  	_ =	shalt  }
0x4f: {  	_ =	shalt  }
0x50: {  	_ =	shalt  }
0x51: {  	_ =	shalt  }
0x52: {  	_ =	shalt  }
0x53: {  	_ =	shalt  }
0x54: {  	_ =	shalt  }
0x55: {  	_ =	shalt  }
0x56: {  	_ =	shalt  }
0x57: {  	_ =	shalt  }
0x58: {  	_ =	shalt  }
0x59: {  	_ =	shalt  }
0x5a: {  	_ =	shalt  }
0x5b: {  	_ =	shalt  }
0x5c: {  	_ =	shalt  }
0x5d: {  	_ =	shalt  }
0x5e: {  	_ =	shalt  }
0x5f: {  	_ =	shalt  }
0x60: {  	_ =	shalt  }
0x61: {  	_ =	shalt  }
0x62: {  	_ =	shalt  }
0x63: {  	_ =	shalt  }
0x64: {  	_ =	shalt  }
0x65: {  	_ =	shalt  }
0x66: {  	_ =	shalt  }
0x67: {  	_ =	shalt  }
0x68: {  	_ =	shalt  }
0x69: {  	_ =	shalt  }
0x6a: {  	_ =	shalt  }
0x6b: {  	_ =	shalt  }
0x6c: {  	_ =	shalt  }
0x6d: {  	_ =	shalt  }
0x6e: {  	_ =	shalt  }
0x6f: {  	_ =	shalt  }
0x70: {  	_ =	shalt  }
0x71: {  	_ =	shalt  }
0x72: {  	_ =	shalt  }
0x73: {  	_ =	shalt  }
0x74: {  	_ =	shalt  }
0x75: {  	_ =	shalt  }
0x76: {  	_ =	shalt  }
0x77: {  	_ =	shalt  }
0x78: {  	_ =	shalt  }
0x79: {  	_ =	shalt  }
0x7a: {  	_ =	shalt  }
0x7b: {  	_ =	shalt  }
0x7c: {  	_ =	shalt  }
0x7d: {  	_ =	shalt  }
0x7e: {  	_ =	shalt  }
0x7f: {  	_ =	shalt  }
0x80: {  	_ =	shalt  }
0x81: {  	_ =	shalt  }
0x82: {  	_ =	shalt  }
0x83: {  	_ =	shalt  }
0x84: {  	_ =	shalt  }
0x85: {  	_ =	shalt  }
0x86: {  	_ =	shalt  }
0x87: {  	_ =	shalt  }
.Lfunc_end0:
.L_simem_size_0:
called_computation_lowered:
.L_overlay_start_0:
0x88: {  	s2 =	sld [smem:$0x3FD9]  }
0x89: {  	s3 =	sld [smem:$0x3FFE];
	_ =	sdelay $0x1  }
0x8a: {  	s1 =	srdreg.scid  }
0x8b: {  	s0 =	sand.u32 $0x1, s1  }
0x8c: {  	s18 =	sshll.u32 s0, $0xA;
	s2 =	sadd.s32 s3, s2  }
0x8d: {  	s2 =	sadd.s32 s2, s18  }
0x8e: {  	[smem:$0x3FC7] =	sst s2  }
0x8f: {  	_ = 	snop  }
0x90: {  	s2 =	sld [smem:$0x3FC9]  }
0x91: {  	s19 =	sld [smem:$0x3FD0];
	(tm) =	ssettm $0x1  }
0x92: {  	s4 =	sld [smem:$0x3FFB];
	_ =	sdelay $0x3  }
0x93: {  	_ =	strace s4  }
0x94: {  	s4 =	sld [smem:$0x3FFC];
	_ =	sdelay $0x3  }
0x95: {  	_ =	strace s4  }
0x96: {  	s4 =	sld [smem:$0x3FFD];
	_ =	sdelay $0x3  }
0x97: {  	_ =	strace s4  }
0x98: {  	_ =	strace $0x8FFFFFFF  }
0x99: {  	s20 =	sld [smem:$0x3FDB];
	_ =	sdelay $0x1  }
0x9a: {  	s5 =	simm.s32 $_scs_section_size  }
0x9b: {  	s6 =	simm.s32 $_size__tile_overlayer_lowered;
	s7 =	simm.s32 $_tile_overlayer_lowered  }
0x9c: {  	s23 =	simm.s32 $0x1BFF;
	s22 =	sshll.u32 s7, $0x1;
	s4 =	sadd.s32 s5, s20  }
0x9d: {  	s8 =	simm.s32 $0x0;
	s21 =	sshll.u32 s6, $0x1;
	s6 =	sadd.s32 s22, s4  }
0x9e: {  	[timem:s8], [sflag:s23] =	dma.local [hbm:s6], s21  }
0x9f: {  	_ =	swait.ge [sflag:s23], s21  }
0xa0: {  	s5 =	ssub.s32 $0x0, s21;
	[sflag:s23] =	ssyncset.done $0x0  }
0xa1: {  	[sflag:s23] =	ssyncadd.s32 s5;
	_ =	sdelay $0x1  }
0xa2: {  	s24 =	simm.s32 $0x1B8B  }
0xa3: {  	_ =	swait.ge [sflag:s24], $0x1  }
0xa4: {  	[sflag:s24] =	ssyncset.done $0x0  }
0xa5: {  	s25 =	simm.s32 $0x1B8E;
	[sflag:s24] =	ssyncadd.s32 $0xFFFFFFFF  }
0xa6: {  	s26 =	simm.s32 $execute0_lowered;
	[smem:$0x3FD2] =	sst s25  }
0xa7: {  	s5 =	sshll.u32 s26, $0x1;
	_ =	strace $0x80000046;
	[dreg:$0x1] =	wrdreg $0xFFFFFFFF  }
0xa8: {  	s28 =	simm.s32 $_size_execute0_lowered;
	s4 =	sadd.s32 s4, s5;
	[dreg:$0x0] =	wrdreg $0x0  }
0xa9: {  	s5 =	sshll.u32 s28, $0x1;
	[dreg:$0x2] =	wrdreg s4  }
0xaa: {  	[dreg:$0x3] =	wrdreg s5  }
0xab: {  	[dreg:$0x4] =	wrdreg $0xC0  }
0xac: {  	_ =	task [dreg:s8], $0x5FFFF  }
0xad: {  	[dreg:$0x1] =	wrdreg $0xFFFFFFFF  }
0xae: {  	[dreg:$0x0] =	wrdreg $0x60  }
0xaf: {  	[dreg:$0x2] =	wrdreg s2  }
0xb0: {  	[dreg:$0x3] =	wrdreg s19  }
0xb1: {  	[dreg:$0x4] =	wrdreg $0x0  }
0xb2: {  	[dreg:$0x5] =	wrdreg $0x100000  }
0xb3: {  	[dreg:$0x6] =	wrdreg $0x9  }
0xb4: {  	_ =	task.clear_ibuf [dreg:s8], $0x7FFFF;
	_ =	strace $0x90000046  }
0xb5: {  	s29 =	simm.s32 $0x9;
	_ =	strace $0x80000048  }
0xb6: {  	_ =	swait.ge [sflag:s29], $0x1  }
0xb7: {  	[sflag:s29] =	ssyncadd.s32 $0xFFFFFFFF  }
0xb8: {  	_ =	strace $0x90000048  }
0xb9: {  	_ =	sfence  }
0xba: {  	s30 =	sld [smem:$0x0];
	_ =	sdelay $0x2  }
0xbb: {  	s31 =	sshll.u32 s1, $0xD;
	s1 =	sshrl.u32 s1, $0x2  }
0xbc: {  	s3 =	sand.u32 $0x4000, s31;
	s1 =	sadd.s32 s1, s30  }
0xbd: {  	s0 =	sor.u32 s3, s0;
	s1 =	sshll.u32 s1, $0x11  }
0xbe: {  	s0 =	sor.u32 s1, s0  }
0xbf: {  	s0 =	sadd.s32 $0x8F2B, s0  }
0xc0: {  	[sflag:s0] =	ssyncadd.remote.s32 $0x1  }
0xc1: {  	_ =	sfence.sel $0xFFFF  }
0xc2: {  	[dreg:$0x0] =	wrdreg $0xFFFFFFFF;
	(pc) =	sbr.abs _section_cstart, $3  }
0xc3: {  	[dreg:$0x1] =	wrdreg $0xFFFFFFFF  }
0xc4: {  	_ =	task.clear_ibuf [dreg:s8], $0x2FFFF;
	_ =	strace $0x9FFFFFFF  }
0xc5: {  	(tm) =	ssettm $0x7FFFFFFF  }
tec
execute0_lowered:
.L_overlay_start_1:
0x0: {  	(tag) =	ssettag $0x1  }
0x1: {  	s0 =	srdreg.scid  }
0x2: {  	s3 =	rddreg [dreg:$0x0];
	s10 =	stileid.u32;
	s0 =	sand.u32 $0x1, s0  }
0x3: {  	s4 =	rddreg [dreg:$0x1];
	s2 =	sshll.u32 s10, $0x13;
	s5 =	sshll.u32 s0, $0x12  }
0x4: {  	s1 =	simm.s32 $0x0;
	s0 =	ssub.s32 $0x2, s0;
	s6 =	sor.u32 s5, s2  }
0x5: {  	[smem:$0x7FF] =	sst s1;
	s26 =	sshrl.u32 s0, $0x1;
	s2 =	sor.u32 $0x2000, s6  }
0x6: {  	s7 =	sor.u32 $0x4000, s6;
	s5 =	ssub.s32 s0, s26;
	s8 =	sor.u32 $0x8000, s6  }
0x7: {  	s9 =	sor.u32 $0xA000, s6;
	s11 =	sor.u32 $0xC000, s6;
	s12 =	sor.u32 $0xE000, s6  }
0x8: {  	s13 =	sor.u32 $0x10000, s6;
	s15 =	sor.u32 $0x12000, s6;
	s16 =	sor.u32 $0x14000, s6  }
0x9: {  	s20 =	sor.u32 $0x16000, s6;
	s17 =	sadd.s32 s3, s2;
	s1 =	sadd.s32 s3, s7  }
0xa: {  	s21 =	sadd.s32 s4, s2;
	s2 =	sor.u32 $0x6000, s6;
	s23 =	sadd.s32 s4, s7  }
0xb: {  	s24 =	sadd.s32 s3, s8;
	s14 =	sadd.s32 s3, s13;
	[dreg:$0x5] =	wrdreg s1  }
0xc: {  	s26 =	sadd.s32 s3, s9;
	s0 =	sadd.s32 s4, s12;
	[dreg:$0x7] =	wrdreg s14  }
0xd: {  	s28 =	sadd.s32 s4, s8;
	s18 =	sadd.s32 s3, s15;
	[dreg:$0x8] =	wrdreg s0  }
0xe: {  	s29 =	sadd.s32 s3, s11;
	s19 =	sadd.s32 s3, s16;
	[dreg:$0x9] =	wrdreg s18  }
0xf: {  	s30 =	sadd.s32 s4, s9;
	s7 =	sadd.s32 s4, s16;
	[dreg:$0xb] =	wrdreg s19  }
0x10: {  	s8 =	sadd.s32 s3, s20;
	s22 =	sadd.s32 s3, s2;
	[dreg:$0xd] =	wrdreg s7  }
0x11: {  	s25 =	sadd.s32 s4, s2;
	s2 =	sadd.s32 s4, s11;
	[dreg:$0xe] =	wrdreg s8  }
0x12: {  	s31 =	sadd.s32 s3, s12;
	s1 =	sadd.s32 s4, s13;
	[dreg:$0x6] =	wrdreg s2  }
0x13: {  	s9 =	sor.u32 $0x18000, s6;
	s0 =	sadd.s32 s4, s15;
	[dreg:$0xa] =	wrdreg s1  }
0x14: {  	s12 =	sor.u32 $0x1A000, s6;
	s11 =	sadd.s32 s3, s9;
	[dreg:$0xc] =	wrdreg s0  }
0x15: {  	s16 =	sor.u32 $0x1E000, s6;
	s13 =	sadd.s32 s3, s12;
	[dreg:$0x10] =	wrdreg s11  }
0x16: {  	s18 =	sadd.s32 s3, s16;
	[dreg:$0x12] =	wrdreg s13  }
0x17: {  	s14 =	sor.u32 $0x1C000, s6;
	s0 =	sadd.s32 s4, s20;
	[dreg:$0x16] =	wrdreg s18  }
0x18: {  	s19 =	sor.u32 $0x20000, s6;
	s15 =	sadd.s32 s3, s14;
	[dreg:$0xf] =	wrdreg s0  }
0x19: {  	s20 =	sadd.s32 s3, s19;
	[dreg:$0x14] =	wrdreg s15  }
0x1a: {  	s2 =	sor.u32 $0x22000, s6;
	s0 =	sadd.s32 s4, s9;
	[dreg:$0x18] =	wrdreg s20  }
0x1b: {  	s8 =	sor.u32 $0x24000, s6;
	s7 =	sadd.s32 s3, s2;
	[dreg:$0x11] =	wrdreg s0  }
0x1c: {  	s9 =	sadd.s32 s3, s8;
	[dreg:$0x1a] =	wrdreg s7  }
0x1d: {  	s11 =	sor.u32 $0x26000, s6;
	s0 =	sadd.s32 s4, s12;
	[dreg:$0x1c] =	wrdreg s9  }
0x1e: {  	s12 =	sadd.s32 s3, s11;
	[dreg:$0x13] =	wrdreg s0  }
0x1f: {  	s13 =	sor.u32 $0x28000, s6;
	s0 =	sadd.s32 s4, s14;
	[dreg:$0x1e] =	wrdreg s12  }
0x20: {  	s14 =	sadd.s32 s3, s13;
	[dreg:$0x15] =	wrdreg s0  }
0x21: {  	s15 =	sor.u32 $0x2A000, s6;
	s0 =	sadd.s32 s4, s16;
	[smem:$0x7A6] =	sst s14  }
0x22: {  	s16 =	sadd.s32 s3, s15;
	[dreg:$0x17] =	wrdreg s0  }
0x23: {  	s18 =	sor.u32 $0x2C000, s6;
	s0 =	sadd.s32 s4, s19;
	[smem:$0x7A8] =	sst s16  }
0x24: {  	s19 =	sadd.s32 s3, s18;
	[dreg:$0x19] =	wrdreg s0  }
0x25: {  	s20 =	sor.u32 $0x2E000, s6;
	s0 =	sadd.s32 s4, s2;
	[smem:$0x7AA] =	sst s19  }
0x26: {  	s2 =	sadd.s32 s3, s20;
	[dreg:$0x1b] =	wrdreg s0  }
0x27: {  	s7 =	sor.u32 $0x30000, s6;
	s0 =	sadd.s32 s4, s8;
	[smem:$0x7AC] =	sst s2  }
0x28: {  	s8 =	sadd.s32 s3, s7;
	[dreg:$0x1d] =	wrdreg s0  }
0x29: {  	s9 =	sor.u32 $0x32000, s6;
	s0 =	sadd.s32 s4, s11;
	[smem:$0x7AE] =	sst s8  }
0x2a: {  	s11 =	sadd.s32 s3, s9;
	[dreg:$0x1f] =	wrdreg s0  }
0x2b: {  	s12 =	sor.u32 $0x34000, s6;
	s0 =	sadd.s32 s4, s13;
	[smem:$0x7B0] =	sst s11  }
0x2c: {  	s13 =	sadd.s32 s3, s12;
	[smem:$0x7A7] =	sst s0  }
0x2d: {  	s14 =	sor.u32 $0x36000, s6;
	s0 =	sadd.s32 s4, s15;
	[smem:$0x7B2] =	sst s13  }
0x2e: {  	s11 =	sor.u32 $0x1000, s6;
	s15 =	sadd.s32 s3, s14;
	[smem:$0x7A9] =	sst s0  }
0x2f: {  	s13 =	sadd.s32 s4, s11;
	[smem:$0x7B4] =	sst s15  }
0x30: {  	s16 =	sor.u32 $0x38000, s6;
	s0 =	sadd.s32 s4, s18;
	[smem:$0x7BD] =	sst s13  }
0x31: {  	s18 =	sadd.s32 s3, s16;
	[smem:$0x7AB] =	sst s0  }
0x32: {  	s19 =	sor.u32 $0x3A000, s6;
	s0 =	sadd.s32 s4, s20;
	[smem:$0x7B6] =	sst s18  }
0x33: {  	s2 =	sor.u32 $0x3C000, s6;
	s20 =	sadd.s32 s3, s19;
	[smem:$0x7AD] =	sst s0  }
0x34: {  	s18 =	sadd.s32 s4, s19;
	s0 =	sadd.s32 s4, s7;
	[smem:$0x7B8] =	sst s20  }
0x35: {  	s19 =	sor.u32 $0x5000, s6;
	s7 =	sadd.s32 s3, s2;
	[smem:$0x7AF] =	sst s0  }
0x36: {  	s20 =	sadd.s32 s3, s19;
	[smem:$0x7B9] =	sst s7  }
0x37: {  	s1 =	sadd.s32 s4, s19;
	[smem:$0x7C0] =	sst s20  }
0x38: {  	s8 =	sor.u32 $0x3E000, s6;
	s0 =	sadd.s32 s4, s9;
	[smem:$0x7C1] =	sst s1  }
0x39: {  	s19 =	sor.u32 $0xD000, s6;
	s9 =	sadd.s32 s3, s8;
	[smem:$0x7B1] =	sst s0  }
0x3a: {  	s20 =	sadd.s32 s3, s19;
	[smem:$0x7BB] =	sst s9  }
0x3b: {  	s1 =	sadd.s32 s4, s19;
	[smem:$0x7C8] =	sst s20  }
0x3c: {  	s0 =	sadd.s32 s4, s12;
	[smem:$0x7C9] =	sst s1  }
0x3d: {  	s7 =	sor.u32 $0x7000, s6;
	s12 =	sadd.s32 s3, s11;
	[smem:$0x7B3] =	sst s0  }
0x3e: {  	s19 =	sor.u32 $0x15000, s6;
	s9 =	sadd.s32 s4, s7;
	[smem:$0x7BC] =	sst s12  }
0x3f: {  	s20 =	sadd.s32 s3, s19;
	[smem:$0x7C3] =	sst s9  }
0x40: {  	s1 =	sadd.s32 s4, s19;
	[smem:$0x7D0] =	sst s20  }
0x41: {  	s11 =	sor.u32 $0x9000, s6;
	s0 =	sadd.s32 s4, s14;
	[smem:$0x7D1] =	sst s1  }
0x42: {  	s12 =	sadd.s32 s3, s11;
	[smem:$0x7B5] =	sst s0  }
0x43: {  	s19 =	sor.u32 $0x1D000, s6;
	s13 =	sadd.s32 s4, s11;
	[smem:$0x7C4] =	sst s12  }
0x44: {  	s20 =	sadd.s32 s3, s19;
	[smem:$0x7C5] =	sst s13  }
0x45: {  	s1 =	sadd.s32 s4, s19;
	[smem:$0x7D8] =	sst s20  }
0x46: {  	s14 =	sor.u32 $0x3000, s6;
	s0 =	sadd.s32 s4, s16;
	[smem:$0x7D9] =	sst s1  }
0x47: {  	s15 =	sadd.s32 s3, s14;
	[smem:$0x7B7] =	sst s0  }
0x48: {  	s11 =	sor.u32 $0x11000, s6;
	s16 =	sadd.s32 s4, s14;
	[smem:$0x7BE] =	sst s15  }
0x49: {  	s12 =	sadd.s32 s3, s11;
	[smem:$0x7BF] =	sst s16  }
0x4a: {  	s19 =	sor.u32 $0x25000, s6;
	s13 =	sadd.s32 s4, s11;
	[smem:$0x7CC] =	sst s12  }
0x4b: {  	s20 =	sadd.s32 s3, s19;
	[smem:$0x7CD] =	sst s13  }
0x4c: {  	s1 =	sadd.s32 s4, s19;
	[smem:$0x7E0] =	sst s20  }
0x4d: {  	s14 =	sor.u32 $0xB000, s6;
	s0 =	sadd.s32 s4, s2;
	[smem:$0x7E1] =	sst s1  }
0x4e: {  	s2 =	sadd.s32 s4, s8;
	s8 =	sadd.s32 s3, s7;
	[smem:$0x7BA] =	sst s0  }
0x4f: {  	s15 =	sadd.s32 s3, s14;
	[smem:$0x7C2] =	sst s8  }
0x50: {  	s11 =	sor.u32 $0x19000, s6;
	s16 =	sadd.s32 s4, s14;
	[smem:$0x7C6] =	sst s15  }
0x51: {  	s12 =	sadd.s32 s3, s11;
	[smem:$0x7C7] =	sst s16  }
0x52: {  	s19 =	sor.u32 $0x2D000, s6;
	s13 =	sadd.s32 s4, s11;
	[smem:$0x7D4] =	sst s12  }
0x53: {  	s20 =	sadd.s32 s3, s19;
	[smem:$0x7D5] =	sst s13  }
0x54: {  	s7 =	sor.u32 $0xF000, s6;
	s1 =	sadd.s32 s4, s19;
	[smem:$0x7E8] =	sst s20  }
0x55: {  	s8 =	sadd.s32 s3, s7;
	[smem:$0x7E9] =	sst s1  }
0x56: {  	s14 =	sor.u32 $0x13000, s6;
	s9 =	sadd.s32 s4, s7;
	[smem:$0x7CA] =	sst s8  }
0x57: {  	s15 =	sadd.s32 s3, s14;
	[smem:$0x7CB] =	sst s9  }
0x58: {  	s11 =	sor.u32 $0x21000, s6;
	s16 =	sadd.s32 s4, s14;
	[smem:$0x7CE] =	sst s15  }
0x59: {  	s12 =	sadd.s32 s3, s11;
	[smem:$0x7CF] =	sst s16  }
0x5a: {  	s19 =	sor.u32 $0x35000, s6;
	s13 =	sadd.s32 s4, s11;
	[smem:$0x7DC] =	sst s12  }
0x5b: {  	s20 =	sadd.s32 s3, s19;
	[smem:$0x7DD] =	sst s13  }
0x5c: {  	s1 =	sadd.s32 s4, s19;
	[smem:$0x7F0] =	sst s20  }
0x5d: {  	s7 =	sor.u32 $0x17000, s6;
	s19 =	sadd.s32 s4, s6;
	[smem:$0x7F1] =	sst s1  }
0x5e: {  	s8 =	sadd.s32 s3, s7;
	[smem:$0x7F8] =	sst s19  }
0x5f: {  	s14 =	sor.u32 $0x1B000, s6;
	s9 =	sadd.s32 s4, s7;
	[smem:$0x7D2] =	sst s8  }
0x60: {  	s15 =	sadd.s32 s3, s14;
	[smem:$0x7D3] =	sst s9  }
0x61: {  	s11 =	sor.u32 $0x29000, s6;
	s16 =	sadd.s32 s4, s14;
	[smem:$0x7D6] =	sst s15  }
0x62: {  	s12 =	sadd.s32 s3, s11;
	[smem:$0x7D7] =	sst s16  }
0x63: {  	s7 =	sor.u32 $0x1F000, s6;
	s13 =	sadd.s32 s4, s11;
	[smem:$0x7E4] =	sst s12  }
0x64: {  	s8 =	sadd.s32 s3, s7;
	[smem:$0x7E5] =	sst s13  }
0x65: {  	s14 =	sor.u32 $0x23000, s6;
	s9 =	sadd.s32 s4, s7;
	[smem:$0x7DA] =	sst s8  }
0x66: {  	s15 =	sadd.s32 s3, s14;
	[smem:$0x7DB] =	sst s9  }
0x67: {  	s11 =	sor.u32 $0x31000, s6;
	s16 =	sadd.s32 s4, s14;
	[smem:$0x7DE] =	sst s15  }
0x68: {  	s12 =	sadd.s32 s3, s11;
	[smem:$0x7DF] =	sst s16  }
0x69: {  	s7 =	sor.u32 $0x27000, s6;
	s13 =	sadd.s32 s4, s11;
	[smem:$0x7EC] =	sst s12  }
0x6a: {  	s8 =	sadd.s32 s3, s7;
	[smem:$0x7ED] =	sst s13  }
0x6b: {  	s14 =	sor.u32 $0x2B000, s6;
	s9 =	sadd.s32 s4, s7;
	[smem:$0x7E2] =	sst s8  }
0x6c: {  	s15 =	sadd.s32 s3, s14;
	[smem:$0x7E3] =	sst s9  }
0x6d: {  	s11 =	sor.u32 $0x39000, s6;
	s16 =	sadd.s32 s4, s14;
	[smem:$0x7E6] =	sst s15  }
0x6e: {  	s12 =	sadd.s32 s3, s11;
	[smem:$0x7E7] =	sst s16  }
0x6f: {  	s7 =	sor.u32 $0x2F000, s6;
	s13 =	sadd.s32 s4, s11;
	[smem:$0x7F4] =	sst s12  }
0x70: {  	s8 =	sadd.s32 s3, s7;
	[smem:$0x7F5] =	sst s13  }
0x71: {  	s14 =	sor.u32 $0x33000, s6;
	s9 =	sadd.s32 s4, s7;
	[smem:$0x7EA] =	sst s8  }
0x72: {  	s15 =	sadd.s32 s3, s14;
	[smem:$0x7EB] =	sst s9  }
0x73: {  	s16 =	sadd.s32 s4, s14;
	[smem:$0x7EE] =	sst s15  }
0x74: {  	s7 =	sor.u32 $0x37000, s6;
	[smem:$0x7EF] =	sst s16  }
0x75: {  	s8 =	sadd.s32 s3, s7;
	s9 =	sadd.s32 s4, s7;
	s7 =	rddreg [dreg:$0x2]  }
0x76: {  	s14 =	sor.u32 $0x3B000, s6;
	[smem:$0x7F2] =	sst s8  }
0x77: {  	p0 =	seq.s32 s10, $0xF;
	s15 =	sadd.s32 s3, s14;
	[smem:$0x7F3] =	sst s9  }
0x78: {  	s20 =	sadd.s32 s3, s6;
	s16 =	sadd.s32 s4, s14;
	[smem:$0x7F6] =	sst s15  }
0x79: {  	s14 =	sshll.u32 s10, $0x10;
	s10 =	simm.s32 $0x1;
	[smem:$0x7F7] =	sst s16  }
0x7a: {  	s8 =	sor.u32 $0x3D000, s6;
	s6 =	sor.u32 $0x3F000, s6;
	s9 =	rddreg [dreg:$0x3]  }
0x7b: {  	s16 =	sadd.s32 s14, s7;
	s19 =	sadd.s32 $0xF0000, s7;
	s7 =	sadd.s32 $0xF8000, s7  }
0x7c: {  	s1 =	sadd.s32 s3, s8;
	s11 =	sadd.s32 s4, s8;
	s12 =	sadd.s32 s3, s6  }
0x7d: {  	s13 =	sadd.s32 s4, s6;
	s15 =	sadd.s32 s14, s9;
	s3 =	smax.u32 s5, $0x1  }
0x7e: {  	s4 =	sshrl.u32 s19, $0x3;
	s5 =	sshrl.u32 s7, $0x3;
	[smem:$0x7F9] =	sst s1  }
.Ltmp0:
0x7f: {  	s6 =	sshrl.u32 s16, $0x3;
	[smem:$0x7FA] =	sst s11;
	(pc) =	sbr.rel .LBB2_1-.Ltmp0, $4  }
0x80: {  	s8 =	simm.s32 $0x1FC1;
	s9 =	simm.s32 $0x1FC2;
	[smem:$0x7FB] =	sst s12  }
0x81: {  	s14 =	simm.s32 $0x1FC4;
	[smem:$0x7FC] =	sst s13;
	s7 =	sshrl.u32 s15, $0x3  }
0x82: {  	s11 =	simm.s32 $0x1FC3;
	s12 =	simm.s32 $0x3;
	s13 =	simm.s32 $0x2  }
0x83: {  	s15 =	simm.s32 $0x4;
	_ =	strace $0x80000047;
	[smem:$0x7FD] =	sst s20  }
.LBB2_3:
0x84: {  	[spmem:s4], [sflag:s8] =	dma.local [hbm:s20], $0x1000  }
0x85: {  	s0 =	sld [smem:$0x7BC];
	_ =	sdelay $0x2  }
0x86: {  	[spmem:s5], [sflag:s9] =	dma.local [hbm:s0], $0x1000  }
0x87: {  	_ =	swait.ge [sflag:s10], $0x1000  }
0x88: {  	s19 =	sld [smem:$0x7F8]  }
0x89: {  	[sflag:s10] =	ssyncset.done $0x0  }
0x8a: {  	[sflag:s10] =	ssyncadd.s32 $0xFFFFF000  }
0x8b: {  	[hbm:s19], [sflag:s11] =	dma.local [spmem:s4], $0x1000  }
0x8c: {  	_ =	swait.ge [sflag:s12], $0x1000  }
0x8d: {  	[sflag:s12] =	ssyncset.done $0x0  }
0x8e: {  	[sflag:s12] =	ssyncadd.s32 $0xFFFFF000  }
0x8f: {  	[spmem:s4], [sflag:s8] =	dma.local [hbm:s17], $0x1000  }
0x90: {  	_ =	swait.ge [sflag:s13], $0x1000  }
0x91: {  	s1 =	sld [smem:$0x7BD]  }
0x92: {  	[sflag:s13] =	ssyncset.done $0x0  }
0x93: {  	[sflag:s13] =	ssyncadd.s32 $0xFFFFF000  }
0x94: {  	[hbm:s1], [sflag:s14] =	dma.local [spmem:s5], $0x1000  }
0x95: {  	_ =	swait.ge [sflag:s15], $0x1000  }
0x96: {  	s16 =	sld [smem:$0x7BE]  }
0x97: {  	[sflag:s15] =	ssyncset.done $0x0  }
0x98: {  	[sflag:s15] =	ssyncadd.s32 $0xFFFFF000  }
0x99: {  	[spmem:s5], [sflag:s9] =	dma.local [hbm:s16], $0x1000  }
0x9a: {  	_ =	swait.ge [sflag:s10], $0x1000  }
0x9b: {  	[sflag:s10] =	ssyncset.done $0x0  }
0x9c: {  	[sflag:s10] =	ssyncadd.s32 $0xFFFFF000  }
0x9d: {  	[hbm:s21], [sflag:s11] =	dma.local [spmem:s4], $0x1000  }
0x9e: {  	_ =	swait.ge [sflag:s12], $0x1000  }
0x9f: {  	[sflag:s12] =	ssyncset.done $0x0  }
0xa0: {  	s16 =	rddreg [dreg:$0x5];
	[sflag:s12] =	ssyncadd.s32 $0xFFFFF000  }
0xa1: {  	[spmem:s4], [sflag:s8] =	dma.local [hbm:s16], $0x1000  }
0xa2: {  	_ =	swait.ge [sflag:s13], $0x1000  }
0xa3: {  	s19 =	sld [smem:$0x7BF]  }
0xa4: {  	[sflag:s13] =	ssyncset.done $0x0  }
0xa5: {  	[sflag:s13] =	ssyncadd.s32 $0xFFFFF000  }
0xa6: {  	[hbm:s19], [sflag:s14] =	dma.local [spmem:s5], $0x1000  }
0xa7: {  	_ =	swait.ge [sflag:s15], $0x1000  }
0xa8: {  	s1 =	sld [smem:$0x7C0]  }
0xa9: {  	[sflag:s15] =	ssyncset.done $0x0  }
0xaa: {  	[sflag:s15] =	ssyncadd.s32 $0xFFFFF000  }
0xab: {  	[spmem:s5], [sflag:s9] =	dma.local [hbm:s1], $0x1000  }
0xac: {  	_ =	swait.ge [sflag:s10], $0x1000  }
0xad: {  	[sflag:s10] =	ssyncset.done $0x0  }
0xae: {  	[sflag:s10] =	ssyncadd.s32 $0xFFFFF000  }
0xaf: {  	[hbm:s23], [sflag:s11] =	dma.local [spmem:s4], $0x1000  }
0xb0: {  	_ =	swait.ge [sflag:s12], $0x1000  }
0xb1: {  	[sflag:s12] =	ssyncset.done $0x0  }
0xb2: {  	[sflag:s12] =	ssyncadd.s32 $0xFFFFF000  }
0xb3: {  	[spmem:s4], [sflag:s8] =	dma.local [hbm:s22], $0x1000  }
0xb4: {  	_ =	swait.ge [sflag:s13], $0x1000  }
0xb5: {  	s16 =	sld [smem:$0x7C1]  }
0xb6: {  	[sflag:s13] =	ssyncset.done $0x0  }
0xb7: {  	[sflag:s13] =	ssyncadd.s32 $0xFFFFF000  }
0xb8: {  	[hbm:s16], [sflag:s14] =	dma.local [spmem:s5], $0x1000  }
0xb9: {  	_ =	swait.ge [sflag:s15], $0x1000  }
0xba: {  	s19 =	sld [smem:$0x7C2]  }
0xbb: {  	[sflag:s15] =	ssyncset.done $0x0  }
0xbc: {  	[sflag:s15] =	ssyncadd.s32 $0xFFFFF000  }
0xbd: {  	[spmem:s5], [sflag:s9] =	dma.local [hbm:s19], $0x1000  }
0xbe: {  	_ =	swait.ge [sflag:s10], $0x1000  }
0xbf: {  	[sflag:s10] =	ssyncset.done $0x0  }
0xc0: {  	[sflag:s10] =	ssyncadd.s32 $0xFFFFF000  }
0xc1: {  	[hbm:s25], [sflag:s11] =	dma.local [spmem:s4], $0x1000  }
0xc2: {  	_ =	swait.ge [sflag:s12], $0x1000  }
0xc3: {  	[sflag:s12] =	ssyncset.done $0x0  }
0xc4: {  	[sflag:s12] =	ssyncadd.s32 $0xFFFFF000  }
0xc5: {  	[spmem:s4], [sflag:s8] =	dma.local [hbm:s24], $0x1000  }
0xc6: {  	_ =	swait.ge [sflag:s13], $0x1000  }
0xc7: {  	s1 =	sld [smem:$0x7C3]  }
0xc8: {  	[sflag:s13] =	ssyncset.done $0x0  }
0xc9: {  	[sflag:s13] =	ssyncadd.s32 $0xFFFFF000  }
0xca: {  	[hbm:s1], [sflag:s14] =	dma.local [spmem:s5], $0x1000  }
0xcb: {  	_ =	swait.ge [sflag:s15], $0x1000  }
0xcc: {  	s16 =	sld [smem:$0x7C4]  }
0xcd: {  	[sflag:s15] =	ssyncset.done $0x0  }
0xce: {  	[sflag:s15] =	ssyncadd.s32 $0xFFFFF000  }
0xcf: {  	[spmem:s5], [sflag:s9] =	dma.local [hbm:s16], $0x1000  }
0xd0: {  	_ =	swait.ge [sflag:s10], $0x1000  }
0xd1: {  	[sflag:s10] =	ssyncset.done $0x0  }
0xd2: {  	[sflag:s10] =	ssyncadd.s32 $0xFFFFF000  }
0xd3: {  	[hbm:s28], [sflag:s11] =	dma.local [spmem:s4], $0x1000  }
0xd4: {  	_ =	swait.ge [sflag:s12], $0x1000  }
0xd5: {  	[sflag:s12] =	ssyncset.done $0x0  }
0xd6: {  	[sflag:s12] =	ssyncadd.s32 $0xFFFFF000  }
0xd7: {  	[spmem:s4], [sflag:s8] =	dma.local [hbm:s26], $0x1000  }
0xd8: {  	_ =	swait.ge [sflag:s13], $0x1000  }
0xd9: {  	s19 =	sld [smem:$0x7C5]  }
0xda: {  	[sflag:s13] =	ssyncset.done $0x0  }
0xdb: {  	[sflag:s13] =	ssyncadd.s32 $0xFFFFF000  }
0xdc: {  	[hbm:s19], [sflag:s14] =	dma.local [spmem:s5], $0x1000  }
0xdd: {  	_ =	swait.ge [sflag:s15], $0x1000  }
0xde: {  	s1 =	sld [smem:$0x7C6]  }
0xdf: {  	[sflag:s15] =	ssyncset.done $0x0  }
0xe0: {  	[sflag:s15] =	ssyncadd.s32 $0xFFFFF000  }
0xe1: {  	[spmem:s5], [sflag:s9] =	dma.local [hbm:s1], $0x1000  }
0xe2: {  	_ =	swait.ge [sflag:s10], $0x1000  }
0xe3: {  	[sflag:s10] =	ssyncset.done $0x0  }
0xe4: {  	[sflag:s10] =	ssyncadd.s32 $0xFFFFF000  }
0xe5: {  	[hbm:s30], [sflag:s11] =	dma.local [spmem:s4], $0x1000  }
0xe6: {  	_ =	swait.ge [sflag:s12], $0x1000  }
0xe7: {  	[sflag:s12] =	ssyncset.done $0x0  }
0xe8: {  	[sflag:s12] =	ssyncadd.s32 $0xFFFFF000  }
0xe9: {  	[spmem:s4], [sflag:s8] =	dma.local [hbm:s29], $0x1000  }
0xea: {  	_ =	swait.ge [sflag:s13], $0x1000  }
0xeb: {  	s16 =	sld [smem:$0x7C7]  }
0xec: {  	[sflag:s13] =	ssyncset.done $0x0  }
0xed: {  	[sflag:s13] =	ssyncadd.s32 $0xFFFFF000  }
0xee: {  	[hbm:s16], [sflag:s14] =	dma.local [spmem:s5], $0x1000  }
0xef: {  	_ =	swait.ge [sflag:s15], $0x1000  }
0xf0: {  	s19 =	sld [smem:$0x7C8]  }
0xf1: {  	[sflag:s15] =	ssyncset.done $0x0  }
0xf2: {  	[sflag:s15] =	ssyncadd.s32 $0xFFFFF000  }
0xf3: {  	[spmem:s5], [sflag:s9] =	dma.local [hbm:s19], $0x1000  }
0xf4: {  	_ =	swait.ge [sflag:s10], $0x1000  }
0xf5: {  	[sflag:s10] =	ssyncset.done $0x0  }
0xf6: {  	s1 =	rddreg [dreg:$0x6];
	[sflag:s10] =	ssyncadd.s32 $0xFFFFF000  }
0xf7: {  	[hbm:s1], [sflag:s11] =	dma.local [spmem:s4], $0x1000  }
0xf8: {  	_ =	swait.ge [sflag:s12], $0x1000  }
0xf9: {  	[sflag:s12] =	ssyncset.done $0x0  }
0xfa: {  	[sflag:s12] =	ssyncadd.s32 $0xFFFFF000  }
0xfb: {  	[spmem:s4], [sflag:s8] =	dma.local [hbm:s31], $0x1000  }
0xfc: {  	_ =	swait.ge [sflag:s13], $0x1000  }
0xfd: {  	s16 =	sld [smem:$0x7C9]  }
0xfe: {  	[sflag:s13] =	ssyncset.done $0x0  }
0xff: {  	[sflag:s13] =	ssyncadd.s32 $0xFFFFF000  }
0x100: {  	[hbm:s16], [sflag:s14] =	dma.local [spmem:s5], $0x1000  }
0x101: {  	_ =	swait.ge [sflag:s15], $0x1000  }
0x102: {  	s19 =	sld [smem:$0x7CA]  }
0x103: {  	[sflag:s15] =	ssyncset.done $0x0  }
0x104: {  	[sflag:s15] =	ssyncadd.s32 $0xFFFFF000  }
0x105: {  	[spmem:s5], [sflag:s9] =	dma.local [hbm:s19], $0x1000  }
0x106: {  	_ =	swait.ge [sflag:s10], $0x1000  }
0x107: {  	[sflag:s10] =	ssyncset.done $0x0  }
0x108: {  	s1 =	rddreg [dreg:$0x8];
	[sflag:s10] =	ssyncadd.s32 $0xFFFFF000  }
0x109: {  	[hbm:s1], [sflag:s11] =	dma.local [spmem:s4], $0x1000  }
0x10a: {  	_ =	swait.ge [sflag:s12], $0x1000  }
0x10b: {  	[sflag:s12] =	ssyncset.done $0x0  }
0x10c: {  	s16 =	rddreg [dreg:$0x7];
	[sflag:s12] =	ssyncadd.s32 $0xFFFFF000  }
0x10d: {  	[spmem:s4], [sflag:s8] =	dma.local [hbm:s16], $0x1000  }
0x10e: {  	_ =	swait.ge [sflag:s13], $0x1000  }
0x10f: {  	s19 =	sld [smem:$0x7CB]  }
0x110: {  	[sflag:s13] =	ssyncset.done $0x0  }
0x111: {  	[sflag:s13] =	ssyncadd.s32 $0xFFFFF000  }
0x112: {  	[hbm:s19], [sflag:s14] =	dma.local [spmem:s5], $0x1000  }
0x113: {  	_ =	swait.ge [sflag:s15], $0x1000  }
0x114: {  	s1 =	sld [smem:$0x7CC]  }
0x115: {  	[sflag:s15] =	ssyncset.done $0x0  }
0x116: {  	[sflag:s15] =	ssyncadd.s32 $0xFFFFF000  }
0x117: {  	[spmem:s5], [sflag:s9] =	dma.local [hbm:s1], $0x1000  }
0x118: {  	_ =	swait.ge [sflag:s10], $0x1000  }
0x119: {  	[sflag:s10] =	ssyncset.done $0x0  }
0x11a: {  	s16 =	rddreg [dreg:$0xa];
	[sflag:s10] =	ssyncadd.s32 $0xFFFFF000  }
0x11b: {  	[hbm:s16], [sflag:s11] =	dma.local [spmem:s4], $0x1000  }
0x11c: {  	_ =	swait.ge [sflag:s12], $0x1000  }
0x11d: {  	[sflag:s12] =	ssyncset.done $0x0  }
0x11e: {  	s19 =	rddreg [dreg:$0x9];
	[sflag:s12] =	ssyncadd.s32 $0xFFFFF000  }
0x11f: {  	[spmem:s4], [sflag:s8] =	dma.local [hbm:s19], $0x1000  }
0x120: {  	_ =	swait.ge [sflag:s13], $0x1000  }
0x121: {  	s1 =	sld [smem:$0x7CD]  }
0x122: {  	[sflag:s13] =	ssyncset.done $0x0  }
0x123: {  	[sflag:s13] =	ssyncadd.s32 $0xFFFFF000  }
0x124: {  	[hbm:s1], [sflag:s14] =	dma.local [spmem:s5], $0x1000  }
0x125: {  	_ =	swait.ge [sflag:s15], $0x1000  }
0x126: {  	s16 =	sld [smem:$0x7CE]  }
0x127: {  	[sflag:s15] =	ssyncset.done $0x0  }
0x128: {  	[sflag:s15] =	ssyncadd.s32 $0xFFFFF000  }
0x129: {  	[spmem:s5], [sflag:s9] =	dma.local [hbm:s16], $0x1000  }
0x12a: {  	_ =	swait.ge [sflag:s10], $0x1000  }
0x12b: {  	[sflag:s10] =	ssyncset.done $0x0  }
0x12c: {  	s19 =	rddreg [dreg:$0xc];
	[sflag:s10] =	ssyncadd.s32 $0xFFFFF000  }
0x12d: {  	[hbm:s19], [sflag:s11] =	dma.local [spmem:s4], $0x1000  }
0x12e: {  	_ =	swait.ge [sflag:s12], $0x1000  }
0x12f: {  	[sflag:s12] =	ssyncset.done $0x0  }
0x130: {  	s1 =	rddreg [dreg:$0xb];
	[sflag:s12] =	ssyncadd.s32 $0xFFFFF000  }
0x131: {  	[spmem:s4], [sflag:s8] =	dma.local [hbm:s1], $0x1000  }
0x132: {  	_ =	swait.ge [sflag:s13], $0x1000  }
0x133: {  	s16 =	sld [smem:$0x7CF]  }
0x134: {  	[sflag:s13] =	ssyncset.done $0x0  }
0x135: {  	[sflag:s13] =	ssyncadd.s32 $0xFFFFF000  }
0x136: {  	[hbm:s16], [sflag:s14] =	dma.local [spmem:s5], $0x1000  }
0x137: {  	_ =	swait.ge [sflag:s15], $0x1000  }
0x138: {  	s19 =	sld [smem:$0x7D0]  }
0x139: {  	[sflag:s15] =	ssyncset.done $0x0  }
0x13a: {  	[sflag:s15] =	ssyncadd.s32 $0xFFFFF000  }
0x13b: {  	[spmem:s5], [sflag:s9] =	dma.local [hbm:s19], $0x1000  }
0x13c: {  	_ =	swait.ge [sflag:s10], $0x1000  }
0x13d: {  	[sflag:s10] =	ssyncset.done $0x0  }
0x13e: {  	s1 =	rddreg [dreg:$0xd];
	[sflag:s10] =	ssyncadd.s32 $0xFFFFF000  }
0x13f: {  	[hbm:s1], [sflag:s11] =	dma.local [spmem:s4], $0x1000  }
0x140: {  	_ =	swait.ge [sflag:s12], $0x1000  }
0x141: {  	[sflag:s12] =	ssyncset.done $0x0  }
0x142: {  	s16 =	rddreg [dreg:$0xe];
	[sflag:s12] =	ssyncadd.s32 $0xFFFFF000  }
0x143: {  	[spmem:s4], [sflag:s8] =	dma.local [hbm:s16], $0x1000  }
0x144: {  	_ =	swait.ge [sflag:s13], $0x1000  }
0x145: {  	s19 =	sld [smem:$0x7D1]  }
0x146: {  	[sflag:s13] =	ssyncset.done $0x0  }
0x147: {  	[sflag:s13] =	ssyncadd.s32 $0xFFFFF000  }
0x148: {  	[hbm:s19], [sflag:s14] =	dma.local [spmem:s5], $0x1000  }
0x149: {  	_ =	swait.ge [sflag:s15], $0x1000  }
0x14a: {  	s1 =	sld [smem:$0x7D2]  }
0x14b: {  	[sflag:s15] =	ssyncset.done $0x0  }
0x14c: {  	[sflag:s15] =	ssyncadd.s32 $0xFFFFF000  }
0x14d: {  	[spmem:s5], [sflag:s9] =	dma.local [hbm:s1], $0x1000  }
0x14e: {  	_ =	swait.ge [sflag:s10], $0x1000  }
0x14f: {  	[sflag:s10] =	ssyncset.done $0x0  }
0x150: {  	s16 =	rddreg [dreg:$0xf];
	[sflag:s10] =	ssyncadd.s32 $0xFFFFF000  }
0x151: {  	[hbm:s16], [sflag:s11] =	dma.local [spmem:s4], $0x1000  }
0x152: {  	_ =	swait.ge [sflag:s12], $0x1000  }
0x153: {  	[sflag:s12] =	ssyncset.done $0x0  }
0x154: {  	s19 =	rddreg [dreg:$0x10];
	[sflag:s12] =	ssyncadd.s32 $0xFFFFF000  }
0x155: {  	[spmem:s4], [sflag:s8] =	dma.local [hbm:s19], $0x1000  }
0x156: {  	_ =	swait.ge [sflag:s13], $0x1000  }
0x157: {  	s1 =	sld [smem:$0x7D3]  }
0x158: {  	[sflag:s13] =	ssyncset.done $0x0  }
0x159: {  	[sflag:s13] =	ssyncadd.s32 $0xFFFFF000  }
0x15a: {  	[hbm:s1], [sflag:s14] =	dma.local [spmem:s5], $0x1000  }
0x15b: {  	_ =	swait.ge [sflag:s15], $0x1000  }
0x15c: {  	s16 =	sld [smem:$0x7D4]  }
0x15d: {  	[sflag:s15] =	ssyncset.done $0x0  }
0x15e: {  	[sflag:s15] =	ssyncadd.s32 $0xFFFFF000  }
0x15f: {  	[spmem:s5], [sflag:s9] =	dma.local [hbm:s16], $0x1000  }
0x160: {  	_ =	swait.ge [sflag:s10], $0x1000  }
0x161: {  	[sflag:s10] =	ssyncset.done $0x0  }
0x162: {  	s19 =	rddreg [dreg:$0x11];
	[sflag:s10] =	ssyncadd.s32 $0xFFFFF000  }
0x163: {  	[hbm:s19], [sflag:s11] =	dma.local [spmem:s4], $0x1000  }
0x164: {  	_ =	swait.ge [sflag:s12], $0x1000  }
0x165: {  	[sflag:s12] =	ssyncset.done $0x0  }
0x166: {  	s1 =	rddreg [dreg:$0x12];
	[sflag:s12] =	ssyncadd.s32 $0xFFFFF000  }
0x167: {  	[spmem:s4], [sflag:s8] =	dma.local [hbm:s1], $0x1000  }
0x168: {  	_ =	swait.ge [sflag:s13], $0x1000  }
0x169: {  	s16 =	sld [smem:$0x7D5]  }
0x16a: {  	[sflag:s13] =	ssyncset.done $0x0  }
0x16b: {  	[sflag:s13] =	ssyncadd.s32 $0xFFFFF000  }
0x16c: {  	[hbm:s16], [sflag:s14] =	dma.local [spmem:s5], $0x1000  }
0x16d: {  	_ =	swait.ge [sflag:s15], $0x1000  }
0x16e: {  	s19 =	sld [smem:$0x7D6]  }
0x16f: {  	[sflag:s15] =	ssyncset.done $0x0  }
0x170: {  	[sflag:s15] =	ssyncadd.s32 $0xFFFFF000  }
0x171: {  	[spmem:s5], [sflag:s9] =	dma.local [hbm:s19], $0x1000  }
0x172: {  	_ =	swait.ge [sflag:s10], $0x1000  }
0x173: {  	[sflag:s10] =	ssyncset.done $0x0  }
0x174: {  	s1 =	rddreg [dreg:$0x13];
	[sflag:s10] =	ssyncadd.s32 $0xFFFFF000  }
0x175: {  	[hbm:s1], [sflag:s11] =	dma.local [spmem:s4], $0x1000  }
0x176: {  	_ =	swait.ge [sflag:s12], $0x1000  }
0x177: {  	[sflag:s12] =	ssyncset.done $0x0  }
0x178: {  	s16 =	rddreg [dreg:$0x14];
	[sflag:s12] =	ssyncadd.s32 $0xFFFFF000  }
0x179: {  	[spmem:s4], [sflag:s8] =	dma.local [hbm:s16], $0x1000  }
0x17a: {  	_ =	swait.ge [sflag:s13], $0x1000  }
0x17b: {  	s19 =	sld [smem:$0x7D7]  }
0x17c: {  	[sflag:s13] =	ssyncset.done $0x0  }
0x17d: {  	[sflag:s13] =	ssyncadd.s32 $0xFFFFF000  }
0x17e: {  	[hbm:s19], [sflag:s14] =	dma.local [spmem:s5], $0x1000  }
0x17f: {  	_ =	swait.ge [sflag:s15], $0x1000  }
0x180: {  	s1 =	sld [smem:$0x7D8]  }
0x181: {  	[sflag:s15] =	ssyncset.done $0x0  }
0x182: {  	[sflag:s15] =	ssyncadd.s32 $0xFFFFF000  }
0x183: {  	[spmem:s5], [sflag:s9] =	dma.local [hbm:s1], $0x1000  }
0x184: {  	_ =	swait.ge [sflag:s10], $0x1000  }
0x185: {  	[sflag:s10] =	ssyncset.done $0x0  }
0x186: {  	s16 =	rddreg [dreg:$0x15];
	[sflag:s10] =	ssyncadd.s32 $0xFFFFF000  }
0x187: {  	[hbm:s16], [sflag:s11] =	dma.local [spmem:s4], $0x1000  }
0x188: {  	_ =	swait.ge [sflag:s12], $0x1000  }
0x189: {  	[sflag:s12] =	ssyncset.done $0x0  }
0x18a: {  	s19 =	rddreg [dreg:$0x16];
	[sflag:s12] =	ssyncadd.s32 $0xFFFFF000  }
0x18b: {  	[spmem:s4], [sflag:s8] =	dma.local [hbm:s19], $0x1000  }
0x18c: {  	_ =	swait.ge [sflag:s13], $0x1000  }
0x18d: {  	s1 =	sld [smem:$0x7D9]  }
0x18e: {  	[sflag:s13] =	ssyncset.done $0x0  }
0x18f: {  	[sflag:s13] =	ssyncadd.s32 $0xFFFFF000  }
0x190: {  	[hbm:s1], [sflag:s14] =	dma.local [spmem:s5], $0x1000  }
0x191: {  	_ =	swait.ge [sflag:s15], $0x1000  }
0x192: {  	s16 =	sld [smem:$0x7DA]  }
0x193: {  	[sflag:s15] =	ssyncset.done $0x0  }
0x194: {  	[sflag:s15] =	ssyncadd.s32 $0xFFFFF000  }
0x195: {  	[spmem:s5], [sflag:s9] =	dma.local [hbm:s16], $0x1000  }
0x196: {  	_ =	swait.ge [sflag:s10], $0x1000  }
0x197: {  	[sflag:s10] =	ssyncset.done $0x0  }
0x198: {  	s19 =	rddreg [dreg:$0x17];
	[sflag:s10] =	ssyncadd.s32 $0xFFFFF000  }
0x199: {  	[hbm:s19], [sflag:s11] =	dma.local [spmem:s4], $0x1000  }
0x19a: {  	_ =	swait.ge [sflag:s12], $0x1000  }
0x19b: {  	[sflag:s12] =	ssyncset.done $0x0  }
0x19c: {  	s1 =	rddreg [dreg:$0x18];
	[sflag:s12] =	ssyncadd.s32 $0xFFFFF000  }
0x19d: {  	[spmem:s4], [sflag:s8] =	dma.local [hbm:s1], $0x1000  }
0x19e: {  	_ =	swait.ge [sflag:s13], $0x1000  }
0x19f: {  	s16 =	sld [smem:$0x7DB]  }
0x1a0: {  	[sflag:s13] =	ssyncset.done $0x0  }
0x1a1: {  	[sflag:s13] =	ssyncadd.s32 $0xFFFFF000  }
0x1a2: {  	[hbm:s16], [sflag:s14] =	dma.local [spmem:s5], $0x1000  }
0x1a3: {  	_ =	swait.ge [sflag:s15], $0x1000  }
0x1a4: {  	s19 =	sld [smem:$0x7DC]  }
0x1a5: {  	[sflag:s15] =	ssyncset.done $0x0  }
0x1a6: {  	[sflag:s15] =	ssyncadd.s32 $0xFFFFF000  }
0x1a7: {  	[spmem:s5], [sflag:s9] =	dma.local [hbm:s19], $0x1000  }
0x1a8: {  	_ =	swait.ge [sflag:s10], $0x1000  }
0x1a9: {  	[sflag:s10] =	ssyncset.done $0x0  }
0x1aa: {  	s1 =	rddreg [dreg:$0x19];
	[sflag:s10] =	ssyncadd.s32 $0xFFFFF000  }
0x1ab: {  	[hbm:s1], [sflag:s11] =	dma.local [spmem:s4], $0x1000  }
0x1ac: {  	_ =	swait.ge [sflag:s12], $0x1000  }
0x1ad: {  	[sflag:s12] =	ssyncset.done $0x0  }
0x1ae: {  	s16 =	rddreg [dreg:$0x1a];
	[sflag:s12] =	ssyncadd.s32 $0xFFFFF000  }
0x1af: {  	[spmem:s4], [sflag:s8] =	dma.local [hbm:s16], $0x1000  }
0x1b0: {  	_ =	swait.ge [sflag:s13], $0x1000  }
0x1b1: {  	s19 =	sld [smem:$0x7DD]  }
0x1b2: {  	[sflag:s13] =	ssyncset.done $0x0  }
0x1b3: {  	[sflag:s13] =	ssyncadd.s32 $0xFFFFF000  }
0x1b4: {  	[hbm:s19], [sflag:s14] =	dma.local [spmem:s5], $0x1000  }
0x1b5: {  	_ =	swait.ge [sflag:s15], $0x1000  }
0x1b6: {  	s1 =	sld [smem:$0x7DE]  }
0x1b7: {  	[sflag:s15] =	ssyncset.done $0x0  }
0x1b8: {  	[sflag:s15] =	ssyncadd.s32 $0xFFFFF000  }
0x1b9: {  	[spmem:s5], [sflag:s9] =	dma.local [hbm:s1], $0x1000  }
0x1ba: {  	_ =	swait.ge [sflag:s10], $0x1000  }
0x1bb: {  	[sflag:s10] =	ssyncset.done $0x0  }
0x1bc: {  	s16 =	rddreg [dreg:$0x1b];
	[sflag:s10] =	ssyncadd.s32 $0xFFFFF000  }
0x1bd: {  	[hbm:s16], [sflag:s11] =	dma.local [spmem:s4], $0x1000  }
0x1be: {  	_ =	swait.ge [sflag:s12], $0x1000  }
0x1bf: {  	[sflag:s12] =	ssyncset.done $0x0  }
0x1c0: {  	s19 =	rddreg [dreg:$0x1c];
	[sflag:s12] =	ssyncadd.s32 $0xFFFFF000  }
0x1c1: {  	[spmem:s4], [sflag:s8] =	dma.local [hbm:s19], $0x1000  }
0x1c2: {  	_ =	swait.ge [sflag:s13], $0x1000  }
0x1c3: {  	s1 =	sld [smem:$0x7DF]  }
0x1c4: {  	[sflag:s13] =	ssyncset.done $0x0  }
0x1c5: {  	[sflag:s13] =	ssyncadd.s32 $0xFFFFF000  }
0x1c6: {  	[hbm:s1], [sflag:s14] =	dma.local [spmem:s5], $0x1000  }
0x1c7: {  	_ =	swait.ge [sflag:s15], $0x1000  }
0x1c8: {  	s16 =	sld [smem:$0x7E0]  }
0x1c9: {  	[sflag:s15] =	ssyncset.done $0x0  }
0x1ca: {  	[sflag:s15] =	ssyncadd.s32 $0xFFFFF000  }
0x1cb: {  	[spmem:s5], [sflag:s9] =	dma.local [hbm:s16], $0x1000  }
0x1cc: {  	_ =	swait.ge [sflag:s10], $0x1000  }
0x1cd: {  	[sflag:s10] =	ssyncset.done $0x0  }
0x1ce: {  	s19 =	rddreg [dreg:$0x1d];
	[sflag:s10] =	ssyncadd.s32 $0xFFFFF000  }
0x1cf: {  	[hbm:s19], [sflag:s11] =	dma.local [spmem:s4], $0x1000  }
0x1d0: {  	_ =	swait.ge [sflag:s12], $0x1000  }
0x1d1: {  	[sflag:s12] =	ssyncset.done $0x0  }
0x1d2: {  	s1 =	rddreg [dreg:$0x1e];
	[sflag:s12] =	ssyncadd.s32 $0xFFFFF000  }
0x1d3: {  	[spmem:s4], [sflag:s8] =	dma.local [hbm:s1], $0x1000  }
0x1d4: {  	_ =	swait.ge [sflag:s13], $0x1000  }
0x1d5: {  	s16 =	sld [smem:$0x7E1]  }
0x1d6: {  	[sflag:s13] =	ssyncset.done $0x0  }
0x1d7: {  	[sflag:s13] =	ssyncadd.s32 $0xFFFFF000  }
0x1d8: {  	[hbm:s16], [sflag:s14] =	dma.local [spmem:s5], $0x1000  }
0x1d9: {  	_ =	swait.ge [sflag:s15], $0x1000  }
0x1da: {  	s19 =	sld [smem:$0x7E2]  }
0x1db: {  	[sflag:s15] =	ssyncset.done $0x0  }
0x1dc: {  	[sflag:s15] =	ssyncadd.s32 $0xFFFFF000  }
0x1dd: {  	[spmem:s5], [sflag:s9] =	dma.local [hbm:s19], $0x1000  }
0x1de: {  	_ =	swait.ge [sflag:s10], $0x1000  }
0x1df: {  	[sflag:s10] =	ssyncset.done $0x0  }
0x1e0: {  	s1 =	rddreg [dreg:$0x1f];
	[sflag:s10] =	ssyncadd.s32 $0xFFFFF000  }
0x1e1: {  	[hbm:s1], [sflag:s11] =	dma.local [spmem:s4], $0x1000  }
0x1e2: {  	_ =	swait.ge [sflag:s12], $0x1000  }
0x1e3: {  	s16 =	sld [smem:$0x7A6]  }
0x1e4: {  	[sflag:s12] =	ssyncset.done $0x0  }
0x1e5: {  	[sflag:s12] =	ssyncadd.s32 $0xFFFFF000  }
0x1e6: {  	[spmem:s4], [sflag:s8] =	dma.local [hbm:s16], $0x1000  }
0x1e7: {  	_ =	swait.ge [sflag:s13], $0x1000  }
0x1e8: {  	s19 =	sld [smem:$0x7E3]  }
0x1e9: {  	[sflag:s13] =	ssyncset.done $0x0  }
0x1ea: {  	[sflag:s13] =	ssyncadd.s32 $0xFFFFF000  }
0x1eb: {  	[hbm:s19], [sflag:s14] =	dma.local [spmem:s5], $0x1000  }
0x1ec: {  	_ =	swait.ge [sflag:s15], $0x1000  }
0x1ed: {  	s1 =	sld [smem:$0x7E4]  }
0x1ee: {  	[sflag:s15] =	ssyncset.done $0x0  }
0x1ef: {  	[sflag:s15] =	ssyncadd.s32 $0xFFFFF000  }
0x1f0: {  	[spmem:s5], [sflag:s9] =	dma.local [hbm:s1], $0x1000  }
0x1f1: {  	_ =	swait.ge [sflag:s10], $0x1000  }
0x1f2: {  	s16 =	sld [smem:$0x7A7]  }
0x1f3: {  	[sflag:s10] =	ssyncset.done $0x0  }
0x1f4: {  	[sflag:s10] =	ssyncadd.s32 $0xFFFFF000  }
0x1f5: {  	[hbm:s16], [sflag:s11] =	dma.local [spmem:s4], $0x1000  }
0x1f6: {  	_ =	swait.ge [sflag:s12], $0x1000  }
0x1f7: {  	s19 =	sld [smem:$0x7A8]  }
0x1f8: {  	[sflag:s12] =	ssyncset.done $0x0  }
0x1f9: {  	[sflag:s12] =	ssyncadd.s32 $0xFFFFF000  }
0x1fa: {  	[spmem:s4], [sflag:s8] =	dma.local [hbm:s19], $0x1000  }
0x1fb: {  	_ =	swait.ge [sflag:s13], $0x1000  }
0x1fc: {  	s1 =	sld [smem:$0x7E5]  }
0x1fd: {  	[sflag:s13] =	ssyncset.done $0x0  }
0x1fe: {  	[sflag:s13] =	ssyncadd.s32 $0xFFFFF000  }
0x1ff: {  	[hbm:s1], [sflag:s14] =	dma.local [spmem:s5], $0x1000  }
0x200: {  	_ =	swait.ge [sflag:s15], $0x1000  }
0x201: {  	s16 =	sld [smem:$0x7E6]  }
0x202: {  	[sflag:s15] =	ssyncset.done $0x0  }
0x203: {  	[sflag:s15] =	ssyncadd.s32 $0xFFFFF000  }
0x204: {  	[spmem:s5], [sflag:s9] =	dma.local [hbm:s16], $0x1000  }
0x205: {  	_ =	swait.ge [sflag:s10], $0x1000  }
0x206: {  	s19 =	sld [smem:$0x7A9]  }
0x207: {  	[sflag:s10] =	ssyncset.done $0x0  }
0x208: {  	[sflag:s10] =	ssyncadd.s32 $0xFFFFF000  }
0x209: {  	[hbm:s19], [sflag:s11] =	dma.local [spmem:s4], $0x1000  }
0x20a: {  	_ =	swait.ge [sflag:s12], $0x1000  }
0x20b: {  	s1 =	sld [smem:$0x7AA]  }
0x20c: {  	[sflag:s12] =	ssyncset.done $0x0  }
0x20d: {  	[sflag:s12] =	ssyncadd.s32 $0xFFFFF000  }
0x20e: {  	[spmem:s4], [sflag:s8] =	dma.local [hbm:s1], $0x1000  }
0x20f: {  	_ =	swait.ge [sflag:s13], $0x1000  }
0x210: {  	s16 =	sld [smem:$0x7E7]  }
0x211: {  	[sflag:s13] =	ssyncset.done $0x0  }
0x212: {  	[sflag:s13] =	ssyncadd.s32 $0xFFFFF000  }
0x213: {  	[hbm:s16], [sflag:s14] =	dma.local [spmem:s5], $0x1000  }
0x214: {  	_ =	swait.ge [sflag:s15], $0x1000  }
0x215: {  	s19 =	sld [smem:$0x7E8]  }
0x216: {  	[sflag:s15] =	ssyncset.done $0x0  }
0x217: {  	[sflag:s15] =	ssyncadd.s32 $0xFFFFF000  }
0x218: {  	[spmem:s5], [sflag:s9] =	dma.local [hbm:s19], $0x1000  }
0x219: {  	_ =	swait.ge [sflag:s10], $0x1000  }
0x21a: {  	s1 =	sld [smem:$0x7AB]  }
0x21b: {  	[sflag:s10] =	ssyncset.done $0x0  }
0x21c: {  	[sflag:s10] =	ssyncadd.s32 $0xFFFFF000  }
0x21d: {  	[hbm:s1], [sflag:s11] =	dma.local [spmem:s4], $0x1000  }
0x21e: {  	_ =	swait.ge [sflag:s12], $0x1000  }
0x21f: {  	s16 =	sld [smem:$0x7AC]  }
0x220: {  	[sflag:s12] =	ssyncset.done $0x0  }
0x221: {  	[sflag:s12] =	ssyncadd.s32 $0xFFFFF000  }
0x222: {  	[spmem:s4], [sflag:s8] =	dma.local [hbm:s16], $0x1000  }
0x223: {  	_ =	swait.ge [sflag:s13], $0x1000  }
0x224: {  	s19 =	sld [smem:$0x7E9]  }
0x225: {  	[sflag:s13] =	ssyncset.done $0x0  }
0x226: {  	[sflag:s13] =	ssyncadd.s32 $0xFFFFF000  }
0x227: {  	[hbm:s19], [sflag:s14] =	dma.local [spmem:s5], $0x1000  }
0x228: {  	_ =	swait.ge [sflag:s15], $0x1000  }
0x229: {  	s1 =	sld [smem:$0x7EA]  }
0x22a: {  	[sflag:s15] =	ssyncset.done $0x0  }
0x22b: {  	[sflag:s15] =	ssyncadd.s32 $0xFFFFF000  }
0x22c: {  	[spmem:s5], [sflag:s9] =	dma.local [hbm:s1], $0x1000  }
0x22d: {  	_ =	swait.ge [sflag:s10], $0x1000  }
0x22e: {  	s16 =	sld [smem:$0x7AD]  }
0x22f: {  	[sflag:s10] =	ssyncset.done $0x0  }
0x230: {  	[sflag:s10] =	ssyncadd.s32 $0xFFFFF000  }
0x231: {  	[hbm:s16], [sflag:s11] =	dma.local [spmem:s4], $0x1000  }
0x232: {  	_ =	swait.ge [sflag:s12], $0x1000  }
0x233: {  	s19 =	sld [smem:$0x7AE]  }
0x234: {  	[sflag:s12] =	ssyncset.done $0x0  }
0x235: {  	[sflag:s12] =	ssyncadd.s32 $0xFFFFF000  }
0x236: {  	[spmem:s4], [sflag:s8] =	dma.local [hbm:s19], $0x1000  }
0x237: {  	_ =	swait.ge [sflag:s13], $0x1000  }
0x238: {  	s1 =	sld [smem:$0x7EB]  }
0x239: {  	[sflag:s13] =	ssyncset.done $0x0  }
0x23a: {  	[sflag:s13] =	ssyncadd.s32 $0xFFFFF000  }
0x23b: {  	[hbm:s1], [sflag:s14] =	dma.local [spmem:s5], $0x1000  }
0x23c: {  	_ =	swait.ge [sflag:s15], $0x1000  }
0x23d: {  	s16 =	sld [smem:$0x7EC]  }
0x23e: {  	[sflag:s15] =	ssyncset.done $0x0  }
0x23f: {  	[sflag:s15] =	ssyncadd.s32 $0xFFFFF000  }
0x240: {  	[spmem:s5], [sflag:s9] =	dma.local [hbm:s16], $0x1000  }
0x241: {  	_ =	swait.ge [sflag:s10], $0x1000  }
0x242: {  	s19 =	sld [smem:$0x7AF]  }
0x243: {  	[sflag:s10] =	ssyncset.done $0x0  }
0x244: {  	[sflag:s10] =	ssyncadd.s32 $0xFFFFF000  }
0x245: {  	[hbm:s19], [sflag:s11] =	dma.local [spmem:s4], $0x1000  }
0x246: {  	_ =	swait.ge [sflag:s12], $0x1000  }
0x247: {  	s1 =	sld [smem:$0x7B0]  }
0x248: {  	[sflag:s12] =	ssyncset.done $0x0  }
0x249: {  	[sflag:s12] =	ssyncadd.s32 $0xFFFFF000  }
0x24a: {  	[spmem:s4], [sflag:s8] =	dma.local [hbm:s1], $0x1000  }
0x24b: {  	_ =	swait.ge [sflag:s13], $0x1000  }
0x24c: {  	s16 =	sld [smem:$0x7ED]  }
0x24d: {  	[sflag:s13] =	ssyncset.done $0x0  }
0x24e: {  	[sflag:s13] =	ssyncadd.s32 $0xFFFFF000  }
0x24f: {  	[hbm:s16], [sflag:s14] =	dma.local [spmem:s5], $0x1000  }
0x250: {  	_ =	swait.ge [sflag:s15], $0x1000  }
0x251: {  	s19 =	sld [smem:$0x7EE]  }
0x252: {  	[sflag:s15] =	ssyncset.done $0x0  }
0x253: {  	[sflag:s15] =	ssyncadd.s32 $0xFFFFF000  }
0x254: {  	[spmem:s5], [sflag:s9] =	dma.local [hbm:s19], $0x1000  }
0x255: {  	_ =	swait.ge [sflag:s10], $0x1000  }
0x256: {  	s1 =	sld [smem:$0x7B1]  }
0x257: {  	[sflag:s10] =	ssyncset.done $0x0  }
0x258: {  	[sflag:s10] =	ssyncadd.s32 $0xFFFFF000  }
0x259: {  	[hbm:s1], [sflag:s11] =	dma.local [spmem:s4], $0x1000  }
0x25a: {  	_ =	swait.ge [sflag:s12], $0x1000  }
0x25b: {  	s16 =	sld [smem:$0x7B2]  }
0x25c: {  	[sflag:s12] =	ssyncset.done $0x0  }
0x25d: {  	[sflag:s12] =	ssyncadd.s32 $0xFFFFF000  }
0x25e: {  	[spmem:s4], [sflag:s8] =	dma.local [hbm:s16], $0x1000  }
0x25f: {  	_ =	swait.ge [sflag:s13], $0x1000  }
0x260: {  	s19 =	sld [smem:$0x7EF]  }
0x261: {  	[sflag:s13] =	ssyncset.done $0x0  }
0x262: {  	[sflag:s13] =	ssyncadd.s32 $0xFFFFF000  }
0x263: {  	[hbm:s19], [sflag:s14] =	dma.local [spmem:s5], $0x1000  }
0x264: {  	_ =	swait.ge [sflag:s15], $0x1000  }
0x265: {  	s1 =	sld [smem:$0x7F0]  }
0x266: {  	[sflag:s15] =	ssyncset.done $0x0  }
0x267: {  	[sflag:s15] =	ssyncadd.s32 $0xFFFFF000  }
0x268: {  	[spmem:s5], [sflag:s9] =	dma.local [hbm:s1], $0x1000  }
0x269: {  	_ =	swait.ge [sflag:s10], $0x1000  }
0x26a: {  	s16 =	sld [smem:$0x7B3]  }
0x26b: {  	[sflag:s10] =	ssyncset.done $0x0  }
0x26c: {  	[sflag:s10] =	ssyncadd.s32 $0xFFFFF000  }
0x26d: {  	[hbm:s16], [sflag:s11] =	dma.local [spmem:s4], $0x1000  }
0x26e: {  	_ =	swait.ge [sflag:s12], $0x1000  }
0x26f: {  	s19 =	sld [smem:$0x7B4]  }
0x270: {  	[sflag:s12] =	ssyncset.done $0x0  }
0x271: {  	[sflag:s12] =	ssyncadd.s32 $0xFFFFF000  }
0x272: {  	[spmem:s4], [sflag:s8] =	dma.local [hbm:s19], $0x1000  }
0x273: {  	_ =	swait.ge [sflag:s13], $0x1000  }
0x274: {  	s1 =	sld [smem:$0x7F1]  }
0x275: {  	[sflag:s13] =	ssyncset.done $0x0  }
0x276: {  	[sflag:s13] =	ssyncadd.s32 $0xFFFFF000  }
0x277: {  	[hbm:s1], [sflag:s14] =	dma.local [spmem:s5], $0x1000  }
0x278: {  	_ =	swait.ge [sflag:s15], $0x1000  }
0x279: {  	s16 =	sld [smem:$0x7F2]  }
0x27a: {  	[sflag:s15] =	ssyncset.done $0x0  }
0x27b: {  	[sflag:s15] =	ssyncadd.s32 $0xFFFFF000  }
0x27c: {  	[spmem:s5], [sflag:s9] =	dma.local [hbm:s16], $0x1000  }
0x27d: {  	_ =	swait.ge [sflag:s10], $0x1000  }
0x27e: {  	s19 =	sld [smem:$0x7B5]  }
0x27f: {  	[sflag:s10] =	ssyncset.done $0x0  }
0x280: {  	[sflag:s10] =	ssyncadd.s32 $0xFFFFF000  }
0x281: {  	[hbm:s19], [sflag:s11] =	dma.local [spmem:s4], $0x1000  }
0x282: {  	_ =	swait.ge [sflag:s12], $0x1000  }
0x283: {  	s1 =	sld [smem:$0x7B6]  }
0x284: {  	[sflag:s12] =	ssyncset.done $0x0  }
0x285: {  	[sflag:s12] =	ssyncadd.s32 $0xFFFFF000  }
0x286: {  	[spmem:s4], [sflag:s8] =	dma.local [hbm:s1], $0x1000  }
0x287: {  	_ =	swait.ge [sflag:s13], $0x1000  }
0x288: {  	s16 =	sld [smem:$0x7F3]  }
0x289: {  	[sflag:s13] =	ssyncset.done $0x0  }
0x28a: {  	[sflag:s13] =	ssyncadd.s32 $0xFFFFF000  }
0x28b: {  	[hbm:s16], [sflag:s14] =	dma.local [spmem:s5], $0x1000  }
0x28c: {  	_ =	swait.ge [sflag:s15], $0x1000  }
0x28d: {  	s19 =	sld [smem:$0x7F4]  }
0x28e: {  	[sflag:s15] =	ssyncset.done $0x0  }
0x28f: {  	[sflag:s15] =	ssyncadd.s32 $0xFFFFF000  }
0x290: {  	[spmem:s5], [sflag:s9] =	dma.local [hbm:s19], $0x1000  }
0x291: {  	_ =	swait.ge [sflag:s10], $0x1000  }
0x292: {  	s1 =	sld [smem:$0x7B7]  }
0x293: {  	[sflag:s10] =	ssyncset.done $0x0  }
0x294: {  	[sflag:s10] =	ssyncadd.s32 $0xFFFFF000  }
0x295: {  	[hbm:s1], [sflag:s11] =	dma.local [spmem:s4], $0x1000  }
0x296: {  	_ =	swait.ge [sflag:s12], $0x1000  }
0x297: {  	s16 =	sld [smem:$0x7B8]  }
0x298: {  	[sflag:s12] =	ssyncset.done $0x0  }
0x299: {  	[sflag:s12] =	ssyncadd.s32 $0xFFFFF000  }
0x29a: {  	[spmem:s4], [sflag:s8] =	dma.local [hbm:s16], $0x1000  }
0x29b: {  	_ =	swait.ge [sflag:s13], $0x1000  }
0x29c: {  	s19 =	sld [smem:$0x7F5]  }
0x29d: {  	[sflag:s13] =	ssyncset.done $0x0  }
0x29e: {  	[sflag:s13] =	ssyncadd.s32 $0xFFFFF000  }
0x29f: {  	[hbm:s19], [sflag:s14] =	dma.local [spmem:s5], $0x1000  }
0x2a0: {  	_ =	swait.ge [sflag:s15], $0x1000  }
0x2a1: {  	s1 =	sld [smem:$0x7F6]  }
0x2a2: {  	[sflag:s15] =	ssyncset.done $0x0  }
0x2a3: {  	[sflag:s15] =	ssyncadd.s32 $0xFFFFF000  }
0x2a4: {  	[spmem:s5], [sflag:s9] =	dma.local [hbm:s1], $0x1000  }
0x2a5: {  	_ =	swait.ge [sflag:s10], $0x1000  }
0x2a6: {  	[sflag:s10] =	ssyncset.done $0x0  }
0x2a7: {  	[sflag:s10] =	ssyncadd.s32 $0xFFFFF000  }
0x2a8: {  	[hbm:s18], [sflag:s11] =	dma.local [spmem:s4], $0x1000  }
0x2a9: {  	_ =	swait.ge [sflag:s12], $0x1000  }
0x2aa: {  	s16 =	sld [smem:$0x7B9]  }
0x2ab: {  	[sflag:s12] =	ssyncset.done $0x0  }
0x2ac: {  	[sflag:s12] =	ssyncadd.s32 $0xFFFFF000  }
0x2ad: {  	[spmem:s4], [sflag:s8] =	dma.local [hbm:s16], $0x1000  }
0x2ae: {  	_ =	swait.ge [sflag:s13], $0x1000  }
0x2af: {  	s19 =	sld [smem:$0x7F7]  }
0x2b0: {  	[sflag:s13] =	ssyncset.done $0x0  }
0x2b1: {  	[sflag:s13] =	ssyncadd.s32 $0xFFFFF000  }
0x2b2: {  	[hbm:s19], [sflag:s14] =	dma.local [spmem:s5], $0x1000  }
0x2b3: {  	_ =	swait.ge [sflag:s15], $0x1000  }
0x2b4: {  	s1 =	sld [smem:$0x7F9]  }
0x2b5: {  	[sflag:s15] =	ssyncset.done $0x0  }
0x2b6: {  	[sflag:s15] =	ssyncadd.s32 $0xFFFFF000  }
0x2b7: {  	[spmem:s5], [sflag:s9] =	dma.local [hbm:s1], $0x1000  }
0x2b8: {  	_ =	swait.ge [sflag:s10], $0x1000  }
0x2b9: {  	s16 =	sld [smem:$0x7BA]  }
0x2ba: {  	[sflag:s10] =	ssyncset.done $0x0  }
0x2bb: {  	[sflag:s10] =	ssyncadd.s32 $0xFFFFF000  }
0x2bc: {  	[hbm:s16], [sflag:s11] =	dma.local [spmem:s4], $0x1000  }
0x2bd: {  	_ =	swait.ge [sflag:s12], $0x1000  }
0x2be: {  	s19 =	sld [smem:$0x7BB]  }
0x2bf: {  	[sflag:s12] =	ssyncset.done $0x0  }
0x2c0: {  	[sflag:s12] =	ssyncadd.s32 $0xFFFFF000  }
0x2c1: {  	[spmem:s4], [sflag:s8] =	dma.local [hbm:s19], $0x1000  }
0x2c2: {  	_ =	swait.ge [sflag:s13], $0x1000  }
0x2c3: {  	s1 =	sld [smem:$0x7FA]  }
0x2c4: {  	[sflag:s13] =	ssyncset.done $0x0  }
0x2c5: {  	[sflag:s13] =	ssyncadd.s32 $0xFFFFF000  }
0x2c6: {  	[hbm:s1], [sflag:s14] =	dma.local [spmem:s5], $0x1000  }
0x2c7: {  	_ =	swait.ge [sflag:s15], $0x1000  }
0x2c8: {  	s16 =	sld [smem:$0x7FB]  }
0x2c9: {  	[sflag:s15] =	ssyncset.done $0x0  }
0x2ca: {  	[sflag:s15] =	ssyncadd.s32 $0xFFFFF000  }
0x2cb: {  	[spmem:s5], [sflag:s9] =	dma.local [hbm:s16], $0x1000  }
0x2cc: {  	_ =	swait.ge [sflag:s10], $0x1000  }
0x2cd: {  	[sflag:s10] =	ssyncset.done $0x0  }
0x2ce: {  	[sflag:s10] =	ssyncadd.s32 $0xFFFFF000  }
0x2cf: {  	[hbm:s2], [sflag:s11] =	dma.local [spmem:s4], $0x1000  }
0x2d0: {  	_ =	swait.ge [sflag:s13], $0x1000  }
0x2d1: {  	s19 =	sld [smem:$0x7FC]  }
0x2d2: {  	[sflag:s13] =	ssyncset.done $0x0  }
0x2d3: {  	[sflag:s13] =	ssyncadd.s32 $0xFFFFF000  }
0x2d4: {  	[hbm:s19], [sflag:s14] =	dma.local [spmem:s5], $0x1000  }
0x2d5: {  	_ =	swait.ge [sflag:s12], $0x1000  }
0x2d6: {  	[sflag:s12] =	ssyncset.done $0x0  }
0x2d7: {  	[sflag:s12] =	ssyncadd.s32 $0xFFFFF000  }
0x2d8: {  	_ =	swait.ge [sflag:s15], $0x1000  }
0x2d9: {  	[sflag:s15] =	ssyncset.done $0x0  }
0x2da: {  	[sflag:s15] =	ssyncadd.s32 $0xFFFFF000  }
.LBB2_4:
0x2db: {  	s3 =	sadd.s32 $0xFFFFFFFF, s3  }
0x2dc: {  	p1 =	sne.s32 s3, $0x0  }
.Ltmp1:
0x2dd: {  	_ = 	snop;
	(pc) =	sbr.rel @!p1 .LBB2_5-.Ltmp1, $1  }
0x2de: {  	_ =	sdelay $0x3  }
.LBB2_1:
.Ltmp2:
0x2df: {  	(pc) =	sbr.rel @p0 .LBB2_3-.Ltmp2, $1  }
0x2e0: {  	_ =	sdelay $0x3  }
0x2e1: {  	s16 =	stileid.u32  }
0x2e2: {  	s19 =	sshll.u32 s16, $0x6  }
0x2e3: {  	s1 =	smov.u32 s18;
	s18 =	sor.u32 $0x1C01, s19;
	s16 =	sor.u32 $0x1C02, s19  }
0x2e4: {  	[spmem:s6], [sflag:s18] =	dma.local [hbm:s20], $0x2000  }
0x2e5: {  	[spmem:s7], [sflag:s16] =	dma.local [hbm:s17], $0x2000  }
0x2e6: {  	_ =	swait.ge [sflag:s10], $0x2000  }
0x2e7: {  	s0 =	sld [smem:$0x7F8]  }
0x2e8: {  	[sflag:s10] =	ssyncset.done $0x0  }
0x2e9: {  	s20 =	smov.u32 s17;
	s17 =	sor.u32 $0x1C03, s19;
	[sflag:s10] =	ssyncadd.s32 $0xFFFFE000  }
0x2ea: {  	[hbm:s0], [sflag:s17] =	dma.local [spmem:s6], $0x2000  }
0x2eb: {  	s0 =	smov.u32 s31;
	s31 =	smov.u32 s30  }
0x2ec: {  	s30 =	smov.u32 s29;
	s29 =	smov.u32 s28;
	s28 =	smov.u32 s26  }
0x2ed: {  	s26 =	smov.u32 s25;
	s25 =	smov.u32 s24;
	_ =	swait.ge [sflag:s12], $0x2000  }
0x2ee: {  	s24 =	smov.u32 s23;
	s23 =	smov.u32 s22;
	[sflag:s12] =	ssyncset.done $0x0  }
0x2ef: {  	s22 =	smov.u32 s21;
	s21 =	rddreg [dreg:$0x5];
	[sflag:s12] =	ssyncadd.s32 $0xFFFFE000  }
0x2f0: {  	[spmem:s6], [sflag:s18] =	dma.local [hbm:s21], $0x2000  }
0x2f1: {  	_ =	swait.ge [sflag:s13], $0x2000  }
0x2f2: {  	[sflag:s13] =	ssyncset.done $0x0  }
0x2f3: {  	s19 =	sor.u32 $0x1C04, s19;
	s21 =	smov.u32 s22;
	[sflag:s13] =	ssyncadd.s32 $0xFFFFE000  }
0x2f4: {  	[hbm:s21], [sflag:s19] =	dma.local [spmem:s7], $0x2000  }
0x2f5: {  	_ =	swait.ge [sflag:s15], $0x2000  }
0x2f6: {  	[sflag:s15] =	ssyncset.done $0x0  }
0x2f7: {  	s22 =	smov.u32 s23;
	[sflag:s15] =	ssyncadd.s32 $0xFFFFE000  }
0x2f8: {  	[spmem:s7], [sflag:s16] =	dma.local [hbm:s22], $0x2000  }
0x2f9: {  	_ =	swait.ge [sflag:s10], $0x2000  }
0x2fa: {  	[sflag:s10] =	ssyncset.done $0x0  }
0x2fb: {  	s23 =	smov.u32 s24;
	[sflag:s10] =	ssyncadd.s32 $0xFFFFE000  }
0x2fc: {  	[hbm:s23], [sflag:s17] =	dma.local [spmem:s6], $0x2000  }
0x2fd: {  	_ =	swait.ge [sflag:s12], $0x2000  }
0x2fe: {  	[sflag:s12] =	ssyncset.done $0x0  }
0x2ff: {  	s24 =	smov.u32 s25;
	[sflag:s12] =	ssyncadd.s32 $0xFFFFE000  }
0x300: {  	[spmem:s6], [sflag:s18] =	dma.local [hbm:s24], $0x2000  }
0x301: {  	_ =	swait.ge [sflag:s13], $0x2000  }
0x302: {  	[sflag:s13] =	ssyncset.done $0x0  }
0x303: {  	s25 =	smov.u32 s26;
	[sflag:s13] =	ssyncadd.s32 $0xFFFFE000  }
0x304: {  	[hbm:s25], [sflag:s19] =	dma.local [spmem:s7], $0x2000  }
0x305: {  	_ =	swait.ge [sflag:s15], $0x2000  }
0x306: {  	[sflag:s15] =	ssyncset.done $0x0  }
0x307: {  	s26 =	smov.u32 s28;
	[sflag:s15] =	ssyncadd.s32 $0xFFFFE000  }
0x308: {  	[spmem:s7], [sflag:s16] =	dma.local [hbm:s26], $0x2000  }
0x309: {  	_ =	swait.ge [sflag:s10], $0x2000  }
0x30a: {  	[sflag:s10] =	ssyncset.done $0x0  }
0x30b: {  	s28 =	smov.u32 s29;
	[sflag:s10] =	ssyncadd.s32 $0xFFFFE000  }
0x30c: {  	[hbm:s28], [sflag:s17] =	dma.local [spmem:s6], $0x2000  }
0x30d: {  	_ =	swait.ge [sflag:s12], $0x2000  }
0x30e: {  	[sflag:s12] =	ssyncset.done $0x0  }
0x30f: {  	s29 =	smov.u32 s30;
	[sflag:s12] =	ssyncadd.s32 $0xFFFFE000  }
0x310: {  	[spmem:s6], [sflag:s18] =	dma.local [hbm:s29], $0x2000  }
0x311: {  	_ =	swait.ge [sflag:s13], $0x2000  }
0x312: {  	[sflag:s13] =	ssyncset.done $0x0  }
0x313: {  	s30 =	smov.u32 s31;
	[sflag:s13] =	ssyncadd.s32 $0xFFFFE000  }
0x314: {  	[hbm:s30], [sflag:s19] =	dma.local [spmem:s7], $0x2000  }
0x315: {  	_ =	swait.ge [sflag:s15], $0x2000  }
0x316: {  	[sflag:s15] =	ssyncset.done $0x0  }
0x317: {  	[sflag:s15] =	ssyncadd.s32 $0xFFFFE000  }
0x318: {  	[spmem:s7], [sflag:s16] =	dma.local [hbm:s0], $0x2000  }
0x319: {  	_ =	swait.ge [sflag:s10], $0x2000  }
0x31a: {  	[sflag:s10] =	ssyncset.done $0x0  }
0x31b: {  	s31 =	smov.u32 s0;
	s0 =	rddreg [dreg:$0x6];
	[sflag:s10] =	ssyncadd.s32 $0xFFFFE000  }
0x31c: {  	[hbm:s0], [sflag:s17] =	dma.local [spmem:s6], $0x2000  }
0x31d: {  	_ =	swait.ge [sflag:s12], $0x2000  }
0x31e: {  	[sflag:s12] =	ssyncset.done $0x0  }
0x31f: {  	s0 =	rddreg [dreg:$0x7];
	[sflag:s12] =	ssyncadd.s32 $0xFFFFE000  }
0x320: {  	[spmem:s6], [sflag:s18] =	dma.local [hbm:s0], $0x2000  }
0x321: {  	_ =	swait.ge [sflag:s13], $0x2000  }
0x322: {  	[sflag:s13] =	ssyncset.done $0x0  }
0x323: {  	s0 =	rddreg [dreg:$0x8];
	[sflag:s13] =	ssyncadd.s32 $0xFFFFE000  }
0x324: {  	[hbm:s0], [sflag:s19] =	dma.local [spmem:s7], $0x2000  }
0x325: {  	_ =	swait.ge [sflag:s15], $0x2000  }
0x326: {  	[sflag:s15] =	ssyncset.done $0x0  }
0x327: {  	s0 =	rddreg [dreg:$0x9];
	[sflag:s15] =	ssyncadd.s32 $0xFFFFE000  }
0x328: {  	[spmem:s7], [sflag:s16] =	dma.local [hbm:s0], $0x2000  }
0x329: {  	_ =	swait.ge [sflag:s10], $0x2000  }
0x32a: {  	[sflag:s10] =	ssyncset.done $0x0  }
0x32b: {  	s0 =	rddreg [dreg:$0xa];
	[sflag:s10] =	ssyncadd.s32 $0xFFFFE000  }
0x32c: {  	[hbm:s0], [sflag:s17] =	dma.local [spmem:s6], $0x2000  }
0x32d: {  	_ =	swait.ge [sflag:s12], $0x2000  }
0x32e: {  	[sflag:s12] =	ssyncset.done $0x0  }
0x32f: {  	s0 =	rddreg [dreg:$0xb];
	[sflag:s12] =	ssyncadd.s32 $0xFFFFE000  }
0x330: {  	[spmem:s6], [sflag:s18] =	dma.local [hbm:s0], $0x2000  }
0x331: {  	_ =	swait.ge [sflag:s13], $0x2000  }
0x332: {  	[sflag:s13] =	ssyncset.done $0x0  }
0x333: {  	s0 =	rddreg [dreg:$0xc];
	[sflag:s13] =	ssyncadd.s32 $0xFFFFE000  }
0x334: {  	[hbm:s0], [sflag:s19] =	dma.local [spmem:s7], $0x2000  }
0x335: {  	_ =	swait.ge [sflag:s15], $0x2000  }
0x336: {  	[sflag:s15] =	ssyncset.done $0x0  }
0x337: {  	s0 =	rddreg [dreg:$0xe];
	[sflag:s15] =	ssyncadd.s32 $0xFFFFE000  }
0x338: {  	[spmem:s7], [sflag:s16] =	dma.local [hbm:s0], $0x2000  }
0x339: {  	_ =	swait.ge [sflag:s10], $0x2000  }
0x33a: {  	[sflag:s10] =	ssyncset.done $0x0  }
0x33b: {  	s0 =	rddreg [dreg:$0xd];
	[sflag:s10] =	ssyncadd.s32 $0xFFFFE000  }
0x33c: {  	[hbm:s0], [sflag:s17] =	dma.local [spmem:s6], $0x2000  }
0x33d: {  	_ =	swait.ge [sflag:s12], $0x2000  }
0x33e: {  	[sflag:s12] =	ssyncset.done $0x0  }
0x33f: {  	s0 =	rddreg [dreg:$0x10];
	[sflag:s12] =	ssyncadd.s32 $0xFFFFE000  }
0x340: {  	[spmem:s6], [sflag:s18] =	dma.local [hbm:s0], $0x2000  }
0x341: {  	_ =	swait.ge [sflag:s13], $0x2000  }
0x342: {  	[sflag:s13] =	ssyncset.done $0x0  }
0x343: {  	s0 =	rddreg [dreg:$0xf];
	[sflag:s13] =	ssyncadd.s32 $0xFFFFE000  }
0x344: {  	[hbm:s0], [sflag:s19] =	dma.local [spmem:s7], $0x2000  }
0x345: {  	_ =	swait.ge [sflag:s15], $0x2000  }
0x346: {  	[sflag:s15] =	ssyncset.done $0x0  }
0x347: {  	s0 =	rddreg [dreg:$0x12];
	[sflag:s15] =	ssyncadd.s32 $0xFFFFE000  }
0x348: {  	[spmem:s7], [sflag:s16] =	dma.local [hbm:s0], $0x2000  }
0x349: {  	_ =	swait.ge [sflag:s10], $0x2000  }
0x34a: {  	[sflag:s10] =	ssyncset.done $0x0  }
0x34b: {  	s0 =	rddreg [dreg:$0x11];
	[sflag:s10] =	ssyncadd.s32 $0xFFFFE000  }
0x34c: {  	[hbm:s0], [sflag:s17] =	dma.local [spmem:s6], $0x2000  }
0x34d: {  	_ =	swait.ge [sflag:s12], $0x2000  }
0x34e: {  	[sflag:s12] =	ssyncset.done $0x0  }
0x34f: {  	s0 =	rddreg [dreg:$0x14];
	[sflag:s12] =	ssyncadd.s32 $0xFFFFE000  }
0x350: {  	[spmem:s6], [sflag:s18] =	dma.local [hbm:s0], $0x2000  }
0x351: {  	_ =	swait.ge [sflag:s13], $0x2000  }
0x352: {  	[sflag:s13] =	ssyncset.done $0x0  }
0x353: {  	s0 =	rddreg [dreg:$0x13];
	[sflag:s13] =	ssyncadd.s32 $0xFFFFE000  }
0x354: {  	[hbm:s0], [sflag:s19] =	dma.local [spmem:s7], $0x2000  }
0x355: {  	_ =	swait.ge [sflag:s15], $0x2000  }
0x356: {  	[sflag:s15] =	ssyncset.done $0x0  }
0x357: {  	s0 =	rddreg [dreg:$0x16];
	[sflag:s15] =	ssyncadd.s32 $0xFFFFE000  }
0x358: {  	[spmem:s7], [sflag:s16] =	dma.local [hbm:s0], $0x2000  }
0x359: {  	_ =	swait.ge [sflag:s10], $0x2000  }
0x35a: {  	[sflag:s10] =	ssyncset.done $0x0  }
0x35b: {  	s0 =	rddreg [dreg:$0x15];
	[sflag:s10] =	ssyncadd.s32 $0xFFFFE000  }
0x35c: {  	[hbm:s0], [sflag:s17] =	dma.local [spmem:s6], $0x2000  }
0x35d: {  	_ =	swait.ge [sflag:s12], $0x2000  }
0x35e: {  	[sflag:s12] =	ssyncset.done $0x0  }
0x35f: {  	s0 =	rddreg [dreg:$0x18];
	[sflag:s12] =	ssyncadd.s32 $0xFFFFE000  }
0x360: {  	[spmem:s6], [sflag:s18] =	dma.local [hbm:s0], $0x2000  }
0x361: {  	_ =	swait.ge [sflag:s13], $0x2000  }
0x362: {  	[sflag:s13] =	ssyncset.done $0x0  }
0x363: {  	s0 =	rddreg [dreg:$0x17];
	[sflag:s13] =	ssyncadd.s32 $0xFFFFE000  }
0x364: {  	[hbm:s0], [sflag:s19] =	dma.local [spmem:s7], $0x2000  }
0x365: {  	_ =	swait.ge [sflag:s15], $0x2000  }
0x366: {  	[sflag:s15] =	ssyncset.done $0x0  }
0x367: {  	s0 =	rddreg [dreg:$0x1a];
	[sflag:s15] =	ssyncadd.s32 $0xFFFFE000  }
0x368: {  	[spmem:s7], [sflag:s16] =	dma.local [hbm:s0], $0x2000  }
0x369: {  	_ =	swait.ge [sflag:s10], $0x2000  }
0x36a: {  	[sflag:s10] =	ssyncset.done $0x0  }
0x36b: {  	s0 =	rddreg [dreg:$0x19];
	[sflag:s10] =	ssyncadd.s32 $0xFFFFE000  }
0x36c: {  	[hbm:s0], [sflag:s17] =	dma.local [spmem:s6], $0x2000  }
0x36d: {  	_ =	swait.ge [sflag:s12], $0x2000  }
0x36e: {  	[sflag:s12] =	ssyncset.done $0x0  }
0x36f: {  	s0 =	rddreg [dreg:$0x1c];
	[sflag:s12] =	ssyncadd.s32 $0xFFFFE000  }
0x370: {  	[spmem:s6], [sflag:s18] =	dma.local [hbm:s0], $0x2000  }
0x371: {  	_ =	swait.ge [sflag:s13], $0x2000  }
0x372: {  	[sflag:s13] =	ssyncset.done $0x0  }
0x373: {  	s0 =	rddreg [dreg:$0x1b];
	[sflag:s13] =	ssyncadd.s32 $0xFFFFE000  }
0x374: {  	[hbm:s0], [sflag:s19] =	dma.local [spmem:s7], $0x2000  }
0x375: {  	_ =	swait.ge [sflag:s15], $0x2000  }
0x376: {  	[sflag:s15] =	ssyncset.done $0x0  }
0x377: {  	s0 =	rddreg [dreg:$0x1e];
	[sflag:s15] =	ssyncadd.s32 $0xFFFFE000  }
0x378: {  	[spmem:s7], [sflag:s16] =	dma.local [hbm:s0], $0x2000  }
0x379: {  	_ =	swait.ge [sflag:s10], $0x2000  }
0x37a: {  	[sflag:s10] =	ssyncset.done $0x0  }
0x37b: {  	s0 =	rddreg [dreg:$0x1d];
	[sflag:s10] =	ssyncadd.s32 $0xFFFFE000  }
0x37c: {  	[hbm:s0], [sflag:s17] =	dma.local [spmem:s6], $0x2000  }
0x37d: {  	_ =	swait.ge [sflag:s12], $0x2000  }
0x37e: {  	s0 =	sld [smem:$0x7A6]  }
0x37f: {  	[sflag:s12] =	ssyncset.done $0x0  }
0x380: {  	[sflag:s12] =	ssyncadd.s32 $0xFFFFE000  }
0x381: {  	[spmem:s6], [sflag:s18] =	dma.local [hbm:s0], $0x2000  }
0x382: {  	_ =	swait.ge [sflag:s13], $0x2000  }
0x383: {  	[sflag:s13] =	ssyncset.done $0x0  }
0x384: {  	s0 =	rddreg [dreg:$0x1f];
	[sflag:s13] =	ssyncadd.s32 $0xFFFFE000  }
0x385: {  	[hbm:s0], [sflag:s19] =	dma.local [spmem:s7], $0x2000  }
0x386: {  	_ =	swait.ge [sflag:s15], $0x2000  }
0x387: {  	s0 =	sld [smem:$0x7A8]  }
0x388: {  	[sflag:s15] =	ssyncset.done $0x0  }
0x389: {  	[sflag:s15] =	ssyncadd.s32 $0xFFFFE000  }
0x38a: {  	[spmem:s7], [sflag:s16] =	dma.local [hbm:s0], $0x2000  }
0x38b: {  	_ =	swait.ge [sflag:s10], $0x2000  }
0x38c: {  	s0 =	sld [smem:$0x7A7]  }
0x38d: {  	[sflag:s10] =	ssyncset.done $0x0  }
0x38e: {  	[sflag:s10] =	ssyncadd.s32 $0xFFFFE000  }
0x38f: {  	[hbm:s0], [sflag:s17] =	dma.local [spmem:s6], $0x2000  }
0x390: {  	_ =	swait.ge [sflag:s12], $0x2000  }
0x391: {  	s0 =	sld [smem:$0x7AA]  }
0x392: {  	[sflag:s12] =	ssyncset.done $0x0  }
0x393: {  	[sflag:s12] =	ssyncadd.s32 $0xFFFFE000  }
0x394: {  	[spmem:s6], [sflag:s18] =	dma.local [hbm:s0], $0x2000  }
0x395: {  	_ =	swait.ge [sflag:s13], $0x2000  }
0x396: {  	s0 =	sld [smem:$0x7A9]  }
0x397: {  	[sflag:s13] =	ssyncset.done $0x0  }
0x398: {  	[sflag:s13] =	ssyncadd.s32 $0xFFFFE000  }
0x399: {  	[hbm:s0], [sflag:s19] =	dma.local [spmem:s7], $0x2000  }
0x39a: {  	_ =	swait.ge [sflag:s15], $0x2000  }
0x39b: {  	s0 =	sld [smem:$0x7AC]  }
0x39c: {  	[sflag:s15] =	ssyncset.done $0x0  }
0x39d: {  	[sflag:s15] =	ssyncadd.s32 $0xFFFFE000  }
0x39e: {  	[spmem:s7], [sflag:s16] =	dma.local [hbm:s0], $0x2000  }
0x39f: {  	_ =	swait.ge [sflag:s10], $0x2000  }
0x3a0: {  	s0 =	sld [smem:$0x7AB]  }
0x3a1: {  	[sflag:s10] =	ssyncset.done $0x0  }
0x3a2: {  	[sflag:s10] =	ssyncadd.s32 $0xFFFFE000  }
0x3a3: {  	[hbm:s0], [sflag:s17] =	dma.local [spmem:s6], $0x2000  }
0x3a4: {  	_ =	swait.ge [sflag:s12], $0x2000  }
0x3a5: {  	s0 =	sld [smem:$0x7AE]  }
0x3a6: {  	[sflag:s12] =	ssyncset.done $0x0  }
0x3a7: {  	[sflag:s12] =	ssyncadd.s32 $0xFFFFE000  }
0x3a8: {  	[spmem:s6], [sflag:s18] =	dma.local [hbm:s0], $0x2000  }
0x3a9: {  	_ =	swait.ge [sflag:s13], $0x2000  }
0x3aa: {  	s0 =	sld [smem:$0x7AD]  }
0x3ab: {  	[sflag:s13] =	ssyncset.done $0x0  }
0x3ac: {  	[sflag:s13] =	ssyncadd.s32 $0xFFFFE000  }
0x3ad: {  	[hbm:s0], [sflag:s19] =	dma.local [spmem:s7], $0x2000  }
0x3ae: {  	_ =	swait.ge [sflag:s15], $0x2000  }
0x3af: {  	s0 =	sld [smem:$0x7B0]  }
0x3b0: {  	[sflag:s15] =	ssyncset.done $0x0  }
0x3b1: {  	[sflag:s15] =	ssyncadd.s32 $0xFFFFE000  }
0x3b2: {  	[spmem:s7], [sflag:s16] =	dma.local [hbm:s0], $0x2000  }
0x3b3: {  	_ =	swait.ge [sflag:s10], $0x2000  }
0x3b4: {  	s0 =	sld [smem:$0x7AF]  }
0x3b5: {  	[sflag:s10] =	ssyncset.done $0x0  }
0x3b6: {  	[sflag:s10] =	ssyncadd.s32 $0xFFFFE000  }
0x3b7: {  	[hbm:s0], [sflag:s17] =	dma.local [spmem:s6], $0x2000  }
0x3b8: {  	_ =	swait.ge [sflag:s12], $0x2000  }
0x3b9: {  	s0 =	sld [smem:$0x7B2]  }
0x3ba: {  	[sflag:s12] =	ssyncset.done $0x0  }
0x3bb: {  	[sflag:s12] =	ssyncadd.s32 $0xFFFFE000  }
0x3bc: {  	[spmem:s6], [sflag:s18] =	dma.local [hbm:s0], $0x2000  }
0x3bd: {  	_ =	swait.ge [sflag:s13], $0x2000  }
0x3be: {  	s0 =	sld [smem:$0x7B1]  }
0x3bf: {  	[sflag:s13] =	ssyncset.done $0x0  }
0x3c0: {  	[sflag:s13] =	ssyncadd.s32 $0xFFFFE000  }
0x3c1: {  	[hbm:s0], [sflag:s19] =	dma.local [spmem:s7], $0x2000  }
0x3c2: {  	_ =	swait.ge [sflag:s15], $0x2000  }
0x3c3: {  	s0 =	sld [smem:$0x7B4]  }
0x3c4: {  	[sflag:s15] =	ssyncset.done $0x0  }
0x3c5: {  	[sflag:s15] =	ssyncadd.s32 $0xFFFFE000  }
0x3c6: {  	[spmem:s7], [sflag:s16] =	dma.local [hbm:s0], $0x2000  }
0x3c7: {  	_ =	swait.ge [sflag:s10], $0x2000  }
0x3c8: {  	s0 =	sld [smem:$0x7B3]  }
0x3c9: {  	[sflag:s10] =	ssyncset.done $0x0  }
0x3ca: {  	[sflag:s10] =	ssyncadd.s32 $0xFFFFE000  }
0x3cb: {  	[hbm:s0], [sflag:s17] =	dma.local [spmem:s6], $0x2000  }
0x3cc: {  	_ =	swait.ge [sflag:s12], $0x2000  }
0x3cd: {  	s0 =	sld [smem:$0x7B6]  }
0x3ce: {  	[sflag:s12] =	ssyncset.done $0x0  }
0x3cf: {  	[sflag:s12] =	ssyncadd.s32 $0xFFFFE000  }
0x3d0: {  	[spmem:s6], [sflag:s18] =	dma.local [hbm:s0], $0x2000  }
0x3d1: {  	_ =	swait.ge [sflag:s13], $0x2000  }
0x3d2: {  	s0 =	sld [smem:$0x7B5]  }
0x3d3: {  	[sflag:s13] =	ssyncset.done $0x0  }
0x3d4: {  	[sflag:s13] =	ssyncadd.s32 $0xFFFFE000  }
0x3d5: {  	[hbm:s0], [sflag:s19] =	dma.local [spmem:s7], $0x2000  }
0x3d6: {  	_ =	swait.ge [sflag:s15], $0x2000  }
0x3d7: {  	s0 =	sld [smem:$0x7B8]  }
0x3d8: {  	[sflag:s15] =	ssyncset.done $0x0  }
0x3d9: {  	[sflag:s15] =	ssyncadd.s32 $0xFFFFE000  }
0x3da: {  	[spmem:s7], [sflag:s16] =	dma.local [hbm:s0], $0x2000  }
0x3db: {  	_ =	swait.ge [sflag:s10], $0x2000  }
0x3dc: {  	s0 =	sld [smem:$0x7B7]  }
0x3dd: {  	[sflag:s10] =	ssyncset.done $0x0  }
0x3de: {  	[sflag:s10] =	ssyncadd.s32 $0xFFFFE000  }
0x3df: {  	[hbm:s0], [sflag:s17] =	dma.local [spmem:s6], $0x2000  }
0x3e0: {  	_ =	swait.ge [sflag:s12], $0x2000  }
0x3e1: {  	s0 =	sld [smem:$0x7B9]  }
0x3e2: {  	[sflag:s12] =	ssyncset.done $0x0  }
0x3e3: {  	[sflag:s12] =	ssyncadd.s32 $0xFFFFE000  }
0x3e4: {  	[spmem:s6], [sflag:s18] =	dma.local [hbm:s0], $0x2000  }
0x3e5: {  	_ =	swait.ge [sflag:s13], $0x2000  }
0x3e6: {  	[sflag:s13] =	ssyncset.done $0x0  }
0x3e7: {  	[sflag:s13] =	ssyncadd.s32 $0xFFFFE000  }
0x3e8: {  	[hbm:s1], [sflag:s19] =	dma.local [spmem:s7], $0x2000  }
0x3e9: {  	_ =	swait.ge [sflag:s15], $0x2000  }
0x3ea: {  	s18 =	smov.u32 s1;
	s1 =	sld [smem:$0x7BB]  }
0x3eb: {  	[sflag:s15] =	ssyncset.done $0x0  }
0x3ec: {  	[sflag:s15] =	ssyncadd.s32 $0xFFFFE000  }
0x3ed: {  	[spmem:s7], [sflag:s16] =	dma.local [hbm:s1], $0x2000  }
0x3ee: {  	_ =	swait.ge [sflag:s10], $0x2000  }
0x3ef: {  	s16 =	sld [smem:$0x7BA]  }
0x3f0: {  	[sflag:s10] =	ssyncset.done $0x0  }
0x3f1: {  	[sflag:s10] =	ssyncadd.s32 $0xFFFFE000  }
0x3f2: {  	[hbm:s16], [sflag:s17] =	dma.local [spmem:s6], $0x2000  }
0x3f3: {  	s17 =	smov.u32 s20;
	s20 =	sld [smem:$0x7FD];
	_ =	swait.ge [sflag:s13], $0x2000  }
0x3f4: {  	[sflag:s13] =	ssyncset.done $0x0  }
0x3f5: {  	[sflag:s13] =	ssyncadd.s32 $0xFFFFE000  }
0x3f6: {  	[hbm:s2], [sflag:s19] =	dma.local [spmem:s7], $0x2000  }
0x3f7: {  	_ =	swait.ge [sflag:s12], $0x2000  }
.Ltmp3:
0x3f8: {  	[sflag:s12] =	ssyncset.done $0x0;
	(pc) =	sbr.rel .LBB2_4-.Ltmp3, $4  }
0x3f9: {  	[sflag:s12] =	ssyncadd.s32 $0xFFFFE000  }
0x3fa: {  	_ =	swait.ge [sflag:s15], $0x2000  }
0x3fb: {  	[sflag:s15] =	ssyncset.done $0x0  }
0x3fc: {  	[sflag:s15] =	ssyncadd.s32 $0xFFFFE000  }
.LBB2_5:
0x3fd: {  	_ =	sfence.sel $0x180000  }
0x3fe: {  	[bflag:$0x0] =	sbarrier.arrive $0xFFFF  }
0x3ff: {  	_ =	strace $0x90000047  }
0x400: {  	s0 =	stileid.u32;
	[bflag:$0x2] =	sbarrier.arrive $0xFFFF  }
0x401: {  	p0 =	sne.s32 s0, $0x0;
	s0 =	rddreg [dreg:$0x4]  }
0x402: {  	s0 =	sadd.s32 @!p0 $0x100000, s0  }
0x403: {  	[sflag:s0] =	ssyncadd.tile.s32 @!p0 $0x1;
	_ =	shalt  }
.Lfunc_end2:
_tile_overlayer_lowered:
.L_overlay_start_2:
0x404: {  	(tag) =	ssettag $0x2  }
0x405: {  	s0 =	rddreg [dreg:$0x0];
	s2 =	stileid.u32  }
0x406: {  	s1 =	rddreg [dreg:$0x1];
	p0 =	sne.s32 s2, $0x0  }
0x407: {  	s3 =	rddreg [dreg:$0x2];
	[bflag:$0x3] =	sbarrier.arrive $0xFFFF;
	s2 =	simm.s32 @!p0 $0x1C05  }
0x408: {  	[timem:s3], [sflag:s2] =	dma.local @!p0 [hbm:s0], s1  }
0x409: {  	s0 =	simm.s32 @!p0 $0x5  }
0x40a: {  	_ =	swait.ge @!p0 [sflag:s0], s1  }
0x40b: {  	s1 =	ssub.s32 @!p0 $0x0, s1;
	[sflag:s0] =	ssyncset.done @!p0 $0x0  }
0x40c: {  	[sflag:s0] =	ssyncadd.s32 @!p0 s1  }
0x40d: {  	[bflag:$0x3] =	sbarrier.arrive $0xFFFF  }
0x40e: {  	_ =	shalt  }

</sc_bundles>
